<compile_context>
chip_gen: v7x
topology: tpu7x:2x2x1
jax: 0.10.2.dev20260603
libtpu: 0.0.44.dev20260713+nightly
codegen_flags: <defaults>
</compile_context>

<pallas_src>
import functools

import jax
import jax.numpy as jnp
from jax import lax
from jax.experimental import pallas as pl
from jax.experimental.pallas import tpu as pltpu
from jax.experimental.pallas import tpu_sc as plsc

N = 10000
E = 320000
F_IN = 128
D_EDGE = 4
KN = 32
F1 = 64
F2 = 64
W80 = 80

NC = 2
NS = 16
NW = NC * NS
EPW = E // NW
CH = 400
NCH = EPW // CH
RPT = N // NS

_mesh = plsc.VectorSubcoreMesh(core_axis_name="c", subcore_axis_name="s")
EB = 2560


def _wid():
    return lax.axis_index("s") * NC + lax.axis_index("c")


H1 = 163840
H2 = E - H1
_PIPE = ((H1, 5120, 512, 10), (H2, 4880, 488, 10))


def _make_sc_gather(n_e, epw, ch, nch):
    @functools.partial(
        pl.kernel, mesh=_mesh,
        compiler_params=pltpu.CompilerParams(needs_layout_passes=False),
        out_type=jax.ShapeDtypeStruct((n_e, F_IN), jnp.float32),
        scratch_types=[
            pltpu.VMEM((ch,), jnp.int32),
            pltpu.VMEM((ch, F_IN), jnp.float32),
            pltpu.SemaphoreType.DMA,
        ],
    )
    def _sc_gather_x(x_hbm, src_hbm, out_hbm, idx_v, rows_v, sem):
        base = _wid() * epw

        def body(i, _):
            off = base + i * ch
            pltpu.sync_copy(src_hbm.at[pl.ds(off, ch)], idx_v)
            pltpu.async_copy(x_hbm.at[idx_v], rows_v, sem).wait()
            pltpu.sync_copy(rows_v, out_hbm.at[pl.ds(off, ch)])
            return ()

        lax.fori_loop(0, nch, body, ())

    return _sc_gather_x


_sc_gather_h = tuple(_make_sc_gather(*p) for p in _PIPE)


def _msg_body(xs_ref, ea_ref, wkn1_ref, bkn1_ref, wcat_ref, msg_ref):
    hT = jnp.broadcast_to(bkn1_ref[...], (KN, EB))
    for d in range(D_EDGE):
        hT = hT + wkn1_ref[:, d:d + 1] * ea_ref[d:d + 1, :]
    hT = jnp.maximum(hT, 0.0)
    xs = xs_ref[...].astype(jnp.bfloat16)
    PT = jax.lax.dot_general(wcat_ref[...], xs,
                             (((0,), (1,)), ((), ())),
                             preferred_element_type=jnp.float32)
    acc = PT[0:F1, :]
    for k in range(KN):
        acc = acc + hT[k:k + 1, :] * PT[F1 * (k + 1):F1 * (k + 2), :]
    msg_ref[...] = acc.T


def _tc_msg(xs, eaT, wkn1T, bkn1c, wcat):
    n_e = xs.shape[0]
    return pl.pallas_call(
        _msg_body,
        grid=(n_e // EB,),
        in_specs=[
            pl.BlockSpec((EB, F_IN), lambda i: (i, 0)),
            pl.BlockSpec((D_EDGE, EB), lambda i: (0, i)),
            pl.BlockSpec((KN, D_EDGE), lambda i: (0, 0)),
            pl.BlockSpec((KN, 1), lambda i: (0, 0)),
            pl.BlockSpec((F_IN, (KN + 1) * F1), lambda i: (0, 0)),
        ],
        out_specs=pl.BlockSpec((EB, F1), lambda i: (i, 0)),
        out_shape=jax.ShapeDtypeStruct((n_e, F1), jnp.float32),
    )(xs, eaT, wkn1T, bkn1c, wcat)


def _make_sc_scatter(width, epw, ch, nch):
    @functools.partial(
        pl.kernel, mesh=_mesh,
        compiler_params=pltpu.CompilerParams(needs_layout_passes=False, use_tc_tiling_on_sc=False),
        out_type=jax.ShapeDtypeStruct((NC, N, width), jnp.float32),
        scratch_types=[
            pltpu.VMEM((ch,), jnp.int32),
            pltpu.VMEM((ch, width), jnp.float32),
            pltpu.VMEM_SHARED((N, width), jnp.float32),
        ],
    )
    def _sc_scatter(rows_hbm, dst_hbm, zeros_hbm, out_hbm, idx_v, rows_v, acc_sh):
        c = lax.axis_index("c")
        s = lax.axis_index("s")

        @pl.when(s == 0)
        def _():
            pltpu.sync_copy(zeros_hbm, acc_sh)

        plsc.subcore_barrier()
        base = (s * NC + c) * epw

        def body(i, _):
            off = base + i * ch
            pltpu.sync_copy(dst_hbm.at[pl.ds(off, ch)], idx_v)
            pltpu.sync_copy(rows_hbm.at[pl.ds(off, ch)], rows_v)
            pltpu.sync_copy(rows_v, acc_sh.at[idx_v], add=True)
            return ()

        lax.fori_loop(0, nch, body, ())
        plsc.subcore_barrier()

        @pl.when(s < 10)
        def _():
            pltpu.sync_copy(acc_sh.at[pl.ds(s * 1000, 1000)],
                            out_hbm.at[c, pl.ds(s * 1000, 1000)])

    return _sc_scatter


_sc_scatter_h = tuple(_make_sc_scatter(F1, p[1], p[2], p[3]) for p in _PIPE)


def _mid_body(agga_ref, aggb_ref, x_ref, wroot_ref, becc_ref, wgat_ref,
              asv_ref, anv_ref, xp_ref, as_ref, an_ref, m_ref):
    agg = (agga_ref[0] + agga_ref[1]) + (aggb_ref[0] + aggb_ref[1])
    x1 = jnp.maximum(
        agg + jnp.dot(x_ref[...], wroot_ref[...],
                      preferred_element_type=jnp.float32) + becc_ref[...], 0.0)
    xp = jnp.dot(x1, wgat_ref[...], preferred_element_type=jnp.float32)
    xp_ref[...] = xp
    a_s = jnp.dot(xp, asv_ref[...], preferred_element_type=jnp.float32)
    a_n = jnp.dot(xp, anv_ref[...], preferred_element_type=jnp.float32)
    as_ref[...] = a_s
    an_ref[...] = a_n
    t = jnp.max(a_s) + jnp.max(a_n)
    m_ref[...] = jnp.full((1, 1), jnp.where(t < 0.0, 0.2 * t, t))


def _tc_mid(agg_a, agg_b, x, W_root, b_ecc, W_gat, a_self, a_neigh):
    return pl.pallas_call(
        _mid_body,
        out_shape=(
            jax.ShapeDtypeStruct((N, F2), jnp.float32),
            jax.ShapeDtypeStruct((N, 1), jnp.float32),
            jax.ShapeDtypeStruct((N, 1), jnp.float32),
            jax.ShapeDtypeStruct((1, 1), jnp.float32),
        ),
    )(agg_a, agg_b, x, W_root, b_ecc.reshape(1, F1), W_gat,
      a_self.reshape(F2, 1), a_neigh.reshape(F2, 1))


@functools.partial(
    pl.kernel, mesh=_mesh,
    compiler_params=pltpu.CompilerParams(needs_layout_passes=False, use_tc_tiling_on_sc=False),
    out_type=(
        jax.ShapeDtypeStruct((E,), jnp.float32),
        jax.ShapeDtypeStruct((NC, N, W80), jnp.float32),
    ),
    scratch_types=[
        pltpu.VMEM((N,), jnp.float32),
        pltpu.VMEM((N,), jnp.float32),
        pltpu.VMEM((16,), jnp.float32),
        pltpu.VMEM((CH,), jnp.int32),
        pltpu.VMEM((CH,), jnp.int32),
        pltpu.VMEM((CH,), jnp.float32),
        pltpu.VMEM((CH, F2), jnp.float32),
        pltpu.VMEM((CH, W80), jnp.float32),
        pltpu.VMEM_SHARED((N, W80), jnp.float32),
        pltpu.SemaphoreType.DMA,
    ],
)
def _sc_edge(as_hbm, an_hbm, m_hbm, dst_hbm, src_hbm, xp_hbm, zeros_hbm,
             ex_hbm, acc_hbm,
             as_t, an_t, m_v, di_v, si_v, ex_v, rows_v, r80_v, acc_sh, sem):
    c = lax.axis_index("c")
    s = lax.axis_index("s")

    @pl.when(s == 0)
    def _():
        pltpu.sync_copy(zeros_hbm, acc_sh)

    pltpu.sync_copy(as_hbm, as_t)
    pltpu.sync_copy(an_hbm, an_t)
    pltpu.sync_copy(m_hbm, m_v)
    plsc.subcore_barrier()
    base = (s * NC + c) * EPW
    onehot = jnp.where(lax.iota(jnp.int32, 16) == 0, 1.0, 0.0)

    def body(i, _):
        off = base + i * CH
        pltpu.sync_copy(dst_hbm.at[pl.ds(off, CH)], di_v)
        pltpu.sync_copy(src_hbm.at[pl.ds(off, CH)], si_v)
        pltpu.async_copy(xp_hbm.at[si_v], rows_v, sem).wait()
        mvec = m_v[...]
        for j in range(CH // 16):
            dv = di_v[pl.ds(j * 16, 16)]
            sv = si_v[pl.ds(j * 16, 16)]
            l = plsc.load_gather(as_t, [dv]) + plsc.load_gather(an_t, [sv])
            l = jnp.where(l < 0.0, 0.2 * l, l)
            ex_v[pl.ds(j * 16, 16)] = jnp.exp(l - mvec)

        def scale(r, _):
            exb = plsc.load_gather(ex_v, [jnp.full((16,), r, jnp.int32)])
            for q in range(F2 // 16):
                r80_v[r, pl.ds(q * 16, 16)] = rows_v[r, pl.ds(q * 16, 16)] * exb
            r80_v[r, pl.ds(F2, 16)] = exb * onehot
            return ()

        lax.fori_loop(0, CH, scale, ())
        pltpu.sync_copy(r80_v, acc_sh.at[di_v], add=True)
        pltpu.sync_copy(ex_v, ex_hbm.at[pl.ds(off, CH)])
        return ()

    lax.fori_loop(0, NCH, body, ())
    plsc.subcore_barrier()

    @pl.when(s < 10)
    def _():
        pltpu.sync_copy(acc_sh.at[pl.ds(s * 1000, 1000)],
                        acc_hbm.at[c, pl.ds(s * 1000, 1000)])


def _fin_body(x2acc_ref, xp_ref, as_ref, an_ref, m_ref, bgat_ref,
              wfc_ref, bfc_ref, wout_ref, bout_ref,
              out_ref, attns_ref, inv_ref):
    acc = x2acc_ref[0] + x2acc_ref[1]
    t = as_ref[...] + an_ref[...]
    lse = jnp.where(t < 0.0, 0.2 * t, t)
    ex_self = jnp.exp(lse - m_ref[0, 0])
    denom = acc[:, F2:F2 + 1] + ex_self
    inv = 1.0 / denom
    inv_ref[...] = inv
    attns_ref[...] = ex_self * inv
    x2 = jnp.maximum((acc[:, 0:F2] + ex_self * xp_ref[...]) * inv
                     + bgat_ref[...], 0.0)
    p = jnp.mean(x2, axis=0, keepdims=True)
    f = jnp.maximum(jnp.dot(p, wfc_ref[...], preferred_element_type=jnp.float32)
                    + bfc_ref[...], 0.0)
    o = jnp.dot(f, wout_ref[...], preferred_element_type=jnp.float32) + bout_ref[...]
    out_ref[...] = jax.nn.sigmoid(o)


def _tc_final(x2acc, xp, a_s, a_n, m, b_gat, W_fc, b_fc, W_out, b_out):
    return pl.pallas_call(
        _fin_body,
        out_shape=(
            jax.ShapeDtypeStruct((1, 1), jnp.float32),
            jax.ShapeDtypeStruct((N, 1), jnp.float32),
            jax.ShapeDtypeStruct((N, 1), jnp.float32),
        ),
    )(x2acc, xp, a_s, a_n, m, b_gat.reshape(1, F2),
      W_fc, b_fc.reshape(1, 32), W_out, b_out.reshape(1, 1))


@functools.partial(
    pl.kernel, mesh=_mesh,
    compiler_params=pltpu.CompilerParams(needs_layout_passes=False, use_tc_tiling_on_sc=False),
    out_type=jax.ShapeDtypeStruct((E,), jnp.float32),
    scratch_types=[
        pltpu.VMEM((N,), jnp.float32),
        pltpu.VMEM((CH,), jnp.int32),
        pltpu.VMEM((CH,), jnp.float32),
        pltpu.VMEM((CH,), jnp.float32),
    ],
)
def _sc_attn(inv_hbm, dst_hbm, ex_hbm, attn_hbm, inv_t, di_v, ex_v, at_v):
    pltpu.sync_copy(inv_hbm, inv_t)
    base = _wid() * EPW

    def body(i, _):
        off = base + i * CH
        pltpu.sync_copy(dst_hbm.at[pl.ds(off, CH)], di_v)
        pltpu.sync_copy(ex_hbm.at[pl.ds(off, CH)], ex_v)
        for j in range(CH // 16):
            dv = di_v[pl.ds(j * 16, 16)]
            at_v[pl.ds(j * 16, 16)] = (ex_v[pl.ds(j * 16, 16)]
                                       * plsc.load_gather(inv_t, [dv]))
        pltpu.sync_copy(at_v, attn_hbm.at[pl.ds(off, CH)])
        return ()

    lax.fori_loop(0, NCH, body, ())


def kernel(x, edge_index, edge_attr, W_kn1, b_kn1, W_kn2, b_kn2, W_root, b_ecc,
           W_gat, a_self, a_neigh, b_gat, W_fc, b_fc, W_out, b_out):
    dst = edge_index[0]
    src = edge_index[1]

    Wk = W_kn2.reshape(KN, F_IN, F1)
    wcat = jnp.concatenate([b_kn2.reshape(1, F_IN, F1), Wk], axis=0)
    wcat = wcat.transpose(1, 0, 2).reshape(F_IN, (KN + 1) * F1)
    wcat = wcat.astype(jnp.bfloat16)

    zeros64 = jnp.zeros((N, F1), jnp.float32)
    zeros80 = jnp.zeros((N, W80), jnp.float32)

    eaT = edge_attr.T
    wkn1T = W_kn1.T
    bkn1c = b_kn1.reshape(KN, 1)
    xs1 = _sc_gather_h[0](x, src[:H1])
    xs2 = _sc_gather_h[1](x, src[H1:])
    msg1 = _tc_msg(xs1, eaT[:, :H1], wkn1T, bkn1c, wcat)
    agg_a = _sc_scatter_h[0](msg1, dst[:H1], zeros64)
    msg2 = _tc_msg(xs2, eaT[:, H1:], wkn1T, bkn1c, wcat)
    agg_b = _sc_scatter_h[1](msg2, dst[H1:], zeros64)
    xp, a_s, a_n, m = _tc_mid(agg_a, agg_b, x, W_root, b_ecc, W_gat,
                              a_self, a_neigh)

    ex, x2acc = _sc_edge(a_s.reshape(N), a_n.reshape(N),
                         jnp.broadcast_to(m.reshape(1), (16,)),
                         dst, src, xp, zeros80)
    out, attn_self, inv_denom = _tc_final(x2acc, xp, a_s, a_n, m, b_gat,
                                          W_fc, b_fc, W_out, b_out)
    attn_e = _sc_attn(inv_denom.reshape(N), dst, ex)

    attn = jnp.concatenate([attn_e, attn_self.reshape(N)])
    return (out.reshape(1), attn)

# --- scband reference (transcript-rebuilt; emitter-appended) ---
"""Pipeline reference for scband-net-43121471652562 (READ-ONLY COPY).

The authoritative reference and input builder live on the scoring server;
editing this copy changes nothing except your own understanding.
"""

import jax, jax.numpy as jnp
import numpy as np

N = 10000
E = 320000
F_IN = 128
D_EDGE = 4
KN = 32
F1 = 64
F2 = 64


def setup_inputs(seed: int = 0) -> dict:
    key = jax.random.key(seed)
    ks = jax.random.split(key, 20)
    s = 0.05
    inp = {}
    inp['x'] = jax.random.normal(ks[0], (N, F_IN), jnp.float32)
    inp['edge_index'] = jax.random.randint(ks[1], (2, E), 0, N)
    inp['edge_attr'] = jax.random.normal(ks[2], (E, D_EDGE), jnp.float32)
    # ECCConv params: kernel_network=[32] -> Dense(32,relu) then Dense(F_IN*F1)
    inp['W_kn1'] = jax.random.normal(ks[3], (D_EDGE, KN), jnp.float32) * s
    inp['b_kn1'] = jnp.zeros((KN,), jnp.float32)
    inp['W_kn2'] = jax.random.normal(ks[4], (KN, F_IN * F1), jnp.float32) * s
    inp['b_kn2'] = jax.random.normal(ks[5], (F_IN * F1,), jnp.float32) * s
    inp['W_root'] = jax.random.normal(ks[6], (F_IN, F1), jnp.float32) * s
    inp['b_ecc'] = jnp.zeros((F1,), jnp.float32)
    # GATConv params (1 head, channels=64)
    inp['W_gat'] = jax.random.normal(ks[7], (F1, F2), jnp.float32) * s
    inp['a_self'] = jax.random.normal(ks[8], (F2,), jnp.float32) * s
    inp['a_neigh'] = jax.random.normal(ks[9], (F2,), jnp.float32) * s
    inp['b_gat'] = jnp.zeros((F2,), jnp.float32)
    # MLP head
    inp['W_fc'] = jax.random.normal(ks[10], (F2, 32), jnp.float32) * s
    inp['b_fc'] = jnp.zeros((32,), jnp.float32)
    inp['W_out'] = jax.random.normal(ks[11], (32, 1), jnp.float32) * s
    inp['b_out'] = jnp.zeros((1,), jnp.float32)
    return inp


def reference(x, edge_index, edge_attr, W_kn1, b_kn1, W_kn2, b_kn2, W_root, b_ecc,
              W_gat, a_self, a_neigh, b_gat, W_fc, b_fc, W_out, b_out):
    n = x.shape[0]
    dst = edge_index[0]
    src = edge_index[1]

    # ---- ECCConv: per-edge kernel generated from edge features ----
    h = jax.nn.relu(edge_attr @ W_kn1 + b_kn1)               # [E, KN]
    Wk = W_kn2.reshape(KN, F_IN, F1)                          # [KN, F_IN, F1]
    # Precompute per-node projections for each kernel-network unit to avoid
    # materializing the [E, F_IN, F1] per-edge kernel tensor (same math).
    Y = jnp.einsum('ni,kio->nko', x, Wk)                      # [N, KN, F1]
    msgs = jnp.take(x, src, axis=0) @ b_kn2.reshape(F_IN, F1) # bias part of per-edge kernel
    for k in range(KN):
        msgs = msgs + h[:, k:k + 1] * jnp.take(Y[:, k, :], src, axis=0)
    agg = jax.ops.segment_sum(msgs, dst, num_segments=n)     # scatter-add over dst
    x1 = jax.nn.relu(agg + x @ W_root + b_ecc)               # [N, F1]

    # ---- GATConv: single head, self-loops added, return attn coef ----
    xp = x1 @ W_gat                                           # [N, F2]
    self_idx = jnp.arange(n)
    dst2 = jnp.concatenate([dst, self_idx])
    src2 = jnp.concatenate([src, self_idx])
    alpha_self = xp @ a_self                                  # [N]
    alpha_neigh = xp @ a_neigh                                # [N]
    logits = jax.nn.leaky_relu(jnp.take(alpha_self, dst2) + jnp.take(alpha_neigh, src2), negative_slope=0.2)
    m = jax.ops.segment_max(logits, dst2, num_segments=n)
    ex = jnp.exp(logits - jnp.take(m, dst2))
    denom = jax.ops.segment_sum(ex, dst2, num_segments=n)
    attn = ex / jnp.take(denom, dst2)                         # [E + N]
    x2 = jax.ops.segment_sum(attn[:, None] * jnp.take(xp, src2, axis=0), dst2, num_segments=n)
    x2 = jax.nn.relu(x2 + b_gat)                              # [N, F2]

    # ---- GlobalAvgPool + MLP head (binary) ----
    p = jnp.mean(x2, axis=0)                                  # [F2]
    f = jax.nn.relu(p @ W_fc + b_fc)                          # [32]
    out = jax.nn.sigmoid(f @ W_out + b_out)                   # [1]
    return (out, attn)

if __name__ == "__main__":
    import jax
    _d = setup_inputs()
    print(jax.jit(kernel)(*tuple(_d.values())))

</pallas_src>

<mosaic_0001>
#map = affine_map<(d0, d1) -> (0, 0)>
#map1 = affine_map<(d0, d1) -> (0)>
module attributes {stable_mosaic.version = 14 : i64} {
  func.func @_sc_gather_x(%arg0: i32, %arg1: i32, %arg2: memref<10000x128xf32, #tpu.memory_space<hbm>>, %arg3: memref<163840xi32, #tpu.memory_space<hbm>>, %arg4: memref<163840x128xf32, #tpu.memory_space<hbm>>, %arg5: memref<512xi32, #tpu.memory_space<vmem>>, %arg6: memref<512x128xf32, #tpu.memory_space<vmem>>, %arg7: memref<!tpu.dma_semaphore, #tpu.memory_space<semaphore_mem>>) attributes {dimension_semantics = [#tpu.dimension_semantics<core_parallel>, #tpu.dimension_semantics<subcore_parallel>], iteration_bounds = array<i64: 2, 16>, scalar_prefetch = 0 : i64, scratch_operands = 3 : i64, tpu.core_type = #tpu.core_type<sc_vector_subcore>, window_params = [{transform_indices = #map}, {transform_indices = #map1}, {transform_indices = #map}]} {
    %mul3A = arith.constant 2 : i32
    %mul3A_0 = arith.muli %arg1, %mul3A : i32
    %add3A = arith.addi %mul3A_0, %arg0 : i32
    %mul3A_1 = arith.constant 5120 : i32
    %mul3A_2 = arith.muli %add3A, %mul3A_1 : i32
    %scan3A = arith.constant 0 : i32
    %scan3A_3 = arith.constant 10 : i32
    %scan3A_4 = arith.addi %scan3A, %scan3A_3 : i32
    %scan3A_5 = arith.constant 1 : i32
    scf.for %scan3A_7 = %scan3A to %scan3A_4 step %scan3A_5  : i32 {
      %mul3A_8 = arith.constant 512 : i32
      %mul3A_9 = arith.muli %scan3A_7, %mul3A_8 : i32
      %add3A_10 = arith.addi %mul3A_2, %mul3A_9 : i32
      "tpu.region"() ({
        %run_scoped3A = tpu.sem_alloc : memref<!tpu.dma_semaphore, #tpu.memory_space<semaphore_mem>>
        %dma_start3A_15 = tpu.memref_slice %arg3[%add3A_10] : memref<163840xi32, #tpu.memory_space<hbm>> -> memref<512xi32, #tpu.memory_space<hbm>>
        %dma_start3A_16 = tpu.memref_slice %arg3[%add3A_10] : memref<163840xi32, #tpu.memory_space<hbm>> -> memref<512xi32, #tpu.memory_space<hbm>>
        tpu.enqueue_dma source(%dma_start3A_16 : memref<512xi32, #tpu.memory_space<hbm>>) target(%arg5 : memref<512xi32, #tpu.memory_space<vmem>>) target_semaphore(%run_scoped3A : memref<!tpu.dma_semaphore, #tpu.memory_space<semaphore_mem>>)
        %dma_wait3A_17 = tpu.memref_slice %arg3[%add3A_10] : memref<163840xi32, #tpu.memory_space<hbm>> -> memref<512xi32, #tpu.memory_space<hbm>>
        %dma_wait3A_18 = tpu.memref_slice %arg3[%add3A_10] : memref<163840xi32, #tpu.memory_space<hbm>> -> memref<512xi32, #tpu.memory_space<hbm>>
        tpu.wait_dma2 semaphore(%run_scoped3A : memref<!tpu.dma_semaphore, #tpu.memory_space<semaphore_mem>>) src(%dma_wait3A_18 : memref<512xi32, #tpu.memory_space<hbm>>) dst(%arg5 : memref<512xi32, #tpu.memory_space<vmem>>)
        tpu.yield
      }) : () -> ()
      %dma_start3A = arith.constant 0 : i32
      %dma_start3A_11 = arith.constant 0 : i32
      %dma_start3A_12 = tpu.memref_slice %arg2[%dma_start3A, %dma_start3A_11] : memref<10000x128xf32, #tpu.memory_space<hbm>> -> memref<10000x128xf32, #tpu.memory_space<hbm>>
      tpu.enqueue_indirect_dma source(%dma_start3A_12 : memref<10000x128xf32, #tpu.memory_space<hbm>>) target(%arg6 : memref<512x128xf32, #tpu.memory_space<vmem>>) offsets(%arg5 : memref<512xi32, #tpu.memory_space<vmem>>) semaphore(%arg7 : memref<!tpu.dma_semaphore, #tpu.memory_space<semaphore_mem>>)
      %dma_wait3A = arith.constant 0 : i32
      %dma_wait3A_13 = arith.constant 0 : i32
      %dma_wait3A_14 = tpu.memref_slice %arg2[%dma_wait3A, %dma_wait3A_13] : memref<10000x128xf32, #tpu.memory_space<hbm>> -> memref<10000x128xf32, #tpu.memory_space<hbm>>
      tpu.wait_indirect_dma semaphore(%arg7 : memref<!tpu.dma_semaphore, #tpu.memory_space<semaphore_mem>>) src(%dma_wait3A_14 : memref<10000x128xf32, #tpu.memory_space<hbm>>) dst(%arg6 : memref<512x128xf32, #tpu.memory_space<vmem>>)
      "tpu.region"() ({
        %run_scoped3A = tpu.sem_alloc : memref<!tpu.dma_semaphore, #tpu.memory_space<semaphore_mem>>
        %dma_start3A_15 = arith.constant 0 : i32
        %dma_start3A_16 = tpu.memref_slice %arg4[%add3A_10, %dma_start3A_15] : memref<163840x128xf32, #tpu.memory_space<hbm>> -> memref<512x128xf32, #tpu.memory_space<hbm>>
        %dma_start3A_17 = arith.constant 0 : i32
        %dma_start3A_18 = tpu.memref_slice %arg4[%add3A_10, %dma_start3A_17] : memref<163840x128xf32, #tpu.memory_space<hbm>> -> memref<512x128xf32, #tpu.memory_space<hbm>>
        tpu.enqueue_dma source(%arg6 : memref<512x128xf32, #tpu.memory_space<vmem>>) target(%dma_start3A_18 : memref<512x128xf32, #tpu.memory_space<hbm>>) target_semaphore(%run_scoped3A : memref<!tpu.dma_semaphore, #tpu.memory_space<semaphore_mem>>)
        %dma_wait3A_19 = arith.constant 0 : i32
        %dma_wait3A_20 = tpu.memref_slice %arg4[%add3A_10, %dma_wait3A_19] : memref<163840x128xf32, #tpu.memory_space<hbm>> -> memref<512x128xf32, #tpu.memory_space<hbm>>
        %dma_wait3A_21 = arith.constant 0 : i32
        %dma_wait3A_22 = tpu.memref_slice %arg4[%add3A_10, %dma_wait3A_21] : memref<163840x128xf32, #tpu.memory_space<hbm>> -> memref<512x128xf32, #tpu.memory_space<hbm>>
        tpu.wait_dma2 semaphore(%run_scoped3A : memref<!tpu.dma_semaphore, #tpu.memory_space<semaphore_mem>>) src(%arg6 : memref<512x128xf32, #tpu.memory_space<vmem>>) dst(%dma_wait3A_22 : memref<512x128xf32, #tpu.memory_space<hbm>>)
        tpu.yield
      }) : () -> ()
    }
    %scan3A_6 = arith.constant 10 : i32
    return
  }
}

#map = affine_map<(d0, d1) -> (0, 0)>
#map1 = affine_map<(d0, d1) -> (0)>
module attributes {stable_mosaic.version = 14 : i64} {
  func.func @_sc_gather_x(%arg0: i32, %arg1: i32, %arg2: memref<10000x128xf32, #tpu.memory_space<hbm>>, %arg3: memref<156160xi32, #tpu.memory_space<hbm>>, %arg4: memref<156160x128xf32, #tpu.memory_space<hbm>>, %arg5: memref<488xi32, #tpu.memory_space<vmem>>, %arg6: memref<488x128xf32, #tpu.memory_space<vmem>>, %arg7: memref<!tpu.dma_semaphore, #tpu.memory_space<semaphore_mem>>) attributes {dimension_semantics = [#tpu.dimension_semantics<core_parallel>, #tpu.dimension_semantics<subcore_parallel>], iteration_bounds = array<i64: 2, 16>, scalar_prefetch = 0 : i64, scratch_operands = 3 : i64, tpu.core_type = #tpu.core_type<sc_vector_subcore>, window_params = [{transform_indices = #map}, {transform_indices = #map1}, {transform_indices = #map}]} {
    %mul3A = arith.constant 2 : i32
    %mul3A_0 = arith.muli %arg1, %mul3A : i32
    %add3A = arith.addi %mul3A_0, %arg0 : i32
    %mul3A_1 = arith.constant 4880 : i32
    %mul3A_2 = arith.muli %add3A, %mul3A_1 : i32
    %scan3A = arith.constant 0 : i32
    %scan3A_3 = arith.constant 10 : i32
    %scan3A_4 = arith.addi %scan3A, %scan3A_3 : i32
    %scan3A_5 = arith.constant 1 : i32
    scf.for %scan3A_7 = %scan3A to %scan3A_4 step %scan3A_5  : i32 {
      %mul3A_8 = arith.constant 488 : i32
      %mul3A_9 = arith.muli %scan3A_7, %mul3A_8 : i32
      %add3A_10 = arith.addi %mul3A_2, %mul3A_9 : i32
      "tpu.region"() ({
        %run_scoped3A = tpu.sem_alloc : memref<!tpu.dma_semaphore, #tpu.memory_space<semaphore_mem>>
        %dma_start3A_15 = tpu.memref_slice %arg3[%add3A_10] : memref<156160xi32, #tpu.memory_space<hbm>> -> memref<488xi32, #tpu.memory_space<hbm>>
        %dma_start3A_16 = tpu.memref_slice %arg3[%add3A_10] : memref<156160xi32, #tpu.memory_space<hbm>> -> memref<488xi32, #tpu.memory_space<hbm>>
        tpu.enqueue_dma source(%dma_start3A_16 : memref<488xi32, #tpu.memory_space<hbm>>) target(%arg5 : memref<488xi32, #tpu.memory_space<vmem>>) target_semaphore(%run_scoped3A : memref<!tpu.dma_semaphore, #tpu.memory_space<semaphore_mem>>)
        %dma_wait3A_17 = tpu.memref_slice %arg3[%add3A_10] : memref<156160xi32, #tpu.memory_space<hbm>> -> memref<488xi32, #tpu.memory_space<hbm>>
        %dma_wait3A_18 = tpu.memref_slice %arg3[%add3A_10] : memref<156160xi32, #tpu.memory_space<hbm>> -> memref<488xi32, #tpu.memory_space<hbm>>
        tpu.wait_dma2 semaphore(%run_scoped3A : memref<!tpu.dma_semaphore, #tpu.memory_space<semaphore_mem>>) src(%dma_wait3A_18 : memref<488xi32, #tpu.memory_space<hbm>>) dst(%arg5 : memref<488xi32, #tpu.memory_space<vmem>>)
        tpu.yield
      }) : () -> ()
      %dma_start3A = arith.constant 0 : i32
      %dma_start3A_11 = arith.constant 0 : i32
      %dma_start3A_12 = tpu.memref_slice %arg2[%dma_start3A, %dma_start3A_11] : memref<10000x128xf32, #tpu.memory_space<hbm>> -> memref<10000x128xf32, #tpu.memory_space<hbm>>
      tpu.enqueue_indirect_dma source(%dma_start3A_12 : memref<10000x128xf32, #tpu.memory_space<hbm>>) target(%arg6 : memref<488x128xf32, #tpu.memory_space<vmem>>) offsets(%arg5 : memref<488xi32, #tpu.memory_space<vmem>>) semaphore(%arg7 : memref<!tpu.dma_semaphore, #tpu.memory_space<semaphore_mem>>)
      %dma_wait3A = arith.constant 0 : i32
      %dma_wait3A_13 = arith.constant 0 : i32
      %dma_wait3A_14 = tpu.memref_slice %arg2[%dma_wait3A, %dma_wait3A_13] : memref<10000x128xf32, #tpu.memory_space<hbm>> -> memref<10000x128xf32, #tpu.memory_space<hbm>>
      tpu.wait_indirect_dma semaphore(%arg7 : memref<!tpu.dma_semaphore, #tpu.memory_space<semaphore_mem>>) src(%dma_wait3A_14 : memref<10000x128xf32, #tpu.memory_space<hbm>>) dst(%arg6 : memref<488x128xf32, #tpu.memory_space<vmem>>)
      "tpu.region"() ({
        %run_scoped3A = tpu.sem_alloc : memref<!tpu.dma_semaphore, #tpu.memory_space<semaphore_mem>>
        %dma_start3A_15 = arith.constant 0 : i32
        %dma_start3A_16 = tpu.memref_slice %arg4[%add3A_10, %dma_start3A_15] : memref<156160x128xf32, #tpu.memory_space<hbm>> -> memref<488x128xf32, #tpu.memory_space<hbm>>
        %dma_start3A_17 = arith.constant 0 : i32
        %dma_start3A_18 = tpu.memref_slice %arg4[%add3A_10, %dma_start3A_17] : memref<156160x128xf32, #tpu.memory_space<hbm>> -> memref<488x128xf32, #tpu.memory_space<hbm>>
        tpu.enqueue_dma source(%arg6 : memref<488x128xf32, #tpu.memory_space<vmem>>) target(%dma_start3A_18 : memref<488x128xf32, #tpu.memory_space<hbm>>) target_semaphore(%run_scoped3A : memref<!tpu.dma_semaphore, #tpu.memory_space<semaphore_mem>>)
        %dma_wait3A_19 = arith.constant 0 : i32
        %dma_wait3A_20 = tpu.memref_slice %arg4[%add3A_10, %dma_wait3A_19] : memref<156160x128xf32, #tpu.memory_space<hbm>> -> memref<488x128xf32, #tpu.memory_space<hbm>>
        %dma_wait3A_21 = arith.constant 0 : i32
        %dma_wait3A_22 = tpu.memref_slice %arg4[%add3A_10, %dma_wait3A_21] : memref<156160x128xf32, #tpu.memory_space<hbm>> -> memref<488x128xf32, #tpu.memory_space<hbm>>
        tpu.wait_dma2 semaphore(%run_scoped3A : memref<!tpu.dma_semaphore, #tpu.memory_space<semaphore_mem>>) src(%arg6 : memref<488x128xf32, #tpu.memory_space<vmem>>) dst(%dma_wait3A_22 : memref<488x128xf32, #tpu.memory_space<hbm>>)
        tpu.yield
      }) : () -> ()
    }
    %scan3A_6 = arith.constant 10 : i32
    return
  }
}

#map = affine_map<(d0, d1) -> (0, 0)>
#map1 = affine_map<(d0, d1) -> (0)>
#map2 = affine_map<(d0, d1) -> (0, 0, 0)>
module attributes {stable_mosaic.version = 14 : i64} {
  func.func @_sc_scatter(%arg0: i32, %arg1: i32, %arg2: memref<156160x64xf32, #tpu.memory_space<hbm>>, %arg3: memref<156160xi32, #tpu.memory_space<hbm>>, %arg4: memref<10000x64xf32, #tpu.memory_space<hbm>>, %arg5: memref<2x10000x64xf32, #tpu.memory_space<hbm>>, %arg6: memref<488xi32, #tpu.memory_space<vmem>>, %arg7: memref<488x64xf32, #tpu.memory_space<vmem>>, %arg8: memref<10000x64xf32, #tpu.memory_space<vmem_shared>>) attributes {dimension_semantics = [#tpu.dimension_semantics<core_parallel>, #tpu.dimension_semantics<subcore_parallel>], iteration_bounds = array<i64: 2, 16>, scalar_prefetch = 0 : i64, scratch_operands = 3 : i64, tpu.core_type = #tpu.core_type<sc_vector_subcore>, window_params = [{transform_indices = #map}, {transform_indices = #map1}, {transform_indices = #map}, {transform_indices = #map2}]} {
    %eq3A = arith.constant 0 : i32
    %eq3A_0 = arith.cmpi eq, %arg1, %eq3A : i32
    %convert_element_type3A = arith.extui %eq3A_0 : i1 to i32
    %cond3A = arith.constant 0 : i32
    %cond3A_1 = arith.cmpi ne, %convert_element_type3A, %cond3A : i32
    scf.if %cond3A_1 {
      "tpu.region"() ({
        %run_scoped3A = tpu.sem_alloc : memref<!tpu.dma_semaphore, #tpu.memory_space<semaphore_mem>>
        tpu.enqueue_dma source(%arg4 : memref<10000x64xf32, #tpu.memory_space<hbm>>) target(%arg8 : memref<10000x64xf32, #tpu.memory_space<vmem_shared>>) target_semaphore(%run_scoped3A : memref<!tpu.dma_semaphore, #tpu.memory_space<semaphore_mem>>)
        tpu.wait_dma2 semaphore(%run_scoped3A : memref<!tpu.dma_semaphore, #tpu.memory_space<semaphore_mem>>) src(%arg4 : memref<10000x64xf32, #tpu.memory_space<hbm>>) dst(%arg8 : memref<10000x64xf32, #tpu.memory_space<vmem_shared>>)
        tpu.yield
      }) : () -> ()
    } else {
    }
    %barrier3A = arith.constant 0 : index
    tpu.barrier barrier_id(%barrier3A)
    %mul3A = arith.constant 2 : i32
    %mul3A_2 = arith.muli %arg1, %mul3A : i32
    %add3A = arith.addi %mul3A_2, %arg0 : i32
    %mul3A_3 = arith.constant 4880 : i32
    %mul3A_4 = arith.muli %add3A, %mul3A_3 : i32
    %scan3A = arith.constant 0 : i32
    %scan3A_5 = arith.constant 10 : i32
    %scan3A_6 = arith.addi %scan3A, %scan3A_5 : i32
    %scan3A_7 = arith.constant 1 : i32
    scf.for %scan3A_14 = %scan3A to %scan3A_6 step %scan3A_7  : i32 {
      %mul3A_15 = arith.constant 488 : i32
      %mul3A_16 = arith.muli %scan3A_14, %mul3A_15 : i32
      %add3A_17 = arith.addi %mul3A_4, %mul3A_16 : i32
      "tpu.region"() ({
        %run_scoped3A = tpu.sem_alloc : memref<!tpu.dma_semaphore, #tpu.memory_space<semaphore_mem>>
        %dma_start3A = tpu.memref_slice %arg3[%add3A_17] : memref<156160xi32, #tpu.memory_space<hbm>> -> memref<488xi32, #tpu.memory_space<hbm>>
        %dma_start3A_18 = tpu.memref_slice %arg3[%add3A_17] : memref<156160xi32, #tpu.memory_space<hbm>> -> memref<488xi32, #tpu.memory_space<hbm>>
        tpu.enqueue_dma source(%dma_start3A_18 : memref<488xi32, #tpu.memory_space<hbm>>) target(%arg6 : memref<488xi32, #tpu.memory_space<vmem>>) target_semaphore(%run_scoped3A : memref<!tpu.dma_semaphore, #tpu.memory_space<semaphore_mem>>)
        %dma_wait3A = tpu.memref_slice %arg3[%add3A_17] : memref<156160xi32, #tpu.memory_space<hbm>> -> memref<488xi32, #tpu.memory_space<hbm>>
        %dma_wait3A_19 = tpu.memref_slice %arg3[%add3A_17] : memref<156160xi32, #tpu.memory_space<hbm>> -> memref<488xi32, #tpu.memory_space<hbm>>
        tpu.wait_dma2 semaphore(%run_scoped3A : memref<!tpu.dma_semaphore, #tpu.memory_space<semaphore_mem>>) src(%dma_wait3A_19 : memref<488xi32, #tpu.memory_space<hbm>>) dst(%arg6 : memref<488xi32, #tpu.memory_space<vmem>>)
        tpu.yield
      }) : () -> ()
      "tpu.region"() ({
        %run_scoped3A = tpu.sem_alloc : memref<!tpu.dma_semaphore, #tpu.memory_space<semaphore_mem>>
        %dma_start3A = arith.constant 0 : i32
        %dma_start3A_18 = tpu.memref_slice %arg2[%add3A_17, %dma_start3A] : memref<156160x64xf32, #tpu.memory_space<hbm>> -> memref<488x64xf32, #tpu.memory_space<hbm>>
        %dma_start3A_19 = arith.constant 0 : i32
        %dma_start3A_20 = tpu.memref_slice %arg2[%add3A_17, %dma_start3A_19] : memref<156160x64xf32, #tpu.memory_space<hbm>> -> memref<488x64xf32, #tpu.memory_space<hbm>>
        tpu.enqueue_dma source(%dma_start3A_20 : memref<488x64xf32, #tpu.memory_space<hbm>>) target(%arg7 : memref<488x64xf32, #tpu.memory_space<vmem>>) target_semaphore(%run_scoped3A : memref<!tpu.dma_semaphore, #tpu.memory_space<semaphore_mem>>)
        %dma_wait3A = arith.constant 0 : i32
        %dma_wait3A_21 = tpu.memref_slice %arg2[%add3A_17, %dma_wait3A] : memref<156160x64xf32, #tpu.memory_space<hbm>> -> memref<488x64xf32, #tpu.memory_space<hbm>>
        %dma_wait3A_22 = arith.constant 0 : i32
        %dma_wait3A_23 = tpu.memref_slice %arg2[%add3A_17, %dma_wait3A_22] : memref<156160x64xf32, #tpu.memory_space<hbm>> -> memref<488x64xf32, #tpu.memory_space<hbm>>
        tpu.wait_dma2 semaphore(%run_scoped3A : memref<!tpu.dma_semaphore, #tpu.memory_space<semaphore_mem>>) src(%dma_wait3A_23 : memref<488x64xf32, #tpu.memory_space<hbm>>) dst(%arg7 : memref<488x64xf32, #tpu.memory_space<vmem>>)
        tpu.yield
      }) : () -> ()
      "tpu.region"() ({
        %run_scoped3A = tpu.sem_alloc : memref<!tpu.dma_semaphore, #tpu.memory_space<semaphore_mem>>
        %dma_start3A = arith.constant 0 : i32
        %dma_start3A_18 = arith.constant 0 : i32
        %dma_start3A_19 = tpu.memref_slice %arg8[%dma_start3A, %dma_start3A_18] : memref<10000x64xf32, #tpu.memory_space<vmem_shared>> -> memref<10000x64xf32, #tpu.memory_space<vmem_shared>>
        tpu.enqueue_indirect_dma source(%arg7 : memref<488x64xf32, #tpu.memory_space<vmem>>) target(%dma_start3A_19 : memref<10000x64xf32, #tpu.memory_space<vmem_shared>>) offsets(%arg6 : memref<488xi32, #tpu.memory_space<vmem>>) semaphore(%run_scoped3A : memref<!tpu.dma_semaphore, #tpu.memory_space<semaphore_mem>>) {add = true}
        %dma_wait3A = arith.constant 0 : i32
        %dma_wait3A_20 = arith.constant 0 : i32
        %dma_wait3A_21 = tpu.memref_slice %arg8[%dma_wait3A, %dma_wait3A_20] : memref<10000x64xf32, #tpu.memory_space<vmem_shared>> -> memref<10000x64xf32, #tpu.memory_space<vmem_shared>>
        tpu.wait_indirect_dma semaphore(%run_scoped3A : memref<!tpu.dma_semaphore, #tpu.memory_space<semaphore_mem>>) src(%arg7 : memref<488x64xf32, #tpu.memory_space<vmem>>) dst(%dma_wait3A_21 : memref<10000x64xf32, #tpu.memory_space<vmem_shared>>)
        tpu.yield
      }) : () -> ()
    }
    %scan3A_8 = arith.constant 10 : i32
    %barrier3A_9 = arith.constant 0 : index
    tpu.barrier barrier_id(%barrier3A_9)
    %lt3A = arith.constant 10 : i32
    %lt3A_10 = arith.cmpi slt, %arg1, %lt3A : i32
    %convert_element_type3A_11 = arith.extui %lt3A_10 : i1 to i32
    %cond3A_12 = arith.constant 0 : i32
    %cond3A_13 = arith.cmpi ne, %convert_element_type3A_11, %cond3A_12 : i32
    scf.if %cond3A_13 {
      %mul3A_14 = arith.constant 1000 : i32
      %mul3A_15 = arith.muli %arg1, %mul3A_14 : i32
      %mul3A_16 = arith.constant 1000 : i32
      %mul3A_17 = arith.muli %arg1, %mul3A_16 : i32
      "tpu.region"() ({
        %run_scoped3A = tpu.sem_alloc : memref<!tpu.dma_semaphore, #tpu.memory_space<semaphore_mem>>
        %dma_start3A = arith.constant 0 : i32
        %dma_start3A_18 = tpu.memref_slice %arg5[%arg0, %mul3A_17, %dma_start3A] : memref<2x10000x64xf32, #tpu.memory_space<hbm>> -> memref<1x1000x64xf32, #tpu.memory_space<hbm>>
        %dma_start3A_19 = tpu.memref_squeeze %dma_start3A_18 : memref<1x1000x64xf32, #tpu.memory_space<hbm>> -> memref<1000x64xf32, #tpu.memory_space<hbm>>
        %dma_start3A_20 = arith.constant 0 : i32
        %dma_start3A_21 = tpu.memref_slice %arg8[%mul3A_15, %dma_start3A_20] : memref<10000x64xf32, #tpu.memory_space<vmem_shared>> -> memref<1000x64xf32, #tpu.memory_space<vmem_shared>>
        tpu.enqueue_dma source(%dma_start3A_21 : memref<1000x64xf32, #tpu.memory_space<vmem_shared>>) target(%dma_start3A_19 : memref<1000x64xf32, #tpu.memory_space<hbm>>) target_semaphore(%run_scoped3A : memref<!tpu.dma_semaphore, #tpu.memory_space<semaphore_mem>>)
        %dma_wait3A = arith.constant 0 : i32
        %dma_wait3A_22 = tpu.memref_slice %arg5[%arg0, %mul3A_17, %dma_wait3A] : memref<2x10000x64xf32, #tpu.memory_space<hbm>> -> memref<1x1000x64xf32, #tpu.memory_space<hbm>>
        %dma_wait3A_23 = tpu.memref_squeeze %dma_wait3A_22 : memref<1x1000x64xf32, #tpu.memory_space<hbm>> -> memref<1000x64xf32, #tpu.memory_space<hbm>>
        %dma_wait3A_24 = arith.constant 0 : i32
        %dma_wait3A_25 = tpu.memref_slice %arg8[%mul3A_15, %dma_wait3A_24] : memref<10000x64xf32, #tpu.memory_space<vmem_shared>> -> memref<1000x64xf32, #tpu.memory_space<vmem_shared>>
        tpu.wait_dma2 semaphore(%run_scoped3A : memref<!tpu.dma_semaphore, #tpu.memory_space<semaphore_mem>>) src(%dma_wait3A_25 : memref<1000x64xf32, #tpu.memory_space<vmem_shared>>) dst(%dma_wait3A_23 : memref<1000x64xf32, #tpu.memory_space<hbm>>)
        tpu.yield
      }) : () -> ()
    } else {
    }
    return
  }
}

#map = affine_map<(d0, d1) -> (0, 0)>
#map1 = affine_map<(d0, d1) -> (0)>
#map2 = affine_map<(d0, d1) -> (0, 0, 0)>
module attributes {stable_mosaic.version = 14 : i64} {
  func.func @_sc_scatter(%arg0: i32, %arg1: i32, %arg2: memref<163840x64xf32, #tpu.memory_space<hbm>>, %arg3: memref<163840xi32, #tpu.memory_space<hbm>>, %arg4: memref<10000x64xf32, #tpu.memory_space<hbm>>, %arg5: memref<2x10000x64xf32, #tpu.memory_space<hbm>>, %arg6: memref<512xi32, #tpu.memory_space<vmem>>, %arg7: memref<512x64xf32, #tpu.memory_space<vmem>>, %arg8: memref<10000x64xf32, #tpu.memory_space<vmem_shared>>) attributes {dimension_semantics = [#tpu.dimension_semantics<core_parallel>, #tpu.dimension_semantics<subcore_parallel>], iteration_bounds = array<i64: 2, 16>, scalar_prefetch = 0 : i64, scratch_operands = 3 : i64, tpu.core_type = #tpu.core_type<sc_vector_subcore>, window_params = [{transform_indices = #map}, {transform_indices = #map1}, {transform_indices = #map}, {transform_indices = #map2}]} {
    %eq3A = arith.constant 0 : i32
    %eq3A_0 = arith.cmpi eq, %arg1, %eq3A : i32
    %convert_element_type3A = arith.extui %eq3A_0 : i1 to i32
    %cond3A = arith.constant 0 : i32
    %cond3A_1 = arith.cmpi ne, %convert_element_type3A, %cond3A : i32
    scf.if %cond3A_1 {
      "tpu.region"() ({
        %run_scoped3A = tpu.sem_alloc : memref<!tpu.dma_semaphore, #tpu.memory_space<semaphore_mem>>
        tpu.enqueue_dma source(%arg4 : memref<10000x64xf32, #tpu.memory_space<hbm>>) target(%arg8 : memref<10000x64xf32, #tpu.memory_space<vmem_shared>>) target_semaphore(%run_scoped3A : memref<!tpu.dma_semaphore, #tpu.memory_space<semaphore_mem>>)
        tpu.wait_dma2 semaphore(%run_scoped3A : memref<!tpu.dma_semaphore, #tpu.memory_space<semaphore_mem>>) src(%arg4 : memref<10000x64xf32, #tpu.memory_space<hbm>>) dst(%arg8 : memref<10000x64xf32, #tpu.memory_space<vmem_shared>>)
        tpu.yield
      }) : () -> ()
    } else {
    }
    %barrier3A = arith.constant 0 : index
    tpu.barrier barrier_id(%barrier3A)
    %mul3A = arith.constant 2 : i32
    %mul3A_2 = arith.muli %arg1, %mul3A : i32
    %add3A = arith.addi %mul3A_2, %arg0 : i32
    %mul3A_3 = arith.constant 5120 : i32
    %mul3A_4 = arith.muli %add3A, %mul3A_3 : i32
    %scan3A = arith.constant 0 : i32
    %scan3A_5 = arith.constant 10 : i32
    %scan3A_6 = arith.addi %scan3A, %scan3A_5 : i32
    %scan3A_7 = arith.constant 1 : i32
    scf.for %scan3A_14 = %scan3A to %scan3A_6 step %scan3A_7  : i32 {
      %mul3A_15 = arith.constant 512 : i32
      %mul3A_16 = arith.muli %scan3A_14, %mul3A_15 : i32
      %add3A_17 = arith.addi %mul3A_4, %mul3A_16 : i32
      "tpu.region"() ({
        %run_scoped3A = tpu.sem_alloc : memref<!tpu.dma_semaphore, #tpu.memory_space<semaphore_mem>>
        %dma_start3A = tpu.memref_slice %arg3[%add3A_17] : memref<163840xi32, #tpu.memory_space<hbm>> -> memref<512xi32, #tpu.memory_space<hbm>>
        %dma_start3A_18 = tpu.memref_slice %arg3[%add3A_17] : memref<163840xi32, #tpu.memory_space<hbm>> -> memref<512xi32, #tpu.memory_space<hbm>>
        tpu.enqueue_dma source(%dma_start3A_18 : memref<512xi32, #tpu.memory_space<hbm>>) target(%arg6 : memref<512xi32, #tpu.memory_space<vmem>>) target_semaphore(%run_scoped3A : memref<!tpu.dma_semaphore, #tpu.memory_space<semaphore_mem>>)
        %dma_wait3A = tpu.memref_slice %arg3[%add3A_17] : memref<163840xi32, #tpu.memory_space<hbm>> -> memref<512xi32, #tpu.memory_space<hbm>>
        %dma_wait3A_19 = tpu.memref_slice %arg3[%add3A_17] : memref<163840xi32, #tpu.memory_space<hbm>> -> memref<512xi32, #tpu.memory_space<hbm>>
        tpu.wait_dma2 semaphore(%run_scoped3A : memref<!tpu.dma_semaphore, #tpu.memory_space<semaphore_mem>>) src(%dma_wait3A_19 : memref<512xi32, #tpu.memory_space<hbm>>) dst(%arg6 : memref<512xi32, #tpu.memory_space<vmem>>)
        tpu.yield
      }) : () -> ()
      "tpu.region"() ({
        %run_scoped3A = tpu.sem_alloc : memref<!tpu.dma_semaphore, #tpu.memory_space<semaphore_mem>>
        %dma_start3A = arith.constant 0 : i32
        %dma_start3A_18 = tpu.memref_slice %arg2[%add3A_17, %dma_start3A] : memref<163840x64xf32, #tpu.memory_space<hbm>> -> memref<512x64xf32, #tpu.memory_space<hbm>>
        %dma_start3A_19 = arith.constant 0 : i32
        %dma_start3A_20 = tpu.memref_slice %arg2[%add3A_17, %dma_start3A_19] : memref<163840x64xf32, #tpu.memory_space<hbm>> -> memref<512x64xf32, #tpu.memory_space<hbm>>
        tpu.enqueue_dma source(%dma_start3A_20 : memref<512x64xf32, #tpu.memory_space<hbm>>) target(%arg7 : memref<512x64xf32, #tpu.memory_space<vmem>>) target_semaphore(%run_scoped3A : memref<!tpu.dma_semaphore, #tpu.memory_space<semaphore_mem>>)
        %dma_wait3A = arith.constant 0 : i32
        %dma_wait3A_21 = tpu.memref_slice %arg2[%add3A_17, %dma_wait3A] : memref<163840x64xf32, #tpu.memory_space<hbm>> -> memref<512x64xf32, #tpu.memory_space<hbm>>
        %dma_wait3A_22 = arith.constant 0 : i32
        %dma_wait3A_23 = tpu.memref_slice %arg2[%add3A_17, %dma_wait3A_22] : memref<163840x64xf32, #tpu.memory_space<hbm>> -> memref<512x64xf32, #tpu.memory_space<hbm>>
        tpu.wait_dma2 semaphore(%run_scoped3A : memref<!tpu.dma_semaphore, #tpu.memory_space<semaphore_mem>>) src(%dma_wait3A_23 : memref<512x64xf32, #tpu.memory_space<hbm>>) dst(%arg7 : memref<512x64xf32, #tpu.memory_space<vmem>>)
        tpu.yield
      }) : () -> ()
      "tpu.region"() ({
        %run_scoped3A = tpu.sem_alloc : memref<!tpu.dma_semaphore, #tpu.memory_space<semaphore_mem>>
        %dma_start3A = arith.constant 0 : i32
        %dma_start3A_18 = arith.constant 0 : i32
        %dma_start3A_19 = tpu.memref_slice %arg8[%dma_start3A, %dma_start3A_18] : memref<10000x64xf32, #tpu.memory_space<vmem_shared>> -> memref<10000x64xf32, #tpu.memory_space<vmem_shared>>
        tpu.enqueue_indirect_dma source(%arg7 : memref<512x64xf32, #tpu.memory_space<vmem>>) target(%dma_start3A_19 : memref<10000x64xf32, #tpu.memory_space<vmem_shared>>) offsets(%arg6 : memref<512xi32, #tpu.memory_space<vmem>>) semaphore(%run_scoped3A : memref<!tpu.dma_semaphore, #tpu.memory_space<semaphore_mem>>) {add = true}
        %dma_wait3A = arith.constant 0 : i32
        %dma_wait3A_20 = arith.constant 0 : i32
        %dma_wait3A_21 = tpu.memref_slice %arg8[%dma_wait3A, %dma_wait3A_20] : memref<10000x64xf32, #tpu.memory_space<vmem_shared>> -> memref<10000x64xf32, #tpu.memory_space<vmem_shared>>
        tpu.wait_indirect_dma semaphore(%run_scoped3A : memref<!tpu.dma_semaphore, #tpu.memory_space<semaphore_mem>>) src(%arg7 : memref<512x64xf32, #tpu.memory_space<vmem>>) dst(%dma_wait3A_21 : memref<10000x64xf32, #tpu.memory_space<vmem_shared>>)
        tpu.yield
      }) : () -> ()
    }
    %scan3A_8 = arith.constant 10 : i32
    %barrier3A_9 = arith.constant 0 : index
    tpu.barrier barrier_id(%barrier3A_9)
    %lt3A = arith.constant 10 : i32
    %lt3A_10 = arith.cmpi slt, %arg1, %lt3A : i32
    %convert_element_type3A_11 = arith.extui %lt3A_10 : i1 to i32
    %cond3A_12 = arith.constant 0 : i32
    %cond3A_13 = arith.cmpi ne, %convert_element_type3A_11, %cond3A_12 : i32
    scf.if %cond3A_13 {
      %mul3A_14 = arith.constant 1000 : i32
      %mul3A_15 = arith.muli %arg1, %mul3A_14 : i32
      %mul3A_16 = arith.constant 1000 : i32
      %mul3A_17 = arith.muli %arg1, %mul3A_16 : i32
      "tpu.region"() ({
        %run_scoped3A = tpu.sem_alloc : memref<!tpu.dma_semaphore, #tpu.memory_space<semaphore_mem>>
        %dma_start3A = arith.constant 0 : i32
        %dma_start3A_18 = tpu.memref_slice %arg5[%arg0, %mul3A_17, %dma_start3A] : memref<2x10000x64xf32, #tpu.memory_space<hbm>> -> memref<1x1000x64xf32, #tpu.memory_space<hbm>>
        %dma_start3A_19 = tpu.memref_squeeze %dma_start3A_18 : memref<1x1000x64xf32, #tpu.memory_space<hbm>> -> memref<1000x64xf32, #tpu.memory_space<hbm>>
        %dma_start3A_20 = arith.constant 0 : i32
        %dma_start3A_21 = tpu.memref_slice %arg8[%mul3A_15, %dma_start3A_20] : memref<10000x64xf32, #tpu.memory_space<vmem_shared>> -> memref<1000x64xf32, #tpu.memory_space<vmem_shared>>
        tpu.enqueue_dma source(%dma_start3A_21 : memref<1000x64xf32, #tpu.memory_space<vmem_shared>>) target(%dma_start3A_19 : memref<1000x64xf32, #tpu.memory_space<hbm>>) target_semaphore(%run_scoped3A : memref<!tpu.dma_semaphore, #tpu.memory_space<semaphore_mem>>)
        %dma_wait3A = arith.constant 0 : i32
        %dma_wait3A_22 = tpu.memref_slice %arg5[%arg0, %mul3A_17, %dma_wait3A] : memref<2x10000x64xf32, #tpu.memory_space<hbm>> -> memref<1x1000x64xf32, #tpu.memory_space<hbm>>
        %dma_wait3A_23 = tpu.memref_squeeze %dma_wait3A_22 : memref<1x1000x64xf32, #tpu.memory_space<hbm>> -> memref<1000x64xf32, #tpu.memory_space<hbm>>
        %dma_wait3A_24 = arith.constant 0 : i32
        %dma_wait3A_25 = tpu.memref_slice %arg8[%mul3A_15, %dma_wait3A_24] : memref<10000x64xf32, #tpu.memory_space<vmem_shared>> -> memref<1000x64xf32, #tpu.memory_space<vmem_shared>>
        tpu.wait_dma2 semaphore(%run_scoped3A : memref<!tpu.dma_semaphore, #tpu.memory_space<semaphore_mem>>) src(%dma_wait3A_25 : memref<1000x64xf32, #tpu.memory_space<vmem_shared>>) dst(%dma_wait3A_23 : memref<1000x64xf32, #tpu.memory_space<hbm>>)
        tpu.yield
      }) : () -> ()
    } else {
    }
    return
  }
}

#map = affine_map<(d0, d1) -> (0)>
#map1 = affine_map<(d0, d1) -> (0, 0)>
#map2 = affine_map<(d0, d1) -> (0, 0, 0)>
module attributes {stable_mosaic.version = 14 : i64} {
  func.func @_sc_edge(%arg0: i32, %arg1: i32, %arg2: memref<10000xf32, #tpu.memory_space<hbm>>, %arg3: memref<10000xf32, #tpu.memory_space<hbm>>, %arg4: memref<16xf32, #tpu.memory_space<hbm>>, %arg5: memref<320000xi32, #tpu.memory_space<hbm>>, %arg6: memref<320000xi32, #tpu.memory_space<hbm>>, %arg7: memref<10000x64xf32, #tpu.memory_space<hbm>>, %arg8: memref<10000x80xf32, #tpu.memory_space<hbm>>, %arg9: memref<320000xf32, #tpu.memory_space<hbm>>, %arg10: memref<2x10000x80xf32, #tpu.memory_space<hbm>>, %arg11: memref<10000xf32, #tpu.memory_space<vmem>>, %arg12: memref<10000xf32, #tpu.memory_space<vmem>>, %arg13: memref<16xf32, #tpu.memory_space<vmem>>, %arg14: memref<400xi32, #tpu.memory_space<vmem>>, %arg15: memref<400xi32, #tpu.memory_space<vmem>>, %arg16: memref<400xf32, #tpu.memory_space<vmem>>, %arg17: memref<400x64xf32, #tpu.memory_space<vmem>>, %arg18: memref<400x80xf32, #tpu.memory_space<vmem>>, %arg19: memref<10000x80xf32, #tpu.memory_space<vmem_shared>>, %arg20: memref<!tpu.dma_semaphore, #tpu.memory_space<semaphore_mem>>) attributes {dimension_semantics = [#tpu.dimension_semantics<core_parallel>, #tpu.dimension_semantics<subcore_parallel>], iteration_bounds = array<i64: 2, 16>, scalar_prefetch = 0 : i64, scratch_operands = 10 : i64, tpu.core_type = #tpu.core_type<sc_vector_subcore>, window_params = [{transform_indices = #map}, {transform_indices = #map}, {transform_indices = #map}, {transform_indices = #map}, {transform_indices = #map}, {transform_indices = #map1}, {transform_indices = #map1}, {transform_indices = #map}, {transform_indices = #map2}]} {
    %eq3A = arith.constant 0 : i32
    %eq3A_0 = arith.cmpi eq, %arg1, %eq3A : i32
    %convert_element_type3A = arith.extui %eq3A_0 : i1 to i32
    %cond3A = arith.constant 0 : i32
    %cond3A_1 = arith.cmpi ne, %convert_element_type3A, %cond3A : i32
    scf.if %cond3A_1 {
      "tpu.region"() ({
        %run_scoped3A = tpu.sem_alloc : memref<!tpu.dma_semaphore, #tpu.memory_space<semaphore_mem>>
        tpu.enqueue_dma source(%arg8 : memref<10000x80xf32, #tpu.memory_space<hbm>>) target(%arg19 : memref<10000x80xf32, #tpu.memory_space<vmem_shared>>) target_semaphore(%run_scoped3A : memref<!tpu.dma_semaphore, #tpu.memory_space<semaphore_mem>>)
        tpu.wait_dma2 semaphore(%run_scoped3A : memref<!tpu.dma_semaphore, #tpu.memory_space<semaphore_mem>>) src(%arg8 : memref<10000x80xf32, #tpu.memory_space<hbm>>) dst(%arg19 : memref<10000x80xf32, #tpu.memory_space<vmem_shared>>)
        tpu.yield
      }) : () -> ()
    } else {
    }
    "tpu.region"() ({
      %run_scoped3A = tpu.sem_alloc : memref<!tpu.dma_semaphore, #tpu.memory_space<semaphore_mem>>
      tpu.enqueue_dma source(%arg2 : memref<10000xf32, #tpu.memory_space<hbm>>) target(%arg11 : memref<10000xf32, #tpu.memory_space<vmem>>) target_semaphore(%run_scoped3A : memref<!tpu.dma_semaphore, #tpu.memory_space<semaphore_mem>>)
      tpu.wait_dma2 semaphore(%run_scoped3A : memref<!tpu.dma_semaphore, #tpu.memory_space<semaphore_mem>>) src(%arg2 : memref<10000xf32, #tpu.memory_space<hbm>>) dst(%arg11 : memref<10000xf32, #tpu.memory_space<vmem>>)
      tpu.yield
    }) : () -> ()
    "tpu.region"() ({
      %run_scoped3A = tpu.sem_alloc : memref<!tpu.dma_semaphore, #tpu.memory_space<semaphore_mem>>
      tpu.enqueue_dma source(%arg3 : memref<10000xf32, #tpu.memory_space<hbm>>) target(%arg12 : memref<10000xf32, #tpu.memory_space<vmem>>) target_semaphore(%run_scoped3A : memref<!tpu.dma_semaphore, #tpu.memory_space<semaphore_mem>>)
      tpu.wait_dma2 semaphore(%run_scoped3A : memref<!tpu.dma_semaphore, #tpu.memory_space<semaphore_mem>>) src(%arg3 : memref<10000xf32, #tpu.memory_space<hbm>>) dst(%arg12 : memref<10000xf32, #tpu.memory_space<vmem>>)
      tpu.yield
    }) : () -> ()
    "tpu.region"() ({
      %run_scoped3A = tpu.sem_alloc : memref<!tpu.dma_semaphore, #tpu.memory_space<semaphore_mem>>
      tpu.enqueue_dma source(%arg4 : memref<16xf32, #tpu.memory_space<hbm>>) target(%arg13 : memref<16xf32, #tpu.memory_space<vmem>>) target_semaphore(%run_scoped3A : memref<!tpu.dma_semaphore, #tpu.memory_space<semaphore_mem>>)
      tpu.wait_dma2 semaphore(%run_scoped3A : memref<!tpu.dma_semaphore, #tpu.memory_space<semaphore_mem>>) src(%arg4 : memref<16xf32, #tpu.memory_space<hbm>>) dst(%arg13 : memref<16xf32, #tpu.memory_space<vmem>>)
      tpu.yield
    }) : () -> ()
    %barrier3A = arith.constant 0 : index
    tpu.barrier barrier_id(%barrier3A)
    %mul3A = arith.constant 2 : i32
    %mul3A_2 = arith.muli %arg1, %mul3A : i32
    %add3A = arith.addi %mul3A_2, %arg0 : i32
    %mul3A_3 = arith.constant 10000 : i32
    %mul3A_4 = arith.muli %add3A, %mul3A_3 : i32
    %iota3A = tpu.iota {dimensions = array<i32: 0>} : vector<16xi32>
    %eq3A_5 = arith.constant 0 : i32
    %eq3A_6 = vector.broadcast %eq3A_5 : i32 to vector<16xi32>
    %eq3A_7 = arith.cmpi eq, %iota3A, %eq3A_6 : vector<16xi32>
    %jit3A = arith.constant 1.000000e+00 : f32
    %jit3A_8 = arith.constant 0.000000e+00 : f32
    %broadcast_in_dim3A = vector.broadcast %jit3A : f32 to vector<16xf32>
    %broadcast_in_dim3A_9 = vector.broadcast %jit3A_8 : f32 to vector<16xf32>
    %select_n3A = arith.select %eq3A_7, %broadcast_in_dim3A, %broadcast_in_dim3A_9 : vector<16xi1>, vector<16xf32>
    %scan3A = arith.constant 0 : i32
    %scan3A_10 = arith.constant 25 : i32
    %scan3A_11 = arith.addi %scan3A, %scan3A_10 : i32
    %scan3A_12 = arith.constant 1 : i32
    scf.for %scan3A_19 = %scan3A to %scan3A_11 step %scan3A_12  : i32 {
      %mul3A_20 = arith.constant 400 : i32
      %mul3A_21 = arith.muli %scan3A_19, %mul3A_20 : i32
      %add3A_22 = arith.addi %mul3A_4, %mul3A_21 : i32
      "tpu.region"() ({
        %run_scoped3A = tpu.sem_alloc : memref<!tpu.dma_semaphore, #tpu.memory_space<semaphore_mem>>
        %dma_start3A_479 = tpu.memref_slice %arg5[%add3A_22] : memref<320000xi32, #tpu.memory_space<hbm>> -> memref<400xi32, #tpu.memory_space<hbm>>
        %dma_start3A_480 = tpu.memref_slice %arg5[%add3A_22] : memref<320000xi32, #tpu.memory_space<hbm>> -> memref<400xi32, #tpu.memory_space<hbm>>
        tpu.enqueue_dma source(%dma_start3A_480 : memref<400xi32, #tpu.memory_space<hbm>>) target(%arg14 : memref<400xi32, #tpu.memory_space<vmem>>) target_semaphore(%run_scoped3A : memref<!tpu.dma_semaphore, #tpu.memory_space<semaphore_mem>>)
        %dma_wait3A_481 = tpu.memref_slice %arg5[%add3A_22] : memref<320000xi32, #tpu.memory_space<hbm>> -> memref<400xi32, #tpu.memory_space<hbm>>
        %dma_wait3A_482 = tpu.memref_slice %arg5[%add3A_22] : memref<320000xi32, #tpu.memory_space<hbm>> -> memref<400xi32, #tpu.memory_space<hbm>>
        tpu.wait_dma2 semaphore(%run_scoped3A : memref<!tpu.dma_semaphore, #tpu.memory_space<semaphore_mem>>) src(%dma_wait3A_482 : memref<400xi32, #tpu.memory_space<hbm>>) dst(%arg14 : memref<400xi32, #tpu.memory_space<vmem>>)
        tpu.yield
      }) : () -> ()
      "tpu.region"() ({
        %run_scoped3A = tpu.sem_alloc : memref<!tpu.dma_semaphore, #tpu.memory_space<semaphore_mem>>
        %dma_start3A_479 = tpu.memref_slice %arg6[%add3A_22] : memref<320000xi32, #tpu.memory_space<hbm>> -> memref<400xi32, #tpu.memory_space<hbm>>
        %dma_start3A_480 = tpu.memref_slice %arg6[%add3A_22] : memref<320000xi32, #tpu.memory_space<hbm>> -> memref<400xi32, #tpu.memory_space<hbm>>
        tpu.enqueue_dma source(%dma_start3A_480 : memref<400xi32, #tpu.memory_space<hbm>>) target(%arg15 : memref<400xi32, #tpu.memory_space<vmem>>) target_semaphore(%run_scoped3A : memref<!tpu.dma_semaphore, #tpu.memory_space<semaphore_mem>>)
        %dma_wait3A_481 = tpu.memref_slice %arg6[%add3A_22] : memref<320000xi32, #tpu.memory_space<hbm>> -> memref<400xi32, #tpu.memory_space<hbm>>
        %dma_wait3A_482 = tpu.memref_slice %arg6[%add3A_22] : memref<320000xi32, #tpu.memory_space<hbm>> -> memref<400xi32, #tpu.memory_space<hbm>>
        tpu.wait_dma2 semaphore(%run_scoped3A : memref<!tpu.dma_semaphore, #tpu.memory_space<semaphore_mem>>) src(%dma_wait3A_482 : memref<400xi32, #tpu.memory_space<hbm>>) dst(%arg15 : memref<400xi32, #tpu.memory_space<vmem>>)
        tpu.yield
      }) : () -> ()
      %dma_start3A = arith.constant 0 : i32
      %dma_start3A_23 = arith.constant 0 : i32
      %dma_start3A_24 = tpu.memref_slice %arg7[%dma_start3A, %dma_start3A_23] : memref<10000x64xf32, #tpu.memory_space<hbm>> -> memref<10000x64xf32, #tpu.memory_space<hbm>>
      tpu.enqueue_indirect_dma source(%dma_start3A_24 : memref<10000x64xf32, #tpu.memory_space<hbm>>) target(%arg17 : memref<400x64xf32, #tpu.memory_space<vmem>>) offsets(%arg15 : memref<400xi32, #tpu.memory_space<vmem>>) semaphore(%arg20 : memref<!tpu.dma_semaphore, #tpu.memory_space<semaphore_mem>>)
      %dma_wait3A = arith.constant 0 : i32
      %dma_wait3A_25 = arith.constant 0 : i32
      %dma_wait3A_26 = tpu.memref_slice %arg7[%dma_wait3A, %dma_wait3A_25] : memref<10000x64xf32, #tpu.memory_space<hbm>> -> memref<10000x64xf32, #tpu.memory_space<hbm>>
      tpu.wait_indirect_dma semaphore(%arg20 : memref<!tpu.dma_semaphore, #tpu.memory_space<semaphore_mem>>) src(%dma_wait3A_26 : memref<10000x64xf32, #tpu.memory_space<hbm>>) dst(%arg17 : memref<400x64xf32, #tpu.memory_space<vmem>>)
      %get3A = arith.constant 0 : index
      %get3A_27 = tpu.vector_load %arg13[%get3A] {strides = array<i32>} : memref<16xf32, #tpu.memory_space<vmem>>, vector<16xf32>,
      %get3A_28 = arith.constant 0 : index
      %get3A_29 = tpu.vector_load %arg14[%get3A_28] {strides = array<i32>} : memref<400xi32, #tpu.memory_space<vmem>>, vector<16xi32>,
      %get3A_30 = arith.constant 0 : index
      %get3A_31 = tpu.vector_load %arg15[%get3A_30] {strides = array<i32>} : memref<400xi32, #tpu.memory_space<vmem>>, vector<16xi32>,
      %gather3A = tpu.vector_load_idx %arg11[%get3A_29] : memref<10000xf32, #tpu.memory_space<vmem>>[vector<16xi32>], vector<16xf32>,
      %gather3A_32 = tpu.vector_load_idx %arg12[%get3A_31] : memref<10000xf32, #tpu.memory_space<vmem>>[vector<16xi32>], vector<16xf32>,
      %add3A_33 = arith.addf %gather3A, %gather3A_32 : vector<16xf32>
      %lt3A_34 = arith.constant 0.000000e+00 : f32
      %lt3A_35 = vector.broadcast %lt3A_34 : f32 to vector<16xf32>
      %lt3A_36 = arith.cmpf olt, %add3A_33, %lt3A_35 : vector<16xf32>
      %mul3A_37 = arith.constant 2.000000e-01 : f32
      %mul3A_38 = vector.broadcast %mul3A_37 : f32 to vector<16xf32>
      %mul3A_39 = arith.mulf %mul3A_38, %add3A_33 : vector<16xf32>
      %select_n3A_40 = arith.select %lt3A_36, %mul3A_39, %add3A_33 : vector<16xi1>, vector<16xf32>
      %sub3A = arith.subf %select_n3A_40, %get3A_27 : vector<16xf32>
      %exp3A = math.exp %sub3A : vector<16xf32>
      %swap3A = arith.constant 0 : index
      %swap3A_41 = tpu.vector_load %arg16[%swap3A] {strides = array<i32>} : memref<400xf32, #tpu.memory_space<vmem>>, vector<16xf32>,
      tpu.vector_store %arg16[%swap3A], %exp3A {strides = array<i32>} : memref<400xf32, #tpu.memory_space<vmem>>, vector<16xf32>,
      %get3A_42 = arith.constant 16 : index
      %get3A_43 = tpu.vector_load %arg14[%get3A_42] {strides = array<i32>} : memref<400xi32, #tpu.memory_space<vmem>>, vector<16xi32>,
      %get3A_44 = arith.constant 16 : index
      %get3A_45 = tpu.vector_load %arg15[%get3A_44] {strides = array<i32>} : memref<400xi32, #tpu.memory_space<vmem>>, vector<16xi32>,
      %gather3A_46 = tpu.vector_load_idx %arg11[%get3A_43] : memref<10000xf32, #tpu.memory_space<vmem>>[vector<16xi32>], vector<16xf32>,
      %gather3A_47 = tpu.vector_load_idx %arg12[%get3A_45] : memref<10000xf32, #tpu.memory_space<vmem>>[vector<16xi32>], vector<16xf32>,
      %add3A_48 = arith.addf %gather3A_46, %gather3A_47 : vector<16xf32>
      %lt3A_49 = arith.constant 0.000000e+00 : f32
      %lt3A_50 = vector.broadcast %lt3A_49 : f32 to vector<16xf32>
      %lt3A_51 = arith.cmpf olt, %add3A_48, %lt3A_50 : vector<16xf32>
      %mul3A_52 = arith.constant 2.000000e-01 : f32
      %mul3A_53 = vector.broadcast %mul3A_52 : f32 to vector<16xf32>
      %mul3A_54 = arith.mulf %mul3A_53, %add3A_48 : vector<16xf32>
      %select_n3A_55 = arith.select %lt3A_51, %mul3A_54, %add3A_48 : vector<16xi1>, vector<16xf32>
      %sub3A_56 = arith.subf %select_n3A_55, %get3A_27 : vector<16xf32>
      %exp3A_57 = math.exp %sub3A_56 : vector<16xf32>
      %swap3A_58 = arith.constant 16 : index
      %swap3A_59 = tpu.vector_load %arg16[%swap3A_58] {strides = array<i32>} : memref<400xf32, #tpu.memory_space<vmem>>, vector<16xf32>,
      tpu.vector_store %arg16[%swap3A_58], %exp3A_57 {strides = array<i32>} : memref<400xf32, #tpu.memory_space<vmem>>, vector<16xf32>,
      %get3A_60 = arith.constant 32 : index
      %get3A_61 = tpu.vector_load %arg14[%get3A_60] {strides = array<i32>} : memref<400xi32, #tpu.memory_space<vmem>>, vector<16xi32>,
      %get3A_62 = arith.constant 32 : index
      %get3A_63 = tpu.vector_load %arg15[%get3A_62] {strides = array<i32>} : memref<400xi32, #tpu.memory_space<vmem>>, vector<16xi32>,
      %gather3A_64 = tpu.vector_load_idx %arg11[%get3A_61] : memref<10000xf32, #tpu.memory_space<vmem>>[vector<16xi32>], vector<16xf32>,
      %gather3A_65 = tpu.vector_load_idx %arg12[%get3A_63] : memref<10000xf32, #tpu.memory_space<vmem>>[vector<16xi32>], vector<16xf32>,
      %add3A_66 = arith.addf %gather3A_64, %gather3A_65 : vector<16xf32>
      %lt3A_67 = arith.constant 0.000000e+00 : f32
      %lt3A_68 = vector.broadcast %lt3A_67 : f32 to vector<16xf32>
      %lt3A_69 = arith.cmpf olt, %add3A_66, %lt3A_68 : vector<16xf32>
      %mul3A_70 = arith.constant 2.000000e-01 : f32
      %mul3A_71 = vector.broadcast %mul3A_70 : f32 to vector<16xf32>
      %mul3A_72 = arith.mulf %mul3A_71, %add3A_66 : vector<16xf32>
      %select_n3A_73 = arith.select %lt3A_69, %mul3A_72, %add3A_66 : vector<16xi1>, vector<16xf32>
      %sub3A_74 = arith.subf %select_n3A_73, %get3A_27 : vector<16xf32>
      %exp3A_75 = math.exp %sub3A_74 : vector<16xf32>
      %swap3A_76 = arith.constant 32 : index
      %swap3A_77 = tpu.vector_load %arg16[%swap3A_76] {strides = array<i32>} : memref<400xf32, #tpu.memory_space<vmem>>, vector<16xf32>,
      tpu.vector_store %arg16[%swap3A_76], %exp3A_75 {strides = array<i32>} : memref<400xf32, #tpu.memory_space<vmem>>, vector<16xf32>,
      %get3A_78 = arith.constant 48 : index
      %get3A_79 = tpu.vector_load %arg14[%get3A_78] {strides = array<i32>} : memref<400xi32, #tpu.memory_space<vmem>>, vector<16xi32>,
      %get3A_80 = arith.constant 48 : index
      %get3A_81 = tpu.vector_load %arg15[%get3A_80] {strides = array<i32>} : memref<400xi32, #tpu.memory_space<vmem>>, vector<16xi32>,
      %gather3A_82 = tpu.vector_load_idx %arg11[%get3A_79] : memref<10000xf32, #tpu.memory_space<vmem>>[vector<16xi32>], vector<16xf32>,
      %gather3A_83 = tpu.vector_load_idx %arg12[%get3A_81] : memref<10000xf32, #tpu.memory_space<vmem>>[vector<16xi32>], vector<16xf32>,
      %add3A_84 = arith.addf %gather3A_82, %gather3A_83 : vector<16xf32>
      %lt3A_85 = arith.constant 0.000000e+00 : f32
      %lt3A_86 = vector.broadcast %lt3A_85 : f32 to vector<16xf32>
      %lt3A_87 = arith.cmpf olt, %add3A_84, %lt3A_86 : vector<16xf32>
      %mul3A_88 = arith.constant 2.000000e-01 : f32
      %mul3A_89 = vector.broadcast %mul3A_88 : f32 to vector<16xf32>
      %mul3A_90 = arith.mulf %mul3A_89, %add3A_84 : vector<16xf32>
      %select_n3A_91 = arith.select %lt3A_87, %mul3A_90, %add3A_84 : vector<16xi1>, vector<16xf32>
      %sub3A_92 = arith.subf %select_n3A_91, %get3A_27 : vector<16xf32>
      %exp3A_93 = math.exp %sub3A_92 : vector<16xf32>
      %swap3A_94 = arith.constant 48 : index
      %swap3A_95 = tpu.vector_load %arg16[%swap3A_94] {strides = array<i32>} : memref<400xf32, #tpu.memory_space<vmem>>, vector<16xf32>,
      tpu.vector_store %arg16[%swap3A_94], %exp3A_93 {strides = array<i32>} : memref<400xf32, #tpu.memory_space<vmem>>, vector<16xf32>,
      %get3A_96 = arith.constant 64 : index
      %get3A_97 = tpu.vector_load %arg14[%get3A_96] {strides = array<i32>} : memref<400xi32, #tpu.memory_space<vmem>>, vector<16xi32>,
      %get3A_98 = arith.constant 64 : index
      %get3A_99 = tpu.vector_load %arg15[%get3A_98] {strides = array<i32>} : memref<400xi32, #tpu.memory_space<vmem>>, vector<16xi32>,
      %gather3A_100 = tpu.vector_load_idx %arg11[%get3A_97] : memref<10000xf32, #tpu.memory_space<vmem>>[vector<16xi32>], vector<16xf32>,
      %gather3A_101 = tpu.vector_load_idx %arg12[%get3A_99] : memref<10000xf32, #tpu.memory_space<vmem>>[vector<16xi32>], vector<16xf32>,
      %add3A_102 = arith.addf %gather3A_100, %gather3A_101 : vector<16xf32>
      %lt3A_103 = arith.constant 0.000000e+00 : f32
      %lt3A_104 = vector.broadcast %lt3A_103 : f32 to vector<16xf32>
      %lt3A_105 = arith.cmpf olt, %add3A_102, %lt3A_104 : vector<16xf32>
      %mul3A_106 = arith.constant 2.000000e-01 : f32
      %mul3A_107 = vector.broadcast %mul3A_106 : f32 to vector<16xf32>
      %mul3A_108 = arith.mulf %mul3A_107, %add3A_102 : vector<16xf32>
      %select_n3A_109 = arith.select %lt3A_105, %mul3A_108, %add3A_102 : vector<16xi1>, vector<16xf32>
      %sub3A_110 = arith.subf %select_n3A_109, %get3A_27 : vector<16xf32>
      %exp3A_111 = math.exp %sub3A_110 : vector<16xf32>
      %swap3A_112 = arith.constant 64 : index
      %swap3A_113 = tpu.vector_load %arg16[%swap3A_112] {strides = array<i32>} : memref<400xf32, #tpu.memory_space<vmem>>, vector<16xf32>,
      tpu.vector_store %arg16[%swap3A_112], %exp3A_111 {strides = array<i32>} : memref<400xf32, #tpu.memory_space<vmem>>, vector<16xf32>,
      %get3A_114 = arith.constant 80 : index
      %get3A_115 = tpu.vector_load %arg14[%get3A_114] {strides = array<i32>} : memref<400xi32, #tpu.memory_space<vmem>>, vector<16xi32>,
      %get3A_116 = arith.constant 80 : index
      %get3A_117 = tpu.vector_load %arg15[%get3A_116] {strides = array<i32>} : memref<400xi32, #tpu.memory_space<vmem>>, vector<16xi32>,
      %gather3A_118 = tpu.vector_load_idx %arg11[%get3A_115] : memref<10000xf32, #tpu.memory_space<vmem>>[vector<16xi32>], vector<16xf32>,
      %gather3A_119 = tpu.vector_load_idx %arg12[%get3A_117] : memref<10000xf32, #tpu.memory_space<vmem>>[vector<16xi32>], vector<16xf32>,
      %add3A_120 = arith.addf %gather3A_118, %gather3A_119 : vector<16xf32>
      %lt3A_121 = arith.constant 0.000000e+00 : f32
      %lt3A_122 = vector.broadcast %lt3A_121 : f32 to vector<16xf32>
      %lt3A_123 = arith.cmpf olt, %add3A_120, %lt3A_122 : vector<16xf32>
      %mul3A_124 = arith.constant 2.000000e-01 : f32
      %mul3A_125 = vector.broadcast %mul3A_124 : f32 to vector<16xf32>
      %mul3A_126 = arith.mulf %mul3A_125, %add3A_120 : vector<16xf32>
      %select_n3A_127 = arith.select %lt3A_123, %mul3A_126, %add3A_120 : vector<16xi1>, vector<16xf32>
      %sub3A_128 = arith.subf %select_n3A_127, %get3A_27 : vector<16xf32>
      %exp3A_129 = math.exp %sub3A_128 : vector<16xf32>
      %swap3A_130 = arith.constant 80 : index
      %swap3A_131 = tpu.vector_load %arg16[%swap3A_130] {strides = array<i32>} : memref<400xf32, #tpu.memory_space<vmem>>, vector<16xf32>,
      tpu.vector_store %arg16[%swap3A_130], %exp3A_129 {strides = array<i32>} : memref<400xf32, #tpu.memory_space<vmem>>, vector<16xf32>,
      %get3A_132 = arith.constant 96 : index
      %get3A_133 = tpu.vector_load %arg14[%get3A_132] {strides = array<i32>} : memref<400xi32, #tpu.memory_space<vmem>>, vector<16xi32>,
      %get3A_134 = arith.constant 96 : index
      %get3A_135 = tpu.vector_load %arg15[%get3A_134] {strides = array<i32>} : memref<400xi32, #tpu.memory_space<vmem>>, vector<16xi32>,
      %gather3A_136 = tpu.vector_load_idx %arg11[%get3A_133] : memref<10000xf32, #tpu.memory_space<vmem>>[vector<16xi32>], vector<16xf32>,
      %gather3A_137 = tpu.vector_load_idx %arg12[%get3A_135] : memref<10000xf32, #tpu.memory_space<vmem>>[vector<16xi32>], vector<16xf32>,
      %add3A_138 = arith.addf %gather3A_136, %gather3A_137 : vector<16xf32>
      %lt3A_139 = arith.constant 0.000000e+00 : f32
      %lt3A_140 = vector.broadcast %lt3A_139 : f32 to vector<16xf32>
      %lt3A_141 = arith.cmpf olt, %add3A_138, %lt3A_140 : vector<16xf32>
      %mul3A_142 = arith.constant 2.000000e-01 : f32
      %mul3A_143 = vector.broadcast %mul3A_142 : f32 to vector<16xf32>
      %mul3A_144 = arith.mulf %mul3A_143, %add3A_138 : vector<16xf32>
      %select_n3A_145 = arith.select %lt3A_141, %mul3A_144, %add3A_138 : vector<16xi1>, vector<16xf32>
      %sub3A_146 = arith.subf %select_n3A_145, %get3A_27 : vector<16xf32>
      %exp3A_147 = math.exp %sub3A_146 : vector<16xf32>
      %swap3A_148 = arith.constant 96 : index
      %swap3A_149 = tpu.vector_load %arg16[%swap3A_148] {strides = array<i32>} : memref<400xf32, #tpu.memory_space<vmem>>, vector<16xf32>,
      tpu.vector_store %arg16[%swap3A_148], %exp3A_147 {strides = array<i32>} : memref<400xf32, #tpu.memory_space<vmem>>, vector<16xf32>,
      %get3A_150 = arith.constant 112 : index
      %get3A_151 = tpu.vector_load %arg14[%get3A_150] {strides = array<i32>} : memref<400xi32, #tpu.memory_space<vmem>>, vector<16xi32>,
      %get3A_152 = arith.constant 112 : index
      %get3A_153 = tpu.vector_load %arg15[%get3A_152] {strides = array<i32>} : memref<400xi32, #tpu.memory_space<vmem>>, vector<16xi32>,
      %gather3A_154 = tpu.vector_load_idx %arg11[%get3A_151] : memref<10000xf32, #tpu.memory_space<vmem>>[vector<16xi32>], vector<16xf32>,
      %gather3A_155 = tpu.vector_load_idx %arg12[%get3A_153] : memref<10000xf32, #tpu.memory_space<vmem>>[vector<16xi32>], vector<16xf32>,
      %add3A_156 = arith.addf %gather3A_154, %gather3A_155 : vector<16xf32>
      %lt3A_157 = arith.constant 0.000000e+00 : f32
      %lt3A_158 = vector.broadcast %lt3A_157 : f32 to vector<16xf32>
      %lt3A_159 = arith.cmpf olt, %add3A_156, %lt3A_158 : vector<16xf32>
      %mul3A_160 = arith.constant 2.000000e-01 : f32
      %mul3A_161 = vector.broadcast %mul3A_160 : f32 to vector<16xf32>
      %mul3A_162 = arith.mulf %mul3A_161, %add3A_156 : vector<16xf32>
      %select_n3A_163 = arith.select %lt3A_159, %mul3A_162, %add3A_156 : vector<16xi1>, vector<16xf32>
      %sub3A_164 = arith.subf %select_n3A_163, %get3A_27 : vector<16xf32>
      %exp3A_165 = math.exp %sub3A_164 : vector<16xf32>
      %swap3A_166 = arith.constant 112 : index
      %swap3A_167 = tpu.vector_load %arg16[%swap3A_166] {strides = array<i32>} : memref<400xf32, #tpu.memory_space<vmem>>, vector<16xf32>,
      tpu.vector_store %arg16[%swap3A_166], %exp3A_165 {strides = array<i32>} : memref<400xf32, #tpu.memory_space<vmem>>, vector<16xf32>,
      %get3A_168 = arith.constant 128 : index
      %get3A_169 = tpu.vector_load %arg14[%get3A_168] {strides = array<i32>} : memref<400xi32, #tpu.memory_space<vmem>>, vector<16xi32>,
      %get3A_170 = arith.constant 128 : index
      %get3A_171 = tpu.vector_load %arg15[%get3A_170] {strides = array<i32>} : memref<400xi32, #tpu.memory_space<vmem>>, vector<16xi32>,
      %gather3A_172 = tpu.vector_load_idx %arg11[%get3A_169] : memref<10000xf32, #tpu.memory_space<vmem>>[vector<16xi32>], vector<16xf32>,
      %gather3A_173 = tpu.vector_load_idx %arg12[%get3A_171] : memref<10000xf32, #tpu.memory_space<vmem>>[vector<16xi32>], vector<16xf32>,
      %add3A_174 = arith.addf %gather3A_172, %gather3A_173 : vector<16xf32>
      %lt3A_175 = arith.constant 0.000000e+00 : f32
      %lt3A_176 = vector.broadcast %lt3A_175 : f32 to vector<16xf32>
      %lt3A_177 = arith.cmpf olt, %add3A_174, %lt3A_176 : vector<16xf32>
      %mul3A_178 = arith.constant 2.000000e-01 : f32
      %mul3A_179 = vector.broadcast %mul3A_178 : f32 to vector<16xf32>
      %mul3A_180 = arith.mulf %mul3A_179, %add3A_174 : vector<16xf32>
      %select_n3A_181 = arith.select %lt3A_177, %mul3A_180, %add3A_174 : vector<16xi1>, vector<16xf32>
      %sub3A_182 = arith.subf %select_n3A_181, %get3A_27 : vector<16xf32>
      %exp3A_183 = math.exp %sub3A_182 : vector<16xf32>
      %swap3A_184 = arith.constant 128 : index
      %swap3A_185 = tpu.vector_load %arg16[%swap3A_184] {strides = array<i32>} : memref<400xf32, #tpu.memory_space<vmem>>, vector<16xf32>,
      tpu.vector_store %arg16[%swap3A_184], %exp3A_183 {strides = array<i32>} : memref<400xf32, #tpu.memory_space<vmem>>, vector<16xf32>,
      %get3A_186 = arith.constant 144 : index
      %get3A_187 = tpu.vector_load %arg14[%get3A_186] {strides = array<i32>} : memref<400xi32, #tpu.memory_space<vmem>>, vector<16xi32>,
      %get3A_188 = arith.constant 144 : index
      %get3A_189 = tpu.vector_load %arg15[%get3A_188] {strides = array<i32>} : memref<400xi32, #tpu.memory_space<vmem>>, vector<16xi32>,
      %gather3A_190 = tpu.vector_load_idx %arg11[%get3A_187] : memref<10000xf32, #tpu.memory_space<vmem>>[vector<16xi32>], vector<16xf32>,
      %gather3A_191 = tpu.vector_load_idx %arg12[%get3A_189] : memref<10000xf32, #tpu.memory_space<vmem>>[vector<16xi32>], vector<16xf32>,
      %add3A_192 = arith.addf %gather3A_190, %gather3A_191 : vector<16xf32>
      %lt3A_193 = arith.constant 0.000000e+00 : f32
      %lt3A_194 = vector.broadcast %lt3A_193 : f32 to vector<16xf32>
      %lt3A_195 = arith.cmpf olt, %add3A_192, %lt3A_194 : vector<16xf32>
      %mul3A_196 = arith.constant 2.000000e-01 : f32
      %mul3A_197 = vector.broadcast %mul3A_196 : f32 to vector<16xf32>
      %mul3A_198 = arith.mulf %mul3A_197, %add3A_192 : vector<16xf32>
      %select_n3A_199 = arith.select %lt3A_195, %mul3A_198, %add3A_192 : vector<16xi1>, vector<16xf32>
      %sub3A_200 = arith.subf %select_n3A_199, %get3A_27 : vector<16xf32>
      %exp3A_201 = math.exp %sub3A_200 : vector<16xf32>
      %swap3A_202 = arith.constant 144 : index
      %swap3A_203 = tpu.vector_load %arg16[%swap3A_202] {strides = array<i32>} : memref<400xf32, #tpu.memory_space<vmem>>, vector<16xf32>,
      tpu.vector_store %arg16[%swap3A_202], %exp3A_201 {strides = array<i32>} : memref<400xf32, #tpu.memory_space<vmem>>, vector<16xf32>,
      %get3A_204 = arith.constant 160 : index
      %get3A_205 = tpu.vector_load %arg14[%get3A_204] {strides = array<i32>} : memref<400xi32, #tpu.memory_space<vmem>>, vector<16xi32>,
      %get3A_206 = arith.constant 160 : index
      %get3A_207 = tpu.vector_load %arg15[%get3A_206] {strides = array<i32>} : memref<400xi32, #tpu.memory_space<vmem>>, vector<16xi32>,
      %gather3A_208 = tpu.vector_load_idx %arg11[%get3A_205] : memref<10000xf32, #tpu.memory_space<vmem>>[vector<16xi32>], vector<16xf32>,
      %gather3A_209 = tpu.vector_load_idx %arg12[%get3A_207] : memref<10000xf32, #tpu.memory_space<vmem>>[vector<16xi32>], vector<16xf32>,
      %add3A_210 = arith.addf %gather3A_208, %gather3A_209 : vector<16xf32>
      %lt3A_211 = arith.constant 0.000000e+00 : f32
      %lt3A_212 = vector.broadcast %lt3A_211 : f32 to vector<16xf32>
      %lt3A_213 = arith.cmpf olt, %add3A_210, %lt3A_212 : vector<16xf32>
      %mul3A_214 = arith.constant 2.000000e-01 : f32
      %mul3A_215 = vector.broadcast %mul3A_214 : f32 to vector<16xf32>
      %mul3A_216 = arith.mulf %mul3A_215, %add3A_210 : vector<16xf32>
      %select_n3A_217 = arith.select %lt3A_213, %mul3A_216, %add3A_210 : vector<16xi1>, vector<16xf32>
      %sub3A_218 = arith.subf %select_n3A_217, %get3A_27 : vector<16xf32>
      %exp3A_219 = math.exp %sub3A_218 : vector<16xf32>
      %swap3A_220 = arith.constant 160 : index
      %swap3A_221 = tpu.vector_load %arg16[%swap3A_220] {strides = array<i32>} : memref<400xf32, #tpu.memory_space<vmem>>, vector<16xf32>,
      tpu.vector_store %arg16[%swap3A_220], %exp3A_219 {strides = array<i32>} : memref<400xf32, #tpu.memory_space<vmem>>, vector<16xf32>,
      %get3A_222 = arith.constant 176 : index
      %get3A_223 = tpu.vector_load %arg14[%get3A_222] {strides = array<i32>} : memref<400xi32, #tpu.memory_space<vmem>>, vector<16xi32>,
      %get3A_224 = arith.constant 176 : index
      %get3A_225 = tpu.vector_load %arg15[%get3A_224] {strides = array<i32>} : memref<400xi32, #tpu.memory_space<vmem>>, vector<16xi32>,
      %gather3A_226 = tpu.vector_load_idx %arg11[%get3A_223] : memref<10000xf32, #tpu.memory_space<vmem>>[vector<16xi32>], vector<16xf32>,
      %gather3A_227 = tpu.vector_load_idx %arg12[%get3A_225] : memref<10000xf32, #tpu.memory_space<vmem>>[vector<16xi32>], vector<16xf32>,
      %add3A_228 = arith.addf %gather3A_226, %gather3A_227 : vector<16xf32>
      %lt3A_229 = arith.constant 0.000000e+00 : f32
      %lt3A_230 = vector.broadcast %lt3A_229 : f32 to vector<16xf32>
      %lt3A_231 = arith.cmpf olt, %add3A_228, %lt3A_230 : vector<16xf32>
      %mul3A_232 = arith.constant 2.000000e-01 : f32
      %mul3A_233 = vector.broadcast %mul3A_232 : f32 to vector<16xf32>
      %mul3A_234 = arith.mulf %mul3A_233, %add3A_228 : vector<16xf32>
      %select_n3A_235 = arith.select %lt3A_231, %mul3A_234, %add3A_228 : vector<16xi1>, vector<16xf32>
      %sub3A_236 = arith.subf %select_n3A_235, %get3A_27 : vector<16xf32>
      %exp3A_237 = math.exp %sub3A_236 : vector<16xf32>
      %swap3A_238 = arith.constant 176 : index
      %swap3A_239 = tpu.vector_load %arg16[%swap3A_238] {strides = array<i32>} : memref<400xf32, #tpu.memory_space<vmem>>, vector<16xf32>,
      tpu.vector_store %arg16[%swap3A_238], %exp3A_237 {strides = array<i32>} : memref<400xf32, #tpu.memory_space<vmem>>, vector<16xf32>,
      %get3A_240 = arith.constant 192 : index
      %get3A_241 = tpu.vector_load %arg14[%get3A_240] {strides = array<i32>} : memref<400xi32, #tpu.memory_space<vmem>>, vector<16xi32>,
      %get3A_242 = arith.constant 192 : index
      %get3A_243 = tpu.vector_load %arg15[%get3A_242] {strides = array<i32>} : memref<400xi32, #tpu.memory_space<vmem>>, vector<16xi32>,
      %gather3A_244 = tpu.vector_load_idx %arg11[%get3A_241] : memref<10000xf32, #tpu.memory_space<vmem>>[vector<16xi32>], vector<16xf32>,
      %gather3A_245 = tpu.vector_load_idx %arg12[%get3A_243] : memref<10000xf32, #tpu.memory_space<vmem>>[vector<16xi32>], vector<16xf32>,
      %add3A_246 = arith.addf %gather3A_244, %gather3A_245 : vector<16xf32>
      %lt3A_247 = arith.constant 0.000000e+00 : f32
      %lt3A_248 = vector.broadcast %lt3A_247 : f32 to vector<16xf32>
      %lt3A_249 = arith.cmpf olt, %add3A_246, %lt3A_248 : vector<16xf32>
      %mul3A_250 = arith.constant 2.000000e-01 : f32
      %mul3A_251 = vector.broadcast %mul3A_250 : f32 to vector<16xf32>
      %mul3A_252 = arith.mulf %mul3A_251, %add3A_246 : vector<16xf32>
      %select_n3A_253 = arith.select %lt3A_249, %mul3A_252, %add3A_246 : vector<16xi1>, vector<16xf32>
      %sub3A_254 = arith.subf %select_n3A_253, %get3A_27 : vector<16xf32>
      %exp3A_255 = math.exp %sub3A_254 : vector<16xf32>
      %swap3A_256 = arith.constant 192 : index
      %swap3A_257 = tpu.vector_load %arg16[%swap3A_256] {strides = array<i32>} : memref<400xf32, #tpu.memory_space<vmem>>, vector<16xf32>,
      tpu.vector_store %arg16[%swap3A_256], %exp3A_255 {strides = array<i32>} : memref<400xf32, #tpu.memory_space<vmem>>, vector<16xf32>,
      %get3A_258 = arith.constant 208 : index
      %get3A_259 = tpu.vector_load %arg14[%get3A_258] {strides = array<i32>} : memref<400xi32, #tpu.memory_space<vmem>>, vector<16xi32>,
      %get3A_260 = arith.constant 208 : index
      %get3A_261 = tpu.vector_load %arg15[%get3A_260] {strides = array<i32>} : memref<400xi32, #tpu.memory_space<vmem>>, vector<16xi32>,
      %gather3A_262 = tpu.vector_load_idx %arg11[%get3A_259] : memref<10000xf32, #tpu.memory_space<vmem>>[vector<16xi32>], vector<16xf32>,
      %gather3A_263 = tpu.vector_load_idx %arg12[%get3A_261] : memref<10000xf32, #tpu.memory_space<vmem>>[vector<16xi32>], vector<16xf32>,
      %add3A_264 = arith.addf %gather3A_262, %gather3A_263 : vector<16xf32>
      %lt3A_265 = arith.constant 0.000000e+00 : f32
      %lt3A_266 = vector.broadcast %lt3A_265 : f32 to vector<16xf32>
      %lt3A_267 = arith.cmpf olt, %add3A_264, %lt3A_266 : vector<16xf32>
      %mul3A_268 = arith.constant 2.000000e-01 : f32
      %mul3A_269 = vector.broadcast %mul3A_268 : f32 to vector<16xf32>
      %mul3A_270 = arith.mulf %mul3A_269, %add3A_264 : vector<16xf32>
      %select_n3A_271 = arith.select %lt3A_267, %mul3A_270, %add3A_264 : vector<16xi1>, vector<16xf32>
      %sub3A_272 = arith.subf %select_n3A_271, %get3A_27 : vector<16xf32>
      %exp3A_273 = math.exp %sub3A_272 : vector<16xf32>
      %swap3A_274 = arith.constant 208 : index
      %swap3A_275 = tpu.vector_load %arg16[%swap3A_274] {strides = array<i32>} : memref<400xf32, #tpu.memory_space<vmem>>, vector<16xf32>,
      tpu.vector_store %arg16[%swap3A_274], %exp3A_273 {strides = array<i32>} : memref<400xf32, #tpu.memory_space<vmem>>, vector<16xf32>,
      %get3A_276 = arith.constant 224 : index
      %get3A_277 = tpu.vector_load %arg14[%get3A_276] {strides = array<i32>} : memref<400xi32, #tpu.memory_space<vmem>>, vector<16xi32>,
      %get3A_278 = arith.constant 224 : index
      %get3A_279 = tpu.vector_load %arg15[%get3A_278] {strides = array<i32>} : memref<400xi32, #tpu.memory_space<vmem>>, vector<16xi32>,
      %gather3A_280 = tpu.vector_load_idx %arg11[%get3A_277] : memref<10000xf32, #tpu.memory_space<vmem>>[vector<16xi32>], vector<16xf32>,
      %gather3A_281 = tpu.vector_load_idx %arg12[%get3A_279] : memref<10000xf32, #tpu.memory_space<vmem>>[vector<16xi32>], vector<16xf32>,
      %add3A_282 = arith.addf %gather3A_280, %gather3A_281 : vector<16xf32>
      %lt3A_283 = arith.constant 0.000000e+00 : f32
      %lt3A_284 = vector.broadcast %lt3A_283 : f32 to vector<16xf32>
      %lt3A_285 = arith.cmpf olt, %add3A_282, %lt3A_284 : vector<16xf32>
      %mul3A_286 = arith.constant 2.000000e-01 : f32
      %mul3A_287 = vector.broadcast %mul3A_286 : f32 to vector<16xf32>
      %mul3A_288 = arith.mulf %mul3A_287, %add3A_282 : vector<16xf32>
      %select_n3A_289 = arith.select %lt3A_285, %mul3A_288, %add3A_282 : vector<16xi1>, vector<16xf32>
      %sub3A_290 = arith.subf %select_n3A_289, %get3A_27 : vector<16xf32>
      %exp3A_291 = math.exp %sub3A_290 : vector<16xf32>
      %swap3A_292 = arith.constant 224 : index
      %swap3A_293 = tpu.vector_load %arg16[%swap3A_292] {strides = array<i32>} : memref<400xf32, #tpu.memory_space<vmem>>, vector<16xf32>,
      tpu.vector_store %arg16[%swap3A_292], %exp3A_291 {strides = array<i32>} : memref<400xf32, #tpu.memory_space<vmem>>, vector<16xf32>,
      %get3A_294 = arith.constant 240 : index
      %get3A_295 = tpu.vector_load %arg14[%get3A_294] {strides = array<i32>} : memref<400xi32, #tpu.memory_space<vmem>>, vector<16xi32>,
      %get3A_296 = arith.constant 240 : index
      %get3A_297 = tpu.vector_load %arg15[%get3A_296] {strides = array<i32>} : memref<400xi32, #tpu.memory_space<vmem>>, vector<16xi32>,
      %gather3A_298 = tpu.vector_load_idx %arg11[%get3A_295] : memref<10000xf32, #tpu.memory_space<vmem>>[vector<16xi32>], vector<16xf32>,
      %gather3A_299 = tpu.vector_load_idx %arg12[%get3A_297] : memref<10000xf32, #tpu.memory_space<vmem>>[vector<16xi32>], vector<16xf32>,
      %add3A_300 = arith.addf %gather3A_298, %gather3A_299 : vector<16xf32>
      %lt3A_301 = arith.constant 0.000000e+00 : f32
      %lt3A_302 = vector.broadcast %lt3A_301 : f32 to vector<16xf32>
      %lt3A_303 = arith.cmpf olt, %add3A_300, %lt3A_302 : vector<16xf32>
      %mul3A_304 = arith.constant 2.000000e-01 : f32
      %mul3A_305 = vector.broadcast %mul3A_304 : f32 to vector<16xf32>
      %mul3A_306 = arith.mulf %mul3A_305, %add3A_300 : vector<16xf32>
      %select_n3A_307 = arith.select %lt3A_303, %mul3A_306, %add3A_300 : vector<16xi1>, vector<16xf32>
      %sub3A_308 = arith.subf %select_n3A_307, %get3A_27 : vector<16xf32>
      %exp3A_309 = math.exp %sub3A_308 : vector<16xf32>
      %swap3A_310 = arith.constant 240 : index
      %swap3A_311 = tpu.vector_load %arg16[%swap3A_310] {strides = array<i32>} : memref<400xf32, #tpu.memory_space<vmem>>, vector<16xf32>,
      tpu.vector_store %arg16[%swap3A_310], %exp3A_309 {strides = array<i32>} : memref<400xf32, #tpu.memory_space<vmem>>, vector<16xf32>,
      %get3A_312 = arith.constant 256 : index
      %get3A_313 = tpu.vector_load %arg14[%get3A_312] {strides = array<i32>} : memref<400xi32, #tpu.memory_space<vmem>>, vector<16xi32>,
      %get3A_314 = arith.constant 256 : index
      %get3A_315 = tpu.vector_load %arg15[%get3A_314] {strides = array<i32>} : memref<400xi32, #tpu.memory_space<vmem>>, vector<16xi32>,
      %gather3A_316 = tpu.vector_load_idx %arg11[%get3A_313] : memref<10000xf32, #tpu.memory_space<vmem>>[vector<16xi32>], vector<16xf32>,
      %gather3A_317 = tpu.vector_load_idx %arg12[%get3A_315] : memref<10000xf32, #tpu.memory_space<vmem>>[vector<16xi32>], vector<16xf32>,
      %add3A_318 = arith.addf %gather3A_316, %gather3A_317 : vector<16xf32>
      %lt3A_319 = arith.constant 0.000000e+00 : f32
      %lt3A_320 = vector.broadcast %lt3A_319 : f32 to vector<16xf32>
      %lt3A_321 = arith.cmpf olt, %add3A_318, %lt3A_320 : vector<16xf32>
      %mul3A_322 = arith.constant 2.000000e-01 : f32
      %mul3A_323 = vector.broadcast %mul3A_322 : f32 to vector<16xf32>
      %mul3A_324 = arith.mulf %mul3A_323, %add3A_318 : vector<16xf32>
      %select_n3A_325 = arith.select %lt3A_321, %mul3A_324, %add3A_318 : vector<16xi1>, vector<16xf32>
      %sub3A_326 = arith.subf %select_n3A_325, %get3A_27 : vector<16xf32>
      %exp3A_327 = math.exp %sub3A_326 : vector<16xf32>
      %swap3A_328 = arith.constant 256 : index
      %swap3A_329 = tpu.vector_load %arg16[%swap3A_328] {strides = array<i32>} : memref<400xf32, #tpu.memory_space<vmem>>, vector<16xf32>,
      tpu.vector_store %arg16[%swap3A_328], %exp3A_327 {strides = array<i32>} : memref<400xf32, #tpu.memory_space<vmem>>, vector<16xf32>,
      %get3A_330 = arith.constant 272 : index
      %get3A_331 = tpu.vector_load %arg14[%get3A_330] {strides = array<i32>} : memref<400xi32, #tpu.memory_space<vmem>>, vector<16xi32>,
      %get3A_332 = arith.constant 272 : index
      %get3A_333 = tpu.vector_load %arg15[%get3A_332] {strides = array<i32>} : memref<400xi32, #tpu.memory_space<vmem>>, vector<16xi32>,
      %gather3A_334 = tpu.vector_load_idx %arg11[%get3A_331] : memref<10000xf32, #tpu.memory_space<vmem>>[vector<16xi32>], vector<16xf32>,
      %gather3A_335 = tpu.vector_load_idx %arg12[%get3A_333] : memref<10000xf32, #tpu.memory_space<vmem>>[vector<16xi32>], vector<16xf32>,
      %add3A_336 = arith.addf %gather3A_334, %gather3A_335 : vector<16xf32>
      %lt3A_337 = arith.constant 0.000000e+00 : f32
      %lt3A_338 = vector.broadcast %lt3A_337 : f32 to vector<16xf32>
      %lt3A_339 = arith.cmpf olt, %add3A_336, %lt3A_338 : vector<16xf32>
      %mul3A_340 = arith.constant 2.000000e-01 : f32
      %mul3A_341 = vector.broadcast %mul3A_340 : f32 to vector<16xf32>
      %mul3A_342 = arith.mulf %mul3A_341, %add3A_336 : vector<16xf32>
      %select_n3A_343 = arith.select %lt3A_339, %mul3A_342, %add3A_336 : vector<16xi1>, vector<16xf32>
      %sub3A_344 = arith.subf %select_n3A_343, %get3A_27 : vector<16xf32>
      %exp3A_345 = math.exp %sub3A_344 : vector<16xf32>
      %swap3A_346 = arith.constant 272 : index
      %swap3A_347 = tpu.vector_load %arg16[%swap3A_346] {strides = array<i32>} : memref<400xf32, #tpu.memory_space<vmem>>, vector<16xf32>,
      tpu.vector_store %arg16[%swap3A_346], %exp3A_345 {strides = array<i32>} : memref<400xf32, #tpu.memory_space<vmem>>, vector<16xf32>,
      %get3A_348 = arith.constant 288 : index
      %get3A_349 = tpu.vector_load %arg14[%get3A_348] {strides = array<i32>} : memref<400xi32, #tpu.memory_space<vmem>>, vector<16xi32>,
      %get3A_350 = arith.constant 288 : index
      %get3A_351 = tpu.vector_load %arg15[%get3A_350] {strides = array<i32>} : memref<400xi32, #tpu.memory_space<vmem>>, vector<16xi32>,
      %gather3A_352 = tpu.vector_load_idx %arg11[%get3A_349] : memref<10000xf32, #tpu.memory_space<vmem>>[vector<16xi32>], vector<16xf32>,
      %gather3A_353 = tpu.vector_load_idx %arg12[%get3A_351] : memref<10000xf32, #tpu.memory_space<vmem>>[vector<16xi32>], vector<16xf32>,
      %add3A_354 = arith.addf %gather3A_352, %gather3A_353 : vector<16xf32>
      %lt3A_355 = arith.constant 0.000000e+00 : f32
      %lt3A_356 = vector.broadcast %lt3A_355 : f32 to vector<16xf32>
      %lt3A_357 = arith.cmpf olt, %add3A_354, %lt3A_356 : vector<16xf32>
      %mul3A_358 = arith.constant 2.000000e-01 : f32
      %mul3A_359 = vector.broadcast %mul3A_358 : f32 to vector<16xf32>
      %mul3A_360 = arith.mulf %mul3A_359, %add3A_354 : vector<16xf32>
      %select_n3A_361 = arith.select %lt3A_357, %mul3A_360, %add3A_354 : vector<16xi1>, vector<16xf32>
      %sub3A_362 = arith.subf %select_n3A_361, %get3A_27 : vector<16xf32>
      %exp3A_363 = math.exp %sub3A_362 : vector<16xf32>
      %swap3A_364 = arith.constant 288 : index
      %swap3A_365 = tpu.vector_load %arg16[%swap3A_364] {strides = array<i32>} : memref<400xf32, #tpu.memory_space<vmem>>, vector<16xf32>,
      tpu.vector_store %arg16[%swap3A_364], %exp3A_363 {strides = array<i32>} : memref<400xf32, #tpu.memory_space<vmem>>, vector<16xf32>,
      %get3A_366 = arith.constant 304 : index
      %get3A_367 = tpu.vector_load %arg14[%get3A_366] {strides = array<i32>} : memref<400xi32, #tpu.memory_space<vmem>>, vector<16xi32>,
      %get3A_368 = arith.constant 304 : index
      %get3A_369 = tpu.vector_load %arg15[%get3A_368] {strides = array<i32>} : memref<400xi32, #tpu.memory_space<vmem>>, vector<16xi32>,
      %gather3A_370 = tpu.vector_load_idx %arg11[%get3A_367] : memref<10000xf32, #tpu.memory_space<vmem>>[vector<16xi32>], vector<16xf32>,
      %gather3A_371 = tpu.vector_load_idx %arg12[%get3A_369] : memref<10000xf32, #tpu.memory_space<vmem>>[vector<16xi32>], vector<16xf32>,
      %add3A_372 = arith.addf %gather3A_370, %gather3A_371 : vector<16xf32>
      %lt3A_373 = arith.constant 0.000000e+00 : f32
      %lt3A_374 = vector.broadcast %lt3A_373 : f32 to vector<16xf32>
      %lt3A_375 = arith.cmpf olt, %add3A_372, %lt3A_374 : vector<16xf32>
      %mul3A_376 = arith.constant 2.000000e-01 : f32
      %mul3A_377 = vector.broadcast %mul3A_376 : f32 to vector<16xf32>
      %mul3A_378 = arith.mulf %mul3A_377, %add3A_372 : vector<16xf32>
      %select_n3A_379 = arith.select %lt3A_375, %mul3A_378, %add3A_372 : vector<16xi1>, vector<16xf32>
      %sub3A_380 = arith.subf %select_n3A_379, %get3A_27 : vector<16xf32>
      %exp3A_381 = math.exp %sub3A_380 : vector<16xf32>
      %swap3A_382 = arith.constant 304 : index
      %swap3A_383 = tpu.vector_load %arg16[%swap3A_382] {strides = array<i32>} : memref<400xf32, #tpu.memory_space<vmem>>, vector<16xf32>,
      tpu.vector_store %arg16[%swap3A_382], %exp3A_381 {strides = array<i32>} : memref<400xf32, #tpu.memory_space<vmem>>, vector<16xf32>,
      %get3A_384 = arith.constant 320 : index
      %get3A_385 = tpu.vector_load %arg14[%get3A_384] {strides = array<i32>} : memref<400xi32, #tpu.memory_space<vmem>>, vector<16xi32>,
      %get3A_386 = arith.constant 320 : index
      %get3A_387 = tpu.vector_load %arg15[%get3A_386] {strides = array<i32>} : memref<400xi32, #tpu.memory_space<vmem>>, vector<16xi32>,
      %gather3A_388 = tpu.vector_load_idx %arg11[%get3A_385] : memref<10000xf32, #tpu.memory_space<vmem>>[vector<16xi32>], vector<16xf32>,
      %gather3A_389 = tpu.vector_load_idx %arg12[%get3A_387] : memref<10000xf32, #tpu.memory_space<vmem>>[vector<16xi32>], vector<16xf32>,
      %add3A_390 = arith.addf %gather3A_388, %gather3A_389 : vector<16xf32>
      %lt3A_391 = arith.constant 0.000000e+00 : f32
      %lt3A_392 = vector.broadcast %lt3A_391 : f32 to vector<16xf32>
      %lt3A_393 = arith.cmpf olt, %add3A_390, %lt3A_392 : vector<16xf32>
      %mul3A_394 = arith.constant 2.000000e-01 : f32
      %mul3A_395 = vector.broadcast %mul3A_394 : f32 to vector<16xf32>
      %mul3A_396 = arith.mulf %mul3A_395, %add3A_390 : vector<16xf32>
      %select_n3A_397 = arith.select %lt3A_393, %mul3A_396, %add3A_390 : vector<16xi1>, vector<16xf32>
      %sub3A_398 = arith.subf %select_n3A_397, %get3A_27 : vector<16xf32>
      %exp3A_399 = math.exp %sub3A_398 : vector<16xf32>
      %swap3A_400 = arith.constant 320 : index
      %swap3A_401 = tpu.vector_load %arg16[%swap3A_400] {strides = array<i32>} : memref<400xf32, #tpu.memory_space<vmem>>, vector<16xf32>,
      tpu.vector_store %arg16[%swap3A_400], %exp3A_399 {strides = array<i32>} : memref<400xf32, #tpu.memory_space<vmem>>, vector<16xf32>,
      %get3A_402 = arith.constant 336 : index
      %get3A_403 = tpu.vector_load %arg14[%get3A_402] {strides = array<i32>} : memref<400xi32, #tpu.memory_space<vmem>>, vector<16xi32>,
      %get3A_404 = arith.constant 336 : index
      %get3A_405 = tpu.vector_load %arg15[%get3A_404] {strides = array<i32>} : memref<400xi32, #tpu.memory_space<vmem>>, vector<16xi32>,
      %gather3A_406 = tpu.vector_load_idx %arg11[%get3A_403] : memref<10000xf32, #tpu.memory_space<vmem>>[vector<16xi32>], vector<16xf32>,
      %gather3A_407 = tpu.vector_load_idx %arg12[%get3A_405] : memref<10000xf32, #tpu.memory_space<vmem>>[vector<16xi32>], vector<16xf32>,
      %add3A_408 = arith.addf %gather3A_406, %gather3A_407 : vector<16xf32>
      %lt3A_409 = arith.constant 0.000000e+00 : f32
      %lt3A_410 = vector.broadcast %lt3A_409 : f32 to vector<16xf32>
      %lt3A_411 = arith.cmpf olt, %add3A_408, %lt3A_410 : vector<16xf32>
      %mul3A_412 = arith.constant 2.000000e-01 : f32
      %mul3A_413 = vector.broadcast %mul3A_412 : f32 to vector<16xf32>
      %mul3A_414 = arith.mulf %mul3A_413, %add3A_408 : vector<16xf32>
      %select_n3A_415 = arith.select %lt3A_411, %mul3A_414, %add3A_408 : vector<16xi1>, vector<16xf32>
      %sub3A_416 = arith.subf %select_n3A_415, %get3A_27 : vector<16xf32>
      %exp3A_417 = math.exp %sub3A_416 : vector<16xf32>
      %swap3A_418 = arith.constant 336 : index
      %swap3A_419 = tpu.vector_load %arg16[%swap3A_418] {strides = array<i32>} : memref<400xf32, #tpu.memory_space<vmem>>, vector<16xf32>,
      tpu.vector_store %arg16[%swap3A_418], %exp3A_417 {strides = array<i32>} : memref<400xf32, #tpu.memory_space<vmem>>, vector<16xf32>,
      %get3A_420 = arith.constant 352 : index
      %get3A_421 = tpu.vector_load %arg14[%get3A_420] {strides = array<i32>} : memref<400xi32, #tpu.memory_space<vmem>>, vector<16xi32>,
      %get3A_422 = arith.constant 352 : index
      %get3A_423 = tpu.vector_load %arg15[%get3A_422] {strides = array<i32>} : memref<400xi32, #tpu.memory_space<vmem>>, vector<16xi32>,
      %gather3A_424 = tpu.vector_load_idx %arg11[%get3A_421] : memref<10000xf32, #tpu.memory_space<vmem>>[vector<16xi32>], vector<16xf32>,
      %gather3A_425 = tpu.vector_load_idx %arg12[%get3A_423] : memref<10000xf32, #tpu.memory_space<vmem>>[vector<16xi32>], vector<16xf32>,
      %add3A_426 = arith.addf %gather3A_424, %gather3A_425 : vector<16xf32>
      %lt3A_427 = arith.constant 0.000000e+00 : f32
      %lt3A_428 = vector.broadcast %lt3A_427 : f32 to vector<16xf32>
      %lt3A_429 = arith.cmpf olt, %add3A_426, %lt3A_428 : vector<16xf32>
      %mul3A_430 = arith.constant 2.000000e-01 : f32
      %mul3A_431 = vector.broadcast %mul3A_430 : f32 to vector<16xf32>
      %mul3A_432 = arith.mulf %mul3A_431, %add3A_426 : vector<16xf32>
      %select_n3A_433 = arith.select %lt3A_429, %mul3A_432, %add3A_426 : vector<16xi1>, vector<16xf32>
      %sub3A_434 = arith.subf %select_n3A_433, %get3A_27 : vector<16xf32>
      %exp3A_435 = math.exp %sub3A_434 : vector<16xf32>
      %swap3A_436 = arith.constant 352 : index
      %swap3A_437 = tpu.vector_load %arg16[%swap3A_436] {strides = array<i32>} : memref<400xf32, #tpu.memory_space<vmem>>, vector<16xf32>,
      tpu.vector_store %arg16[%swap3A_436], %exp3A_435 {strides = array<i32>} : memref<400xf32, #tpu.memory_space<vmem>>, vector<16xf32>,
      %get3A_438 = arith.constant 368 : index
      %get3A_439 = tpu.vector_load %arg14[%get3A_438] {strides = array<i32>} : memref<400xi32, #tpu.memory_space<vmem>>, vector<16xi32>,
      %get3A_440 = arith.constant 368 : index
      %get3A_441 = tpu.vector_load %arg15[%get3A_440] {strides = array<i32>} : memref<400xi32, #tpu.memory_space<vmem>>, vector<16xi32>,
      %gather3A_442 = tpu.vector_load_idx %arg11[%get3A_439] : memref<10000xf32, #tpu.memory_space<vmem>>[vector<16xi32>], vector<16xf32>,
      %gather3A_443 = tpu.vector_load_idx %arg12[%get3A_441] : memref<10000xf32, #tpu.memory_space<vmem>>[vector<16xi32>], vector<16xf32>,
      %add3A_444 = arith.addf %gather3A_442, %gather3A_443 : vector<16xf32>
      %lt3A_445 = arith.constant 0.000000e+00 : f32
      %lt3A_446 = vector.broadcast %lt3A_445 : f32 to vector<16xf32>
      %lt3A_447 = arith.cmpf olt, %add3A_444, %lt3A_446 : vector<16xf32>
      %mul3A_448 = arith.constant 2.000000e-01 : f32
      %mul3A_449 = vector.broadcast %mul3A_448 : f32 to vector<16xf32>
      %mul3A_450 = arith.mulf %mul3A_449, %add3A_444 : vector<16xf32>
      %select_n3A_451 = arith.select %lt3A_447, %mul3A_450, %add3A_444 : vector<16xi1>, vector<16xf32>
      %sub3A_452 = arith.subf %select_n3A_451, %get3A_27 : vector<16xf32>
      %exp3A_453 = math.exp %sub3A_452 : vector<16xf32>
      %swap3A_454 = arith.constant 368 : index
      %swap3A_455 = tpu.vector_load %arg16[%swap3A_454] {strides = array<i32>} : memref<400xf32, #tpu.memory_space<vmem>>, vector<16xf32>,
      tpu.vector_store %arg16[%swap3A_454], %exp3A_453 {strides = array<i32>} : memref<400xf32, #tpu.memory_space<vmem>>, vector<16xf32>,
      %get3A_456 = arith.constant 384 : index
      %get3A_457 = tpu.vector_load %arg14[%get3A_456] {strides = array<i32>} : memref<400xi32, #tpu.memory_space<vmem>>, vector<16xi32>,
      %get3A_458 = arith.constant 384 : index
      %get3A_459 = tpu.vector_load %arg15[%get3A_458] {strides = array<i32>} : memref<400xi32, #tpu.memory_space<vmem>>, vector<16xi32>,
      %gather3A_460 = tpu.vector_load_idx %arg11[%get3A_457] : memref<10000xf32, #tpu.memory_space<vmem>>[vector<16xi32>], vector<16xf32>,
      %gather3A_461 = tpu.vector_load_idx %arg12[%get3A_459] : memref<10000xf32, #tpu.memory_space<vmem>>[vector<16xi32>], vector<16xf32>,
      %add3A_462 = arith.addf %gather3A_460, %gather3A_461 : vector<16xf32>
      %lt3A_463 = arith.constant 0.000000e+00 : f32
      %lt3A_464 = vector.broadcast %lt3A_463 : f32 to vector<16xf32>
      %lt3A_465 = arith.cmpf olt, %add3A_462, %lt3A_464 : vector<16xf32>
      %mul3A_466 = arith.constant 2.000000e-01 : f32
      %mul3A_467 = vector.broadcast %mul3A_466 : f32 to vector<16xf32>
      %mul3A_468 = arith.mulf %mul3A_467, %add3A_462 : vector<16xf32>
      %select_n3A_469 = arith.select %lt3A_465, %mul3A_468, %add3A_462 : vector<16xi1>, vector<16xf32>
      %sub3A_470 = arith.subf %select_n3A_469, %get3A_27 : vector<16xf32>
      %exp3A_471 = math.exp %sub3A_470 : vector<16xf32>
      %swap3A_472 = arith.constant 384 : index
      %swap3A_473 = tpu.vector_load %arg16[%swap3A_472] {strides = array<i32>} : memref<400xf32, #tpu.memory_space<vmem>>, vector<16xf32>,
      tpu.vector_store %arg16[%swap3A_472], %exp3A_471 {strides = array<i32>} : memref<400xf32, #tpu.memory_space<vmem>>, vector<16xf32>,
      %scan3A_474 = arith.constant 0 : i32
      %scan3A_475 = arith.constant 400 : i32
      %scan3A_476 = arith.addi %scan3A_474, %scan3A_475 : i32
      %scan3A_477 = arith.constant 1 : i32
      scf.for %scan3A_479 = %scan3A_474 to %scan3A_476 step %scan3A_477  : i32 {
        %broadcast_in_dim3A_480 = vector.broadcast %scan3A_479 : i32 to vector<16xi32>
        %gather3A_481 = tpu.vector_load_idx %arg16[%broadcast_in_dim3A_480] : memref<400xf32, #tpu.memory_space<vmem>>[vector<16xi32>], vector<16xf32>,
        %get3A_482 = arith.index_cast %scan3A_479 : i32 to index
        %get3A_483 = arith.constant 0 : index
        %get3A_484 = tpu.vector_load %arg17[%get3A_482, %get3A_483] {strides = array<i32>} : memref<400x64xf32, #tpu.memory_space<vmem>>, vector<16xf32>,
        %mul3A_485 = arith.mulf %get3A_484, %gather3A_481 : vector<16xf32>
        %swap3A_486 = arith.index_cast %scan3A_479 : i32 to index
        %swap3A_487 = arith.constant 0 : index
        %swap3A_488 = tpu.vector_load %arg18[%swap3A_486, %swap3A_487] {strides = array<i32>} : memref<400x80xf32, #tpu.memory_space<vmem>>, vector<16xf32>,
        tpu.vector_store %arg18[%swap3A_486, %swap3A_487], %mul3A_485 {strides = array<i32>} : memref<400x80xf32, #tpu.memory_space<vmem>>, vector<16xf32>,
        %get3A_489 = arith.index_cast %scan3A_479 : i32 to index
        %get3A_490 = arith.constant 16 : index
        %get3A_491 = tpu.vector_load %arg17[%get3A_489, %get3A_490] {strides = array<i32>} : memref<400x64xf32, #tpu.memory_space<vmem>>, vector<16xf32>,
        %mul3A_492 = arith.mulf %get3A_491, %gather3A_481 : vector<16xf32>
        %swap3A_493 = arith.index_cast %scan3A_479 : i32 to index
        %swap3A_494 = arith.constant 16 : index
        %swap3A_495 = tpu.vector_load %arg18[%swap3A_493, %swap3A_494] {strides = array<i32>} : memref<400x80xf32, #tpu.memory_space<vmem>>, vector<16xf32>,
        tpu.vector_store %arg18[%swap3A_493, %swap3A_494], %mul3A_492 {strides = array<i32>} : memref<400x80xf32, #tpu.memory_space<vmem>>, vector<16xf32>,
        %get3A_496 = arith.index_cast %scan3A_479 : i32 to index
        %get3A_497 = arith.constant 32 : index
        %get3A_498 = tpu.vector_load %arg17[%get3A_496, %get3A_497] {strides = array<i32>} : memref<400x64xf32, #tpu.memory_space<vmem>>, vector<16xf32>,
        %mul3A_499 = arith.mulf %get3A_498, %gather3A_481 : vector<16xf32>
        %swap3A_500 = arith.index_cast %scan3A_479 : i32 to index
        %swap3A_501 = arith.constant 32 : index
        %swap3A_502 = tpu.vector_load %arg18[%swap3A_500, %swap3A_501] {strides = array<i32>} : memref<400x80xf32, #tpu.memory_space<vmem>>, vector<16xf32>,
        tpu.vector_store %arg18[%swap3A_500, %swap3A_501], %mul3A_499 {strides = array<i32>} : memref<400x80xf32, #tpu.memory_space<vmem>>, vector<16xf32>,
        %get3A_503 = arith.index_cast %scan3A_479 : i32 to index
        %get3A_504 = arith.constant 48 : index
        %get3A_505 = tpu.vector_load %arg17[%get3A_503, %get3A_504] {strides = array<i32>} : memref<400x64xf32, #tpu.memory_space<vmem>>, vector<16xf32>,
        %mul3A_506 = arith.mulf %get3A_505, %gather3A_481 : vector<16xf32>
        %swap3A_507 = arith.index_cast %scan3A_479 : i32 to index
        %swap3A_508 = arith.constant 48 : index
        %swap3A_509 = tpu.vector_load %arg18[%swap3A_507, %swap3A_508] {strides = array<i32>} : memref<400x80xf32, #tpu.memory_space<vmem>>, vector<16xf32>,
        tpu.vector_store %arg18[%swap3A_507, %swap3A_508], %mul3A_506 {strides = array<i32>} : memref<400x80xf32, #tpu.memory_space<vmem>>, vector<16xf32>,
        %mul3A_510 = arith.mulf %gather3A_481, %select_n3A : vector<16xf32>
        %swap3A_511 = arith.index_cast %scan3A_479 : i32 to index
        %swap3A_512 = arith.constant 64 : index
        %swap3A_513 = tpu.vector_load %arg18[%swap3A_511, %swap3A_512] {strides = array<i32>} : memref<400x80xf32, #tpu.memory_space<vmem>>, vector<16xf32>,
        tpu.vector_store %arg18[%swap3A_511, %swap3A_512], %mul3A_510 {strides = array<i32>} : memref<400x80xf32, #tpu.memory_space<vmem>>, vector<16xf32>,
      }
      %scan3A_478 = arith.constant 400 : i32
      "tpu.region"() ({
        %run_scoped3A = tpu.sem_alloc : memref<!tpu.dma_semaphore, #tpu.memory_space<semaphore_mem>>
        %dma_start3A_479 = arith.constant 0 : i32
        %dma_start3A_480 = arith.constant 0 : i32
        %dma_start3A_481 = tpu.memref_slice %arg19[%dma_start3A_479, %dma_start3A_480] : memref<10000x80xf32, #tpu.memory_space<vmem_shared>> -> memref<10000x80xf32, #tpu.memory_space<vmem_shared>>
        tpu.enqueue_indirect_dma source(%arg18 : memref<400x80xf32, #tpu.memory_space<vmem>>) target(%dma_start3A_481 : memref<10000x80xf32, #tpu.memory_space<vmem_shared>>) offsets(%arg14 : memref<400xi32, #tpu.memory_space<vmem>>) semaphore(%run_scoped3A : memref<!tpu.dma_semaphore, #tpu.memory_space<semaphore_mem>>) {add = true}
        %dma_wait3A_482 = arith.constant 0 : i32
        %dma_wait3A_483 = arith.constant 0 : i32
        %dma_wait3A_484 = tpu.memref_slice %arg19[%dma_wait3A_482, %dma_wait3A_483] : memref<10000x80xf32, #tpu.memory_space<vmem_shared>> -> memref<10000x80xf32, #tpu.memory_space<vmem_shared>>
        tpu.wait_indirect_dma semaphore(%run_scoped3A : memref<!tpu.dma_semaphore, #tpu.memory_space<semaphore_mem>>) src(%arg18 : memref<400x80xf32, #tpu.memory_space<vmem>>) dst(%dma_wait3A_484 : memref<10000x80xf32, #tpu.memory_space<vmem_shared>>)
        tpu.yield
      }) : () -> ()
      "tpu.region"() ({
        %run_scoped3A = tpu.sem_alloc : memref<!tpu.dma_semaphore, #tpu.memory_space<semaphore_mem>>
        %dma_start3A_479 = tpu.memref_slice %arg9[%add3A_22] : memref<320000xf32, #tpu.memory_space<hbm>> -> memref<400xf32, #tpu.memory_space<hbm>>
        %dma_start3A_480 = tpu.memref_slice %arg9[%add3A_22] : memref<320000xf32, #tpu.memory_space<hbm>> -> memref<400xf32, #tpu.memory_space<hbm>>
        tpu.enqueue_dma source(%arg16 : memref<400xf32, #tpu.memory_space<vmem>>) target(%dma_start3A_480 : memref<400xf32, #tpu.memory_space<hbm>>) target_semaphore(%run_scoped3A : memref<!tpu.dma_semaphore, #tpu.memory_space<semaphore_mem>>)
        %dma_wait3A_481 = tpu.memref_slice %arg9[%add3A_22] : memref<320000xf32, #tpu.memory_space<hbm>> -> memref<400xf32, #tpu.memory_space<hbm>>
        %dma_wait3A_482 = tpu.memref_slice %arg9[%add3A_22] : memref<320000xf32, #tpu.memory_space<hbm>> -> memref<400xf32, #tpu.memory_space<hbm>>
        tpu.wait_dma2 semaphore(%run_scoped3A : memref<!tpu.dma_semaphore, #tpu.memory_space<semaphore_mem>>) src(%arg16 : memref<400xf32, #tpu.memory_space<vmem>>) dst(%dma_wait3A_482 : memref<400xf32, #tpu.memory_space<hbm>>)
        tpu.yield
      }) : () -> ()
    }
    %scan3A_13 = arith.constant 25 : i32
    %barrier3A_14 = arith.constant 0 : index
    tpu.barrier barrier_id(%barrier3A_14)
    %lt3A = arith.constant 10 : i32
    %lt3A_15 = arith.cmpi slt, %arg1, %lt3A : i32
    %convert_element_type3A_16 = arith.extui %lt3A_15 : i1 to i32
    %cond3A_17 = arith.constant 0 : i32
    %cond3A_18 = arith.cmpi ne, %convert_element_type3A_16, %cond3A_17 : i32
    scf.if %cond3A_18 {
      %mul3A_19 = arith.constant 1000 : i32
      %mul3A_20 = arith.muli %arg1, %mul3A_19 : i32
      %mul3A_21 = arith.constant 1000 : i32
      %mul3A_22 = arith.muli %arg1, %mul3A_21 : i32
      "tpu.region"() ({
        %run_scoped3A = tpu.sem_alloc : memref<!tpu.dma_semaphore, #tpu.memory_space<semaphore_mem>>
        %dma_start3A = arith.constant 0 : i32
        %dma_start3A_23 = tpu.memref_slice %arg10[%arg0, %mul3A_22, %dma_start3A] : memref<2x10000x80xf32, #tpu.memory_space<hbm>> -> memref<1x1000x80xf32, #tpu.memory_space<hbm>>
        %dma_start3A_24 = tpu.memref_squeeze %dma_start3A_23 : memref<1x1000x80xf32, #tpu.memory_space<hbm>> -> memref<1000x80xf32, #tpu.memory_space<hbm>>
        %dma_start3A_25 = arith.constant 0 : i32
        %dma_start3A_26 = tpu.memref_slice %arg19[%mul3A_20, %dma_start3A_25] : memref<10000x80xf32, #tpu.memory_space<vmem_shared>> -> memref<1000x80xf32, #tpu.memory_space<vmem_shared>>
        tpu.enqueue_dma source(%dma_start3A_26 : memref<1000x80xf32, #tpu.memory_space<vmem_shared>>) target(%dma_start3A_24 : memref<1000x80xf32, #tpu.memory_space<hbm>>) target_semaphore(%run_scoped3A : memref<!tpu.dma_semaphore, #tpu.memory_space<semaphore_mem>>)
        %dma_wait3A = arith.constant 0 : i32
        %dma_wait3A_27 = tpu.memref_slice %arg10[%arg0, %mul3A_22, %dma_wait3A] : memref<2x10000x80xf32, #tpu.memory_space<hbm>> -> memref<1x1000x80xf32, #tpu.memory_space<hbm>>
        %dma_wait3A_28 = tpu.memref_squeeze %dma_wait3A_27 : memref<1x1000x80xf32, #tpu.memory_space<hbm>> -> memref<1000x80xf32, #tpu.memory_space<hbm>>
        %dma_wait3A_29 = arith.constant 0 : i32
        %dma_wait3A_30 = tpu.memref_slice %arg19[%mul3A_20, %dma_wait3A_29] : memref<10000x80xf32, #tpu.memory_space<vmem_shared>> -> memref<1000x80xf32, #tpu.memory_space<vmem_shared>>
        tpu.wait_dma2 semaphore(%run_scoped3A : memref<!tpu.dma_semaphore, #tpu.memory_space<semaphore_mem>>) src(%dma_wait3A_30 : memref<1000x80xf32, #tpu.memory_space<vmem_shared>>) dst(%dma_wait3A_28 : memref<1000x80xf32, #tpu.memory_space<hbm>>)
        tpu.yield
      }) : () -> ()
    } else {
    }
    return
  }
}

#map = affine_map<(d0, d1) -> (0)>
module attributes {stable_mosaic.version = 14 : i64} {
  func.func @_sc_attn(%arg0: i32, %arg1: i32, %arg2: memref<10000xf32, #tpu.memory_space<hbm>>, %arg3: memref<320000xi32, #tpu.memory_space<hbm>>, %arg4: memref<320000xf32, #tpu.memory_space<hbm>>, %arg5: memref<320000xf32, #tpu.memory_space<hbm>>, %arg6: memref<10000xf32, #tpu.memory_space<vmem>>, %arg7: memref<400xi32, #tpu.memory_space<vmem>>, %arg8: memref<400xf32, #tpu.memory_space<vmem>>, %arg9: memref<400xf32, #tpu.memory_space<vmem>>) attributes {dimension_semantics = [#tpu.dimension_semantics<core_parallel>, #tpu.dimension_semantics<subcore_parallel>], iteration_bounds = array<i64: 2, 16>, scalar_prefetch = 0 : i64, scratch_operands = 4 : i64, tpu.core_type = #tpu.core_type<sc_vector_subcore>, window_params = [{transform_indices = #map}, {transform_indices = #map}, {transform_indices = #map}, {transform_indices = #map}]} {
    "tpu.region"() ({
      %run_scoped3A = tpu.sem_alloc : memref<!tpu.dma_semaphore, #tpu.memory_space<semaphore_mem>>
      tpu.enqueue_dma source(%arg2 : memref<10000xf32, #tpu.memory_space<hbm>>) target(%arg6 : memref<10000xf32, #tpu.memory_space<vmem>>) target_semaphore(%run_scoped3A : memref<!tpu.dma_semaphore, #tpu.memory_space<semaphore_mem>>)
      tpu.wait_dma2 semaphore(%run_scoped3A : memref<!tpu.dma_semaphore, #tpu.memory_space<semaphore_mem>>) src(%arg2 : memref<10000xf32, #tpu.memory_space<hbm>>) dst(%arg6 : memref<10000xf32, #tpu.memory_space<vmem>>)
      tpu.yield
    }) : () -> ()
    %mul3A = arith.constant 2 : i32
    %mul3A_0 = arith.muli %arg1, %mul3A : i32
    %add3A = arith.addi %mul3A_0, %arg0 : i32
    %mul3A_1 = arith.constant 10000 : i32
    %mul3A_2 = arith.muli %add3A, %mul3A_1 : i32
    %scan3A = arith.constant 0 : i32
    %scan3A_3 = arith.constant 25 : i32
    %scan3A_4 = arith.addi %scan3A, %scan3A_3 : i32
    %scan3A_5 = arith.constant 1 : i32
    scf.for %scan3A_7 = %scan3A to %scan3A_4 step %scan3A_5  : i32 {
      %mul3A_8 = arith.constant 400 : i32
      %mul3A_9 = arith.muli %scan3A_7, %mul3A_8 : i32
      %add3A_10 = arith.addi %mul3A_2, %mul3A_9 : i32
      "tpu.region"() ({
        %run_scoped3A = tpu.sem_alloc : memref<!tpu.dma_semaphore, #tpu.memory_space<semaphore_mem>>
        %dma_start3A = tpu.memref_slice %arg3[%add3A_10] : memref<320000xi32, #tpu.memory_space<hbm>> -> memref<400xi32, #tpu.memory_space<hbm>>
        %dma_start3A_208 = tpu.memref_slice %arg3[%add3A_10] : memref<320000xi32, #tpu.memory_space<hbm>> -> memref<400xi32, #tpu.memory_space<hbm>>
        tpu.enqueue_dma source(%dma_start3A_208 : memref<400xi32, #tpu.memory_space<hbm>>) target(%arg7 : memref<400xi32, #tpu.memory_space<vmem>>) target_semaphore(%run_scoped3A : memref<!tpu.dma_semaphore, #tpu.memory_space<semaphore_mem>>)
        %dma_wait3A = tpu.memref_slice %arg3[%add3A_10] : memref<320000xi32, #tpu.memory_space<hbm>> -> memref<400xi32, #tpu.memory_space<hbm>>
        %dma_wait3A_209 = tpu.memref_slice %arg3[%add3A_10] : memref<320000xi32, #tpu.memory_space<hbm>> -> memref<400xi32, #tpu.memory_space<hbm>>
        tpu.wait_dma2 semaphore(%run_scoped3A : memref<!tpu.dma_semaphore, #tpu.memory_space<semaphore_mem>>) src(%dma_wait3A_209 : memref<400xi32, #tpu.memory_space<hbm>>) dst(%arg7 : memref<400xi32, #tpu.memory_space<vmem>>)
        tpu.yield
      }) : () -> ()
      "tpu.region"() ({
        %run_scoped3A = tpu.sem_alloc : memref<!tpu.dma_semaphore, #tpu.memory_space<semaphore_mem>>
        %dma_start3A = tpu.memref_slice %arg4[%add3A_10] : memref<320000xf32, #tpu.memory_space<hbm>> -> memref<400xf32, #tpu.memory_space<hbm>>
        %dma_start3A_208 = tpu.memref_slice %arg4[%add3A_10] : memref<320000xf32, #tpu.memory_space<hbm>> -> memref<400xf32, #tpu.memory_space<hbm>>
        tpu.enqueue_dma source(%dma_start3A_208 : memref<400xf32, #tpu.memory_space<hbm>>) target(%arg8 : memref<400xf32, #tpu.memory_space<vmem>>) target_semaphore(%run_scoped3A : memref<!tpu.dma_semaphore, #tpu.memory_space<semaphore_mem>>)
        %dma_wait3A = tpu.memref_slice %arg4[%add3A_10] : memref<320000xf32, #tpu.memory_space<hbm>> -> memref<400xf32, #tpu.memory_space<hbm>>
        %dma_wait3A_209 = tpu.memref_slice %arg4[%add3A_10] : memref<320000xf32, #tpu.memory_space<hbm>> -> memref<400xf32, #tpu.memory_space<hbm>>
        tpu.wait_dma2 semaphore(%run_scoped3A : memref<!tpu.dma_semaphore, #tpu.memory_space<semaphore_mem>>) src(%dma_wait3A_209 : memref<400xf32, #tpu.memory_space<hbm>>) dst(%arg8 : memref<400xf32, #tpu.memory_space<vmem>>)
        tpu.yield
      }) : () -> ()
      %get3A = arith.constant 0 : index
      %get3A_11 = tpu.vector_load %arg7[%get3A] {strides = array<i32>} : memref<400xi32, #tpu.memory_space<vmem>>, vector<16xi32>,
      %get3A_12 = arith.constant 0 : index
      %get3A_13 = tpu.vector_load %arg8[%get3A_12] {strides = array<i32>} : memref<400xf32, #tpu.memory_space<vmem>>, vector<16xf32>,
      %gather3A = tpu.vector_load_idx %arg6[%get3A_11] : memref<10000xf32, #tpu.memory_space<vmem>>[vector<16xi32>], vector<16xf32>,
      %mul3A_14 = arith.mulf %get3A_13, %gather3A : vector<16xf32>
      %swap3A = arith.constant 0 : index
      %swap3A_15 = tpu.vector_load %arg9[%swap3A] {strides = array<i32>} : memref<400xf32, #tpu.memory_space<vmem>>, vector<16xf32>,
      tpu.vector_store %arg9[%swap3A], %mul3A_14 {strides = array<i32>} : memref<400xf32, #tpu.memory_space<vmem>>, vector<16xf32>,
      %get3A_16 = arith.constant 16 : index
      %get3A_17 = tpu.vector_load %arg7[%get3A_16] {strides = array<i32>} : memref<400xi32, #tpu.memory_space<vmem>>, vector<16xi32>,
      %get3A_18 = arith.constant 16 : index
      %get3A_19 = tpu.vector_load %arg8[%get3A_18] {strides = array<i32>} : memref<400xf32, #tpu.memory_space<vmem>>, vector<16xf32>,
      %gather3A_20 = tpu.vector_load_idx %arg6[%get3A_17] : memref<10000xf32, #tpu.memory_space<vmem>>[vector<16xi32>], vector<16xf32>,
      %mul3A_21 = arith.mulf %get3A_19, %gather3A_20 : vector<16xf32>
      %swap3A_22 = arith.constant 16 : index
      %swap3A_23 = tpu.vector_load %arg9[%swap3A_22] {strides = array<i32>} : memref<400xf32, #tpu.memory_space<vmem>>, vector<16xf32>,
      tpu.vector_store %arg9[%swap3A_22], %mul3A_21 {strides = array<i32>} : memref<400xf32, #tpu.memory_space<vmem>>, vector<16xf32>,
      %get3A_24 = arith.constant 32 : index
      %get3A_25 = tpu.vector_load %arg7[%get3A_24] {strides = array<i32>} : memref<400xi32, #tpu.memory_space<vmem>>, vector<16xi32>,
      %get3A_26 = arith.constant 32 : index
      %get3A_27 = tpu.vector_load %arg8[%get3A_26] {strides = array<i32>} : memref<400xf32, #tpu.memory_space<vmem>>, vector<16xf32>,
      %gather3A_28 = tpu.vector_load_idx %arg6[%get3A_25] : memref<10000xf32, #tpu.memory_space<vmem>>[vector<16xi32>], vector<16xf32>,
      %mul3A_29 = arith.mulf %get3A_27, %gather3A_28 : vector<16xf32>
      %swap3A_30 = arith.constant 32 : index
      %swap3A_31 = tpu.vector_load %arg9[%swap3A_30] {strides = array<i32>} : memref<400xf32, #tpu.memory_space<vmem>>, vector<16xf32>,
      tpu.vector_store %arg9[%swap3A_30], %mul3A_29 {strides = array<i32>} : memref<400xf32, #tpu.memory_space<vmem>>, vector<16xf32>,
      %get3A_32 = arith.constant 48 : index
      %get3A_33 = tpu.vector_load %arg7[%get3A_32] {strides = array<i32>} : memref<400xi32, #tpu.memory_space<vmem>>, vector<16xi32>,
      %get3A_34 = arith.constant 48 : index
      %get3A_35 = tpu.vector_load %arg8[%get3A_34] {strides = array<i32>} : memref<400xf32, #tpu.memory_space<vmem>>, vector<16xf32>,
      %gather3A_36 = tpu.vector_load_idx %arg6[%get3A_33] : memref<10000xf32, #tpu.memory_space<vmem>>[vector<16xi32>], vector<16xf32>,
      %mul3A_37 = arith.mulf %get3A_35, %gather3A_36 : vector<16xf32>
      %swap3A_38 = arith.constant 48 : index
      %swap3A_39 = tpu.vector_load %arg9[%swap3A_38] {strides = array<i32>} : memref<400xf32, #tpu.memory_space<vmem>>, vector<16xf32>,
      tpu.vector_store %arg9[%swap3A_38], %mul3A_37 {strides = array<i32>} : memref<400xf32, #tpu.memory_space<vmem>>, vector<16xf32>,
      %get3A_40 = arith.constant 64 : index
      %get3A_41 = tpu.vector_load %arg7[%get3A_40] {strides = array<i32>} : memref<400xi32, #tpu.memory_space<vmem>>, vector<16xi32>,
      %get3A_42 = arith.constant 64 : index
      %get3A_43 = tpu.vector_load %arg8[%get3A_42] {strides = array<i32>} : memref<400xf32, #tpu.memory_space<vmem>>, vector<16xf32>,
      %gather3A_44 = tpu.vector_load_idx %arg6[%get3A_41] : memref<10000xf32, #tpu.memory_space<vmem>>[vector<16xi32>], vector<16xf32>,
      %mul3A_45 = arith.mulf %get3A_43, %gather3A_44 : vector<16xf32>
      %swap3A_46 = arith.constant 64 : index
      %swap3A_47 = tpu.vector_load %arg9[%swap3A_46] {strides = array<i32>} : memref<400xf32, #tpu.memory_space<vmem>>, vector<16xf32>,
      tpu.vector_store %arg9[%swap3A_46], %mul3A_45 {strides = array<i32>} : memref<400xf32, #tpu.memory_space<vmem>>, vector<16xf32>,
      %get3A_48 = arith.constant 80 : index
      %get3A_49 = tpu.vector_load %arg7[%get3A_48] {strides = array<i32>} : memref<400xi32, #tpu.memory_space<vmem>>, vector<16xi32>,
      %get3A_50 = arith.constant 80 : index
      %get3A_51 = tpu.vector_load %arg8[%get3A_50] {strides = array<i32>} : memref<400xf32, #tpu.memory_space<vmem>>, vector<16xf32>,
      %gather3A_52 = tpu.vector_load_idx %arg6[%get3A_49] : memref<10000xf32, #tpu.memory_space<vmem>>[vector<16xi32>], vector<16xf32>,
      %mul3A_53 = arith.mulf %get3A_51, %gather3A_52 : vector<16xf32>
      %swap3A_54 = arith.constant 80 : index
      %swap3A_55 = tpu.vector_load %arg9[%swap3A_54] {strides = array<i32>} : memref<400xf32, #tpu.memory_space<vmem>>, vector<16xf32>,
      tpu.vector_store %arg9[%swap3A_54], %mul3A_53 {strides = array<i32>} : memref<400xf32, #tpu.memory_space<vmem>>, vector<16xf32>,
      %get3A_56 = arith.constant 96 : index
      %get3A_57 = tpu.vector_load %arg7[%get3A_56] {strides = array<i32>} : memref<400xi32, #tpu.memory_space<vmem>>, vector<16xi32>,
      %get3A_58 = arith.constant 96 : index
      %get3A_59 = tpu.vector_load %arg8[%get3A_58] {strides = array<i32>} : memref<400xf32, #tpu.memory_space<vmem>>, vector<16xf32>,
      %gather3A_60 = tpu.vector_load_idx %arg6[%get3A_57] : memref<10000xf32, #tpu.memory_space<vmem>>[vector<16xi32>], vector<16xf32>,
      %mul3A_61 = arith.mulf %get3A_59, %gather3A_60 : vector<16xf32>
      %swap3A_62 = arith.constant 96 : index
      %swap3A_63 = tpu.vector_load %arg9[%swap3A_62] {strides = array<i32>} : memref<400xf32, #tpu.memory_space<vmem>>, vector<16xf32>,
      tpu.vector_store %arg9[%swap3A_62], %mul3A_61 {strides = array<i32>} : memref<400xf32, #tpu.memory_space<vmem>>, vector<16xf32>,
      %get3A_64 = arith.constant 112 : index
      %get3A_65 = tpu.vector_load %arg7[%get3A_64] {strides = array<i32>} : memref<400xi32, #tpu.memory_space<vmem>>, vector<16xi32>,
      %get3A_66 = arith.constant 112 : index
      %get3A_67 = tpu.vector_load %arg8[%get3A_66] {strides = array<i32>} : memref<400xf32, #tpu.memory_space<vmem>>, vector<16xf32>,
      %gather3A_68 = tpu.vector_load_idx %arg6[%get3A_65] : memref<10000xf32, #tpu.memory_space<vmem>>[vector<16xi32>], vector<16xf32>,
      %mul3A_69 = arith.mulf %get3A_67, %gather3A_68 : vector<16xf32>
      %swap3A_70 = arith.constant 112 : index
      %swap3A_71 = tpu.vector_load %arg9[%swap3A_70] {strides = array<i32>} : memref<400xf32, #tpu.memory_space<vmem>>, vector<16xf32>,
      tpu.vector_store %arg9[%swap3A_70], %mul3A_69 {strides = array<i32>} : memref<400xf32, #tpu.memory_space<vmem>>, vector<16xf32>,
      %get3A_72 = arith.constant 128 : index
      %get3A_73 = tpu.vector_load %arg7[%get3A_72] {strides = array<i32>} : memref<400xi32, #tpu.memory_space<vmem>>, vector<16xi32>,
      %get3A_74 = arith.constant 128 : index
      %get3A_75 = tpu.vector_load %arg8[%get3A_74] {strides = array<i32>} : memref<400xf32, #tpu.memory_space<vmem>>, vector<16xf32>,
      %gather3A_76 = tpu.vector_load_idx %arg6[%get3A_73] : memref<10000xf32, #tpu.memory_space<vmem>>[vector<16xi32>], vector<16xf32>,
      %mul3A_77 = arith.mulf %get3A_75, %gather3A_76 : vector<16xf32>
      %swap3A_78 = arith.constant 128 : index
      %swap3A_79 = tpu.vector_load %arg9[%swap3A_78] {strides = array<i32>} : memref<400xf32, #tpu.memory_space<vmem>>, vector<16xf32>,
      tpu.vector_store %arg9[%swap3A_78], %mul3A_77 {strides = array<i32>} : memref<400xf32, #tpu.memory_space<vmem>>, vector<16xf32>,
      %get3A_80 = arith.constant 144 : index
      %get3A_81 = tpu.vector_load %arg7[%get3A_80] {strides = array<i32>} : memref<400xi32, #tpu.memory_space<vmem>>, vector<16xi32>,
      %get3A_82 = arith.constant 144 : index
      %get3A_83 = tpu.vector_load %arg8[%get3A_82] {strides = array<i32>} : memref<400xf32, #tpu.memory_space<vmem>>, vector<16xf32>,
      %gather3A_84 = tpu.vector_load_idx %arg6[%get3A_81] : memref<10000xf32, #tpu.memory_space<vmem>>[vector<16xi32>], vector<16xf32>,
      %mul3A_85 = arith.mulf %get3A_83, %gather3A_84 : vector<16xf32>
      %swap3A_86 = arith.constant 144 : index
      %swap3A_87 = tpu.vector_load %arg9[%swap3A_86] {strides = array<i32>} : memref<400xf32, #tpu.memory_space<vmem>>, vector<16xf32>,
      tpu.vector_store %arg9[%swap3A_86], %mul3A_85 {strides = array<i32>} : memref<400xf32, #tpu.memory_space<vmem>>, vector<16xf32>,
      %get3A_88 = arith.constant 160 : index
      %get3A_89 = tpu.vector_load %arg7[%get3A_88] {strides = array<i32>} : memref<400xi32, #tpu.memory_space<vmem>>, vector<16xi32>,
      %get3A_90 = arith.constant 160 : index
      %get3A_91 = tpu.vector_load %arg8[%get3A_90] {strides = array<i32>} : memref<400xf32, #tpu.memory_space<vmem>>, vector<16xf32>,
      %gather3A_92 = tpu.vector_load_idx %arg6[%get3A_89] : memref<10000xf32, #tpu.memory_space<vmem>>[vector<16xi32>], vector<16xf32>,
      %mul3A_93 = arith.mulf %get3A_91, %gather3A_92 : vector<16xf32>
      %swap3A_94 = arith.constant 160 : index
      %swap3A_95 = tpu.vector_load %arg9[%swap3A_94] {strides = array<i32>} : memref<400xf32, #tpu.memory_space<vmem>>, vector<16xf32>,
      tpu.vector_store %arg9[%swap3A_94], %mul3A_93 {strides = array<i32>} : memref<400xf32, #tpu.memory_space<vmem>>, vector<16xf32>,
      %get3A_96 = arith.constant 176 : index
      %get3A_97 = tpu.vector_load %arg7[%get3A_96] {strides = array<i32>} : memref<400xi32, #tpu.memory_space<vmem>>, vector<16xi32>,
      %get3A_98 = arith.constant 176 : index
      %get3A_99 = tpu.vector_load %arg8[%get3A_98] {strides = array<i32>} : memref<400xf32, #tpu.memory_space<vmem>>, vector<16xf32>,
      %gather3A_100 = tpu.vector_load_idx %arg6[%get3A_97] : memref<10000xf32, #tpu.memory_space<vmem>>[vector<16xi32>], vector<16xf32>,
      %mul3A_101 = arith.mulf %get3A_99, %gather3A_100 : vector<16xf32>
      %swap3A_102 = arith.constant 176 : index
      %swap3A_103 = tpu.vector_load %arg9[%swap3A_102] {strides = array<i32>} : memref<400xf32, #tpu.memory_space<vmem>>, vector<16xf32>,
      tpu.vector_store %arg9[%swap3A_102], %mul3A_101 {strides = array<i32>} : memref<400xf32, #tpu.memory_space<vmem>>, vector<16xf32>,
      %get3A_104 = arith.constant 192 : index
      %get3A_105 = tpu.vector_load %arg7[%get3A_104] {strides = array<i32>} : memref<400xi32, #tpu.memory_space<vmem>>, vector<16xi32>,
      %get3A_106 = arith.constant 192 : index
      %get3A_107 = tpu.vector_load %arg8[%get3A_106] {strides = array<i32>} : memref<400xf32, #tpu.memory_space<vmem>>, vector<16xf32>,
      %gather3A_108 = tpu.vector_load_idx %arg6[%get3A_105] : memref<10000xf32, #tpu.memory_space<vmem>>[vector<16xi32>], vector<16xf32>,
      %mul3A_109 = arith.mulf %get3A_107, %gather3A_108 : vector<16xf32>
      %swap3A_110 = arith.constant 192 : index
      %swap3A_111 = tpu.vector_load %arg9[%swap3A_110] {strides = array<i32>} : memref<400xf32, #tpu.memory_space<vmem>>, vector<16xf32>,
      tpu.vector_store %arg9[%swap3A_110], %mul3A_109 {strides = array<i32>} : memref<400xf32, #tpu.memory_space<vmem>>, vector<16xf32>,
      %get3A_112 = arith.constant 208 : index
      %get3A_113 = tpu.vector_load %arg7[%get3A_112] {strides = array<i32>} : memref<400xi32, #tpu.memory_space<vmem>>, vector<16xi32>,
      %get3A_114 = arith.constant 208 : index
      %get3A_115 = tpu.vector_load %arg8[%get3A_114] {strides = array<i32>} : memref<400xf32, #tpu.memory_space<vmem>>, vector<16xf32>,
      %gather3A_116 = tpu.vector_load_idx %arg6[%get3A_113] : memref<10000xf32, #tpu.memory_space<vmem>>[vector<16xi32>], vector<16xf32>,
      %mul3A_117 = arith.mulf %get3A_115, %gather3A_116 : vector<16xf32>
      %swap3A_118 = arith.constant 208 : index
      %swap3A_119 = tpu.vector_load %arg9[%swap3A_118] {strides = array<i32>} : memref<400xf32, #tpu.memory_space<vmem>>, vector<16xf32>,
      tpu.vector_store %arg9[%swap3A_118], %mul3A_117 {strides = array<i32>} : memref<400xf32, #tpu.memory_space<vmem>>, vector<16xf32>,
      %get3A_120 = arith.constant 224 : index
      %get3A_121 = tpu.vector_load %arg7[%get3A_120] {strides = array<i32>} : memref<400xi32, #tpu.memory_space<vmem>>, vector<16xi32>,
      %get3A_122 = arith.constant 224 : index
      %get3A_123 = tpu.vector_load %arg8[%get3A_122] {strides = array<i32>} : memref<400xf32, #tpu.memory_space<vmem>>, vector<16xf32>,
      %gather3A_124 = tpu.vector_load_idx %arg6[%get3A_121] : memref<10000xf32, #tpu.memory_space<vmem>>[vector<16xi32>], vector<16xf32>,
      %mul3A_125 = arith.mulf %get3A_123, %gather3A_124 : vector<16xf32>
      %swap3A_126 = arith.constant 224 : index
      %swap3A_127 = tpu.vector_load %arg9[%swap3A_126] {strides = array<i32>} : memref<400xf32, #tpu.memory_space<vmem>>, vector<16xf32>,
      tpu.vector_store %arg9[%swap3A_126], %mul3A_125 {strides = array<i32>} : memref<400xf32, #tpu.memory_space<vmem>>, vector<16xf32>,
      %get3A_128 = arith.constant 240 : index
      %get3A_129 = tpu.vector_load %arg7[%get3A_128] {strides = array<i32>} : memref<400xi32, #tpu.memory_space<vmem>>, vector<16xi32>,
      %get3A_130 = arith.constant 240 : index
      %get3A_131 = tpu.vector_load %arg8[%get3A_130] {strides = array<i32>} : memref<400xf32, #tpu.memory_space<vmem>>, vector<16xf32>,
      %gather3A_132 = tpu.vector_load_idx %arg6[%get3A_129] : memref<10000xf32, #tpu.memory_space<vmem>>[vector<16xi32>], vector<16xf32>,
      %mul3A_133 = arith.mulf %get3A_131, %gather3A_132 : vector<16xf32>
      %swap3A_134 = arith.constant 240 : index
      %swap3A_135 = tpu.vector_load %arg9[%swap3A_134] {strides = array<i32>} : memref<400xf32, #tpu.memory_space<vmem>>, vector<16xf32>,
      tpu.vector_store %arg9[%swap3A_134], %mul3A_133 {strides = array<i32>} : memref<400xf32, #tpu.memory_space<vmem>>, vector<16xf32>,
      %get3A_136 = arith.constant 256 : index
      %get3A_137 = tpu.vector_load %arg7[%get3A_136] {strides = array<i32>} : memref<400xi32, #tpu.memory_space<vmem>>, vector<16xi32>,
      %get3A_138 = arith.constant 256 : index
      %get3A_139 = tpu.vector_load %arg8[%get3A_138] {strides = array<i32>} : memref<400xf32, #tpu.memory_space<vmem>>, vector<16xf32>,
      %gather3A_140 = tpu.vector_load_idx %arg6[%get3A_137] : memref<10000xf32, #tpu.memory_space<vmem>>[vector<16xi32>], vector<16xf32>,
      %mul3A_141 = arith.mulf %get3A_139, %gather3A_140 : vector<16xf32>
      %swap3A_142 = arith.constant 256 : index
      %swap3A_143 = tpu.vector_load %arg9[%swap3A_142] {strides = array<i32>} : memref<400xf32, #tpu.memory_space<vmem>>, vector<16xf32>,
      tpu.vector_store %arg9[%swap3A_142], %mul3A_141 {strides = array<i32>} : memref<400xf32, #tpu.memory_space<vmem>>, vector<16xf32>,
      %get3A_144 = arith.constant 272 : index
      %get3A_145 = tpu.vector_load %arg7[%get3A_144] {strides = array<i32>} : memref<400xi32, #tpu.memory_space<vmem>>, vector<16xi32>,
      %get3A_146 = arith.constant 272 : index
      %get3A_147 = tpu.vector_load %arg8[%get3A_146] {strides = array<i32>} : memref<400xf32, #tpu.memory_space<vmem>>, vector<16xf32>,
      %gather3A_148 = tpu.vector_load_idx %arg6[%get3A_145] : memref<10000xf32, #tpu.memory_space<vmem>>[vector<16xi32>], vector<16xf32>,
      %mul3A_149 = arith.mulf %get3A_147, %gather3A_148 : vector<16xf32>
      %swap3A_150 = arith.constant 272 : index
      %swap3A_151 = tpu.vector_load %arg9[%swap3A_150] {strides = array<i32>} : memref<400xf32, #tpu.memory_space<vmem>>, vector<16xf32>,
      tpu.vector_store %arg9[%swap3A_150], %mul3A_149 {strides = array<i32>} : memref<400xf32, #tpu.memory_space<vmem>>, vector<16xf32>,
      %get3A_152 = arith.constant 288 : index
      %get3A_153 = tpu.vector_load %arg7[%get3A_152] {strides = array<i32>} : memref<400xi32, #tpu.memory_space<vmem>>, vector<16xi32>,
      %get3A_154 = arith.constant 288 : index
      %get3A_155 = tpu.vector_load %arg8[%get3A_154] {strides = array<i32>} : memref<400xf32, #tpu.memory_space<vmem>>, vector<16xf32>,
      %gather3A_156 = tpu.vector_load_idx %arg6[%get3A_153] : memref<10000xf32, #tpu.memory_space<vmem>>[vector<16xi32>], vector<16xf32>,
      %mul3A_157 = arith.mulf %get3A_155, %gather3A_156 : vector<16xf32>
      %swap3A_158 = arith.constant 288 : index
      %swap3A_159 = tpu.vector_load %arg9[%swap3A_158] {strides = array<i32>} : memref<400xf32, #tpu.memory_space<vmem>>, vector<16xf32>,
      tpu.vector_store %arg9[%swap3A_158], %mul3A_157 {strides = array<i32>} : memref<400xf32, #tpu.memory_space<vmem>>, vector<16xf32>,
      %get3A_160 = arith.constant 304 : index
      %get3A_161 = tpu.vector_load %arg7[%get3A_160] {strides = array<i32>} : memref<400xi32, #tpu.memory_space<vmem>>, vector<16xi32>,
      %get3A_162 = arith.constant 304 : index
      %get3A_163 = tpu.vector_load %arg8[%get3A_162] {strides = array<i32>} : memref<400xf32, #tpu.memory_space<vmem>>, vector<16xf32>,
      %gather3A_164 = tpu.vector_load_idx %arg6[%get3A_161] : memref<10000xf32, #tpu.memory_space<vmem>>[vector<16xi32>], vector<16xf32>,
      %mul3A_165 = arith.mulf %get3A_163, %gather3A_164 : vector<16xf32>
      %swap3A_166 = arith.constant 304 : index
      %swap3A_167 = tpu.vector_load %arg9[%swap3A_166] {strides = array<i32>} : memref<400xf32, #tpu.memory_space<vmem>>, vector<16xf32>,
      tpu.vector_store %arg9[%swap3A_166], %mul3A_165 {strides = array<i32>} : memref<400xf32, #tpu.memory_space<vmem>>, vector<16xf32>,
      %get3A_168 = arith.constant 320 : index
      %get3A_169 = tpu.vector_load %arg7[%get3A_168] {strides = array<i32>} : memref<400xi32, #tpu.memory_space<vmem>>, vector<16xi32>,
      %get3A_170 = arith.constant 320 : index
      %get3A_171 = tpu.vector_load %arg8[%get3A_170] {strides = array<i32>} : memref<400xf32, #tpu.memory_space<vmem>>, vector<16xf32>,
      %gather3A_172 = tpu.vector_load_idx %arg6[%get3A_169] : memref<10000xf32, #tpu.memory_space<vmem>>[vector<16xi32>], vector<16xf32>,
      %mul3A_173 = arith.mulf %get3A_171, %gather3A_172 : vector<16xf32>
      %swap3A_174 = arith.constant 320 : index
      %swap3A_175 = tpu.vector_load %arg9[%swap3A_174] {strides = array<i32>} : memref<400xf32, #tpu.memory_space<vmem>>, vector<16xf32>,
      tpu.vector_store %arg9[%swap3A_174], %mul3A_173 {strides = array<i32>} : memref<400xf32, #tpu.memory_space<vmem>>, vector<16xf32>,
      %get3A_176 = arith.constant 336 : index
      %get3A_177 = tpu.vector_load %arg7[%get3A_176] {strides = array<i32>} : memref<400xi32, #tpu.memory_space<vmem>>, vector<16xi32>,
      %get3A_178 = arith.constant 336 : index
      %get3A_179 = tpu.vector_load %arg8[%get3A_178] {strides = array<i32>} : memref<400xf32, #tpu.memory_space<vmem>>, vector<16xf32>,
      %gather3A_180 = tpu.vector_load_idx %arg6[%get3A_177] : memref<10000xf32, #tpu.memory_space<vmem>>[vector<16xi32>], vector<16xf32>,
      %mul3A_181 = arith.mulf %get3A_179, %gather3A_180 : vector<16xf32>
      %swap3A_182 = arith.constant 336 : index
      %swap3A_183 = tpu.vector_load %arg9[%swap3A_182] {strides = array<i32>} : memref<400xf32, #tpu.memory_space<vmem>>, vector<16xf32>,
      tpu.vector_store %arg9[%swap3A_182], %mul3A_181 {strides = array<i32>} : memref<400xf32, #tpu.memory_space<vmem>>, vector<16xf32>,
      %get3A_184 = arith.constant 352 : index
      %get3A_185 = tpu.vector_load %arg7[%get3A_184] {strides = array<i32>} : memref<400xi32, #tpu.memory_space<vmem>>, vector<16xi32>,
      %get3A_186 = arith.constant 352 : index
      %get3A_187 = tpu.vector_load %arg8[%get3A_186] {strides = array<i32>} : memref<400xf32, #tpu.memory_space<vmem>>, vector<16xf32>,
      %gather3A_188 = tpu.vector_load_idx %arg6[%get3A_185] : memref<10000xf32, #tpu.memory_space<vmem>>[vector<16xi32>], vector<16xf32>,
      %mul3A_189 = arith.mulf %get3A_187, %gather3A_188 : vector<16xf32>
      %swap3A_190 = arith.constant 352 : index
      %swap3A_191 = tpu.vector_load %arg9[%swap3A_190] {strides = array<i32>} : memref<400xf32, #tpu.memory_space<vmem>>, vector<16xf32>,
      tpu.vector_store %arg9[%swap3A_190], %mul3A_189 {strides = array<i32>} : memref<400xf32, #tpu.memory_space<vmem>>, vector<16xf32>,
      %get3A_192 = arith.constant 368 : index
      %get3A_193 = tpu.vector_load %arg7[%get3A_192] {strides = array<i32>} : memref<400xi32, #tpu.memory_space<vmem>>, vector<16xi32>,
      %get3A_194 = arith.constant 368 : index
      %get3A_195 = tpu.vector_load %arg8[%get3A_194] {strides = array<i32>} : memref<400xf32, #tpu.memory_space<vmem>>, vector<16xf32>,
      %gather3A_196 = tpu.vector_load_idx %arg6[%get3A_193] : memref<10000xf32, #tpu.memory_space<vmem>>[vector<16xi32>], vector<16xf32>,
      %mul3A_197 = arith.mulf %get3A_195, %gather3A_196 : vector<16xf32>
      %swap3A_198 = arith.constant 368 : index
      %swap3A_199 = tpu.vector_load %arg9[%swap3A_198] {strides = array<i32>} : memref<400xf32, #tpu.memory_space<vmem>>, vector<16xf32>,
      tpu.vector_store %arg9[%swap3A_198], %mul3A_197 {strides = array<i32>} : memref<400xf32, #tpu.memory_space<vmem>>, vector<16xf32>,
      %get3A_200 = arith.constant 384 : index
      %get3A_201 = tpu.vector_load %arg7[%get3A_200] {strides = array<i32>} : memref<400xi32, #tpu.memory_space<vmem>>, vector<16xi32>,
      %get3A_202 = arith.constant 384 : index
      %get3A_203 = tpu.vector_load %arg8[%get3A_202] {strides = array<i32>} : memref<400xf32, #tpu.memory_space<vmem>>, vector<16xf32>,
      %gather3A_204 = tpu.vector_load_idx %arg6[%get3A_201] : memref<10000xf32, #tpu.memory_space<vmem>>[vector<16xi32>], vector<16xf32>,
      %mul3A_205 = arith.mulf %get3A_203, %gather3A_204 : vector<16xf32>
      %swap3A_206 = arith.constant 384 : index
      %swap3A_207 = tpu.vector_load %arg9[%swap3A_206] {strides = array<i32>} : memref<400xf32, #tpu.memory_space<vmem>>, vector<16xf32>,
      tpu.vector_store %arg9[%swap3A_206], %mul3A_205 {strides = array<i32>} : memref<400xf32, #tpu.memory_space<vmem>>, vector<16xf32>,
      "tpu.region"() ({
        %run_scoped3A = tpu.sem_alloc : memref<!tpu.dma_semaphore, #tpu.memory_space<semaphore_mem>>
        %dma_start3A = tpu.memref_slice %arg5[%add3A_10] : memref<320000xf32, #tpu.memory_space<hbm>> -> memref<400xf32, #tpu.memory_space<hbm>>
        %dma_start3A_208 = tpu.memref_slice %arg5[%add3A_10] : memref<320000xf32, #tpu.memory_space<hbm>> -> memref<400xf32, #tpu.memory_space<hbm>>
        tpu.enqueue_dma source(%arg9 : memref<400xf32, #tpu.memory_space<vmem>>) target(%dma_start3A_208 : memref<400xf32, #tpu.memory_space<hbm>>) target_semaphore(%run_scoped3A : memref<!tpu.dma_semaphore, #tpu.memory_space<semaphore_mem>>)
        %dma_wait3A = tpu.memref_slice %arg5[%add3A_10] : memref<320000xf32, #tpu.memory_space<hbm>> -> memref<400xf32, #tpu.memory_space<hbm>>
        %dma_wait3A_209 = tpu.memref_slice %arg5[%add3A_10] : memref<320000xf32, #tpu.memory_space<hbm>> -> memref<400xf32, #tpu.memory_space<hbm>>
        tpu.wait_dma2 semaphore(%run_scoped3A : memref<!tpu.dma_semaphore, #tpu.memory_space<semaphore_mem>>) src(%arg9 : memref<400xf32, #tpu.memory_space<vmem>>) dst(%dma_wait3A_209 : memref<400xf32, #tpu.memory_space<hbm>>)
        tpu.yield
      }) : () -> ()
    }
    %scan3A_6 = arith.constant 25 : i32
    return
  }
}

module attributes {stable_mosaic.version = 14 : i64} {
  func.func @_msg_body(%arg0: i32, %arg1: memref<2560x128xf32, #tpu.memory_space<vmem>>, %arg2: memref<4x2560xf32, #tpu.memory_space<vmem>>, %arg3: memref<32x4xf32, #tpu.memory_space<vmem>>, %arg4: memref<32x1xf32, #tpu.memory_space<vmem>>, %arg5: memref<128x2112xbf16, #tpu.memory_space<vmem>>, %arg6: memref<2560x64xf32, #tpu.memory_space<vmem>>) attributes {dimension_semantics = [#tpu.dimension_semantics<arbitrary>], iteration_bounds = array<i64: 64>, scalar_prefetch = 0 : i64, scratch_operands = 0 : i64, tpu.core_type = #tpu.core_type<tc>, window_params = [{transform_indices = @transform_0, window_bounds = array<i64: 2560, 128>}, {transform_indices = @transform_1, window_bounds = array<i64: 4, 2560>}, {pipeline_mode = #tpu.pipeline_mode<synchronous>, transform_indices = @transform_2, window_bounds = array<i64: 32, 4>}, {pipeline_mode = #tpu.pipeline_mode<synchronous>, transform_indices = @transform_3, window_bounds = array<i64: 32, 1>}, {pipeline_mode = #tpu.pipeline_mode<synchronous>, transform_indices = @transform_4, window_bounds = array<i64: 128, 2112>}, {transform_indices = @transform_5, window_bounds = array<i64: 2560, 64>}]} {
    %get3A = arith.constant 0 : index
    %get3A_0 = arith.constant 0 : index
    %get3A_1 = vector.load %arg4[%get3A, %get3A_0] : memref<32x1xf32, #tpu.memory_space<vmem>>, vector<32x1xf32>
    %broadcast_in_dim3A = vector.shape_cast %get3A_1 : vector<32x1xf32> to vector<32x1xf32>
    %broadcast_in_dim3A_2 = vector.broadcast %broadcast_in_dim3A : vector<32x1xf32> to vector<32x2560xf32>
    %get3A_3 = arith.constant 0 : index
    %get3A_4 = arith.constant 0 : index
    %get3A_5 = vector.load %arg3[%get3A_3, %get3A_4] : memref<32x4xf32, #tpu.memory_space<vmem>>, vector<32x1xf32>
    %get3A_6 = arith.constant 0 : index
    %get3A_7 = arith.constant 0 : index
    %get3A_8 = vector.load %arg2[%get3A_6, %get3A_7] : memref<4x2560xf32, #tpu.memory_space<vmem>>, vector<1x2560xf32>
    %mul3A = vector.broadcast %get3A_5 : vector<32x1xf32> to vector<32x2560xf32>
    %mul3A_9 = vector.broadcast %get3A_8 : vector<1x2560xf32> to vector<32x2560xf32>
    %mul3A_10 = arith.mulf %mul3A, %mul3A_9 : vector<32x2560xf32>
    %add3A = arith.addf %broadcast_in_dim3A_2, %mul3A_10 : vector<32x2560xf32>
    %get3A_11 = arith.constant 0 : index
    %get3A_12 = arith.constant 1 : index
    %get3A_13 = vector.load %arg3[%get3A_11, %get3A_12] : memref<32x4xf32, #tpu.memory_space<vmem>>, vector<32x1xf32>
    %get3A_14 = arith.constant 1 : index
    %get3A_15 = arith.constant 0 : index
    %get3A_16 = vector.load %arg2[%get3A_14, %get3A_15] : memref<4x2560xf32, #tpu.memory_space<vmem>>, vector<1x2560xf32>
    %mul3A_17 = vector.broadcast %get3A_13 : vector<32x1xf32> to vector<32x2560xf32>
    %mul3A_18 = vector.broadcast %get3A_16 : vector<1x2560xf32> to vector<32x2560xf32>
    %mul3A_19 = arith.mulf %mul3A_17, %mul3A_18 : vector<32x2560xf32>
    %add3A_20 = arith.addf %add3A, %mul3A_19 : vector<32x2560xf32>
    %get3A_21 = arith.constant 0 : index
    %get3A_22 = arith.constant 2 : index
    %get3A_23 = vector.load %arg3[%get3A_21, %get3A_22] : memref<32x4xf32, #tpu.memory_space<vmem>>, vector<32x1xf32>
    %get3A_24 = arith.constant 2 : index
    %get3A_25 = arith.constant 0 : index
    %get3A_26 = vector.load %arg2[%get3A_24, %get3A_25] : memref<4x2560xf32, #tpu.memory_space<vmem>>, vector<1x2560xf32>
    %mul3A_27 = vector.broadcast %get3A_23 : vector<32x1xf32> to vector<32x2560xf32>
    %mul3A_28 = vector.broadcast %get3A_26 : vector<1x2560xf32> to vector<32x2560xf32>
    %mul3A_29 = arith.mulf %mul3A_27, %mul3A_28 : vector<32x2560xf32>
    %add3A_30 = arith.addf %add3A_20, %mul3A_29 : vector<32x2560xf32>
    %get3A_31 = arith.constant 0 : index
    %get3A_32 = arith.constant 3 : index
    %get3A_33 = vector.load %arg3[%get3A_31, %get3A_32] : memref<32x4xf32, #tpu.memory_space<vmem>>, vector<32x1xf32>
    %get3A_34 = arith.constant 3 : index
    %get3A_35 = arith.constant 0 : index
    %get3A_36 = vector.load %arg2[%get3A_34, %get3A_35] : memref<4x2560xf32, #tpu.memory_space<vmem>>, vector<1x2560xf32>
    %mul3A_37 = vector.broadcast %get3A_33 : vector<32x1xf32> to vector<32x2560xf32>
    %mul3A_38 = vector.broadcast %get3A_36 : vector<1x2560xf32> to vector<32x2560xf32>
    %mul3A_39 = arith.mulf %mul3A_37, %mul3A_38 : vector<32x2560xf32>
    %add3A_40 = arith.addf %add3A_30, %mul3A_39 : vector<32x2560xf32>
    %max3A = arith.constant 0.000000e+00 : f32
    %max3A_41 = vector.broadcast %max3A : f32 to vector<32x2560xf32>
    %max3A_42 = arith.maximumf %add3A_40, %max3A_41 : vector<32x2560xf32>
    %get3A_43 = arith.constant 0 : index
    %get3A_44 = arith.constant 0 : index
    %get3A_45 = vector.load %arg1[%get3A_43, %get3A_44] : memref<2560x128xf32, #tpu.memory_space<vmem>>, vector<2560x128xf32>
    %convert_element_type3A = arith.truncf %get3A_45 : vector<2560x128xf32> to vector<2560x128xbf16>
    %get3A_46 = arith.constant 0 : index
    %get3A_47 = arith.constant 0 : index
    %get3A_48 = vector.load %arg5[%get3A_46, %get3A_47] : memref<128x2112xbf16, #tpu.memory_space<vmem>>, vector<128x2112xbf16>
    %dot_general3A = arith.constant dense<0.000000e+00> : vector<2112x2560xf32>
    %dot_general3A_49 = tpu.matmul %get3A_48, %convert_element_type3A, %dot_general3A {dimension_numbers = #tpu.dot_dimension_numbers<[0], [1], [1], [0], [0, 1, 1, 0], [], []>, transpose_lhs_hint = false} : vector<128x2112xbf16>, vector<2560x128xbf16>, vector<2112x2560xf32> -> vector<2112x2560xf32>
    %slice3A = vector.extract_strided_slice %dot_general3A_49 {offsets = [0, 0], sizes = [64, 2560], strides = [1, 1]} : vector<2112x2560xf32> to vector<64x2560xf32>
    %slice3A_50 = vector.extract_strided_slice %max3A_42 {offsets = [0, 0], sizes = [1, 2560], strides = [1, 1]} : vector<32x2560xf32> to vector<1x2560xf32>
    %slice3A_51 = vector.extract_strided_slice %dot_general3A_49 {offsets = [64, 0], sizes = [64, 2560], strides = [1, 1]} : vector<2112x2560xf32> to vector<64x2560xf32>
    %mul3A_52 = vector.broadcast %slice3A_50 : vector<1x2560xf32> to vector<64x2560xf32>
    %mul3A_53 = arith.mulf %mul3A_52, %slice3A_51 : vector<64x2560xf32>
    %add3A_54 = arith.addf %slice3A, %mul3A_53 : vector<64x2560xf32>
    %slice3A_55 = vector.extract_strided_slice %max3A_42 {offsets = [1, 0], sizes = [1, 2560], strides = [1, 1]} : vector<32x2560xf32> to vector<1x2560xf32>
    %slice3A_56 = vector.extract_strided_slice %dot_general3A_49 {offsets = [128, 0], sizes = [64, 2560], strides = [1, 1]} : vector<2112x2560xf32> to vector<64x2560xf32>
    %mul3A_57 = vector.broadcast %slice3A_55 : vector<1x2560xf32> to vector<64x2560xf32>
    %mul3A_58 = arith.mulf %mul3A_57, %slice3A_56 : vector<64x2560xf32>
    %add3A_59 = arith.addf %add3A_54, %mul3A_58 : vector<64x2560xf32>
    %slice3A_60 = vector.extract_strided_slice %max3A_42 {offsets = [2, 0], sizes = [1, 2560], strides = [1, 1]} : vector<32x2560xf32> to vector<1x2560xf32>
    %slice3A_61 = vector.extract_strided_slice %dot_general3A_49 {offsets = [192, 0], sizes = [64, 2560], strides = [1, 1]} : vector<2112x2560xf32> to vector<64x2560xf32>
    %mul3A_62 = vector.broadcast %slice3A_60 : vector<1x2560xf32> to vector<64x2560xf32>
    %mul3A_63 = arith.mulf %mul3A_62, %slice3A_61 : vector<64x2560xf32>
    %add3A_64 = arith.addf %add3A_59, %mul3A_63 : vector<64x2560xf32>
    %slice3A_65 = vector.extract_strided_slice %max3A_42 {offsets = [3, 0], sizes = [1, 2560], strides = [1, 1]} : vector<32x2560xf32> to vector<1x2560xf32>
    %slice3A_66 = vector.extract_strided_slice %dot_general3A_49 {offsets = [256, 0], sizes = [64, 2560], strides = [1, 1]} : vector<2112x2560xf32> to vector<64x2560xf32>
    %mul3A_67 = vector.broadcast %slice3A_65 : vector<1x2560xf32> to vector<64x2560xf32>
    %mul3A_68 = arith.mulf %mul3A_67, %slice3A_66 : vector<64x2560xf32>
    %add3A_69 = arith.addf %add3A_64, %mul3A_68 : vector<64x2560xf32>
    %slice3A_70 = vector.extract_strided_slice %max3A_42 {offsets = [4, 0], sizes = [1, 2560], strides = [1, 1]} : vector<32x2560xf32> to vector<1x2560xf32>
    %slice3A_71 = vector.extract_strided_slice %dot_general3A_49 {offsets = [320, 0], sizes = [64, 2560], strides = [1, 1]} : vector<2112x2560xf32> to vector<64x2560xf32>
    %mul3A_72 = vector.broadcast %slice3A_70 : vector<1x2560xf32> to vector<64x2560xf32>
    %mul3A_73 = arith.mulf %mul3A_72, %slice3A_71 : vector<64x2560xf32>
    %add3A_74 = arith.addf %add3A_69, %mul3A_73 : vector<64x2560xf32>
    %slice3A_75 = vector.extract_strided_slice %max3A_42 {offsets = [5, 0], sizes = [1, 2560], strides = [1, 1]} : vector<32x2560xf32> to vector<1x2560xf32>
    %slice3A_76 = vector.extract_strided_slice %dot_general3A_49 {offsets = [384, 0], sizes = [64, 2560], strides = [1, 1]} : vector<2112x2560xf32> to vector<64x2560xf32>
    %mul3A_77 = vector.broadcast %slice3A_75 : vector<1x2560xf32> to vector<64x2560xf32>
    %mul3A_78 = arith.mulf %mul3A_77, %slice3A_76 : vector<64x2560xf32>
    %add3A_79 = arith.addf %add3A_74, %mul3A_78 : vector<64x2560xf32>
    %slice3A_80 = vector.extract_strided_slice %max3A_42 {offsets = [6, 0], sizes = [1, 2560], strides = [1, 1]} : vector<32x2560xf32> to vector<1x2560xf32>
    %slice3A_81 = vector.extract_strided_slice %dot_general3A_49 {offsets = [448, 0], sizes = [64, 2560], strides = [1, 1]} : vector<2112x2560xf32> to vector<64x2560xf32>
    %mul3A_82 = vector.broadcast %slice3A_80 : vector<1x2560xf32> to vector<64x2560xf32>
    %mul3A_83 = arith.mulf %mul3A_82, %slice3A_81 : vector<64x2560xf32>
    %add3A_84 = arith.addf %add3A_79, %mul3A_83 : vector<64x2560xf32>
    %slice3A_85 = vector.extract_strided_slice %max3A_42 {offsets = [7, 0], sizes = [1, 2560], strides = [1, 1]} : vector<32x2560xf32> to vector<1x2560xf32>
    %slice3A_86 = vector.extract_strided_slice %dot_general3A_49 {offsets = [512, 0], sizes = [64, 2560], strides = [1, 1]} : vector<2112x2560xf32> to vector<64x2560xf32>
    %mul3A_87 = vector.broadcast %slice3A_85 : vector<1x2560xf32> to vector<64x2560xf32>
    %mul3A_88 = arith.mulf %mul3A_87, %slice3A_86 : vector<64x2560xf32>
    %add3A_89 = arith.addf %add3A_84, %mul3A_88 : vector<64x2560xf32>
    %slice3A_90 = vector.extract_strided_slice %max3A_42 {offsets = [8, 0], sizes = [1, 2560], strides = [1, 1]} : vector<32x2560xf32> to vector<1x2560xf32>
    %slice3A_91 = vector.extract_strided_slice %dot_general3A_49 {offsets = [576, 0], sizes = [64, 2560], strides = [1, 1]} : vector<2112x2560xf32> to vector<64x2560xf32>
    %mul3A_92 = vector.broadcast %slice3A_90 : vector<1x2560xf32> to vector<64x2560xf32>
    %mul3A_93 = arith.mulf %mul3A_92, %slice3A_91 : vector<64x2560xf32>
    %add3A_94 = arith.addf %add3A_89, %mul3A_93 : vector<64x2560xf32>
    %slice3A_95 = vector.extract_strided_slice %max3A_42 {offsets = [9, 0], sizes = [1, 2560], strides = [1, 1]} : vector<32x2560xf32> to vector<1x2560xf32>
    %slice3A_96 = vector.extract_strided_slice %dot_general3A_49 {offsets = [640, 0], sizes = [64, 2560], strides = [1, 1]} : vector<2112x2560xf32> to vector<64x2560xf32>
    %mul3A_97 = vector.broadcast %slice3A_95 : vector<1x2560xf32> to vector<64x2560xf32>
    %mul3A_98 = arith.mulf %mul3A_97, %slice3A_96 : vector<64x2560xf32>
    %add3A_99 = arith.addf %add3A_94, %mul3A_98 : vector<64x2560xf32>
    %slice3A_100 = vector.extract_strided_slice %max3A_42 {offsets = [10, 0], sizes = [1, 2560], strides = [1, 1]} : vector<32x2560xf32> to vector<1x2560xf32>
    %slice3A_101 = vector.extract_strided_slice %dot_general3A_49 {offsets = [704, 0], sizes = [64, 2560], strides = [1, 1]} : vector<2112x2560xf32> to vector<64x2560xf32>
    %mul3A_102 = vector.broadcast %slice3A_100 : vector<1x2560xf32> to vector<64x2560xf32>
    %mul3A_103 = arith.mulf %mul3A_102, %slice3A_101 : vector<64x2560xf32>
    %add3A_104 = arith.addf %add3A_99, %mul3A_103 : vector<64x2560xf32>
    %slice3A_105 = vector.extract_strided_slice %max3A_42 {offsets = [11, 0], sizes = [1, 2560], strides = [1, 1]} : vector<32x2560xf32> to vector<1x2560xf32>
    %slice3A_106 = vector.extract_strided_slice %dot_general3A_49 {offsets = [768, 0], sizes = [64, 2560], strides = [1, 1]} : vector<2112x2560xf32> to vector<64x2560xf32>
    %mul3A_107 = vector.broadcast %slice3A_105 : vector<1x2560xf32> to vector<64x2560xf32>
    %mul3A_108 = arith.mulf %mul3A_107, %slice3A_106 : vector<64x2560xf32>
    %add3A_109 = arith.addf %add3A_104, %mul3A_108 : vector<64x2560xf32>
    %slice3A_110 = vector.extract_strided_slice %max3A_42 {offsets = [12, 0], sizes = [1, 2560], strides = [1, 1]} : vector<32x2560xf32> to vector<1x2560xf32>
    %slice3A_111 = vector.extract_strided_slice %dot_general3A_49 {offsets = [832, 0], sizes = [64, 2560], strides = [1, 1]} : vector<2112x2560xf32> to vector<64x2560xf32>
    %mul3A_112 = vector.broadcast %slice3A_110 : vector<1x2560xf32> to vector<64x2560xf32>
    %mul3A_113 = arith.mulf %mul3A_112, %slice3A_111 : vector<64x2560xf32>
    %add3A_114 = arith.addf %add3A_109, %mul3A_113 : vector<64x2560xf32>
    %slice3A_115 = vector.extract_strided_slice %max3A_42 {offsets = [13, 0], sizes = [1, 2560], strides = [1, 1]} : vector<32x2560xf32> to vector<1x2560xf32>
    %slice3A_116 = vector.extract_strided_slice %dot_general3A_49 {offsets = [896, 0], sizes = [64, 2560], strides = [1, 1]} : vector<2112x2560xf32> to vector<64x2560xf32>
    %mul3A_117 = vector.broadcast %slice3A_115 : vector<1x2560xf32> to vector<64x2560xf32>
    %mul3A_118 = arith.mulf %mul3A_117, %slice3A_116 : vector<64x2560xf32>
    %add3A_119 = arith.addf %add3A_114, %mul3A_118 : vector<64x2560xf32>
    %slice3A_120 = vector.extract_strided_slice %max3A_42 {offsets = [14, 0], sizes = [1, 2560], strides = [1, 1]} : vector<32x2560xf32> to vector<1x2560xf32>
    %slice3A_121 = vector.extract_strided_slice %dot_general3A_49 {offsets = [960, 0], sizes = [64, 2560], strides = [1, 1]} : vector<2112x2560xf32> to vector<64x2560xf32>
    %mul3A_122 = vector.broadcast %slice3A_120 : vector<1x2560xf32> to vector<64x2560xf32>
    %mul3A_123 = arith.mulf %mul3A_122, %slice3A_121 : vector<64x2560xf32>
    %add3A_124 = arith.addf %add3A_119, %mul3A_123 : vector<64x2560xf32>
    %slice3A_125 = vector.extract_strided_slice %max3A_42 {offsets = [15, 0], sizes = [1, 2560], strides = [1, 1]} : vector<32x2560xf32> to vector<1x2560xf32>
    %slice3A_126 = vector.extract_strided_slice %dot_general3A_49 {offsets = [1024, 0], sizes = [64, 2560], strides = [1, 1]} : vector<2112x2560xf32> to vector<64x2560xf32>
    %mul3A_127 = vector.broadcast %slice3A_125 : vector<1x2560xf32> to vector<64x2560xf32>
    %mul3A_128 = arith.mulf %mul3A_127, %slice3A_126 : vector<64x2560xf32>
    %add3A_129 = arith.addf %add3A_124, %mul3A_128 : vector<64x2560xf32>
    %slice3A_130 = vector.extract_strided_slice %max3A_42 {offsets = [16, 0], sizes = [1, 2560], strides = [1, 1]} : vector<32x2560xf32> to vector<1x2560xf32>
    %slice3A_131 = vector.extract_strided_slice %dot_general3A_49 {offsets = [1088, 0], sizes = [64, 2560], strides = [1, 1]} : vector<2112x2560xf32> to vector<64x2560xf32>
    %mul3A_132 = vector.broadcast %slice3A_130 : vector<1x2560xf32> to vector<64x2560xf32>
    %mul3A_133 = arith.mulf %mul3A_132, %slice3A_131 : vector<64x2560xf32>
    %add3A_134 = arith.addf %add3A_129, %mul3A_133 : vector<64x2560xf32>
    %slice3A_135 = vector.extract_strided_slice %max3A_42 {offsets = [17, 0], sizes = [1, 2560], strides = [1, 1]} : vector<32x2560xf32> to vector<1x2560xf32>
    %slice3A_136 = vector.extract_strided_slice %dot_general3A_49 {offsets = [1152, 0], sizes = [64, 2560], strides = [1, 1]} : vector<2112x2560xf32> to vector<64x2560xf32>
    %mul3A_137 = vector.broadcast %slice3A_135 : vector<1x2560xf32> to vector<64x2560xf32>
    %mul3A_138 = arith.mulf %mul3A_137, %slice3A_136 : vector<64x2560xf32>
    %add3A_139 = arith.addf %add3A_134, %mul3A_138 : vector<64x2560xf32>
    %slice3A_140 = vector.extract_strided_slice %max3A_42 {offsets = [18, 0], sizes = [1, 2560], strides = [1, 1]} : vector<32x2560xf32> to vector<1x2560xf32>
    %slice3A_141 = vector.extract_strided_slice %dot_general3A_49 {offsets = [1216, 0], sizes = [64, 2560], strides = [1, 1]} : vector<2112x2560xf32> to vector<64x2560xf32>
    %mul3A_142 = vector.broadcast %slice3A_140 : vector<1x2560xf32> to vector<64x2560xf32>
    %mul3A_143 = arith.mulf %mul3A_142, %slice3A_141 : vector<64x2560xf32>
    %add3A_144 = arith.addf %add3A_139, %mul3A_143 : vector<64x2560xf32>
    %slice3A_145 = vector.extract_strided_slice %max3A_42 {offsets = [19, 0], sizes = [1, 2560], strides = [1, 1]} : vector<32x2560xf32> to vector<1x2560xf32>
    %slice3A_146 = vector.extract_strided_slice %dot_general3A_49 {offsets = [1280, 0], sizes = [64, 2560], strides = [1, 1]} : vector<2112x2560xf32> to vector<64x2560xf32>
    %mul3A_147 = vector.broadcast %slice3A_145 : vector<1x2560xf32> to vector<64x2560xf32>
    %mul3A_148 = arith.mulf %mul3A_147, %slice3A_146 : vector<64x2560xf32>
    %add3A_149 = arith.addf %add3A_144, %mul3A_148 : vector<64x2560xf32>
    %slice3A_150 = vector.extract_strided_slice %max3A_42 {offsets = [20, 0], sizes = [1, 2560], strides = [1, 1]} : vector<32x2560xf32> to vector<1x2560xf32>
    %slice3A_151 = vector.extract_strided_slice %dot_general3A_49 {offsets = [1344, 0], sizes = [64, 2560], strides = [1, 1]} : vector<2112x2560xf32> to vector<64x2560xf32>
    %mul3A_152 = vector.broadcast %slice3A_150 : vector<1x2560xf32> to vector<64x2560xf32>
    %mul3A_153 = arith.mulf %mul3A_152, %slice3A_151 : vector<64x2560xf32>
    %add3A_154 = arith.addf %add3A_149, %mul3A_153 : vector<64x2560xf32>
    %slice3A_155 = vector.extract_strided_slice %max3A_42 {offsets = [21, 0], sizes = [1, 2560], strides = [1, 1]} : vector<32x2560xf32> to vector<1x2560xf32>
    %slice3A_156 = vector.extract_strided_slice %dot_general3A_49 {offsets = [1408, 0], sizes = [64, 2560], strides = [1, 1]} : vector<2112x2560xf32> to vector<64x2560xf32>
    %mul3A_157 = vector.broadcast %slice3A_155 : vector<1x2560xf32> to vector<64x2560xf32>
    %mul3A_158 = arith.mulf %mul3A_157, %slice3A_156 : vector<64x2560xf32>
    %add3A_159 = arith.addf %add3A_154, %mul3A_158 : vector<64x2560xf32>
    %slice3A_160 = vector.extract_strided_slice %max3A_42 {offsets = [22, 0], sizes = [1, 2560], strides = [1, 1]} : vector<32x2560xf32> to vector<1x2560xf32>
    %slice3A_161 = vector.extract_strided_slice %dot_general3A_49 {offsets = [1472, 0], sizes = [64, 2560], strides = [1, 1]} : vector<2112x2560xf32> to vector<64x2560xf32>
    %mul3A_162 = vector.broadcast %slice3A_160 : vector<1x2560xf32> to vector<64x2560xf32>
    %mul3A_163 = arith.mulf %mul3A_162, %slice3A_161 : vector<64x2560xf32>
    %add3A_164 = arith.addf %add3A_159, %mul3A_163 : vector<64x2560xf32>
    %slice3A_165 = vector.extract_strided_slice %max3A_42 {offsets = [23, 0], sizes = [1, 2560], strides = [1, 1]} : vector<32x2560xf32> to vector<1x2560xf32>
    %slice3A_166 = vector.extract_strided_slice %dot_general3A_49 {offsets = [1536, 0], sizes = [64, 2560], strides = [1, 1]} : vector<2112x2560xf32> to vector<64x2560xf32>
    %mul3A_167 = vector.broadcast %slice3A_165 : vector<1x2560xf32> to vector<64x2560xf32>
    %mul3A_168 = arith.mulf %mul3A_167, %slice3A_166 : vector<64x2560xf32>
    %add3A_169 = arith.addf %add3A_164, %mul3A_168 : vector<64x2560xf32>
    %slice3A_170 = vector.extract_strided_slice %max3A_42 {offsets = [24, 0], sizes = [1, 2560], strides = [1, 1]} : vector<32x2560xf32> to vector<1x2560xf32>
    %slice3A_171 = vector.extract_strided_slice %dot_general3A_49 {offsets = [1600, 0], sizes = [64, 2560], strides = [1, 1]} : vector<2112x2560xf32> to vector<64x2560xf32>
    %mul3A_172 = vector.broadcast %slice3A_170 : vector<1x2560xf32> to vector<64x2560xf32>
    %mul3A_173 = arith.mulf %mul3A_172, %slice3A_171 : vector<64x2560xf32>
    %add3A_174 = arith.addf %add3A_169, %mul3A_173 : vector<64x2560xf32>
    %slice3A_175 = vector.extract_strided_slice %max3A_42 {offsets = [25, 0], sizes = [1, 2560], strides = [1, 1]} : vector<32x2560xf32> to vector<1x2560xf32>
    %slice3A_176 = vector.extract_strided_slice %dot_general3A_49 {offsets = [1664, 0], sizes = [64, 2560], strides = [1, 1]} : vector<2112x2560xf32> to vector<64x2560xf32>
    %mul3A_177 = vector.broadcast %slice3A_175 : vector<1x2560xf32> to vector<64x2560xf32>
    %mul3A_178 = arith.mulf %mul3A_177, %slice3A_176 : vector<64x2560xf32>
    %add3A_179 = arith.addf %add3A_174, %mul3A_178 : vector<64x2560xf32>
    %slice3A_180 = vector.extract_strided_slice %max3A_42 {offsets = [26, 0], sizes = [1, 2560], strides = [1, 1]} : vector<32x2560xf32> to vector<1x2560xf32>
    %slice3A_181 = vector.extract_strided_slice %dot_general3A_49 {offsets = [1728, 0], sizes = [64, 2560], strides = [1, 1]} : vector<2112x2560xf32> to vector<64x2560xf32>
    %mul3A_182 = vector.broadcast %slice3A_180 : vector<1x2560xf32> to vector<64x2560xf32>
    %mul3A_183 = arith.mulf %mul3A_182, %slice3A_181 : vector<64x2560xf32>
    %add3A_184 = arith.addf %add3A_179, %mul3A_183 : vector<64x2560xf32>
    %slice3A_185 = vector.extract_strided_slice %max3A_42 {offsets = [27, 0], sizes = [1, 2560], strides = [1, 1]} : vector<32x2560xf32> to vector<1x2560xf32>
    %slice3A_186 = vector.extract_strided_slice %dot_general3A_49 {offsets = [1792, 0], sizes = [64, 2560], strides = [1, 1]} : vector<2112x2560xf32> to vector<64x2560xf32>
    %mul3A_187 = vector.broadcast %slice3A_185 : vector<1x2560xf32> to vector<64x2560xf32>
    %mul3A_188 = arith.mulf %mul3A_187, %slice3A_186 : vector<64x2560xf32>
    %add3A_189 = arith.addf %add3A_184, %mul3A_188 : vector<64x2560xf32>
    %slice3A_190 = vector.extract_strided_slice %max3A_42 {offsets = [28, 0], sizes = [1, 2560], strides = [1, 1]} : vector<32x2560xf32> to vector<1x2560xf32>
    %slice3A_191 = vector.extract_strided_slice %dot_general3A_49 {offsets = [1856, 0], sizes = [64, 2560], strides = [1, 1]} : vector<2112x2560xf32> to vector<64x2560xf32>
    %mul3A_192 = vector.broadcast %slice3A_190 : vector<1x2560xf32> to vector<64x2560xf32>
    %mul3A_193 = arith.mulf %mul3A_192, %slice3A_191 : vector<64x2560xf32>
    %add3A_194 = arith.addf %add3A_189, %mul3A_193 : vector<64x2560xf32>
    %slice3A_195 = vector.extract_strided_slice %max3A_42 {offsets = [29, 0], sizes = [1, 2560], strides = [1, 1]} : vector<32x2560xf32> to vector<1x2560xf32>
    %slice3A_196 = vector.extract_strided_slice %dot_general3A_49 {offsets = [1920, 0], sizes = [64, 2560], strides = [1, 1]} : vector<2112x2560xf32> to vector<64x2560xf32>
    %mul3A_197 = vector.broadcast %slice3A_195 : vector<1x2560xf32> to vector<64x2560xf32>
    %mul3A_198 = arith.mulf %mul3A_197, %slice3A_196 : vector<64x2560xf32>
    %add3A_199 = arith.addf %add3A_194, %mul3A_198 : vector<64x2560xf32>
    %slice3A_200 = vector.extract_strided_slice %max3A_42 {offsets = [30, 0], sizes = [1, 2560], strides = [1, 1]} : vector<32x2560xf32> to vector<1x2560xf32>
    %slice3A_201 = vector.extract_strided_slice %dot_general3A_49 {offsets = [1984, 0], sizes = [64, 2560], strides = [1, 1]} : vector<2112x2560xf32> to vector<64x2560xf32>
    %mul3A_202 = vector.broadcast %slice3A_200 : vector<1x2560xf32> to vector<64x2560xf32>
    %mul3A_203 = arith.mulf %mul3A_202, %slice3A_201 : vector<64x2560xf32>
    %add3A_204 = arith.addf %add3A_199, %mul3A_203 : vector<64x2560xf32>
    %slice3A_205 = vector.extract_strided_slice %max3A_42 {offsets = [31, 0], sizes = [1, 2560], strides = [1, 1]} : vector<32x2560xf32> to vector<1x2560xf32>
    %slice3A_206 = vector.extract_strided_slice %dot_general3A_49 {offsets = [2048, 0], sizes = [64, 2560], strides = [1, 1]} : vector<2112x2560xf32> to vector<64x2560xf32>
    %mul3A_207 = vector.broadcast %slice3A_205 : vector<1x2560xf32> to vector<64x2560xf32>
    %mul3A_208 = arith.mulf %mul3A_207, %slice3A_206 : vector<64x2560xf32>
    %add3A_209 = arith.addf %add3A_204, %mul3A_208 : vector<64x2560xf32>
    %transpose3A = tpu.transpose %add3A_209, [1, 0] : vector<64x2560xf32> -> vector<2560x64xf32>
    %swap3A = arith.constant 0 : index
    %swap3A_210 = arith.constant 0 : index
    %swap3A_211 = vector.load %arg6[%swap3A, %swap3A_210] : memref<2560x64xf32, #tpu.memory_space<vmem>>, vector<2560x64xf32>
    tpu.vector_store %arg6[%swap3A, %swap3A_210], %transpose3A {strides = array<i32>} : memref<2560x64xf32, #tpu.memory_space<vmem>>, vector<2560x64xf32>,
    return
  }
  func.func @transform_0(%arg0: i32) -> (i32, i32) {
    %c0_i32 = arith.constant 0 : i32
    %c0_i32_0 = arith.constant 0 : i32
    return %arg0, %c0_i32 : i32, i32
  }
  func.func @transform_1(%arg0: i32) -> (i32, i32) {
    %c0_i32 = arith.constant 0 : i32
    %c0_i32_0 = arith.constant 0 : i32
    return %c0_i32, %arg0 : i32, i32
  }
  func.func @transform_2(%arg0: i32) -> (i32, i32) {
    %c0_i32 = arith.constant 0 : i32
    %c0_i32_0 = arith.constant 0 : i32
    %c0_i32_1 = arith.constant 0 : i32
    return %c0_i32, %c0_i32_0 : i32, i32
  }
  func.func @transform_3(%arg0: i32) -> (i32, i32) {
    %c0_i32 = arith.constant 0 : i32
    %c0_i32_0 = arith.constant 0 : i32
    %c0_i32_1 = arith.constant 0 : i32
    return %c0_i32, %c0_i32_0 : i32, i32
  }
  func.func @transform_4(%arg0: i32) -> (i32, i32) {
    %c0_i32 = arith.constant 0 : i32
    %c0_i32_0 = arith.constant 0 : i32
    %c0_i32_1 = arith.constant 0 : i32
    return %c0_i32, %c0_i32_0 : i32, i32
  }
  func.func @transform_5(%arg0: i32) -> (i32, i32) {
    %c0_i32 = arith.constant 0 : i32
    %c0_i32_0 = arith.constant 0 : i32
    return %arg0, %c0_i32 : i32, i32
  }
}

module attributes {stable_mosaic.version = 14 : i64} {
  func.func @_msg_body(%arg0: i32, %arg1: memref<2560x128xf32, #tpu.memory_space<vmem>>, %arg2: memref<4x2560xf32, #tpu.memory_space<vmem>>, %arg3: memref<32x4xf32, #tpu.memory_space<vmem>>, %arg4: memref<32x1xf32, #tpu.memory_space<vmem>>, %arg5: memref<128x2112xbf16, #tpu.memory_space<vmem>>, %arg6: memref<2560x64xf32, #tpu.memory_space<vmem>>) attributes {dimension_semantics = [#tpu.dimension_semantics<arbitrary>], iteration_bounds = array<i64: 61>, scalar_prefetch = 0 : i64, scratch_operands = 0 : i64, tpu.core_type = #tpu.core_type<tc>, window_params = [{transform_indices = @transform_0, window_bounds = array<i64: 2560, 128>}, {transform_indices = @transform_1, window_bounds = array<i64: 4, 2560>}, {pipeline_mode = #tpu.pipeline_mode<synchronous>, transform_indices = @transform_2, window_bounds = array<i64: 32, 4>}, {pipeline_mode = #tpu.pipeline_mode<synchronous>, transform_indices = @transform_3, window_bounds = array<i64: 32, 1>}, {pipeline_mode = #tpu.pipeline_mode<synchronous>, transform_indices = @transform_4, window_bounds = array<i64: 128, 2112>}, {transform_indices = @transform_5, window_bounds = array<i64: 2560, 64>}]} {
    %get3A = arith.constant 0 : index
    %get3A_0 = arith.constant 0 : index
    %get3A_1 = vector.load %arg4[%get3A, %get3A_0] : memref<32x1xf32, #tpu.memory_space<vmem>>, vector<32x1xf32>
    %broadcast_in_dim3A = vector.shape_cast %get3A_1 : vector<32x1xf32> to vector<32x1xf32>
    %broadcast_in_dim3A_2 = vector.broadcast %broadcast_in_dim3A : vector<32x1xf32> to vector<32x2560xf32>
    %get3A_3 = arith.constant 0 : index
    %get3A_4 = arith.constant 0 : index
    %get3A_5 = vector.load %arg3[%get3A_3, %get3A_4] : memref<32x4xf32, #tpu.memory_space<vmem>>, vector<32x1xf32>
    %get3A_6 = arith.constant 0 : index
    %get3A_7 = arith.constant 0 : index
    %get3A_8 = vector.load %arg2[%get3A_6, %get3A_7] : memref<4x2560xf32, #tpu.memory_space<vmem>>, vector<1x2560xf32>
    %mul3A = vector.broadcast %get3A_5 : vector<32x1xf32> to vector<32x2560xf32>
    %mul3A_9 = vector.broadcast %get3A_8 : vector<1x2560xf32> to vector<32x2560xf32>
    %mul3A_10 = arith.mulf %mul3A, %mul3A_9 : vector<32x2560xf32>
    %add3A = arith.addf %broadcast_in_dim3A_2, %mul3A_10 : vector<32x2560xf32>
    %get3A_11 = arith.constant 0 : index
    %get3A_12 = arith.constant 1 : index
    %get3A_13 = vector.load %arg3[%get3A_11, %get3A_12] : memref<32x4xf32, #tpu.memory_space<vmem>>, vector<32x1xf32>
    %get3A_14 = arith.constant 1 : index
    %get3A_15 = arith.constant 0 : index
    %get3A_16 = vector.load %arg2[%get3A_14, %get3A_15] : memref<4x2560xf32, #tpu.memory_space<vmem>>, vector<1x2560xf32>
    %mul3A_17 = vector.broadcast %get3A_13 : vector<32x1xf32> to vector<32x2560xf32>
    %mul3A_18 = vector.broadcast %get3A_16 : vector<1x2560xf32> to vector<32x2560xf32>
    %mul3A_19 = arith.mulf %mul3A_17, %mul3A_18 : vector<32x2560xf32>
    %add3A_20 = arith.addf %add3A, %mul3A_19 : vector<32x2560xf32>
    %get3A_21 = arith.constant 0 : index
    %get3A_22 = arith.constant 2 : index
    %get3A_23 = vector.load %arg3[%get3A_21, %get3A_22] : memref<32x4xf32, #tpu.memory_space<vmem>>, vector<32x1xf32>
    %get3A_24 = arith.constant 2 : index
    %get3A_25 = arith.constant 0 : index
    %get3A_26 = vector.load %arg2[%get3A_24, %get3A_25] : memref<4x2560xf32, #tpu.memory_space<vmem>>, vector<1x2560xf32>
    %mul3A_27 = vector.broadcast %get3A_23 : vector<32x1xf32> to vector<32x2560xf32>
    %mul3A_28 = vector.broadcast %get3A_26 : vector<1x2560xf32> to vector<32x2560xf32>
    %mul3A_29 = arith.mulf %mul3A_27, %mul3A_28 : vector<32x2560xf32>
    %add3A_30 = arith.addf %add3A_20, %mul3A_29 : vector<32x2560xf32>
    %get3A_31 = arith.constant 0 : index
    %get3A_32 = arith.constant 3 : index
    %get3A_33 = vector.load %arg3[%get3A_31, %get3A_32] : memref<32x4xf32, #tpu.memory_space<vmem>>, vector<32x1xf32>
    %get3A_34 = arith.constant 3 : index
    %get3A_35 = arith.constant 0 : index
    %get3A_36 = vector.load %arg2[%get3A_34, %get3A_35] : memref<4x2560xf32, #tpu.memory_space<vmem>>, vector<1x2560xf32>
    %mul3A_37 = vector.broadcast %get3A_33 : vector<32x1xf32> to vector<32x2560xf32>
    %mul3A_38 = vector.broadcast %get3A_36 : vector<1x2560xf32> to vector<32x2560xf32>
    %mul3A_39 = arith.mulf %mul3A_37, %mul3A_38 : vector<32x2560xf32>
    %add3A_40 = arith.addf %add3A_30, %mul3A_39 : vector<32x2560xf32>
    %max3A = arith.constant 0.000000e+00 : f32
    %max3A_41 = vector.broadcast %max3A : f32 to vector<32x2560xf32>
    %max3A_42 = arith.maximumf %add3A_40, %max3A_41 : vector<32x2560xf32>
    %get3A_43 = arith.constant 0 : index
    %get3A_44 = arith.constant 0 : index
    %get3A_45 = vector.load %arg1[%get3A_43, %get3A_44] : memref<2560x128xf32, #tpu.memory_space<vmem>>, vector<2560x128xf32>
    %convert_element_type3A = arith.truncf %get3A_45 : vector<2560x128xf32> to vector<2560x128xbf16>
    %get3A_46 = arith.constant 0 : index
    %get3A_47 = arith.constant 0 : index
    %get3A_48 = vector.load %arg5[%get3A_46, %get3A_47] : memref<128x2112xbf16, #tpu.memory_space<vmem>>, vector<128x2112xbf16>
    %dot_general3A = arith.constant dense<0.000000e+00> : vector<2112x2560xf32>
    %dot_general3A_49 = tpu.matmul %get3A_48, %convert_element_type3A, %dot_general3A {dimension_numbers = #tpu.dot_dimension_numbers<[0], [1], [1], [0], [0, 1, 1, 0], [], []>, transpose_lhs_hint = false} : vector<128x2112xbf16>, vector<2560x128xbf16>, vector<2112x2560xf32> -> vector<2112x2560xf32>
    %slice3A = vector.extract_strided_slice %dot_general3A_49 {offsets = [0, 0], sizes = [64, 2560], strides = [1, 1]} : vector<2112x2560xf32> to vector<64x2560xf32>
    %slice3A_50 = vector.extract_strided_slice %max3A_42 {offsets = [0, 0], sizes = [1, 2560], strides = [1, 1]} : vector<32x2560xf32> to vector<1x2560xf32>
    %slice3A_51 = vector.extract_strided_slice %dot_general3A_49 {offsets = [64, 0], sizes = [64, 2560], strides = [1, 1]} : vector<2112x2560xf32> to vector<64x2560xf32>
    %mul3A_52 = vector.broadcast %slice3A_50 : vector<1x2560xf32> to vector<64x2560xf32>
    %mul3A_53 = arith.mulf %mul3A_52, %slice3A_51 : vector<64x2560xf32>
    %add3A_54 = arith.addf %slice3A, %mul3A_53 : vector<64x2560xf32>
    %slice3A_55 = vector.extract_strided_slice %max3A_42 {offsets = [1, 0], sizes = [1, 2560], strides = [1, 1]} : vector<32x2560xf32> to vector<1x2560xf32>
    %slice3A_56 = vector.extract_strided_slice %dot_general3A_49 {offsets = [128, 0], sizes = [64, 2560], strides = [1, 1]} : vector<2112x2560xf32> to vector<64x2560xf32>
    %mul3A_57 = vector.broadcast %slice3A_55 : vector<1x2560xf32> to vector<64x2560xf32>
    %mul3A_58 = arith.mulf %mul3A_57, %slice3A_56 : vector<64x2560xf32>
    %add3A_59 = arith.addf %add3A_54, %mul3A_58 : vector<64x2560xf32>
    %slice3A_60 = vector.extract_strided_slice %max3A_42 {offsets = [2, 0], sizes = [1, 2560], strides = [1, 1]} : vector<32x2560xf32> to vector<1x2560xf32>
    %slice3A_61 = vector.extract_strided_slice %dot_general3A_49 {offsets = [192, 0], sizes = [64, 2560], strides = [1, 1]} : vector<2112x2560xf32> to vector<64x2560xf32>
    %mul3A_62 = vector.broadcast %slice3A_60 : vector<1x2560xf32> to vector<64x2560xf32>
    %mul3A_63 = arith.mulf %mul3A_62, %slice3A_61 : vector<64x2560xf32>
    %add3A_64 = arith.addf %add3A_59, %mul3A_63 : vector<64x2560xf32>
    %slice3A_65 = vector.extract_strided_slice %max3A_42 {offsets = [3, 0], sizes = [1, 2560], strides = [1, 1]} : vector<32x2560xf32> to vector<1x2560xf32>
    %slice3A_66 = vector.extract_strided_slice %dot_general3A_49 {offsets = [256, 0], sizes = [64, 2560], strides = [1, 1]} : vector<2112x2560xf32> to vector<64x2560xf32>
    %mul3A_67 = vector.broadcast %slice3A_65 : vector<1x2560xf32> to vector<64x2560xf32>
    %mul3A_68 = arith.mulf %mul3A_67, %slice3A_66 : vector<64x2560xf32>
    %add3A_69 = arith.addf %add3A_64, %mul3A_68 : vector<64x2560xf32>
    %slice3A_70 = vector.extract_strided_slice %max3A_42 {offsets = [4, 0], sizes = [1, 2560], strides = [1, 1]} : vector<32x2560xf32> to vector<1x2560xf32>
    %slice3A_71 = vector.extract_strided_slice %dot_general3A_49 {offsets = [320, 0], sizes = [64, 2560], strides = [1, 1]} : vector<2112x2560xf32> to vector<64x2560xf32>
    %mul3A_72 = vector.broadcast %slice3A_70 : vector<1x2560xf32> to vector<64x2560xf32>
    %mul3A_73 = arith.mulf %mul3A_72, %slice3A_71 : vector<64x2560xf32>
    %add3A_74 = arith.addf %add3A_69, %mul3A_73 : vector<64x2560xf32>
    %slice3A_75 = vector.extract_strided_slice %max3A_42 {offsets = [5, 0], sizes = [1, 2560], strides = [1, 1]} : vector<32x2560xf32> to vector<1x2560xf32>
    %slice3A_76 = vector.extract_strided_slice %dot_general3A_49 {offsets = [384, 0], sizes = [64, 2560], strides = [1, 1]} : vector<2112x2560xf32> to vector<64x2560xf32>
    %mul3A_77 = vector.broadcast %slice3A_75 : vector<1x2560xf32> to vector<64x2560xf32>
    %mul3A_78 = arith.mulf %mul3A_77, %slice3A_76 : vector<64x2560xf32>
    %add3A_79 = arith.addf %add3A_74, %mul3A_78 : vector<64x2560xf32>
    %slice3A_80 = vector.extract_strided_slice %max3A_42 {offsets = [6, 0], sizes = [1, 2560], strides = [1, 1]} : vector<32x2560xf32> to vector<1x2560xf32>
    %slice3A_81 = vector.extract_strided_slice %dot_general3A_49 {offsets = [448, 0], sizes = [64, 2560], strides = [1, 1]} : vector<2112x2560xf32> to vector<64x2560xf32>
    %mul3A_82 = vector.broadcast %slice3A_80 : vector<1x2560xf32> to vector<64x2560xf32>
    %mul3A_83 = arith.mulf %mul3A_82, %slice3A_81 : vector<64x2560xf32>
    %add3A_84 = arith.addf %add3A_79, %mul3A_83 : vector<64x2560xf32>
    %slice3A_85 = vector.extract_strided_slice %max3A_42 {offsets = [7, 0], sizes = [1, 2560], strides = [1, 1]} : vector<32x2560xf32> to vector<1x2560xf32>
    %slice3A_86 = vector.extract_strided_slice %dot_general3A_49 {offsets = [512, 0], sizes = [64, 2560], strides = [1, 1]} : vector<2112x2560xf32> to vector<64x2560xf32>
    %mul3A_87 = vector.broadcast %slice3A_85 : vector<1x2560xf32> to vector<64x2560xf32>
    %mul3A_88 = arith.mulf %mul3A_87, %slice3A_86 : vector<64x2560xf32>
    %add3A_89 = arith.addf %add3A_84, %mul3A_88 : vector<64x2560xf32>
    %slice3A_90 = vector.extract_strided_slice %max3A_42 {offsets = [8, 0], sizes = [1, 2560], strides = [1, 1]} : vector<32x2560xf32> to vector<1x2560xf32>
    %slice3A_91 = vector.extract_strided_slice %dot_general3A_49 {offsets = [576, 0], sizes = [64, 2560], strides = [1, 1]} : vector<2112x2560xf32> to vector<64x2560xf32>
    %mul3A_92 = vector.broadcast %slice3A_90 : vector<1x2560xf32> to vector<64x2560xf32>
    %mul3A_93 = arith.mulf %mul3A_92, %slice3A_91 : vector<64x2560xf32>
    %add3A_94 = arith.addf %add3A_89, %mul3A_93 : vector<64x2560xf32>
    %slice3A_95 = vector.extract_strided_slice %max3A_42 {offsets = [9, 0], sizes = [1, 2560], strides = [1, 1]} : vector<32x2560xf32> to vector<1x2560xf32>
    %slice3A_96 = vector.extract_strided_slice %dot_general3A_49 {offsets = [640, 0], sizes = [64, 2560], strides = [1, 1]} : vector<2112x2560xf32> to vector<64x2560xf32>
    %mul3A_97 = vector.broadcast %slice3A_95 : vector<1x2560xf32> to vector<64x2560xf32>
    %mul3A_98 = arith.mulf %mul3A_97, %slice3A_96 : vector<64x2560xf32>
    %add3A_99 = arith.addf %add3A_94, %mul3A_98 : vector<64x2560xf32>
    %slice3A_100 = vector.extract_strided_slice %max3A_42 {offsets = [10, 0], sizes = [1, 2560], strides = [1, 1]} : vector<32x2560xf32> to vector<1x2560xf32>
    %slice3A_101 = vector.extract_strided_slice %dot_general3A_49 {offsets = [704, 0], sizes = [64, 2560], strides = [1, 1]} : vector<2112x2560xf32> to vector<64x2560xf32>
    %mul3A_102 = vector.broadcast %slice3A_100 : vector<1x2560xf32> to vector<64x2560xf32>
    %mul3A_103 = arith.mulf %mul3A_102, %slice3A_101 : vector<64x2560xf32>
    %add3A_104 = arith.addf %add3A_99, %mul3A_103 : vector<64x2560xf32>
    %slice3A_105 = vector.extract_strided_slice %max3A_42 {offsets = [11, 0], sizes = [1, 2560], strides = [1, 1]} : vector<32x2560xf32> to vector<1x2560xf32>
    %slice3A_106 = vector.extract_strided_slice %dot_general3A_49 {offsets = [768, 0], sizes = [64, 2560], strides = [1, 1]} : vector<2112x2560xf32> to vector<64x2560xf32>
    %mul3A_107 = vector.broadcast %slice3A_105 : vector<1x2560xf32> to vector<64x2560xf32>
    %mul3A_108 = arith.mulf %mul3A_107, %slice3A_106 : vector<64x2560xf32>
    %add3A_109 = arith.addf %add3A_104, %mul3A_108 : vector<64x2560xf32>
    %slice3A_110 = vector.extract_strided_slice %max3A_42 {offsets = [12, 0], sizes = [1, 2560], strides = [1, 1]} : vector<32x2560xf32> to vector<1x2560xf32>
    %slice3A_111 = vector.extract_strided_slice %dot_general3A_49 {offsets = [832, 0], sizes = [64, 2560], strides = [1, 1]} : vector<2112x2560xf32> to vector<64x2560xf32>
    %mul3A_112 = vector.broadcast %slice3A_110 : vector<1x2560xf32> to vector<64x2560xf32>
    %mul3A_113 = arith.mulf %mul3A_112, %slice3A_111 : vector<64x2560xf32>
    %add3A_114 = arith.addf %add3A_109, %mul3A_113 : vector<64x2560xf32>
    %slice3A_115 = vector.extract_strided_slice %max3A_42 {offsets = [13, 0], sizes = [1, 2560], strides = [1, 1]} : vector<32x2560xf32> to vector<1x2560xf32>
    %slice3A_116 = vector.extract_strided_slice %dot_general3A_49 {offsets = [896, 0], sizes = [64, 2560], strides = [1, 1]} : vector<2112x2560xf32> to vector<64x2560xf32>
    %mul3A_117 = vector.broadcast %slice3A_115 : vector<1x2560xf32> to vector<64x2560xf32>
    %mul3A_118 = arith.mulf %mul3A_117, %slice3A_116 : vector<64x2560xf32>
    %add3A_119 = arith.addf %add3A_114, %mul3A_118 : vector<64x2560xf32>
    %slice3A_120 = vector.extract_strided_slice %max3A_42 {offsets = [14, 0], sizes = [1, 2560], strides = [1, 1]} : vector<32x2560xf32> to vector<1x2560xf32>
    %slice3A_121 = vector.extract_strided_slice %dot_general3A_49 {offsets = [960, 0], sizes = [64, 2560], strides = [1, 1]} : vector<2112x2560xf32> to vector<64x2560xf32>
    %mul3A_122 = vector.broadcast %slice3A_120 : vector<1x2560xf32> to vector<64x2560xf32>
    %mul3A_123 = arith.mulf %mul3A_122, %slice3A_121 : vector<64x2560xf32>
    %add3A_124 = arith.addf %add3A_119, %mul3A_123 : vector<64x2560xf32>
    %slice3A_125 = vector.extract_strided_slice %max3A_42 {offsets = [15, 0], sizes = [1, 2560], strides = [1, 1]} : vector<32x2560xf32> to vector<1x2560xf32>
    %slice3A_126 = vector.extract_strided_slice %dot_general3A_49 {offsets = [1024, 0], sizes = [64, 2560], strides = [1, 1]} : vector<2112x2560xf32> to vector<64x2560xf32>
    %mul3A_127 = vector.broadcast %slice3A_125 : vector<1x2560xf32> to vector<64x2560xf32>
    %mul3A_128 = arith.mulf %mul3A_127, %slice3A_126 : vector<64x2560xf32>
    %add3A_129 = arith.addf %add3A_124, %mul3A_128 : vector<64x2560xf32>
    %slice3A_130 = vector.extract_strided_slice %max3A_42 {offsets = [16, 0], sizes = [1, 2560], strides = [1, 1]} : vector<32x2560xf32> to vector<1x2560xf32>
    %slice3A_131 = vector.extract_strided_slice %dot_general3A_49 {offsets = [1088, 0], sizes = [64, 2560], strides = [1, 1]} : vector<2112x2560xf32> to vector<64x2560xf32>
    %mul3A_132 = vector.broadcast %slice3A_130 : vector<1x2560xf32> to vector<64x2560xf32>
    %mul3A_133 = arith.mulf %mul3A_132, %slice3A_131 : vector<64x2560xf32>
    %add3A_134 = arith.addf %add3A_129, %mul3A_133 : vector<64x2560xf32>
    %slice3A_135 = vector.extract_strided_slice %max3A_42 {offsets = [17, 0], sizes = [1, 2560], strides = [1, 1]} : vector<32x2560xf32> to vector<1x2560xf32>
    %slice3A_136 = vector.extract_strided_slice %dot_general3A_49 {offsets = [1152, 0], sizes = [64, 2560], strides = [1, 1]} : vector<2112x2560xf32> to vector<64x2560xf32>
    %mul3A_137 = vector.broadcast %slice3A_135 : vector<1x2560xf32> to vector<64x2560xf32>
    %mul3A_138 = arith.mulf %mul3A_137, %slice3A_136 : vector<64x2560xf32>
    %add3A_139 = arith.addf %add3A_134, %mul3A_138 : vector<64x2560xf32>
    %slice3A_140 = vector.extract_strided_slice %max3A_42 {offsets = [18, 0], sizes = [1, 2560], strides = [1, 1]} : vector<32x2560xf32> to vector<1x2560xf32>
    %slice3A_141 = vector.extract_strided_slice %dot_general3A_49 {offsets = [1216, 0], sizes = [64, 2560], strides = [1, 1]} : vector<2112x2560xf32> to vector<64x2560xf32>
    %mul3A_142 = vector.broadcast %slice3A_140 : vector<1x2560xf32> to vector<64x2560xf32>
    %mul3A_143 = arith.mulf %mul3A_142, %slice3A_141 : vector<64x2560xf32>
    %add3A_144 = arith.addf %add3A_139, %mul3A_143 : vector<64x2560xf32>
    %slice3A_145 = vector.extract_strided_slice %max3A_42 {offsets = [19, 0], sizes = [1, 2560], strides = [1, 1]} : vector<32x2560xf32> to vector<1x2560xf32>
    %slice3A_146 = vector.extract_strided_slice %dot_general3A_49 {offsets = [1280, 0], sizes = [64, 2560], strides = [1, 1]} : vector<2112x2560xf32> to vector<64x2560xf32>
    %mul3A_147 = vector.broadcast %slice3A_145 : vector<1x2560xf32> to vector<64x2560xf32>
    %mul3A_148 = arith.mulf %mul3A_147, %slice3A_146 : vector<64x2560xf32>
    %add3A_149 = arith.addf %add3A_144, %mul3A_148 : vector<64x2560xf32>
    %slice3A_150 = vector.extract_strided_slice %max3A_42 {offsets = [20, 0], sizes = [1, 2560], strides = [1, 1]} : vector<32x2560xf32> to vector<1x2560xf32>
    %slice3A_151 = vector.extract_strided_slice %dot_general3A_49 {offsets = [1344, 0], sizes = [64, 2560], strides = [1, 1]} : vector<2112x2560xf32> to vector<64x2560xf32>
    %mul3A_152 = vector.broadcast %slice3A_150 : vector<1x2560xf32> to vector<64x2560xf32>
    %mul3A_153 = arith.mulf %mul3A_152, %slice3A_151 : vector<64x2560xf32>
    %add3A_154 = arith.addf %add3A_149, %mul3A_153 : vector<64x2560xf32>
    %slice3A_155 = vector.extract_strided_slice %max3A_42 {offsets = [21, 0], sizes = [1, 2560], strides = [1, 1]} : vector<32x2560xf32> to vector<1x2560xf32>
    %slice3A_156 = vector.extract_strided_slice %dot_general3A_49 {offsets = [1408, 0], sizes = [64, 2560], strides = [1, 1]} : vector<2112x2560xf32> to vector<64x2560xf32>
    %mul3A_157 = vector.broadcast %slice3A_155 : vector<1x2560xf32> to vector<64x2560xf32>
    %mul3A_158 = arith.mulf %mul3A_157, %slice3A_156 : vector<64x2560xf32>
    %add3A_159 = arith.addf %add3A_154, %mul3A_158 : vector<64x2560xf32>
    %slice3A_160 = vector.extract_strided_slice %max3A_42 {offsets = [22, 0], sizes = [1, 2560], strides = [1, 1]} : vector<32x2560xf32> to vector<1x2560xf32>
    %slice3A_161 = vector.extract_strided_slice %dot_general3A_49 {offsets = [1472, 0], sizes = [64, 2560], strides = [1, 1]} : vector<2112x2560xf32> to vector<64x2560xf32>
    %mul3A_162 = vector.broadcast %slice3A_160 : vector<1x2560xf32> to vector<64x2560xf32>
    %mul3A_163 = arith.mulf %mul3A_162, %slice3A_161 : vector<64x2560xf32>
    %add3A_164 = arith.addf %add3A_159, %mul3A_163 : vector<64x2560xf32>
    %slice3A_165 = vector.extract_strided_slice %max3A_42 {offsets = [23, 0], sizes = [1, 2560], strides = [1, 1]} : vector<32x2560xf32> to vector<1x2560xf32>
    %slice3A_166 = vector.extract_strided_slice %dot_general3A_49 {offsets = [1536, 0], sizes = [64, 2560], strides = [1, 1]} : vector<2112x2560xf32> to vector<64x2560xf32>
    %mul3A_167 = vector.broadcast %slice3A_165 : vector<1x2560xf32> to vector<64x2560xf32>
    %mul3A_168 = arith.mulf %mul3A_167, %slice3A_166 : vector<64x2560xf32>
    %add3A_169 = arith.addf %add3A_164, %mul3A_168 : vector<64x2560xf32>
    %slice3A_170 = vector.extract_strided_slice %max3A_42 {offsets = [24, 0], sizes = [1, 2560], strides = [1, 1]} : vector<32x2560xf32> to vector<1x2560xf32>
    %slice3A_171 = vector.extract_strided_slice %dot_general3A_49 {offsets = [1600, 0], sizes = [64, 2560], strides = [1, 1]} : vector<2112x2560xf32> to vector<64x2560xf32>
    %mul3A_172 = vector.broadcast %slice3A_170 : vector<1x2560xf32> to vector<64x2560xf32>
    %mul3A_173 = arith.mulf %mul3A_172, %slice3A_171 : vector<64x2560xf32>
    %add3A_174 = arith.addf %add3A_169, %mul3A_173 : vector<64x2560xf32>
    %slice3A_175 = vector.extract_strided_slice %max3A_42 {offsets = [25, 0], sizes = [1, 2560], strides = [1, 1]} : vector<32x2560xf32> to vector<1x2560xf32>
    %slice3A_176 = vector.extract_strided_slice %dot_general3A_49 {offsets = [1664, 0], sizes = [64, 2560], strides = [1, 1]} : vector<2112x2560xf32> to vector<64x2560xf32>
    %mul3A_177 = vector.broadcast %slice3A_175 : vector<1x2560xf32> to vector<64x2560xf32>
    %mul3A_178 = arith.mulf %mul3A_177, %slice3A_176 : vector<64x2560xf32>
    %add3A_179 = arith.addf %add3A_174, %mul3A_178 : vector<64x2560xf32>
    %slice3A_180 = vector.extract_strided_slice %max3A_42 {offsets = [26, 0], sizes = [1, 2560], strides = [1, 1]} : vector<32x2560xf32> to vector<1x2560xf32>
    %slice3A_181 = vector.extract_strided_slice %dot_general3A_49 {offsets = [1728, 0], sizes = [64, 2560], strides = [1, 1]} : vector<2112x2560xf32> to vector<64x2560xf32>
    %mul3A_182 = vector.broadcast %slice3A_180 : vector<1x2560xf32> to vector<64x2560xf32>
    %mul3A_183 = arith.mulf %mul3A_182, %slice3A_181 : vector<64x2560xf32>
    %add3A_184 = arith.addf %add3A_179, %mul3A_183 : vector<64x2560xf32>
    %slice3A_185 = vector.extract_strided_slice %max3A_42 {offsets = [27, 0], sizes = [1, 2560], strides = [1, 1]} : vector<32x2560xf32> to vector<1x2560xf32>
    %slice3A_186 = vector.extract_strided_slice %dot_general3A_49 {offsets = [1792, 0], sizes = [64, 2560], strides = [1, 1]} : vector<2112x2560xf32> to vector<64x2560xf32>
    %mul3A_187 = vector.broadcast %slice3A_185 : vector<1x2560xf32> to vector<64x2560xf32>
    %mul3A_188 = arith.mulf %mul3A_187, %slice3A_186 : vector<64x2560xf32>
    %add3A_189 = arith.addf %add3A_184, %mul3A_188 : vector<64x2560xf32>
    %slice3A_190 = vector.extract_strided_slice %max3A_42 {offsets = [28, 0], sizes = [1, 2560], strides = [1, 1]} : vector<32x2560xf32> to vector<1x2560xf32>
    %slice3A_191 = vector.extract_strided_slice %dot_general3A_49 {offsets = [1856, 0], sizes = [64, 2560], strides = [1, 1]} : vector<2112x2560xf32> to vector<64x2560xf32>
    %mul3A_192 = vector.broadcast %slice3A_190 : vector<1x2560xf32> to vector<64x2560xf32>
    %mul3A_193 = arith.mulf %mul3A_192, %slice3A_191 : vector<64x2560xf32>
    %add3A_194 = arith.addf %add3A_189, %mul3A_193 : vector<64x2560xf32>
    %slice3A_195 = vector.extract_strided_slice %max3A_42 {offsets = [29, 0], sizes = [1, 2560], strides = [1, 1]} : vector<32x2560xf32> to vector<1x2560xf32>
    %slice3A_196 = vector.extract_strided_slice %dot_general3A_49 {offsets = [1920, 0], sizes = [64, 2560], strides = [1, 1]} : vector<2112x2560xf32> to vector<64x2560xf32>
    %mul3A_197 = vector.broadcast %slice3A_195 : vector<1x2560xf32> to vector<64x2560xf32>
    %mul3A_198 = arith.mulf %mul3A_197, %slice3A_196 : vector<64x2560xf32>
    %add3A_199 = arith.addf %add3A_194, %mul3A_198 : vector<64x2560xf32>
    %slice3A_200 = vector.extract_strided_slice %max3A_42 {offsets = [30, 0], sizes = [1, 2560], strides = [1, 1]} : vector<32x2560xf32> to vector<1x2560xf32>
    %slice3A_201 = vector.extract_strided_slice %dot_general3A_49 {offsets = [1984, 0], sizes = [64, 2560], strides = [1, 1]} : vector<2112x2560xf32> to vector<64x2560xf32>
    %mul3A_202 = vector.broadcast %slice3A_200 : vector<1x2560xf32> to vector<64x2560xf32>
    %mul3A_203 = arith.mulf %mul3A_202, %slice3A_201 : vector<64x2560xf32>
    %add3A_204 = arith.addf %add3A_199, %mul3A_203 : vector<64x2560xf32>
    %slice3A_205 = vector.extract_strided_slice %max3A_42 {offsets = [31, 0], sizes = [1, 2560], strides = [1, 1]} : vector<32x2560xf32> to vector<1x2560xf32>
    %slice3A_206 = vector.extract_strided_slice %dot_general3A_49 {offsets = [2048, 0], sizes = [64, 2560], strides = [1, 1]} : vector<2112x2560xf32> to vector<64x2560xf32>
    %mul3A_207 = vector.broadcast %slice3A_205 : vector<1x2560xf32> to vector<64x2560xf32>
    %mul3A_208 = arith.mulf %mul3A_207, %slice3A_206 : vector<64x2560xf32>
    %add3A_209 = arith.addf %add3A_204, %mul3A_208 : vector<64x2560xf32>
    %transpose3A = tpu.transpose %add3A_209, [1, 0] : vector<64x2560xf32> -> vector<2560x64xf32>
    %swap3A = arith.constant 0 : index
    %swap3A_210 = arith.constant 0 : index
    %swap3A_211 = vector.load %arg6[%swap3A, %swap3A_210] : memref<2560x64xf32, #tpu.memory_space<vmem>>, vector<2560x64xf32>
    tpu.vector_store %arg6[%swap3A, %swap3A_210], %transpose3A {strides = array<i32>} : memref<2560x64xf32, #tpu.memory_space<vmem>>, vector<2560x64xf32>,
    return
  }
  func.func @transform_0(%arg0: i32) -> (i32, i32) {
    %c0_i32 = arith.constant 0 : i32
    %c0_i32_0 = arith.constant 0 : i32
    return %arg0, %c0_i32 : i32, i32
  }
  func.func @transform_1(%arg0: i32) -> (i32, i32) {
    %c0_i32 = arith.constant 0 : i32
    %c0_i32_0 = arith.constant 0 : i32
    return %c0_i32, %arg0 : i32, i32
  }
  func.func @transform_2(%arg0: i32) -> (i32, i32) {
    %c0_i32 = arith.constant 0 : i32
    %c0_i32_0 = arith.constant 0 : i32
    %c0_i32_1 = arith.constant 0 : i32
    return %c0_i32, %c0_i32_0 : i32, i32
  }
  func.func @transform_3(%arg0: i32) -> (i32, i32) {
    %c0_i32 = arith.constant 0 : i32
    %c0_i32_0 = arith.constant 0 : i32
    %c0_i32_1 = arith.constant 0 : i32
    return %c0_i32, %c0_i32_0 : i32, i32
  }
  func.func @transform_4(%arg0: i32) -> (i32, i32) {
    %c0_i32 = arith.constant 0 : i32
    %c0_i32_0 = arith.constant 0 : i32
    %c0_i32_1 = arith.constant 0 : i32
    return %c0_i32, %c0_i32_0 : i32, i32
  }
  func.func @transform_5(%arg0: i32) -> (i32, i32) {
    %c0_i32 = arith.constant 0 : i32
    %c0_i32_0 = arith.constant 0 : i32
    return %arg0, %c0_i32 : i32, i32
  }
}

module attributes {stable_mosaic.version = 14 : i64} {
  func.func @_mid_body(%arg0: memref<2x10000x64xf32, #tpu.memory_space<vmem>>, %arg1: memref<2x10000x64xf32, #tpu.memory_space<vmem>>, %arg2: memref<10000x128xf32, #tpu.memory_space<vmem>>, %arg3: memref<128x64xf32, #tpu.memory_space<vmem>>, %arg4: memref<1x64xf32, #tpu.memory_space<vmem>>, %arg5: memref<64x64xf32, #tpu.memory_space<vmem>>, %arg6: memref<64x1xf32, #tpu.memory_space<vmem>>, %arg7: memref<64x1xf32, #tpu.memory_space<vmem>>, %arg8: memref<10000x64xf32, #tpu.memory_space<vmem>>, %arg9: memref<10000x1xf32, #tpu.memory_space<vmem>>, %arg10: memref<10000x1xf32, #tpu.memory_space<vmem>>, %arg11: memref<1x1xf32, #tpu.memory_space<vmem>>) attributes {dimension_semantics = [], scalar_prefetch = 0 : i64, scratch_operands = 0 : i64, tpu.core_type = #tpu.core_type<tc>} {
    %get3A = arith.constant 0 : index
    %get3A_0 = arith.constant 0 : index
    %get3A_1 = arith.constant 0 : index
    %get3A_2 = vector.load %arg0[%get3A, %get3A_0, %get3A_1] : memref<2x10000x64xf32, #tpu.memory_space<vmem>>, vector<1x10000x64xf32>
    %get3A_3 = vector.shape_cast %get3A_2 : vector<1x10000x64xf32> to vector<10000x64xf32>
    %get3A_4 = arith.constant 1 : index
    %get3A_5 = arith.constant 0 : index
    %get3A_6 = arith.constant 0 : index
    %get3A_7 = vector.load %arg0[%get3A_4, %get3A_5, %get3A_6] : memref<2x10000x64xf32, #tpu.memory_space<vmem>>, vector<1x10000x64xf32>
    %get3A_8 = vector.shape_cast %get3A_7 : vector<1x10000x64xf32> to vector<10000x64xf32>
    %add3A = arith.addf %get3A_3, %get3A_8 : vector<10000x64xf32>
    %get3A_9 = arith.constant 0 : index
    %get3A_10 = arith.constant 0 : index
    %get3A_11 = arith.constant 0 : index
    %get3A_12 = vector.load %arg1[%get3A_9, %get3A_10, %get3A_11] : memref<2x10000x64xf32, #tpu.memory_space<vmem>>, vector<1x10000x64xf32>
    %get3A_13 = vector.shape_cast %get3A_12 : vector<1x10000x64xf32> to vector<10000x64xf32>
    %get3A_14 = arith.constant 1 : index
    %get3A_15 = arith.constant 0 : index
    %get3A_16 = arith.constant 0 : index
    %get3A_17 = vector.load %arg1[%get3A_14, %get3A_15, %get3A_16] : memref<2x10000x64xf32, #tpu.memory_space<vmem>>, vector<1x10000x64xf32>
    %get3A_18 = vector.shape_cast %get3A_17 : vector<1x10000x64xf32> to vector<10000x64xf32>
    %add3A_19 = arith.addf %get3A_13, %get3A_18 : vector<10000x64xf32>
    %add3A_20 = arith.addf %add3A, %add3A_19 : vector<10000x64xf32>
    %get3A_21 = arith.constant 0 : index
    %get3A_22 = arith.constant 0 : index
    %get3A_23 = vector.load %arg2[%get3A_21, %get3A_22] : memref<10000x128xf32, #tpu.memory_space<vmem>>, vector<10000x128xf32>
    %get3A_24 = arith.constant 0 : index
    %get3A_25 = arith.constant 0 : index
    %get3A_26 = vector.load %arg3[%get3A_24, %get3A_25] : memref<128x64xf32, #tpu.memory_space<vmem>>, vector<128x64xf32>
    %dot_general3A = arith.constant dense<0.000000e+00> : vector<10000x64xf32>
    %dot_general3A_27 = tpu.matmul %get3A_23, %get3A_26, %dot_general3A {dimension_numbers = #tpu.dot_dimension_numbers<[1], [0], [0], [1], [0, 0, 1, 1], [], []>, transpose_lhs_hint = false} : vector<10000x128xf32>, vector<128x64xf32>, vector<10000x64xf32> -> vector<10000x64xf32>
    %add3A_28 = arith.addf %add3A_20, %dot_general3A_27 : vector<10000x64xf32>
    %get3A_29 = arith.constant 0 : index
    %get3A_30 = arith.constant 0 : index
    %get3A_31 = vector.load %arg4[%get3A_29, %get3A_30] : memref<1x64xf32, #tpu.memory_space<vmem>>, vector<1x64xf32>
    %add3A_32 = vector.broadcast %get3A_31 : vector<1x64xf32> to vector<10000x64xf32>
    %add3A_33 = arith.addf %add3A_28, %add3A_32 : vector<10000x64xf32>
    %max3A = arith.constant 0.000000e+00 : f32
    %max3A_34 = vector.broadcast %max3A : f32 to vector<10000x64xf32>
    %max3A_35 = arith.maximumf %add3A_33, %max3A_34 : vector<10000x64xf32>
    %get3A_36 = arith.constant 0 : index
    %get3A_37 = arith.constant 0 : index
    %get3A_38 = vector.load %arg5[%get3A_36, %get3A_37] : memref<64x64xf32, #tpu.memory_space<vmem>>, vector<64x64xf32>
    %dot_general3A_39 = arith.constant dense<0.000000e+00> : vector<10000x64xf32>
    %dot_general3A_40 = tpu.matmul %max3A_35, %get3A_38, %dot_general3A_39 {dimension_numbers = #tpu.dot_dimension_numbers<[1], [0], [0], [1], [0, 0, 1, 1], [], []>, transpose_lhs_hint = false} : vector<10000x64xf32>, vector<64x64xf32>, vector<10000x64xf32> -> vector<10000x64xf32>
    %swap3A = arith.constant 0 : index
    %swap3A_41 = arith.constant 0 : index
    %swap3A_42 = vector.load %arg8[%swap3A, %swap3A_41] : memref<10000x64xf32, #tpu.memory_space<vmem>>, vector<10000x64xf32>
    tpu.vector_store %arg8[%swap3A, %swap3A_41], %dot_general3A_40 {strides = array<i32>} : memref<10000x64xf32, #tpu.memory_space<vmem>>, vector<10000x64xf32>,
    %get3A_43 = arith.constant 0 : index
    %get3A_44 = arith.constant 0 : index
    %get3A_45 = vector.load %arg6[%get3A_43, %get3A_44] : memref<64x1xf32, #tpu.memory_space<vmem>>, vector<64x1xf32>
    %dot_general3A_46 = arith.constant dense<0.000000e+00> : vector<10000x1xf32>
    %dot_general3A_47 = tpu.matmul %dot_general3A_40, %get3A_45, %dot_general3A_46 {dimension_numbers = #tpu.dot_dimension_numbers<[1], [0], [0], [1], [0, 0, 1, 1], [], []>, transpose_lhs_hint = false} : vector<10000x64xf32>, vector<64x1xf32>, vector<10000x1xf32> -> vector<10000x1xf32>
    %get3A_48 = arith.constant 0 : index
    %get3A_49 = arith.constant 0 : index
    %get3A_50 = vector.load %arg7[%get3A_48, %get3A_49] : memref<64x1xf32, #tpu.memory_space<vmem>>, vector<64x1xf32>
    %dot_general3A_51 = arith.constant dense<0.000000e+00> : vector<10000x1xf32>
    %dot_general3A_52 = tpu.matmul %dot_general3A_40, %get3A_50, %dot_general3A_51 {dimension_numbers = #tpu.dot_dimension_numbers<[1], [0], [0], [1], [0, 0, 1, 1], [], []>, transpose_lhs_hint = false} : vector<10000x64xf32>, vector<64x1xf32>, vector<10000x1xf32> -> vector<10000x1xf32>
    %swap3A_53 = arith.constant 0 : index
    %swap3A_54 = arith.constant 0 : index
    %swap3A_55 = vector.load %arg9[%swap3A_53, %swap3A_54] : memref<10000x1xf32, #tpu.memory_space<vmem>>, vector<10000x1xf32>
    tpu.vector_store %arg9[%swap3A_53, %swap3A_54], %dot_general3A_47 {strides = array<i32>} : memref<10000x1xf32, #tpu.memory_space<vmem>>, vector<10000x1xf32>,
    %swap3A_56 = arith.constant 0 : index
    %swap3A_57 = arith.constant 0 : index
    %swap3A_58 = vector.load %arg10[%swap3A_56, %swap3A_57] : memref<10000x1xf32, #tpu.memory_space<vmem>>, vector<10000x1xf32>
    tpu.vector_store %arg10[%swap3A_56, %swap3A_57], %dot_general3A_52 {strides = array<i32>} : memref<10000x1xf32, #tpu.memory_space<vmem>>, vector<10000x1xf32>,
    %reduce_max3A = vector.shape_cast %dot_general3A_47 : vector<10000x1xf32> to vector<1x10000x1xf32>
    %reduce_max3A_59 = arith.constant dense<0xFF800000> : vector<1xf32>
    %reduce_max3A_60 = vector.multi_reduction <maximumf>, %reduce_max3A, %reduce_max3A_59 [1, 2] : vector<1x10000x1xf32> to vector<1xf32>
    %reduce_max3A_61 = vector.shape_cast %reduce_max3A_60 : vector<1xf32> to vector<1x1x1xf32>
    %reduce_max3A_62 = vector.extract %reduce_max3A_61[0, 0, 0] : f32 from vector<1x1x1xf32>
    %reduce_max3A_63 = vector.shape_cast %dot_general3A_52 : vector<10000x1xf32> to vector<1x10000x1xf32>
    %reduce_max3A_64 = arith.constant dense<0xFF800000> : vector<1xf32>
    %reduce_max3A_65 = vector.multi_reduction <maximumf>, %reduce_max3A_63, %reduce_max3A_64 [1, 2] : vector<1x10000x1xf32> to vector<1xf32>
    %reduce_max3A_66 = vector.shape_cast %reduce_max3A_65 : vector<1xf32> to vector<1x1x1xf32>
    %reduce_max3A_67 = vector.extract %reduce_max3A_66[0, 0, 0] : f32 from vector<1x1x1xf32>
    %add3A_68 = arith.addf %reduce_max3A_62, %reduce_max3A_67 : f32
    %lt3A = arith.constant 0.000000e+00 : f32
    %lt3A_69 = arith.cmpf olt, %add3A_68, %lt3A : f32
    %mul3A = arith.constant 2.000000e-01 : f32
    %mul3A_70 = arith.mulf %mul3A, %add3A_68 : f32
    %select_n3A = arith.select %lt3A_69, %mul3A_70, %add3A_68 : f32
    %broadcast_in_dim3A = vector.broadcast %select_n3A : f32 to vector<1x1xf32>
    %swap3A_71 = arith.constant 0 : index
    %swap3A_72 = arith.constant 0 : index
    %swap3A_73 = vector.load %arg11[%swap3A_71, %swap3A_72] : memref<1x1xf32, #tpu.memory_space<vmem>>, vector<1x1xf32>
    tpu.vector_store %arg11[%swap3A_71, %swap3A_72], %broadcast_in_dim3A {strides = array<i32>} : memref<1x1xf32, #tpu.memory_space<vmem>>, vector<1x1xf32>,
    return
  }
}

module attributes {stable_mosaic.version = 14 : i64} {
  func.func @_fin_body(%arg0: memref<2x10000x80xf32, #tpu.memory_space<vmem>>, %arg1: memref<10000x64xf32, #tpu.memory_space<vmem>>, %arg2: memref<10000x1xf32, #tpu.memory_space<vmem>>, %arg3: memref<10000x1xf32, #tpu.memory_space<vmem>>, %arg4: memref<1x1xf32, #tpu.memory_space<vmem>>, %arg5: memref<1x64xf32, #tpu.memory_space<vmem>>, %arg6: memref<64x32xf32, #tpu.memory_space<vmem>>, %arg7: memref<1x32xf32, #tpu.memory_space<vmem>>, %arg8: memref<32x1xf32, #tpu.memory_space<vmem>>, %arg9: memref<1x1xf32, #tpu.memory_space<vmem>>, %arg10: memref<1x1xf32, #tpu.memory_space<vmem>>, %arg11: memref<10000x1xf32, #tpu.memory_space<vmem>>, %arg12: memref<10000x1xf32, #tpu.memory_space<vmem>>) attributes {dimension_semantics = [], scalar_prefetch = 0 : i64, scratch_operands = 0 : i64, tpu.core_type = #tpu.core_type<tc>} {
    %get3A = arith.constant 0 : index
    %get3A_0 = arith.constant 0 : index
    %get3A_1 = arith.constant 0 : index
    %get3A_2 = vector.load %arg0[%get3A, %get3A_0, %get3A_1] : memref<2x10000x80xf32, #tpu.memory_space<vmem>>, vector<1x10000x80xf32>
    %get3A_3 = vector.shape_cast %get3A_2 : vector<1x10000x80xf32> to vector<10000x80xf32>
    %get3A_4 = arith.constant 1 : index
    %get3A_5 = arith.constant 0 : index
    %get3A_6 = arith.constant 0 : index
    %get3A_7 = vector.load %arg0[%get3A_4, %get3A_5, %get3A_6] : memref<2x10000x80xf32, #tpu.memory_space<vmem>>, vector<1x10000x80xf32>
    %get3A_8 = vector.shape_cast %get3A_7 : vector<1x10000x80xf32> to vector<10000x80xf32>
    %add3A = arith.addf %get3A_3, %get3A_8 : vector<10000x80xf32>
    %get3A_9 = arith.constant 0 : index
    %get3A_10 = arith.constant 0 : index
    %get3A_11 = vector.load %arg2[%get3A_9, %get3A_10] : memref<10000x1xf32, #tpu.memory_space<vmem>>, vector<10000x1xf32>
    %get3A_12 = arith.constant 0 : index
    %get3A_13 = arith.constant 0 : index
    %get3A_14 = vector.load %arg3[%get3A_12, %get3A_13] : memref<10000x1xf32, #tpu.memory_space<vmem>>, vector<10000x1xf32>
    %add3A_15 = arith.addf %get3A_11, %get3A_14 : vector<10000x1xf32>
    %lt3A = arith.constant 0.000000e+00 : f32
    %lt3A_16 = vector.broadcast %lt3A : f32 to vector<10000x1xf32>
    %lt3A_17 = arith.cmpf olt, %add3A_15, %lt3A_16 : vector<10000x1xf32>
    %mul3A = arith.constant 2.000000e-01 : f32
    %mul3A_18 = vector.broadcast %mul3A : f32 to vector<10000x1xf32>
    %mul3A_19 = arith.mulf %mul3A_18, %add3A_15 : vector<10000x1xf32>
    %select_n3A = arith.select %lt3A_17, %mul3A_19, %add3A_15 : vector<10000x1xi1>, vector<10000x1xf32>
    %get3A_20 = arith.constant 0 : index
    %get3A_21 = arith.constant 0 : index
    %get3A_22 = vector.load %arg4[%get3A_20, %get3A_21] : memref<1x1xf32, #tpu.memory_space<vmem>>, vector<1x1xf32>
    %get3A_23 = vector.extract %get3A_22[0, 0] : f32 from vector<1x1xf32>
    %sub3A = vector.broadcast %get3A_23 : f32 to vector<10000x1xf32>
    %sub3A_24 = arith.subf %select_n3A, %sub3A : vector<10000x1xf32>
    %exp3A = math.exp %sub3A_24 : vector<10000x1xf32>
    %slice3A = vector.extract_strided_slice %add3A {offsets = [0, 64], sizes = [10000, 1], strides = [1, 1]} : vector<10000x80xf32> to vector<10000x1xf32>
    %add3A_25 = arith.addf %slice3A, %exp3A : vector<10000x1xf32>
    %div3A = arith.constant 1.000000e+00 : f32
    %div3A_26 = vector.broadcast %div3A : f32 to vector<10000x1xf32>
    %div3A_27 = arith.divf %div3A_26, %add3A_25 : vector<10000x1xf32>
    %swap3A = arith.constant 0 : index
    %swap3A_28 = arith.constant 0 : index
    %swap3A_29 = vector.load %arg12[%swap3A, %swap3A_28] : memref<10000x1xf32, #tpu.memory_space<vmem>>, vector<10000x1xf32>
    tpu.vector_store %arg12[%swap3A, %swap3A_28], %div3A_27 {strides = array<i32>} : memref<10000x1xf32, #tpu.memory_space<vmem>>, vector<10000x1xf32>,
    %mul3A_30 = arith.mulf %exp3A, %div3A_27 : vector<10000x1xf32>
    %swap3A_31 = arith.constant 0 : index
    %swap3A_32 = arith.constant 0 : index
    %swap3A_33 = vector.load %arg11[%swap3A_31, %swap3A_32] : memref<10000x1xf32, #tpu.memory_space<vmem>>, vector<10000x1xf32>
    tpu.vector_store %arg11[%swap3A_31, %swap3A_32], %mul3A_30 {strides = array<i32>} : memref<10000x1xf32, #tpu.memory_space<vmem>>, vector<10000x1xf32>,
    %slice3A_34 = vector.extract_strided_slice %add3A {offsets = [0, 0], sizes = [10000, 64], strides = [1, 1]} : vector<10000x80xf32> to vector<10000x64xf32>
    %get3A_35 = arith.constant 0 : index
    %get3A_36 = arith.constant 0 : index
    %get3A_37 = vector.load %arg1[%get3A_35, %get3A_36] : memref<10000x64xf32, #tpu.memory_space<vmem>>, vector<10000x64xf32>
    %mul3A_38 = vector.broadcast %exp3A : vector<10000x1xf32> to vector<10000x64xf32>
    %mul3A_39 = arith.mulf %mul3A_38, %get3A_37 : vector<10000x64xf32>
    %add3A_40 = arith.addf %slice3A_34, %mul3A_39 : vector<10000x64xf32>
    %mul3A_41 = vector.broadcast %div3A_27 : vector<10000x1xf32> to vector<10000x64xf32>
    %mul3A_42 = arith.mulf %add3A_40, %mul3A_41 : vector<10000x64xf32>
    %get3A_43 = arith.constant 0 : index
    %get3A_44 = arith.constant 0 : index
    %get3A_45 = vector.load %arg5[%get3A_43, %get3A_44] : memref<1x64xf32, #tpu.memory_space<vmem>>, vector<1x64xf32>
    %add3A_46 = vector.broadcast %get3A_45 : vector<1x64xf32> to vector<10000x64xf32>
    %add3A_47 = arith.addf %mul3A_42, %add3A_46 : vector<10000x64xf32>
    %max3A = arith.constant 0.000000e+00 : f32
    %max3A_48 = vector.broadcast %max3A : f32 to vector<10000x64xf32>
    %max3A_49 = arith.maximumf %add3A_47, %max3A_48 : vector<10000x64xf32>
    %reduce_sum3A = arith.constant dense<0.000000e+00> : vector<64xf32>
    %reduce_sum3A_50 = vector.multi_reduction <add>, %max3A_49, %reduce_sum3A [0] : vector<10000x64xf32> to vector<64xf32>
    %broadcast_in_dim3A = vector.shape_cast %reduce_sum3A_50 : vector<64xf32> to vector<1x64xf32>
    %div3A_51 = arith.constant 1.000000e+04 : f32
    %div3A_52 = vector.broadcast %div3A_51 : f32 to vector<1x64xf32>
    %div3A_53 = arith.divf %broadcast_in_dim3A, %div3A_52 : vector<1x64xf32>
    %get3A_54 = arith.constant 0 : index
    %get3A_55 = arith.constant 0 : index
    %get3A_56 = vector.load %arg6[%get3A_54, %get3A_55] : memref<64x32xf32, #tpu.memory_space<vmem>>, vector<64x32xf32>
    %dot_general3A = arith.constant dense<0.000000e+00> : vector<1x32xf32>
    %dot_general3A_57 = tpu.matmul %div3A_53, %get3A_56, %dot_general3A {dimension_numbers = #tpu.dot_dimension_numbers<[1], [0], [0], [1], [0, 0, 1, 1], [], []>, transpose_lhs_hint = false} : vector<1x64xf32>, vector<64x32xf32>, vector<1x32xf32> -> vector<1x32xf32>
    %get3A_58 = arith.constant 0 : index
    %get3A_59 = arith.constant 0 : index
    %get3A_60 = vector.load %arg7[%get3A_58, %get3A_59] : memref<1x32xf32, #tpu.memory_space<vmem>>, vector<1x32xf32>
    %add3A_61 = arith.addf %dot_general3A_57, %get3A_60 : vector<1x32xf32>
    %max3A_62 = arith.constant 0.000000e+00 : f32
    %max3A_63 = vector.broadcast %max3A_62 : f32 to vector<1x32xf32>
    %max3A_64 = arith.maximumf %add3A_61, %max3A_63 : vector<1x32xf32>
    %get3A_65 = arith.constant 0 : index
    %get3A_66 = arith.constant 0 : index
    %get3A_67 = vector.load %arg8[%get3A_65, %get3A_66] : memref<32x1xf32, #tpu.memory_space<vmem>>, vector<32x1xf32>
    %dot_general3A_68 = arith.constant dense<0.000000e+00> : vector<1x1xf32>
    %dot_general3A_69 = tpu.matmul %max3A_64, %get3A_67, %dot_general3A_68 {dimension_numbers = #tpu.dot_dimension_numbers<[1], [0], [0], [1], [0, 0, 1, 1], [], []>, transpose_lhs_hint = false} : vector<1x32xf32>, vector<32x1xf32>, vector<1x1xf32> -> vector<1x1xf32>
    %get3A_70 = arith.constant 0 : index
    %get3A_71 = arith.constant 0 : index
    %get3A_72 = vector.load %arg9[%get3A_70, %get3A_71] : memref<1x1xf32, #tpu.memory_space<vmem>>, vector<1x1xf32>
    %add3A_73 = arith.addf %dot_general3A_69, %get3A_72 : vector<1x1xf32>
    %logistic3A = arith.negf %add3A_73 : vector<1x1xf32>
    %logistic3A_74 = math.exp %logistic3A : vector<1x1xf32>
    %logistic3A_75 = arith.constant 1.000000e+00 : f32
    %logistic3A_76 = vector.broadcast %logistic3A_75 : f32 to vector<1x1xf32>
    %logistic3A_77 = arith.addf %logistic3A_76, %logistic3A_74 : vector<1x1xf32>
    %logistic3A_78 = arith.divf %logistic3A_76, %logistic3A_77 : vector<1x1xf32>
    %swap3A_79 = arith.constant 0 : index
    %swap3A_80 = arith.constant 0 : index
    %swap3A_81 = vector.load %arg10[%swap3A_79, %swap3A_80] : memref<1x1xf32, #tpu.memory_space<vmem>>, vector<1x1xf32>
    tpu.vector_store %arg10[%swap3A_79, %swap3A_80], %logistic3A_78 {strides = array<i32>} : memref<1x1xf32, #tpu.memory_space<vmem>>, vector<1x1xf32>,
    return
  }
}

</mosaic_0001>

<sc_bundles>
// kernel: kernel.12.cloned.1.call-start
scs
__scs_entry_jumppad:
0x0: {  	(pc) =	sbr.rel $0x88, $3  }
0x1: {  	(tag) =	ssettag $0x0;
	lr =	simm.s32 $0x1  }
0x2: {  	[smem:$0x3F90] =	sst lr;
	_ =	strace $0xD0000000  }
0x3: {  	_ = 	snop  }
0x4: {  	_ = 	snop  }
0x5: {  	_ = 	snop  }
0x6: {  	_ = 	snop  }
0x7: {  	_ = 	snop  }
__scs_overlays_trampoline_lowered:
0x8: {  	[smem:$0x3F9F] =	sst s0  }
0x9: {  	[smem:$0x3FA0] =	sst s1  }
0xa: {  	[smem:$0x3FA1] =	sst s2  }
0xb: {  	[smem:$0x3FA2] =	sst s3  }
0xc: {  	[smem:$0x3FA3] =	sst s4  }
0xd: {  	[smem:$0x3FA4] =	sst s5  }
0xe: {  	[smem:$0x3FA5] =	sst s6  }
0xf: {  	[smem:$0x3FA6] =	sst s7  }
0x10: {  	[smem:$0x3FA7] =	sst s8  }
0x11: {  	[smem:$0x3FA8] =	sst s9;
	s0 =	simm.s32 @!p0 $0x0  }
0x12: {  	s1 =	sld [smem:$0x3F8E];
	s0 =	simm.s32 @p0 $0x1  }
0x13: {  	[smem:$0x3FA9] =	sst s0;
	s0 =	simm.s32 @!p1 $0x0  }
0x14: {  	s2 =	sld [smem:$0x3F8D];
	s0 =	simm.s32 @p1 $0x1  }
0x15: {  	[smem:$0x3FAA] =	sst s0;
	s0 =	simm.s32 @!p2 $0x0  }
0x16: {  	s3 =	sld [smem:$0x3FDB];
	s0 =	simm.s32 @p2 $0x1  }
0x17: {  	s4 =	simm.s32 $0x1BF5;
	[smem:$0x3FAC] =	sst s0  }
0x18: {  	s0 =	sld [smem:$0x3F8F];
	_ =	swait.ge [sflag:s4], $0x0  }
0x19: {  	s7 =	sld [smem:$0x3F90]  }
0x1a: {  	s8 =	sadd.s32 $0xFFFFE003, lr  }
0x1b: {  	s9 =	sadd.s32 $0xFFFFFEF7, lr;
	s5 =	simm.s32 $0xFFFFFFFF;
	p2 =	slt.u32 s8, $0xFFFFF086  }
0x1c: {  	p1 =	slt.u32 s9, $0xF7A;
	s5 =	simm.s32 @!p2 $0x0  }
0x1d: {  	s5 =	simm.s32 @p1 $0x1;
	p0 =	seq.s32 s7, s2  }
0x1e: {  	s7 =	smul.u32 @!p0 $0xF7A, s2;
	p2 =	seq.s32 @!p0 s5, $0x0  }
0x1f: {  	s9 =	smul.u32 $0xF7A, s1;
	s8 =	simm.s32 @!p0 $0x1BF5;
	p2 =	por !p2, p0  }
0x20: {  	[sflag:s8] =	ssyncset.s32 @!p0 $0xFFFFF086;
	s6 =	sadd.s32 @!p0 s3, s7;
	s7 =	simm.s32 @!p0 $0x108  }
0x21: {  	s3 =	sadd.s32 s3, s9;
	s6 =	sadd.s32 @!p0 $0x88, s6;
	s7 =	simm.s32 @p2 $0x1082  }
0x22: {  	[simem:s7], [sflag:s8] =	dma.local @!p0 [hbm:s6], $0xF7A  }
0x23: {  	s9 =	sor.u32 $0xD0000000, s2;
	s6 =	simm.s32 $0x108;
	_ =	swait.ge @!p0 [sflag:s8], $0x0  }
0x24: {  	s3 =	sadd.s32 $0x88, s3;
	s6 =	simm.s32 @!p1 $0x1082;
	[sflag:s4] =	ssyncset.s32 $0xFFFFF086  }
0x25: {  	[simem:s6], [sflag:s4] =	dma.local [hbm:s3], $0xF7A  }
0x26: {  	[smem:$0x3F90] =	sst s1;
	(tag) =	ssettag s2;
	_ =	strace s9  }
0x27: {  	s1 =	sld [smem:$0x3FA0]  }
0x28: {  	s2 =	sld [smem:$0x3FA1]  }
0x29: {  	s4 =	sld [smem:$0x3FA3]  }
0x2a: {  	p0 =	seq.s32 s5, $0x0;
	s5 =	sld [smem:$0x3FA4]  }
0x2b: {  	s6 =	sld [smem:$0x3FA5]  }
0x2c: {  	s7 =	sld [smem:$0x3FA6]  }
0x2d: {  	s3 =	simm.s32 $0x108;
	s8 =	sld [smem:$0x3FA7]  }
0x2e: {  	s3 =	simm.s32 @!p0 $0x1082;
	s9 =	sld [smem:$0x3FA8]  }
0x2f: {  	lr =	sadd.s32 s0, s3;
	s0 =	sld [smem:$0x3F9F]  }
0x30: {  	s3 =	sld [smem:$0x3FA2]  }
0x31: {  	[smem:$0x3FAB] =	sst s10  }
0x32: {  	s10 =	sld [smem:$0x3FA9];
	_ =	sdelay $0x3  }
0x33: {  	p0 =	seq.s32 s10, $0x1;
	s10 =	sld [smem:$0x3FAB];
	_ =	sdelay $0x3  }
0x34: {  	[smem:$0x3FAB] =	sst s10  }
0x35: {  	s10 =	sld [smem:$0x3FAA];
	_ =	sdelay $0x3  }
0x36: {  	p1 =	seq.s32 s10, $0x1;
	s10 =	sld [smem:$0x3FAB];
	_ =	sdelay $0x3  }
0x37: {  	[smem:$0x3FAB] =	sst s10  }
0x38: {  	s10 =	sld [smem:$0x3FAC]  }
0x39: {  	_ = 	snop;
	(pc) =	sbr.ind lr, $3  }
0x3a: {  	_ = 	snop  }
0x3b: {  	_ = 	snop  }
0x3c: {  	p2 =	seq.s32 s10, $0x1;
	s10 =	sld [smem:$0x3FAB]  }
0x3d: {  	_ =	shalt  }
0x3e: {  	_ =	shalt  }
0x3f: {  	_ =	shalt  }
0x40: {  	_ =	shalt  }
0x41: {  	_ =	shalt  }
0x42: {  	_ =	shalt  }
0x43: {  	_ =	shalt  }
0x44: {  	_ =	shalt  }
0x45: {  	_ =	shalt  }
0x46: {  	_ =	shalt  }
0x47: {  	_ =	shalt  }
0x48: {  	_ =	shalt  }
0x49: {  	_ =	shalt  }
0x4a: {  	_ =	shalt  }
0x4b: {  	_ =	shalt  }
0x4c: {  	_ =	shalt  }
0x4d: {  	_ =	shalt  }
0x4e: {  	_ =	shalt  }
0x4f: {  	_ =	shalt  }
0x50: {  	_ =	shalt  }
0x51: {  	_ =	shalt  }
0x52: {  	_ =	shalt  }
0x53: {  	_ =	shalt  }
0x54: {  	_ =	shalt  }
0x55: {  	_ =	shalt  }
0x56: {  	_ =	shalt  }
0x57: {  	_ =	shalt  }
0x58: {  	_ =	shalt  }
0x59: {  	_ =	shalt  }
0x5a: {  	_ =	shalt  }
0x5b: {  	_ =	shalt  }
0x5c: {  	_ =	shalt  }
0x5d: {  	_ =	shalt  }
0x5e: {  	_ =	shalt  }
0x5f: {  	_ =	shalt  }
0x60: {  	_ =	shalt  }
0x61: {  	_ =	shalt  }
0x62: {  	_ =	shalt  }
0x63: {  	_ =	shalt  }
0x64: {  	_ =	shalt  }
0x65: {  	_ =	shalt  }
0x66: {  	_ =	shalt  }
0x67: {  	_ =	shalt  }
0x68: {  	_ =	shalt  }
0x69: {  	_ =	shalt  }
0x6a: {  	_ =	shalt  }
0x6b: {  	_ =	shalt  }
0x6c: {  	_ =	shalt  }
0x6d: {  	_ =	shalt  }
0x6e: {  	_ =	shalt  }
0x6f: {  	_ =	shalt  }
0x70: {  	_ =	shalt  }
0x71: {  	_ =	shalt  }
0x72: {  	_ =	shalt  }
0x73: {  	_ =	shalt  }
0x74: {  	_ =	shalt  }
0x75: {  	_ =	shalt  }
0x76: {  	_ =	shalt  }
0x77: {  	_ =	shalt  }
0x78: {  	_ =	shalt  }
0x79: {  	_ =	shalt  }
0x7a: {  	_ =	shalt  }
0x7b: {  	_ =	shalt  }
0x7c: {  	_ =	shalt  }
0x7d: {  	_ =	shalt  }
0x7e: {  	_ =	shalt  }
0x7f: {  	_ =	shalt  }
0x80: {  	_ =	shalt  }
0x81: {  	_ =	shalt  }
0x82: {  	_ =	shalt  }
0x83: {  	_ =	shalt  }
0x84: {  	_ =	shalt  }
0x85: {  	_ =	shalt  }
0x86: {  	_ =	shalt  }
0x87: {  	_ =	shalt  }
.Lfunc_end0:
.L_simem_size_0:
called_computation_lowered:
.L_overlay_start_0:
0x88: {  	s2 =	sld [smem:$0x3FD9]  }
0x89: {  	s3 =	sld [smem:$0x3FFE];
	_ =	sdelay $0x1  }
0x8a: {  	s1 =	srdreg.scid  }
0x8b: {  	s0 =	sand.u32 $0x1, s1  }
0x8c: {  	s17 =	sshll.u32 s0, $0xA;
	s2 =	sadd.s32 s3, s2  }
0x8d: {  	s2 =	sadd.s32 s2, s17  }
0x8e: {  	[smem:$0x3FB7] =	sst s2  }
0x8f: {  	_ = 	snop  }
0x90: {  	s2 =	sld [smem:$0x3FC9];
	(tm) =	ssettm $0x1  }
0x91: {  	s18 =	sld [smem:$0x3FFB];
	_ =	sdelay $0x3  }
0x92: {  	_ =	strace s18  }
0x93: {  	s3 =	sld [smem:$0x3FFC];
	_ =	sdelay $0x3  }
0x94: {  	_ =	strace s3  }
0x95: {  	s3 =	sld [smem:$0x3FFD];
	_ =	sdelay $0x3  }
0x96: {  	_ =	strace s3  }
0x97: {  	_ =	strace $0x8FFFFFFF  }
0x98: {  	s19 =	sld [smem:$0x3FDB];
	_ =	sdelay $0x1  }
0x99: {  	s4 =	simm.s32 $_scs_section_size  }
0x9a: {  	s5 =	simm.s32 $_size__tile_overlayer_lowered;
	s6 =	simm.s32 $_tile_overlayer_lowered  }
0x9b: {  	s22 =	simm.s32 $0x1BFF;
	s21 =	sshll.u32 s6, $0x1;
	s3 =	sadd.s32 s4, s19  }
0x9c: {  	s7 =	simm.s32 $0x0;
	s20 =	sshll.u32 s5, $0x1;
	s5 =	sadd.s32 s21, s3  }
0x9d: {  	[timem:s7], [sflag:s22] =	dma.local [hbm:s5], s20  }
0x9e: {  	_ =	swait.ge [sflag:s22], s20  }
0x9f: {  	s4 =	ssub.s32 $0x0, s20;
	[sflag:s22] =	ssyncset.done $0x0  }
0xa0: {  	[sflag:s22] =	ssyncadd.s32 s4;
	_ =	sdelay $0x1  }
0xa1: {  	s23 =	simm.s32 $0x1B8B  }
0xa2: {  	_ =	swait.ge [sflag:s23], $0x1  }
0xa3: {  	[sflag:s23] =	ssyncset.done $0x0  }
0xa4: {  	s25 =	simm.s32 $0x1B8E;
	s24 =	sld [smem:$0x3FFE];
	[sflag:s23] =	ssyncadd.s32 $0xFFFFFFFF  }
0xa5: {  	s26 =	simm.s32 $execute0_lowered;
	[smem:$0x3FD2] =	sst s25  }
0xa6: {  	s5 =	sshll.u32 s26, $0x1;
	_ =	strace $0x80000046;
	[dreg:$0x1] =	wrdreg $0xFFFFFFFF  }
0xa7: {  	s28 =	simm.s32 $_size_execute0_lowered;
	s3 =	sadd.s32 s3, s5;
	[dreg:$0x0] =	wrdreg $0x0  }
0xa8: {  	s5 =	sshll.u32 s28, $0x1;
	[dreg:$0x2] =	wrdreg s3  }
0xa9: {  	[dreg:$0x3] =	wrdreg s5  }
0xaa: {  	[dreg:$0x4] =	wrdreg $0xC0  }
0xab: {  	_ =	task [dreg:s7], $0x5FFFF  }
0xac: {  	[dreg:$0x1] =	wrdreg $0xFFFFFFFF  }
0xad: {  	[dreg:$0x0] =	wrdreg $0x60  }
0xae: {  	[dreg:$0x2] =	wrdreg s2  }
0xaf: {  	[dreg:$0x3] =	wrdreg s24  }
0xb0: {  	[dreg:$0x4] =	wrdreg $0xA  }
0xb1: {  	_ =	task.clear_ibuf [dreg:s7], $0x5FFFF;
	_ =	strace $0x90000046  }
0xb2: {  	s29 =	simm.s32 $0xA;
	_ =	strace $0x80000048  }
0xb3: {  	_ =	swait.ge [sflag:s29], $0x1  }
0xb4: {  	[sflag:s29] =	ssyncadd.s32 $0xFFFFFFFF  }
0xb5: {  	_ =	strace $0x90000048  }
0xb6: {  	_ =	sfence  }
0xb7: {  	s30 =	sld [smem:$0x0];
	_ =	sdelay $0x2  }
0xb8: {  	s31 =	sshll.u32 s1, $0xD;
	s1 =	sshrl.u32 s1, $0x2  }
0xb9: {  	s3 =	sand.u32 $0x4000, s31;
	s1 =	sadd.s32 s1, s30  }
0xba: {  	s0 =	sor.u32 s3, s0;
	s1 =	sshll.u32 s1, $0x11  }
0xbb: {  	s0 =	sor.u32 s1, s0  }
0xbc: {  	s0 =	sadd.s32 $0x8F2B, s0  }
0xbd: {  	[sflag:s0] =	ssyncadd.remote.s32 $0x1  }
0xbe: {  	_ =	sfence.sel $0xFFFF  }
0xbf: {  	[dreg:$0x0] =	wrdreg $0xFFFFFFFF;
	(pc) =	sbr.abs _section_cstart, $3  }
0xc0: {  	[dreg:$0x1] =	wrdreg $0xFFFFFFFF  }
0xc1: {  	_ =	task.clear_ibuf [dreg:s7], $0x2FFFF;
	_ =	strace $0x9FFFFFFF  }
0xc2: {  	(tm) =	ssettm $0x7FFFFFFF  }
0xc3: {  	_ =	shalt  }
tec
execute0_lowered:
.L_overlay_start_1:
0x0: {  	(tag) =	ssettag $0x1  }
0x1: {  	s2 =	rddreg [dreg:$0x0]  }
0x2: {  	s4 =	rddreg [dreg:$0x1]  }
0x3: {  	s0 =	rddreg [dreg:$0x2];
	s1 =	stileid.u32  }
0x4: {  	s5 =	srdreg.scid;
	s3 =	simm.s32 $0x0;
	s6 =	smul.u32 $0x2800, s1  }
0x5: {  	s10 =	simm.s32 $0x0;
	s5 =	sand.u32 $0x1, s5;
	s8 =	smul.u32 $0x28000, s1  }
0x6: {  	[smem:$0x7FF] =	sst s3;
	s7 =	smul.u32 $0x1400, s5;
	s9 =	ssub.s32 $0x2, s5  }
0x7: {  	_ =	strace $0x80000047;
	s5 =	smul.u32 $0x14000, s5;
	s31 =	sshrl.u32 s9, $0x1  }
0x8: {  	s8 =	sadd.s32 s8, s4;
	s6 =	sadd.s32 s7, s6;
	s7 =	ssub.s32 s9, s31  }
0x9: {  	s5 =	sadd.s32 s5, s8;
	s8 =	simm.s32 $0x200;
	s6 =	sshrl.u32 s6, $0x3  }
0xa: {  	s9 =	simm.s32 $0x1;
	s5 =	sadd.s32 $0xD200, s5;
	s6 =	sadd.s32 s6, s4  }
0xb: {  	s4 =	smax.u32 s7, $0x1;
	s7 =	simm.s32 $0x2;
	s6 =	sadd.s32 $0x3200, s6  }
.LBB2_1:
0xc: {  	s11 =	sadd.s32 $0x0, s6  }
0xd: {  	[tilespmem:s3], [sflag:$0x2] =	stream.linear.gather [hbm4b:s11+s3], $0x200, $0x38;
	[tilespmem:$0x10200] =	vst v63  }
0xe: {  	_ =	swait.ge [sflag:s7], $0x200  }
0xf: {  	[sflag:s7] =	ssyncset.done $0x0  }
0x10: {  	[sflag:s7] =	ssyncadd.s32 $0xFFFFFE00  }
0x11: {  	[tilespmem:s8], [sflag:$0x1] =	stream.indirect.gather [hbm4b:s2+s8], $0x80, s3, s8, $0xb8;
	[tilespmem:$0x10200] =	vst v63  }
0x12: {  	_ =	swait.ge [sflag:s9], $0x10000  }
0x13: {  	[sflag:s9] =	ssyncset.done $0x0  }
0x14: {  	[sflag:s9] =	ssyncadd.s32 $0xFFFF0000  }
0x15: {  	[hbm4b:s5+s3] =	stream.linear.scatter [tilespmem:s8], [sflag:$0x2], $0x10000, $0x38;
	[tilespmem:$0x10200] =	vst v63  }
0x16: {  	s12 =	simm.s32 $0x40;
	_ =	swait.ge [sflag:s7], $0x10000  }
0x17: {  	s13 =	simm.s32 $0x80;
	s11 =	sadd.s32 $0x2000, s5;
	[sflag:s7] =	ssyncset.done $0x0  }
.LBB2_2:
0x18: {  	s14 =	sadd.s32 s12, s6  }
0x19: {  	[sflag:s7] =	ssyncadd.s32 $0xFFFF0000;
	s12 =	smov.u32 s13;
	s15 =	sadd.s32 $0x40, s13  }
0x1a: {  	[tilespmem:s3], [sflag:$0x2] =	stream.linear.gather [hbm4b:s14+s3], $0x200, $0x38;
	[tilespmem:$0x10200] =	vst v63  }
0x1b: {  	p0 =	sne.s32 s13, $0x240;
	_ =	swait.ge [sflag:s7], $0x200  }
0x1c: {  	[sflag:s7] =	ssyncset.done $0x0  }
0x1d: {  	[sflag:s7] =	ssyncadd.s32 $0xFFFFFE00  }
0x1e: {  	[tilespmem:s8], [sflag:$0x1] =	stream.indirect.gather [hbm4b:s2+s8], $0x80, s3, s8, $0xb8;
	[tilespmem:$0x10200] =	vst v63  }
0x1f: {  	_ =	swait.ge [sflag:s9], $0x10000  }
.Ltmp0:
0x20: {  	[sflag:s9] =	ssyncset.done $0x0;
	(pc) =	sbr.rel @p0 .LBB2_2-.Ltmp0, $4  }
0x21: {  	[sflag:s9] =	ssyncadd.s32 $0xFFFF0000  }
0x22: {  	[hbm4b:s11+s3] =	stream.linear.scatter [tilespmem:s8], [sflag:$0x2], $0x10000, $0x38;
	[tilespmem:$0x10200] =	vst v63  }
0x23: {  	_ =	swait.ge [sflag:s7], $0x10000  }
0x24: {  	s13 =	smov.u32 s15;
	s11 =	sadd.s32 $0x2000, s11;
	[sflag:s7] =	ssyncset.done $0x0  }
0x25: {  	s12 =	sadd.s32 s12, s6;
	[sflag:s7] =	ssyncadd.s32 $0xFFFF0000  }
0x26: {  	[tilespmem:s3], [sflag:$0x2] =	stream.linear.gather [hbm4b:s12+s3], $0x200, $0x38;
	[tilespmem:$0x10200] =	vst v63  }
0x27: {  	_ =	swait.ge [sflag:s7], $0x200  }
0x28: {  	[sflag:s7] =	ssyncset.done $0x0  }
0x29: {  	[sflag:s7] =	ssyncadd.s32 $0xFFFFFE00  }
0x2a: {  	[tilespmem:s8], [sflag:$0x1] =	stream.indirect.gather [hbm4b:s2+s8], $0x80, s3, s8, $0xb8;
	[tilespmem:$0x10200] =	vst v63  }
0x2b: {  	s10 =	sadd.s32 $0x1, s10;
	_ =	swait.ge [sflag:s9], $0x10000  }
0x2c: {  	p0 =	sne.s32 s10, s4;
	[sflag:s9] =	ssyncset.done $0x0  }
.Ltmp1:
0x2d: {  	[sflag:s9] =	ssyncadd.s32 $0xFFFF0000;
	(pc) =	sbr.rel @p0 .LBB2_1-.Ltmp1, $4  }
0x2e: {  	[hbm4b:s11+s3] =	stream.linear.scatter [tilespmem:s8], [sflag:$0x2], $0x10000, $0x38;
	[tilespmem:$0x10200] =	vst v63  }
0x2f: {  	_ =	swait.ge [sflag:s7], $0x10000  }
0x30: {  	[sflag:s7] =	ssyncset.done $0x0  }
0x31: {  	[sflag:s7] =	ssyncadd.s32 $0xFFFF0000  }
0x32: {  	_ =	sfence.sel $0x180000  }
0x33: {  	[bflag:$0x0] =	sbarrier.arrive $0xFFFF  }
0x34: {  	p0 =	sne.s32 s1, $0x0;
	_ =	strace $0x90000047  }
0x35: {  	s0 =	sadd.s32 @!p0 $0x100000, s0;
	[bflag:$0x2] =	sbarrier.arrive $0xFFFF  }
0x36: {  	[sflag:s0] =	ssyncadd.tile.s32 @!p0 $0x1;
	_ =	shalt  }
.Lfunc_end2:
_tile_overlayer_lowered:
.L_overlay_start_2:
0x37: {  	(tag) =	ssettag $0x2  }
0x38: {  	s0 =	rddreg [dreg:$0x0];
	s2 =	stileid.u32  }
0x39: {  	s1 =	rddreg [dreg:$0x1];
	p0 =	sne.s32 s2, $0x0  }
0x3a: {  	s3 =	rddreg [dreg:$0x2];
	[bflag:$0x3] =	sbarrier.arrive $0xFFFF;
	s2 =	simm.s32 @!p0 $0x1C02  }
0x3b: {  	[timem:s3], [sflag:s2] =	dma.local @!p0 [hbm:s0], s1  }
0x3c: {  	s0 =	simm.s32 @!p0 $0x2  }
0x3d: {  	_ =	swait.ge @!p0 [sflag:s0], s1  }
0x3e: {  	s1 =	ssub.s32 @!p0 $0x0, s1;
	[sflag:s0] =	ssyncset.done @!p0 $0x0  }
0x3f: {  	[sflag:s0] =	ssyncadd.s32 @!p0 s1  }
0x40: {  	[bflag:$0x3] =	sbarrier.arrive $0xFFFF  }
0x41: {  	_ =	shalt  }

// kernel: kernel.15.cloned.1.call-start
scs
__scs_entry_jumppad:
0x0: {  	(pc) =	sbr.rel $0x88, $3  }
0x1: {  	(tag) =	ssettag $0x0;
	lr =	simm.s32 $0x1  }
0x2: {  	[smem:$0x3F90] =	sst lr;
	_ =	strace $0xD0000000  }
0x3: {  	_ = 	snop  }
0x4: {  	_ = 	snop  }
0x5: {  	_ = 	snop  }
0x6: {  	_ = 	snop  }
0x7: {  	_ = 	snop  }
__scs_overlays_trampoline_lowered:
0x8: {  	[smem:$0x3F9F] =	sst s0  }
0x9: {  	[smem:$0x3FA0] =	sst s1  }
0xa: {  	[smem:$0x3FA1] =	sst s2  }
0xb: {  	[smem:$0x3FA2] =	sst s3  }
0xc: {  	[smem:$0x3FA3] =	sst s4  }
0xd: {  	[smem:$0x3FA4] =	sst s5  }
0xe: {  	[smem:$0x3FA5] =	sst s6  }
0xf: {  	[smem:$0x3FA6] =	sst s7  }
0x10: {  	[smem:$0x3FA7] =	sst s8  }
0x11: {  	[smem:$0x3FA8] =	sst s9;
	s0 =	simm.s32 @!p0 $0x0  }
0x12: {  	s1 =	sld [smem:$0x3F8E];
	s0 =	simm.s32 @p0 $0x1  }
0x13: {  	[smem:$0x3FA9] =	sst s0;
	s0 =	simm.s32 @!p1 $0x0  }
0x14: {  	s2 =	sld [smem:$0x3F8D];
	s0 =	simm.s32 @p1 $0x1  }
0x15: {  	[smem:$0x3FAA] =	sst s0;
	s0 =	simm.s32 @!p2 $0x0  }
0x16: {  	s3 =	sld [smem:$0x3FDB];
	s0 =	simm.s32 @p2 $0x1  }
0x17: {  	s4 =	simm.s32 $0x1BF5;
	[smem:$0x3FAC] =	sst s0  }
0x18: {  	s0 =	sld [smem:$0x3F8F];
	_ =	swait.ge [sflag:s4], $0x0  }
0x19: {  	s7 =	sld [smem:$0x3F90]  }
0x1a: {  	s8 =	sadd.s32 $0xFFFFE003, lr  }
0x1b: {  	s9 =	sadd.s32 $0xFFFFFEF7, lr;
	s5 =	simm.s32 $0xFFFFFFFF;
	p2 =	slt.u32 s8, $0xFFFFF086  }
0x1c: {  	p1 =	slt.u32 s9, $0xF7A;
	s5 =	simm.s32 @!p2 $0x0  }
0x1d: {  	s5 =	simm.s32 @p1 $0x1;
	p0 =	seq.s32 s7, s2  }
0x1e: {  	s7 =	smul.u32 @!p0 $0xF7A, s2;
	p2 =	seq.s32 @!p0 s5, $0x0  }
0x1f: {  	s9 =	smul.u32 $0xF7A, s1;
	s8 =	simm.s32 @!p0 $0x1BF5;
	p2 =	por !p2, p0  }
0x20: {  	[sflag:s8] =	ssyncset.s32 @!p0 $0xFFFFF086;
	s6 =	sadd.s32 @!p0 s3, s7;
	s7 =	simm.s32 @!p0 $0x108  }
0x21: {  	s3 =	sadd.s32 s3, s9;
	s6 =	sadd.s32 @!p0 $0x88, s6;
	s7 =	simm.s32 @p2 $0x1082  }
0x22: {  	[simem:s7], [sflag:s8] =	dma.local @!p0 [hbm:s6], $0xF7A  }
0x23: {  	s9 =	sor.u32 $0xD0000000, s2;
	s6 =	simm.s32 $0x108;
	_ =	swait.ge @!p0 [sflag:s8], $0x0  }
0x24: {  	s3 =	sadd.s32 $0x88, s3;
	s6 =	simm.s32 @!p1 $0x1082;
	[sflag:s4] =	ssyncset.s32 $0xFFFFF086  }
0x25: {  	[simem:s6], [sflag:s4] =	dma.local [hbm:s3], $0xF7A  }
0x26: {  	[smem:$0x3F90] =	sst s1;
	(tag) =	ssettag s2;
	_ =	strace s9  }
0x27: {  	s1 =	sld [smem:$0x3FA0]  }
0x28: {  	s2 =	sld [smem:$0x3FA1]  }
0x29: {  	s4 =	sld [smem:$0x3FA3]  }
0x2a: {  	p0 =	seq.s32 s5, $0x0;
	s5 =	sld [smem:$0x3FA4]  }
0x2b: {  	s6 =	sld [smem:$0x3FA5]  }
0x2c: {  	s7 =	sld [smem:$0x3FA6]  }
0x2d: {  	s3 =	simm.s32 $0x108;
	s8 =	sld [smem:$0x3FA7]  }
0x2e: {  	s3 =	simm.s32 @!p0 $0x1082;
	s9 =	sld [smem:$0x3FA8]  }
0x2f: {  	lr =	sadd.s32 s0, s3;
	s0 =	sld [smem:$0x3F9F]  }
0x30: {  	s3 =	sld [smem:$0x3FA2]  }
0x31: {  	[smem:$0x3FAB] =	sst s10  }
0x32: {  	s10 =	sld [smem:$0x3FA9];
	_ =	sdelay $0x3  }
0x33: {  	p0 =	seq.s32 s10, $0x1;
	s10 =	sld [smem:$0x3FAB];
	_ =	sdelay $0x3  }
0x34: {  	[smem:$0x3FAB] =	sst s10  }
0x35: {  	s10 =	sld [smem:$0x3FAA];
	_ =	sdelay $0x3  }
0x36: {  	p1 =	seq.s32 s10, $0x1;
	s10 =	sld [smem:$0x3FAB];
	_ =	sdelay $0x3  }
0x37: {  	[smem:$0x3FAB] =	sst s10  }
0x38: {  	s10 =	sld [smem:$0x3FAC]  }
0x39: {  	_ = 	snop;
	(pc) =	sbr.ind lr, $3  }
0x3a: {  	_ = 	snop  }
0x3b: {  	_ = 	snop  }
0x3c: {  	p2 =	seq.s32 s10, $0x1;
	s10 =	sld [smem:$0x3FAB]  }
0x3d: {  	_ =	shalt  }
0x3e: {  	_ =	shalt  }
0x3f: {  	_ =	shalt  }
0x40: {  	_ =	shalt  }
0x41: {  	_ =	shalt  }
0x42: {  	_ =	shalt  }
0x43: {  	_ =	shalt  }
0x44: {  	_ =	shalt  }
0x45: {  	_ =	shalt  }
0x46: {  	_ =	shalt  }
0x47: {  	_ =	shalt  }
0x48: {  	_ =	shalt  }
0x49: {  	_ =	shalt  }
0x4a: {  	_ =	shalt  }
0x4b: {  	_ =	shalt  }
0x4c: {  	_ =	shalt  }
0x4d: {  	_ =	shalt  }
0x4e: {  	_ =	shalt  }
0x4f: {  	_ =	shalt  }
0x50: {  	_ =	shalt  }
0x51: {  	_ =	shalt  }
0x52: {  	_ =	shalt  }
0x53: {  	_ =	shalt  }
0x54: {  	_ =	shalt  }
0x55: {  	_ =	shalt  }
0x56: {  	_ =	shalt  }
0x57: {  	_ =	shalt  }
0x58: {  	_ =	shalt  }
0x59: {  	_ =	shalt  }
0x5a: {  	_ =	shalt  }
0x5b: {  	_ =	shalt  }
0x5c: {  	_ =	shalt  }
0x5d: {  	_ =	shalt  }
0x5e: {  	_ =	shalt  }
0x5f: {  	_ =	shalt  }
0x60: {  	_ =	shalt  }
0x61: {  	_ =	shalt  }
0x62: {  	_ =	shalt  }
0x63: {  	_ =	shalt  }
0x64: {  	_ =	shalt  }
0x65: {  	_ =	shalt  }
0x66: {  	_ =	shalt  }
0x67: {  	_ =	shalt  }
0x68: {  	_ =	shalt  }
0x69: {  	_ =	shalt  }
0x6a: {  	_ =	shalt  }
0x6b: {  	_ =	shalt  }
0x6c: {  	_ =	shalt  }
0x6d: {  	_ =	shalt  }
0x6e: {  	_ =	shalt  }
0x6f: {  	_ =	shalt  }
0x70: {  	_ =	shalt  }
0x71: {  	_ =	shalt  }
0x72: {  	_ =	shalt  }
0x73: {  	_ =	shalt  }
0x74: {  	_ =	shalt  }
0x75: {  	_ =	shalt  }
0x76: {  	_ =	shalt  }
0x77: {  	_ =	shalt  }
0x78: {  	_ =	shalt  }
0x79: {  	_ =	shalt  }
0x7a: {  	_ =	shalt  }
0x7b: {  	_ =	shalt  }
0x7c: {  	_ =	shalt  }
0x7d: {  	_ =	shalt  }
0x7e: {  	_ =	shalt  }
0x7f: {  	_ =	shalt  }
0x80: {  	_ =	shalt  }
0x81: {  	_ =	shalt  }
0x82: {  	_ =	shalt  }
0x83: {  	_ =	shalt  }
0x84: {  	_ =	shalt  }
0x85: {  	_ =	shalt  }
0x86: {  	_ =	shalt  }
0x87: {  	_ =	shalt  }
.Lfunc_end0:
.L_simem_size_0:
called_computation.1_lowered:
.L_overlay_start_0:
0x88: {  	s2 =	sld [smem:$0x3FD9]  }
0x89: {  	s3 =	sld [smem:$0x3FFE];
	_ =	sdelay $0x1  }
0x8a: {  	s1 =	srdreg.scid  }
0x8b: {  	s0 =	sand.u32 $0x1, s1  }
0x8c: {  	s17 =	sshll.u32 s0, $0xA;
	s2 =	sadd.s32 s3, s2  }
0x8d: {  	s2 =	sadd.s32 s2, s17  }
0x8e: {  	[smem:$0x3FB7] =	sst s2  }
0x8f: {  	_ = 	snop  }
0x90: {  	s18 =	sld [smem:$0x3FC9];
	(tm) =	ssettm $0x1  }
0x91: {  	s19 =	sld [smem:$0x3FFB];
	_ =	sdelay $0x3  }
0x92: {  	_ =	strace s19  }
0x93: {  	s2 =	sld [smem:$0x3FFC];
	_ =	sdelay $0x3  }
0x94: {  	_ =	strace s2  }
0x95: {  	s2 =	sld [smem:$0x3FFD];
	_ =	sdelay $0x3  }
0x96: {  	_ =	strace s2  }
0x97: {  	_ =	strace $0x8FFFFFFF  }
0x98: {  	s20 =	sld [smem:$0x3FDB];
	_ =	sdelay $0x1  }
0x99: {  	s4 =	simm.s32 $_scs_section_size  }
0x9a: {  	s5 =	simm.s32 $_size__tile_overlayer_lowered;
	s6 =	simm.s32 $_tile_overlayer_lowered  }
0x9b: {  	s7 =	simm.s32 $0x1BFF;
	s21 =	sshll.u32 s6, $0x1;
	s4 =	sadd.s32 s4, s20  }
0x9c: {  	s22 =	simm.s32 $0x0;
	s5 =	sshll.u32 s5, $0x1;
	s6 =	sadd.s32 s21, s4  }
0x9d: {  	[timem:s22], [sflag:s7] =	dma.local [hbm:s6], s5  }
0x9e: {  	_ =	swait.ge [sflag:s7], s5  }
0x9f: {  	s5 =	ssub.s32 $0x0, s5;
	[sflag:s7] =	ssyncset.done $0x0  }
0xa0: {  	[sflag:s7] =	ssyncadd.s32 s5;
	_ =	sdelay $0x1  }
0xa1: {  	s23 =	simm.s32 $0x1B8B  }
0xa2: {  	_ =	swait.ge [sflag:s23], $0x1  }
0xa3: {  	[sflag:s23] =	ssyncset.done $0x0  }
0xa4: {  	[sflag:s23] =	ssyncadd.s32 $0xFFFFFFFF  }
0xa5: {  	s5 =	sld [smem:$0x0]  }
0xa6: {  	s6 =	sand.u32 $0xFFFFFFFE, s1  }
0xa7: {  	p0 =	sne.s32 s1, s6  }
0xa8: {  	s6 =	sshll.u32 @p0 s6, $0xE  }
0xa9: {  	s6 =	sadd.s32 @p0 $0x11B8D, s6;
	s7 =	sshll.u32 @p0 s5, $0x11  }
0xaa: {  	s6 =	sor.u32 @p0 s7, s6  }
0xab: {  	[sflag:s6] =	ssyncadd.remote.s32 @p0 $0x1;
	_ =	sdelay $0x1  }
0xac: {  	s6 =	simm.s32 @p0 $0x1B8D  }
0xad: {  	_ =	swait.eq @p0 [sflag:s6], $0x1  }
0xae: {  	[sflag:s6] =	ssyncadd.s32 @p0 $0xFFFFFFFF  }
0xaf: {  	s7 =	sshll.u32 @!p0 s1, $0xE  }
0xb0: {  	s7 =	sor.u32 @!p0 $0x4000, s7;
	s6 =	simm.s32 @!p0 $0x1B8D  }
0xb1: {  	s5 =	sshll.u32 @!p0 s5, $0x11;
	s7 =	sadd.s32 @!p0 $0x11B8D, s7;
	_ =	swait.eq @!p0 [sflag:s6], $0x1  }
0xb2: {  	s5 =	sor.u32 @!p0 s5, s7;
	[sflag:s6] =	ssyncadd.s32 @!p0 $0xFFFFFFFF  }
0xb3: {  	s25 =	simm.s32 $0x1B8E;
	s24 =	sld [smem:$0x3FFE];
	[sflag:s5] =	ssyncadd.remote.s32 @!p0 $0x1  }
0xb4: {  	s26 =	simm.s32 $execute0_lowered;
	[smem:$0x3FD2] =	sst s25  }
0xb5: {  	s6 =	sshll.u32 s26, $0x1;
	_ =	strace $0x80000049;
	[dreg:$0x1] =	wrdreg $0xFFFFFFFF  }
0xb6: {  	s28 =	simm.s32 $_size_execute0_lowered;
	s4 =	sadd.s32 s4, s6;
	[dreg:$0x0] =	wrdreg $0x0  }
0xb7: {  	s6 =	sshll.u32 s28, $0x1;
	[dreg:$0x2] =	wrdreg s4  }
0xb8: {  	[dreg:$0x3] =	wrdreg s6  }
0xb9: {  	[dreg:$0x4] =	wrdreg $0xC0  }
0xba: {  	_ =	task [dreg:s22], $0x5FFFF  }
0xbb: {  	[dreg:$0x1] =	wrdreg $0xFFFFFFFF  }
0xbc: {  	[dreg:$0x0] =	wrdreg $0x60  }
0xbd: {  	[dreg:$0x2] =	wrdreg s18  }
0xbe: {  	[dreg:$0x3] =	wrdreg s24  }
0xbf: {  	[dreg:$0x4] =	wrdreg $0x9  }
0xc0: {  	_ =	task.clear_ibuf [dreg:s22], $0x5FFFF;
	_ =	strace $0x90000049  }
0xc1: {  	s29 =	simm.s32 $0x9;
	_ =	strace $0x8000004B  }
0xc2: {  	_ =	swait.ge [sflag:s29], $0x1  }
0xc3: {  	[sflag:s29] =	ssyncadd.s32 $0xFFFFFFFF  }
0xc4: {  	_ =	strace $0x9000004B  }
0xc5: {  	_ =	sfence  }
0xc6: {  	s30 =	sld [smem:$0x0];
	_ =	sdelay $0x2  }
0xc7: {  	s31 =	sshll.u32 s1, $0xD;
	s1 =	sshrl.u32 s1, $0x2  }
0xc8: {  	s4 =	sand.u32 $0x4000, s31;
	s1 =	sadd.s32 s1, s30  }
0xc9: {  	s0 =	sor.u32 s4, s0;
	s1 =	sshll.u32 s1, $0x11  }
0xca: {  	s0 =	sor.u32 s1, s0  }
0xcb: {  	s0 =	sadd.s32 $0x8F2B, s0  }
0xcc: {  	[sflag:s0] =	ssyncadd.remote.s32 $0x1  }
0xcd: {  	_ =	sfence.sel $0xFFFF  }
0xce: {  	[dreg:$0x0] =	wrdreg $0xFFFFFFFF;
	(pc) =	sbr.abs _section_cstart, $3  }
0xcf: {  	[dreg:$0x1] =	wrdreg $0xFFFFFFFF  }
0xd0: {  	_ =	task.clear_ibuf [dreg:s22], $0x2FFFF;
	_ =	strace $0x9FFFFFFF  }
0xd1: {  	(tm) =	ssettm $0x7FFFFFFF  }
tec
execute0_lowered:
.L_overlay_start_1:
0x0: {  	(tag) =	ssettag $0x1  }
0x1: {  	s2 =	rddreg [dreg:$0x0];
	s1 =	srdreg.scid  }
0x2: {  	s0 =	stileid.u32;
	s4 =	rddreg [dreg:$0x1];
	s3 =	simm.s32 $0x0  }
0x3: {  	s10 =	simm.s32 $0x1;
	s11 =	simm.s32 $0x0;
	s6 =	smul.u32 $0x2620, s0  }
0x4: {  	s5 =	sand.u32 $0x1, s1;
	s1 =	rddreg [dreg:$0x2];
	s8 =	smul.u32 $0x26200, s0  }
0x5: {  	[smem:$0x7FF] =	sst s3;
	s7 =	smul.u32 $0x1310, s5;
	s9 =	ssub.s32 $0x2, s5  }
0x6: {  	_ =	strace $0x8000004A;
	s5 =	smul.u32 $0x13100, s5;
	s31 =	sshrl.u32 s9, $0x1  }
0x7: {  	s30 =	sadd.s32 s8, s4;
	s6 =	sadd.s32 s7, s6;
	s8 =	ssub.s32 s9, s31  }
0x8: {  	s5 =	sadd.s32 s5, s30;
	s7 =	simm.s32 $0x2;
	s6 =	sshrl.u32 s6, $0x3  }
0x9: {  	s9 =	simm.s32 $0x200;
	s5 =	sadd.s32 $0x29BE00, s5;
	s6 =	sadd.s32 s6, s4  }
0xa: {  	s4 =	smax.u32 s8, $0x1;
	s8 =	simm.s32 $0x1E8;
	s6 =	sadd.s32 $0x297000, s6  }
.LBB2_1:
0xb: {  	s12 =	sadd.s32 $0x0, s6  }
0xc: {  	[tilespmem:s3], [sflag:$0x2] =	stream.linear.gather [hbm4b:s12+s3], $0x1E8, $0x38;
	[tilespmem:$0xF600] =	vst v63  }
0xd: {  	_ =	swait.ge [sflag:s7], $0x1E8  }
0xe: {  	[sflag:s7] =	ssyncset.done $0x0  }
0xf: {  	[sflag:s7] =	ssyncadd.s32 $0xFFFFFE18  }
0x10: {  	[tilespmem:s9], [sflag:$0x1] =	stream.indirect.gather [hbm4b:s2+s8], $0x80, s3, s8, $0xb8;
	[tilespmem:$0xF600] =	vst v63  }
0x11: {  	_ =	swait.ge [sflag:s10], $0xF400  }
0x12: {  	[sflag:s10] =	ssyncset.done $0x0  }
0x13: {  	[sflag:s10] =	ssyncadd.s32 $0xFFFF0C00  }
0x14: {  	[hbm4b:s5+s3] =	stream.linear.scatter [tilespmem:s9], [sflag:$0x2], $0xF400, $0x38;
	[tilespmem:$0xF600] =	vst v63  }
0x15: {  	s13 =	simm.s32 $0x3D;
	_ =	swait.ge [sflag:s7], $0xF400  }
0x16: {  	s14 =	simm.s32 $0x7A;
	s12 =	sadd.s32 $0x1E80, s5;
	[sflag:s7] =	ssyncset.done $0x0  }
.LBB2_2:
0x17: {  	s15 =	sadd.s32 s13, s6  }
0x18: {  	[sflag:s7] =	ssyncadd.s32 $0xFFFF0C00;
	s13 =	smov.u32 s14;
	s16 =	sadd.s32 $0x3D, s14  }
0x19: {  	[tilespmem:s3], [sflag:$0x2] =	stream.linear.gather [hbm4b:s15+s3], $0x1E8, $0x38;
	[tilespmem:$0xF600] =	vst v63  }
0x1a: {  	p0 =	sne.s32 s14, $0x225;
	_ =	swait.ge [sflag:s7], $0x1E8  }
0x1b: {  	[sflag:s7] =	ssyncset.done $0x0  }
0x1c: {  	[sflag:s7] =	ssyncadd.s32 $0xFFFFFE18  }
0x1d: {  	[tilespmem:s9], [sflag:$0x1] =	stream.indirect.gather [hbm4b:s2+s8], $0x80, s3, s8, $0xb8;
	[tilespmem:$0xF600] =	vst v63  }
0x1e: {  	_ =	swait.ge [sflag:s10], $0xF400  }
.Ltmp0:
0x1f: {  	[sflag:s10] =	ssyncset.done $0x0;
	(pc) =	sbr.rel @p0 .LBB2_2-.Ltmp0, $4  }
0x20: {  	[sflag:s10] =	ssyncadd.s32 $0xFFFF0C00  }
0x21: {  	[hbm4b:s12+s3] =	stream.linear.scatter [tilespmem:s9], [sflag:$0x2], $0xF400, $0x38;
	[tilespmem:$0xF600] =	vst v63  }
0x22: {  	_ =	swait.ge [sflag:s7], $0xF400  }
0x23: {  	s14 =	smov.u32 s16;
	s12 =	sadd.s32 $0x1E80, s12;
	[sflag:s7] =	ssyncset.done $0x0  }
0x24: {  	s13 =	sadd.s32 s13, s6;
	[sflag:s7] =	ssyncadd.s32 $0xFFFF0C00  }
0x25: {  	[tilespmem:s3], [sflag:$0x2] =	stream.linear.gather [hbm4b:s13+s3], $0x1E8, $0x38;
	[tilespmem:$0xF600] =	vst v63  }
0x26: {  	_ =	swait.ge [sflag:s7], $0x1E8  }
0x27: {  	[sflag:s7] =	ssyncset.done $0x0  }
0x28: {  	[sflag:s7] =	ssyncadd.s32 $0xFFFFFE18  }
0x29: {  	[tilespmem:s9], [sflag:$0x1] =	stream.indirect.gather [hbm4b:s2+s8], $0x80, s3, s8, $0xb8;
	[tilespmem:$0xF600] =	vst v63  }
0x2a: {  	s11 =	sadd.s32 $0x1, s11;
	_ =	swait.ge [sflag:s10], $0xF400  }
0x2b: {  	p0 =	sne.s32 s11, s4;
	[sflag:s10] =	ssyncset.done $0x0  }
.Ltmp1:
0x2c: {  	[sflag:s10] =	ssyncadd.s32 $0xFFFF0C00;
	(pc) =	sbr.rel @p0 .LBB2_1-.Ltmp1, $4  }
0x2d: {  	[hbm4b:s12+s3] =	stream.linear.scatter [tilespmem:s9], [sflag:$0x2], $0xF400, $0x38;
	[tilespmem:$0xF600] =	vst v63  }
0x2e: {  	_ =	swait.ge [sflag:s7], $0xF400  }
0x2f: {  	[sflag:s7] =	ssyncset.done $0x0  }
0x30: {  	[sflag:s7] =	ssyncadd.s32 $0xFFFF0C00  }
0x31: {  	_ =	sfence.sel $0x180000  }
0x32: {  	[bflag:$0x0] =	sbarrier.arrive $0xFFFF  }
0x33: {  	p0 =	sne.s32 s0, $0x0;
	_ =	strace $0x9000004A  }
0x34: {  	s0 =	sadd.s32 @!p0 $0x100000, s1;
	[bflag:$0x2] =	sbarrier.arrive $0xFFFF  }
0x35: {  	[sflag:s0] =	ssyncadd.tile.s32 @!p0 $0x1;
	_ =	shalt  }
.Lfunc_end2:
_tile_overlayer_lowered:
.L_overlay_start_2:
0x36: {  	(tag) =	ssettag $0x2  }
0x37: {  	s0 =	rddreg [dreg:$0x0];
	s2 =	stileid.u32  }
0x38: {  	s1 =	rddreg [dreg:$0x1];
	p0 =	sne.s32 s2, $0x0  }
0x39: {  	s3 =	rddreg [dreg:$0x2];
	[bflag:$0x3] =	sbarrier.arrive $0xFFFF;
	s2 =	simm.s32 @!p0 $0x1C02  }
0x3a: {  	[timem:s3], [sflag:s2] =	dma.local @!p0 [hbm:s0], s1  }
0x3b: {  	s0 =	simm.s32 @!p0 $0x2  }
0x3c: {  	_ =	swait.ge @!p0 [sflag:s0], s1  }
0x3d: {  	s1 =	ssub.s32 @!p0 $0x0, s1;
	[sflag:s0] =	ssyncset.done @!p0 $0x0  }
0x3e: {  	[sflag:s0] =	ssyncadd.s32 @!p0 s1  }
0x3f: {  	[bflag:$0x3] =	sbarrier.arrive $0xFFFF  }
0x40: {  	_ =	shalt  }

// kernel: kernel.18.cloned.1.call-start
scs
__scs_entry_jumppad:
0x0: {  	(pc) =	sbr.rel $0x88, $3  }
0x1: {  	(tag) =	ssettag $0x0;
	lr =	simm.s32 $0x1  }
0x2: {  	[smem:$0x3F90] =	sst lr;
	_ =	strace $0xD0000000  }
0x3: {  	_ = 	snop  }
0x4: {  	_ = 	snop  }
0x5: {  	_ = 	snop  }
0x6: {  	_ = 	snop  }
0x7: {  	_ = 	snop  }
__scs_overlays_trampoline_lowered:
0x8: {  	[smem:$0x3F9F] =	sst s0  }
0x9: {  	[smem:$0x3FA0] =	sst s1  }
0xa: {  	[smem:$0x3FA1] =	sst s2  }
0xb: {  	[smem:$0x3FA2] =	sst s3  }
0xc: {  	[smem:$0x3FA3] =	sst s4  }
0xd: {  	[smem:$0x3FA4] =	sst s5  }
0xe: {  	[smem:$0x3FA5] =	sst s6  }
0xf: {  	[smem:$0x3FA6] =	sst s7  }
0x10: {  	[smem:$0x3FA7] =	sst s8  }
0x11: {  	[smem:$0x3FA8] =	sst s9;
	s0 =	simm.s32 @!p0 $0x0  }
0x12: {  	s1 =	sld [smem:$0x3F8E];
	s0 =	simm.s32 @p0 $0x1  }
0x13: {  	[smem:$0x3FA9] =	sst s0;
	s0 =	simm.s32 @!p1 $0x0  }
0x14: {  	s2 =	sld [smem:$0x3F8D];
	s0 =	simm.s32 @p1 $0x1  }
0x15: {  	[smem:$0x3FAA] =	sst s0;
	s0 =	simm.s32 @!p2 $0x0  }
0x16: {  	s3 =	sld [smem:$0x3FDB];
	s0 =	simm.s32 @p2 $0x1  }
0x17: {  	s4 =	simm.s32 $0x1BF5;
	[smem:$0x3FAC] =	sst s0  }
0x18: {  	s0 =	sld [smem:$0x3F8F];
	_ =	swait.ge [sflag:s4], $0x0  }
0x19: {  	s7 =	sld [smem:$0x3F90]  }
0x1a: {  	s8 =	sadd.s32 $0xFFFFE003, lr  }
0x1b: {  	s9 =	sadd.s32 $0xFFFFFEF7, lr;
	s5 =	simm.s32 $0xFFFFFFFF;
	p2 =	slt.u32 s8, $0xFFFFF086  }
0x1c: {  	p1 =	slt.u32 s9, $0xF7A;
	s5 =	simm.s32 @!p2 $0x0  }
0x1d: {  	s5 =	simm.s32 @p1 $0x1;
	p0 =	seq.s32 s7, s2  }
0x1e: {  	s7 =	smul.u32 @!p0 $0xF7A, s2;
	p2 =	seq.s32 @!p0 s5, $0x0  }
0x1f: {  	s9 =	smul.u32 $0xF7A, s1;
	s8 =	simm.s32 @!p0 $0x1BF5;
	p2 =	por !p2, p0  }
0x20: {  	[sflag:s8] =	ssyncset.s32 @!p0 $0xFFFFF086;
	s6 =	sadd.s32 @!p0 s3, s7;
	s7 =	simm.s32 @!p0 $0x108  }
0x21: {  	s3 =	sadd.s32 s3, s9;
	s6 =	sadd.s32 @!p0 $0x88, s6;
	s7 =	simm.s32 @p2 $0x1082  }
0x22: {  	[simem:s7], [sflag:s8] =	dma.local @!p0 [hbm:s6], $0xF7A  }
0x23: {  	s9 =	sor.u32 $0xD0000000, s2;
	s6 =	simm.s32 $0x108;
	_ =	swait.ge @!p0 [sflag:s8], $0x0  }
0x24: {  	s3 =	sadd.s32 $0x88, s3;
	s6 =	simm.s32 @!p1 $0x1082;
	[sflag:s4] =	ssyncset.s32 $0xFFFFF086  }
0x25: {  	[simem:s6], [sflag:s4] =	dma.local [hbm:s3], $0xF7A  }
0x26: {  	[smem:$0x3F90] =	sst s1;
	(tag) =	ssettag s2;
	_ =	strace s9  }
0x27: {  	s1 =	sld [smem:$0x3FA0]  }
0x28: {  	s2 =	sld [smem:$0x3FA1]  }
0x29: {  	s4 =	sld [smem:$0x3FA3]  }
0x2a: {  	p0 =	seq.s32 s5, $0x0;
	s5 =	sld [smem:$0x3FA4]  }
0x2b: {  	s6 =	sld [smem:$0x3FA5]  }
0x2c: {  	s7 =	sld [smem:$0x3FA6]  }
0x2d: {  	s3 =	simm.s32 $0x108;
	s8 =	sld [smem:$0x3FA7]  }
0x2e: {  	s3 =	simm.s32 @!p0 $0x1082;
	s9 =	sld [smem:$0x3FA8]  }
0x2f: {  	lr =	sadd.s32 s0, s3;
	s0 =	sld [smem:$0x3F9F]  }
0x30: {  	s3 =	sld [smem:$0x3FA2]  }
0x31: {  	[smem:$0x3FAB] =	sst s10  }
0x32: {  	s10 =	sld [smem:$0x3FA9];
	_ =	sdelay $0x3  }
0x33: {  	p0 =	seq.s32 s10, $0x1;
	s10 =	sld [smem:$0x3FAB];
	_ =	sdelay $0x3  }
0x34: {  	[smem:$0x3FAB] =	sst s10  }
0x35: {  	s10 =	sld [smem:$0x3FAA];
	_ =	sdelay $0x3  }
0x36: {  	p1 =	seq.s32 s10, $0x1;
	s10 =	sld [smem:$0x3FAB];
	_ =	sdelay $0x3  }
0x37: {  	[smem:$0x3FAB] =	sst s10  }
0x38: {  	s10 =	sld [smem:$0x3FAC]  }
0x39: {  	_ = 	snop;
	(pc) =	sbr.ind lr, $3  }
0x3a: {  	_ = 	snop  }
0x3b: {  	_ = 	snop  }
0x3c: {  	p2 =	seq.s32 s10, $0x1;
	s10 =	sld [smem:$0x3FAB]  }
0x3d: {  	_ =	shalt  }
0x3e: {  	_ =	shalt  }
0x3f: {  	_ =	shalt  }
0x40: {  	_ =	shalt  }
0x41: {  	_ =	shalt  }
0x42: {  	_ =	shalt  }
0x43: {  	_ =	shalt  }
0x44: {  	_ =	shalt  }
0x45: {  	_ =	shalt  }
0x46: {  	_ =	shalt  }
0x47: {  	_ =	shalt  }
0x48: {  	_ =	shalt  }
0x49: {  	_ =	shalt  }
0x4a: {  	_ =	shalt  }
0x4b: {  	_ =	shalt  }
0x4c: {  	_ =	shalt  }
0x4d: {  	_ =	shalt  }
0x4e: {  	_ =	shalt  }
0x4f: {  	_ =	shalt  }
0x50: {  	_ =	shalt  }
0x51: {  	_ =	shalt  }
0x52: {  	_ =	shalt  }
0x53: {  	_ =	shalt  }
0x54: {  	_ =	shalt  }
0x55: {  	_ =	shalt  }
0x56: {  	_ =	shalt  }
0x57: {  	_ =	shalt  }
0x58: {  	_ =	shalt  }
0x59: {  	_ =	shalt  }
0x5a: {  	_ =	shalt  }
0x5b: {  	_ =	shalt  }
0x5c: {  	_ =	shalt  }
0x5d: {  	_ =	shalt  }
0x5e: {  	_ =	shalt  }
0x5f: {  	_ =	shalt  }
0x60: {  	_ =	shalt  }
0x61: {  	_ =	shalt  }
0x62: {  	_ =	shalt  }
0x63: {  	_ =	shalt  }
0x64: {  	_ =	shalt  }
0x65: {  	_ =	shalt  }
0x66: {  	_ =	shalt  }
0x67: {  	_ =	shalt  }
0x68: {  	_ =	shalt  }
0x69: {  	_ =	shalt  }
0x6a: {  	_ =	shalt  }
0x6b: {  	_ =	shalt  }
0x6c: {  	_ =	shalt  }
0x6d: {  	_ =	shalt  }
0x6e: {  	_ =	shalt  }
0x6f: {  	_ =	shalt  }
0x70: {  	_ =	shalt  }
0x71: {  	_ =	shalt  }
0x72: {  	_ =	shalt  }
0x73: {  	_ =	shalt  }
0x74: {  	_ =	shalt  }
0x75: {  	_ =	shalt  }
0x76: {  	_ =	shalt  }
0x77: {  	_ =	shalt  }
0x78: {  	_ =	shalt  }
0x79: {  	_ =	shalt  }
0x7a: {  	_ =	shalt  }
0x7b: {  	_ =	shalt  }
0x7c: {  	_ =	shalt  }
0x7d: {  	_ =	shalt  }
0x7e: {  	_ =	shalt  }
0x7f: {  	_ =	shalt  }
0x80: {  	_ =	shalt  }
0x81: {  	_ =	shalt  }
0x82: {  	_ =	shalt  }
0x83: {  	_ =	shalt  }
0x84: {  	_ =	shalt  }
0x85: {  	_ =	shalt  }
0x86: {  	_ =	shalt  }
0x87: {  	_ =	shalt  }
.Lfunc_end0:
.L_simem_size_0:
called_computation.2_lowered:
.L_overlay_start_0:
0x88: {  	s2 =	sld [smem:$0x3FD9]  }
0x89: {  	s3 =	sld [smem:$0x3FFE];
	_ =	sdelay $0x1  }
0x8a: {  	s1 =	srdreg.scid  }
0x8b: {  	s0 =	sand.u32 $0x1, s1  }
0x8c: {  	s17 =	sshll.u32 s0, $0xA;
	s2 =	sadd.s32 s3, s2  }
0x8d: {  	s2 =	sadd.s32 s2, s17  }
0x8e: {  	[smem:$0x3FB7] =	sst s2  }
0x8f: {  	_ = 	snop  }
0x90: {  	(tm) =	ssettm $0x1  }
0x91: {  	s18 =	sld [smem:$0x3FFB];
	_ =	sdelay $0x3  }
0x92: {  	_ =	strace s18  }
0x93: {  	s2 =	sld [smem:$0x3FFC];
	_ =	sdelay $0x3  }
0x94: {  	_ =	strace s2  }
0x95: {  	s2 =	sld [smem:$0x3FFD];
	_ =	sdelay $0x3  }
0x96: {  	_ =	strace s2  }
0x97: {  	_ =	strace $0x8FFFFFFF  }
0x98: {  	s19 =	sld [smem:$0x3FDB];
	_ =	sdelay $0x1  }
0x99: {  	s20 =	simm.s32 $_scs_section_size  }
0x9a: {  	s4 =	simm.s32 $_size__tile_overlayer_lowered;
	s5 =	simm.s32 $_tile_overlayer_lowered  }
0x9b: {  	s6 =	simm.s32 $0x1BFF;
	s21 =	sshll.u32 s5, $0x1;
	s3 =	sadd.s32 s20, s19  }
0x9c: {  	s22 =	simm.s32 $0x0;
	s4 =	sshll.u32 s4, $0x1;
	s5 =	sadd.s32 s21, s3  }
0x9d: {  	[timem:s22], [sflag:s6] =	dma.local [hbm:s5], s4  }
0x9e: {  	_ =	swait.ge [sflag:s6], s4  }
0x9f: {  	s4 =	ssub.s32 $0x0, s4;
	[sflag:s6] =	ssyncset.done $0x0  }
0xa0: {  	[sflag:s6] =	ssyncadd.s32 s4;
	_ =	sdelay $0x1  }
0xa1: {  	s23 =	simm.s32 $0x1B8B  }
0xa2: {  	_ =	swait.ge [sflag:s23], $0x1  }
0xa3: {  	[sflag:s23] =	ssyncset.done $0x0  }
0xa4: {  	[sflag:s23] =	ssyncadd.s32 $0xFFFFFFFF  }
0xa5: {  	s4 =	sld [smem:$0x0]  }
0xa6: {  	s5 =	sand.u32 $0xFFFFFFFE, s1  }
0xa7: {  	p0 =	sne.s32 s1, s5  }
0xa8: {  	s5 =	sshll.u32 @p0 s5, $0xE  }
0xa9: {  	s5 =	sadd.s32 @p0 $0x11B8D, s5;
	s6 =	sshll.u32 @p0 s4, $0x11  }
0xaa: {  	s5 =	sor.u32 @p0 s6, s5  }
0xab: {  	[sflag:s5] =	ssyncadd.remote.s32 @p0 $0x1;
	_ =	sdelay $0x1  }
0xac: {  	s5 =	simm.s32 @p0 $0x1B8D  }
0xad: {  	_ =	swait.eq @p0 [sflag:s5], $0x1  }
0xae: {  	[sflag:s5] =	ssyncadd.s32 @p0 $0xFFFFFFFF  }
0xaf: {  	s6 =	sshll.u32 @!p0 s1, $0xE  }
0xb0: {  	s6 =	sor.u32 @!p0 $0x4000, s6;
	s5 =	simm.s32 @!p0 $0x1B8D  }
0xb1: {  	s4 =	sshll.u32 @!p0 s4, $0x11;
	s6 =	sadd.s32 @!p0 $0x11B8D, s6;
	_ =	swait.eq @!p0 [sflag:s5], $0x1  }
0xb2: {  	s4 =	sor.u32 @!p0 s4, s6;
	[sflag:s5] =	ssyncadd.s32 @!p0 $0xFFFFFFFF  }
0xb3: {  	s25 =	simm.s32 $0x1B8E;
	s24 =	sld [smem:$0x3FFE];
	[sflag:s4] =	ssyncadd.remote.s32 @!p0 $0x1  }
0xb4: {  	s26 =	simm.s32 $execute0_lowered;
	[smem:$0x3FD2] =	sst s25  }
0xb5: {  	s5 =	sshll.u32 s26, $0x1;
	_ =	strace $0x8000004C;
	[dreg:$0x1] =	wrdreg $0xFFFFFFFF  }
0xb6: {  	s28 =	simm.s32 $_size_execute0_lowered;
	s3 =	sadd.s32 s3, s5;
	[dreg:$0x0] =	wrdreg $0x0  }
0xb7: {  	s5 =	sshll.u32 s28, $0x1;
	[dreg:$0x2] =	wrdreg s3  }
0xb8: {  	[dreg:$0x3] =	wrdreg s5  }
0xb9: {  	[dreg:$0x4] =	wrdreg $0xC0  }
0xba: {  	_ =	task [dreg:s22], $0x5FFFF  }
0xbb: {  	[dreg:$0x1] =	wrdreg $0xFFFFFFFF  }
0xbc: {  	[dreg:$0x0] =	wrdreg $0x60  }
0xbd: {  	[dreg:$0x2] =	wrdreg s24  }
0xbe: {  	[dreg:$0x3] =	wrdreg $0x82000  }
0xbf: {  	[dreg:$0x4] =	wrdreg $0xA  }
0xc0: {  	_ =	task.clear_ibuf [dreg:s22], $0x5FFFF;
	_ =	strace $0x9000004C  }
0xc1: {  	s29 =	simm.s32 $0xA;
	_ =	strace $0x8000004E  }
0xc2: {  	_ =	swait.ge [sflag:s29], $0x1  }
0xc3: {  	[sflag:s29] =	ssyncadd.s32 $0xFFFFFFFF  }
0xc4: {  	_ =	strace $0x9000004E  }
0xc5: {  	_ =	sfence  }
0xc6: {  	s30 =	sld [smem:$0x0];
	_ =	sdelay $0x2  }
0xc7: {  	s31 =	sshll.u32 s1, $0xD;
	s1 =	sshrl.u32 s1, $0x2  }
0xc8: {  	s4 =	sand.u32 $0x4000, s31;
	s1 =	sadd.s32 s1, s30  }
0xc9: {  	s0 =	sor.u32 s4, s0;
	s1 =	sshll.u32 s1, $0x11  }
0xca: {  	s0 =	sor.u32 s1, s0  }
0xcb: {  	s0 =	sadd.s32 $0x8F2B, s0  }
0xcc: {  	[sflag:s0] =	ssyncadd.remote.s32 $0x1  }
0xcd: {  	_ =	sfence.sel $0xFFFF  }
0xce: {  	[dreg:$0x0] =	wrdreg $0xFFFFFFFF;
	(pc) =	sbr.abs _section_cstart, $3  }
0xcf: {  	[dreg:$0x1] =	wrdreg $0xFFFFFFFF  }
0xd0: {  	_ =	task.clear_ibuf [dreg:s22], $0x2FFFF;
	_ =	strace $0x9FFFFFFF  }
0xd1: {  	(tm) =	ssettm $0x7FFFFFFF  }
tec
execute0_lowered:
.L_overlay_start_1:
0x0: {  	(tag) =	ssettag $0x1  }
0x1: {  	s11 =	stileid.u32  }
0x2: {  	s0 =	srdreg.scid;
	s4 =	rddreg [dreg:$0x0]  }
0x3: {  	s1 =	rddreg [dreg:$0x1];
	s3 =	smul.u32 $0x14000, s11  }
0x4: {  	s2 =	simm.s32 $0x0;
	s13 =	simm.s32 $0x0;
	s6 =	smul.u32 $0x2800, s11  }
0x5: {  	s5 =	sand.u32 $0x1, s0;
	s0 =	rddreg [dreg:$0x2];
	s26 =	smul.u32 $0xFA00, s11  }
0x6: {  	[smem:$0x7FF] =	sst s2;
	p0 =	sne.s32 s11, $0x0;
	s7 =	smul.u32 $0x1400, s5  }
0x7: {  	p1 =	sgt.u32 s11, $0x9;
	s8 =	smul.u32 $0x9C400, s5;
	_ =	strace $0x8000004D  }
0x8: {  	s30 =	ssub.s32 $0x2, s5;
	s5 =	smul.u32 $0xA000, s5;
	s11 =	sshll.u32 @!p1 s11, $0x6  }
0x9: {  	s9 =	sadd.s32 s3, s4;
	s12 =	sshrl.u32 s30, $0x1;
	s3 =	sadd.s32 $0x14D200, s4  }
0xa: {  	s11 =	sor.u32 @!p1 $0x1C01, s11;
	s6 =	sadd.s32 s7, s6;
	s29 =	sadd.s32 s26, s8  }
0xb: {  	s31 =	sadd.s32 s5, s9;
	s9 =	simm.s32 $0x1;
	s28 =	sshrl.u32 s6, $0x3  }
0xc: {  	s8 =	sshrl.u32 s29, $0x3;
	s6 =	ssub.s32 s30, s12;
	s12 =	sadd.s32 s26, s1  }
0xd: {  	s10 =	sadd.s32 s28, s4;
	s4 =	sadd.s32 s8, s4;
	s5 =	smax.u32 s6, $0x1  }
0xe: {  	s6 =	sadd.s32 $0xD200, s31;
	s8 =	sshrl.u32 @!p0 s1, $0x3;
	s12 =	sshrl.u32 @!p1 s12, $0x3  }
0xf: {  	s4 =	sadd.s32 $0x160C00, s4;
	s7 =	sadd.s32 $0x8200, s10;
	s10 =	simm.s32 $0x200  }
.LBB2_1:
0x10: {  	s14 =	simm.s32 @!p0 $0x1C01  }
0x11: {  	[spmem:s8], [sflag:s14] =	dma.local @!p0 [hbm:s3], $0x13880  }
0x12: {  	s14 =	simm.s32 @!p0 $0x1  }
0x13: {  	_ =	swait.ge @!p0 [sflag:s14], $0x13880  }
0x14: {  	[sflag:s14] =	ssyncset.done @!p0 $0x0  }
0x15: {  	[sflag:s14] =	ssyncadd.s32 @!p0 $0xFFFEC780  }
0x16: {  	s31 =	sadd.s32 $0x0, s7;
	[bflag:$0x0] =	sbarrier.arrive $0xFFFF  }
0x17: {  	[tilespmem:s2], [sflag:$0x1] =	stream.linear.gather [hbm4b:s31+s2], $0x200, $0x38;
	[tilespmem:$0x11E40] =	vst v63  }
0x18: {  	_ =	swait.ge [sflag:s9], $0x200  }
0x19: {  	[sflag:s9] =	ssyncset.done $0x0  }
0x1a: {  	[sflag:s9] =	ssyncadd.s32 $0xFFFFFE00  }
0x1b: {  	[tilespmem:s10], [sflag:$0x1] =	stream.linear.gather [hbm4b:s6+s2], $0x8000, $0x38;
	[tilespmem:$0x11E40] =	vst v63  }
0x1c: {  	_ =	swait.ge [sflag:s9], $0x8000  }
0x1d: {  	[sflag:s9] =	ssyncset.done $0x0  }
0x1e: {  	[sflag:s9] =	ssyncadd.s32 $0xFFFF8000  }
0x1f: {  	[spmem:s1] =	stream.indirect.scatter.add.f32 [tilespmem:s10], [sflag:$0x1], $0x40, s2, s10, $0xb8;
	[tilespmem:$0x11E40] =	vst v63  }
0x20: {  	s15 =	simm.s32 $0x40;
	_ =	swait.ge [sflag:s9], $0x8000  }
0x21: {  	s16 =	simm.s32 $0x80;
	s14 =	sadd.s32 $0x1000, s6;
	[sflag:s9] =	ssyncset.done $0x0  }
.LBB2_2:
0x22: {  	s17 =	sadd.s32 s15, s7  }
0x23: {  	[sflag:s9] =	ssyncadd.s32 $0xFFFF8000;
	s15 =	smov.u32 s16;
	s18 =	sadd.s32 $0x40, s16  }
0x24: {  	[tilespmem:s2], [sflag:$0x1] =	stream.linear.gather [hbm4b:s17+s2], $0x200, $0x38;
	[tilespmem:$0x11E40] =	vst v63  }
0x25: {  	p2 =	sne.s32 s16, $0x240;
	_ =	swait.ge [sflag:s9], $0x200  }
0x26: {  	[sflag:s9] =	ssyncset.done $0x0  }
0x27: {  	[sflag:s9] =	ssyncadd.s32 $0xFFFFFE00  }
0x28: {  	[tilespmem:s10], [sflag:$0x1] =	stream.linear.gather [hbm4b:s14+s2], $0x8000, $0x38;
	[tilespmem:$0x11E40] =	vst v63  }
0x29: {  	_ =	swait.ge [sflag:s9], $0x8000  }
.Ltmp0:
0x2a: {  	[sflag:s9] =	ssyncset.done $0x0;
	(pc) =	sbr.rel @p2 .LBB2_2-.Ltmp0, $4  }
0x2b: {  	[sflag:s9] =	ssyncadd.s32 $0xFFFF8000  }
0x2c: {  	[spmem:s1] =	stream.indirect.scatter.add.f32 [tilespmem:s10], [sflag:$0x1], $0x40, s2, s10, $0xb8;
	[tilespmem:$0x11E40] =	vst v63  }
0x2d: {  	_ =	swait.ge [sflag:s9], $0x8000  }
0x2e: {  	s16 =	smov.u32 s18;
	s14 =	sadd.s32 $0x1000, s14;
	[sflag:s9] =	ssyncset.done $0x0  }
0x2f: {  	s15 =	sadd.s32 s15, s7;
	[sflag:s9] =	ssyncadd.s32 $0xFFFF8000  }
0x30: {  	[tilespmem:s2], [sflag:$0x1] =	stream.linear.gather [hbm4b:s15+s2], $0x200, $0x38;
	[tilespmem:$0x11E40] =	vst v63  }
0x31: {  	_ =	swait.ge [sflag:s9], $0x200  }
0x32: {  	[sflag:s9] =	ssyncset.done $0x0  }
0x33: {  	[sflag:s9] =	ssyncadd.s32 $0xFFFFFE00  }
0x34: {  	[tilespmem:s10], [sflag:$0x1] =	stream.linear.gather [hbm4b:s14+s2], $0x8000, $0x38;
	[tilespmem:$0x11E40] =	vst v63  }
0x35: {  	_ =	swait.ge [sflag:s9], $0x8000  }
0x36: {  	[sflag:s9] =	ssyncset.done $0x0  }
0x37: {  	[sflag:s9] =	ssyncadd.s32 $0xFFFF8000  }
0x38: {  	[spmem:s1] =	stream.indirect.scatter.add.f32 [tilespmem:s10], [sflag:$0x1], $0x40, s2, s10, $0xb8;
	[tilespmem:$0x11E40] =	vst v63  }
0x39: {  	_ =	swait.ge [sflag:s9], $0x8000  }
0x3a: {  	s13 =	sadd.s32 $0x1, s13;
	[sflag:s9] =	ssyncset.done $0x0  }
0x3b: {  	p2 =	sne.s32 s13, s5;
	[sflag:s9] =	ssyncadd.s32 $0xFFFF8000  }
.Ltmp1:
0x3c: {  	s14 =	simm.s32 @!p1 $0x1;
	[bflag:$0x0] =	sbarrier.arrive $0xFFFF;
	(pc) =	sbr.rel @p2 .LBB2_1-.Ltmp1, $4  }
0x3d: {  	[hbm:s4], [sflag:s11] =	dma.local @!p1 [spmem:s12], $0x1F40  }
0x3e: {  	_ =	swait.ge @!p1 [sflag:s14], $0x1F40  }
0x3f: {  	[sflag:s14] =	ssyncset.done @!p1 $0x0  }
0x40: {  	[sflag:s14] =	ssyncadd.s32 @!p1 $0xFFFFE0C0  }
0x41: {  	_ =	sfence.sel $0x180000  }
0x42: {  	[bflag:$0x0] =	sbarrier.arrive $0xFFFF  }
0x43: {  	_ =	strace $0x9000004D  }
0x44: {  	s0 =	sadd.s32 @!p0 $0x100000, s0;
	[bflag:$0x2] =	sbarrier.arrive $0xFFFF  }
0x45: {  	[sflag:s0] =	ssyncadd.tile.s32 @!p0 $0x1;
	_ =	shalt  }
.Lfunc_end2:
_tile_overlayer_lowered:
.L_overlay_start_2:
0x46: {  	(tag) =	ssettag $0x2  }
0x47: {  	s0 =	rddreg [dreg:$0x0];
	s2 =	stileid.u32  }
0x48: {  	s1 =	rddreg [dreg:$0x1];
	p0 =	sne.s32 s2, $0x0  }
0x49: {  	s3 =	rddreg [dreg:$0x2];
	[bflag:$0x3] =	sbarrier.arrive $0xFFFF;
	s2 =	simm.s32 @!p0 $0x1C01  }
0x4a: {  	[timem:s3], [sflag:s2] =	dma.local @!p0 [hbm:s0], s1  }
0x4b: {  	s0 =	simm.s32 @!p0 $0x1  }
0x4c: {  	_ =	swait.ge @!p0 [sflag:s0], s1  }
0x4d: {  	s1 =	ssub.s32 @!p0 $0x0, s1;
	[sflag:s0] =	ssyncset.done @!p0 $0x0  }
0x4e: {  	[sflag:s0] =	ssyncadd.s32 @!p0 s1  }
0x4f: {  	[bflag:$0x3] =	sbarrier.arrive $0xFFFF  }
0x50: {  	_ =	shalt  }

// kernel: kernel.21.cloned.1.call-start
scs
__scs_entry_jumppad:
0x0: {  	(pc) =	sbr.rel $0x88, $3  }
0x1: {  	(tag) =	ssettag $0x0;
	lr =	simm.s32 $0x1  }
0x2: {  	[smem:$0x3F90] =	sst lr;
	_ =	strace $0xD0000000  }
0x3: {  	_ = 	snop  }
0x4: {  	_ = 	snop  }
0x5: {  	_ = 	snop  }
0x6: {  	_ = 	snop  }
0x7: {  	_ = 	snop  }
__scs_overlays_trampoline_lowered:
0x8: {  	[smem:$0x3F9F] =	sst s0  }
0x9: {  	[smem:$0x3FA0] =	sst s1  }
0xa: {  	[smem:$0x3FA1] =	sst s2  }
0xb: {  	[smem:$0x3FA2] =	sst s3  }
0xc: {  	[smem:$0x3FA3] =	sst s4  }
0xd: {  	[smem:$0x3FA4] =	sst s5  }
0xe: {  	[smem:$0x3FA5] =	sst s6  }
0xf: {  	[smem:$0x3FA6] =	sst s7  }
0x10: {  	[smem:$0x3FA7] =	sst s8  }
0x11: {  	[smem:$0x3FA8] =	sst s9;
	s0 =	simm.s32 @!p0 $0x0  }
0x12: {  	s1 =	sld [smem:$0x3F8E];
	s0 =	simm.s32 @p0 $0x1  }
0x13: {  	[smem:$0x3FA9] =	sst s0;
	s0 =	simm.s32 @!p1 $0x0  }
0x14: {  	s2 =	sld [smem:$0x3F8D];
	s0 =	simm.s32 @p1 $0x1  }
0x15: {  	[smem:$0x3FAA] =	sst s0;
	s0 =	simm.s32 @!p2 $0x0  }
0x16: {  	s3 =	sld [smem:$0x3FDB];
	s0 =	simm.s32 @p2 $0x1  }
0x17: {  	s4 =	simm.s32 $0x1BF5;
	[smem:$0x3FAC] =	sst s0  }
0x18: {  	s0 =	sld [smem:$0x3F8F];
	_ =	swait.ge [sflag:s4], $0x0  }
0x19: {  	s7 =	sld [smem:$0x3F90]  }
0x1a: {  	s8 =	sadd.s32 $0xFFFFE003, lr  }
0x1b: {  	s9 =	sadd.s32 $0xFFFFFEF7, lr;
	s5 =	simm.s32 $0xFFFFFFFF;
	p2 =	slt.u32 s8, $0xFFFFF086  }
0x1c: {  	p1 =	slt.u32 s9, $0xF7A;
	s5 =	simm.s32 @!p2 $0x0  }
0x1d: {  	s5 =	simm.s32 @p1 $0x1;
	p0 =	seq.s32 s7, s2  }
0x1e: {  	s7 =	smul.u32 @!p0 $0xF7A, s2;
	p2 =	seq.s32 @!p0 s5, $0x0  }
0x1f: {  	s9 =	smul.u32 $0xF7A, s1;
	s8 =	simm.s32 @!p0 $0x1BF5;
	p2 =	por !p2, p0  }
0x20: {  	[sflag:s8] =	ssyncset.s32 @!p0 $0xFFFFF086;
	s6 =	sadd.s32 @!p0 s3, s7;
	s7 =	simm.s32 @!p0 $0x108  }
0x21: {  	s3 =	sadd.s32 s3, s9;
	s6 =	sadd.s32 @!p0 $0x88, s6;
	s7 =	simm.s32 @p2 $0x1082  }
0x22: {  	[simem:s7], [sflag:s8] =	dma.local @!p0 [hbm:s6], $0xF7A  }
0x23: {  	s9 =	sor.u32 $0xD0000000, s2;
	s6 =	simm.s32 $0x108;
	_ =	swait.ge @!p0 [sflag:s8], $0x0  }
0x24: {  	s3 =	sadd.s32 $0x88, s3;
	s6 =	simm.s32 @!p1 $0x1082;
	[sflag:s4] =	ssyncset.s32 $0xFFFFF086  }
0x25: {  	[simem:s6], [sflag:s4] =	dma.local [hbm:s3], $0xF7A  }
0x26: {  	[smem:$0x3F90] =	sst s1;
	(tag) =	ssettag s2;
	_ =	strace s9  }
0x27: {  	s1 =	sld [smem:$0x3FA0]  }
0x28: {  	s2 =	sld [smem:$0x3FA1]  }
0x29: {  	s4 =	sld [smem:$0x3FA3]  }
0x2a: {  	p0 =	seq.s32 s5, $0x0;
	s5 =	sld [smem:$0x3FA4]  }
0x2b: {  	s6 =	sld [smem:$0x3FA5]  }
0x2c: {  	s7 =	sld [smem:$0x3FA6]  }
0x2d: {  	s3 =	simm.s32 $0x108;
	s8 =	sld [smem:$0x3FA7]  }
0x2e: {  	s3 =	simm.s32 @!p0 $0x1082;
	s9 =	sld [smem:$0x3FA8]  }
0x2f: {  	lr =	sadd.s32 s0, s3;
	s0 =	sld [smem:$0x3F9F]  }
0x30: {  	s3 =	sld [smem:$0x3FA2]  }
0x31: {  	[smem:$0x3FAB] =	sst s10  }
0x32: {  	s10 =	sld [smem:$0x3FA9];
	_ =	sdelay $0x3  }
0x33: {  	p0 =	seq.s32 s10, $0x1;
	s10 =	sld [smem:$0x3FAB];
	_ =	sdelay $0x3  }
0x34: {  	[smem:$0x3FAB] =	sst s10  }
0x35: {  	s10 =	sld [smem:$0x3FAA];
	_ =	sdelay $0x3  }
0x36: {  	p1 =	seq.s32 s10, $0x1;
	s10 =	sld [smem:$0x3FAB];
	_ =	sdelay $0x3  }
0x37: {  	[smem:$0x3FAB] =	sst s10  }
0x38: {  	s10 =	sld [smem:$0x3FAC]  }
0x39: {  	_ = 	snop;
	(pc) =	sbr.ind lr, $3  }
0x3a: {  	_ = 	snop  }
0x3b: {  	_ = 	snop  }
0x3c: {  	p2 =	seq.s32 s10, $0x1;
	s10 =	sld [smem:$0x3FAB]  }
0x3d: {  	_ =	shalt  }
0x3e: {  	_ =	shalt  }
0x3f: {  	_ =	shalt  }
0x40: {  	_ =	shalt  }
0x41: {  	_ =	shalt  }
0x42: {  	_ =	shalt  }
0x43: {  	_ =	shalt  }
0x44: {  	_ =	shalt  }
0x45: {  	_ =	shalt  }
0x46: {  	_ =	shalt  }
0x47: {  	_ =	shalt  }
0x48: {  	_ =	shalt  }
0x49: {  	_ =	shalt  }
0x4a: {  	_ =	shalt  }
0x4b: {  	_ =	shalt  }
0x4c: {  	_ =	shalt  }
0x4d: {  	_ =	shalt  }
0x4e: {  	_ =	shalt  }
0x4f: {  	_ =	shalt  }
0x50: {  	_ =	shalt  }
0x51: {  	_ =	shalt  }
0x52: {  	_ =	shalt  }
0x53: {  	_ =	shalt  }
0x54: {  	_ =	shalt  }
0x55: {  	_ =	shalt  }
0x56: {  	_ =	shalt  }
0x57: {  	_ =	shalt  }
0x58: {  	_ =	shalt  }
0x59: {  	_ =	shalt  }
0x5a: {  	_ =	shalt  }
0x5b: {  	_ =	shalt  }
0x5c: {  	_ =	shalt  }
0x5d: {  	_ =	shalt  }
0x5e: {  	_ =	shalt  }
0x5f: {  	_ =	shalt  }
0x60: {  	_ =	shalt  }
0x61: {  	_ =	shalt  }
0x62: {  	_ =	shalt  }
0x63: {  	_ =	shalt  }
0x64: {  	_ =	shalt  }
0x65: {  	_ =	shalt  }
0x66: {  	_ =	shalt  }
0x67: {  	_ =	shalt  }
0x68: {  	_ =	shalt  }
0x69: {  	_ =	shalt  }
0x6a: {  	_ =	shalt  }
0x6b: {  	_ =	shalt  }
0x6c: {  	_ =	shalt  }
0x6d: {  	_ =	shalt  }
0x6e: {  	_ =	shalt  }
0x6f: {  	_ =	shalt  }
0x70: {  	_ =	shalt  }
0x71: {  	_ =	shalt  }
0x72: {  	_ =	shalt  }
0x73: {  	_ =	shalt  }
0x74: {  	_ =	shalt  }
0x75: {  	_ =	shalt  }
0x76: {  	_ =	shalt  }
0x77: {  	_ =	shalt  }
0x78: {  	_ =	shalt  }
0x79: {  	_ =	shalt  }
0x7a: {  	_ =	shalt  }
0x7b: {  	_ =	shalt  }
0x7c: {  	_ =	shalt  }
0x7d: {  	_ =	shalt  }
0x7e: {  	_ =	shalt  }
0x7f: {  	_ =	shalt  }
0x80: {  	_ =	shalt  }
0x81: {  	_ =	shalt  }
0x82: {  	_ =	shalt  }
0x83: {  	_ =	shalt  }
0x84: {  	_ =	shalt  }
0x85: {  	_ =	shalt  }
0x86: {  	_ =	shalt  }
0x87: {  	_ =	shalt  }
.Lfunc_end0:
.L_simem_size_0:
called_computation.3_lowered:
.L_overlay_start_0:
0x88: {  	s2 =	sld [smem:$0x3FD9]  }
0x89: {  	s3 =	sld [smem:$0x3FFE];
	_ =	sdelay $0x1  }
0x8a: {  	s1 =	srdreg.scid  }
0x8b: {  	s0 =	sand.u32 $0x1, s1  }
0x8c: {  	s17 =	sshll.u32 s0, $0xA;
	s2 =	sadd.s32 s3, s2  }
0x8d: {  	s2 =	sadd.s32 s2, s17  }
0x8e: {  	[smem:$0x3FB7] =	sst s2  }
0x8f: {  	_ = 	snop  }
0x90: {  	(tm) =	ssettm $0x1  }
0x91: {  	s18 =	sld [smem:$0x3FFB];
	_ =	sdelay $0x3  }
0x92: {  	_ =	strace s18  }
0x93: {  	s2 =	sld [smem:$0x3FFC];
	_ =	sdelay $0x3  }
0x94: {  	_ =	strace s2  }
0x95: {  	s2 =	sld [smem:$0x3FFD];
	_ =	sdelay $0x3  }
0x96: {  	_ =	strace s2  }
0x97: {  	_ =	strace $0x8FFFFFFF  }
0x98: {  	s19 =	sld [smem:$0x3FDB];
	_ =	sdelay $0x1  }
0x99: {  	s20 =	simm.s32 $_scs_section_size  }
0x9a: {  	s4 =	simm.s32 $_size__tile_overlayer_lowered;
	s5 =	simm.s32 $_tile_overlayer_lowered  }
0x9b: {  	s6 =	simm.s32 $0x1BFF;
	s21 =	sshll.u32 s5, $0x1;
	s3 =	sadd.s32 s20, s19  }
0x9c: {  	s22 =	simm.s32 $0x0;
	s4 =	sshll.u32 s4, $0x1;
	s5 =	sadd.s32 s21, s3  }
0x9d: {  	[timem:s22], [sflag:s6] =	dma.local [hbm:s5], s4  }
0x9e: {  	_ =	swait.ge [sflag:s6], s4  }
0x9f: {  	s4 =	ssub.s32 $0x0, s4;
	[sflag:s6] =	ssyncset.done $0x0  }
0xa0: {  	[sflag:s6] =	ssyncadd.s32 s4;
	_ =	sdelay $0x1  }
0xa1: {  	s23 =	simm.s32 $0x1B8B  }
0xa2: {  	_ =	swait.ge [sflag:s23], $0x1  }
0xa3: {  	[sflag:s23] =	ssyncset.done $0x0  }
0xa4: {  	[sflag:s23] =	ssyncadd.s32 $0xFFFFFFFF  }
0xa5: {  	s4 =	sld [smem:$0x0]  }
0xa6: {  	s5 =	sand.u32 $0xFFFFFFFE, s1  }
0xa7: {  	p0 =	sne.s32 s1, s5  }
0xa8: {  	s5 =	sshll.u32 @p0 s5, $0xE  }
0xa9: {  	s5 =	sadd.s32 @p0 $0x11B8D, s5;
	s6 =	sshll.u32 @p0 s4, $0x11  }
0xaa: {  	s5 =	sor.u32 @p0 s6, s5  }
0xab: {  	[sflag:s5] =	ssyncadd.remote.s32 @p0 $0x1;
	_ =	sdelay $0x1  }
0xac: {  	s5 =	simm.s32 @p0 $0x1B8D  }
0xad: {  	_ =	swait.eq @p0 [sflag:s5], $0x1  }
0xae: {  	[sflag:s5] =	ssyncadd.s32 @p0 $0xFFFFFFFF  }
0xaf: {  	s6 =	sshll.u32 @!p0 s1, $0xE  }
0xb0: {  	s6 =	sor.u32 @!p0 $0x4000, s6;
	s5 =	simm.s32 @!p0 $0x1B8D  }
0xb1: {  	s4 =	sshll.u32 @!p0 s4, $0x11;
	s6 =	sadd.s32 @!p0 $0x11B8D, s6;
	_ =	swait.eq @!p0 [sflag:s5], $0x1  }
0xb2: {  	s4 =	sor.u32 @!p0 s4, s6;
	[sflag:s5] =	ssyncadd.s32 @!p0 $0xFFFFFFFF  }
0xb3: {  	s25 =	simm.s32 $0x1B8E;
	s24 =	sld [smem:$0x3FFE];
	[sflag:s4] =	ssyncadd.remote.s32 @!p0 $0x1  }
0xb4: {  	s26 =	simm.s32 $execute0_lowered;
	[smem:$0x3FD2] =	sst s25  }
0xb5: {  	s5 =	sshll.u32 s26, $0x1;
	_ =	strace $0x8000004F;
	[dreg:$0x1] =	wrdreg $0xFFFFFFFF  }
0xb6: {  	s28 =	simm.s32 $_size_execute0_lowered;
	s3 =	sadd.s32 s3, s5;
	[dreg:$0x0] =	wrdreg $0x0  }
0xb7: {  	s5 =	sshll.u32 s28, $0x1;
	[dreg:$0x2] =	wrdreg s3  }
0xb8: {  	[dreg:$0x3] =	wrdreg s5  }
0xb9: {  	[dreg:$0x4] =	wrdreg $0xC0  }
0xba: {  	_ =	task [dreg:s22], $0x5FFFF  }
0xbb: {  	[dreg:$0x1] =	wrdreg $0xFFFFFFFF  }
0xbc: {  	[dreg:$0x0] =	wrdreg $0x60  }
0xbd: {  	[dreg:$0x2] =	wrdreg s24  }
0xbe: {  	[dreg:$0x3] =	wrdreg $0x7BE80  }
0xbf: {  	[dreg:$0x4] =	wrdreg $0x9  }
0xc0: {  	_ =	task.clear_ibuf [dreg:s22], $0x5FFFF;
	_ =	strace $0x9000004F  }
0xc1: {  	s29 =	simm.s32 $0x9;
	_ =	strace $0x80000051  }
0xc2: {  	_ =	swait.ge [sflag:s29], $0x1  }
0xc3: {  	[sflag:s29] =	ssyncadd.s32 $0xFFFFFFFF  }
0xc4: {  	_ =	strace $0x90000051  }
0xc5: {  	_ =	sfence  }
0xc6: {  	s30 =	sld [smem:$0x0];
	_ =	sdelay $0x2  }
0xc7: {  	s31 =	sshll.u32 s1, $0xD;
	s1 =	sshrl.u32 s1, $0x2  }
0xc8: {  	s4 =	sand.u32 $0x4000, s31;
	s1 =	sadd.s32 s1, s30  }
0xc9: {  	s0 =	sor.u32 s4, s0;
	s1 =	sshll.u32 s1, $0x11  }
0xca: {  	s0 =	sor.u32 s1, s0  }
0xcb: {  	s0 =	sadd.s32 $0x8F2B, s0  }
0xcc: {  	[sflag:s0] =	ssyncadd.remote.s32 $0x1  }
0xcd: {  	_ =	sfence.sel $0xFFFF  }
0xce: {  	[dreg:$0x0] =	wrdreg $0xFFFFFFFF;
	(pc) =	sbr.abs _section_cstart, $3  }
0xcf: {  	[dreg:$0x1] =	wrdreg $0xFFFFFFFF  }
0xd0: {  	_ =	task.clear_ibuf [dreg:s22], $0x2FFFF;
	_ =	strace $0x9FFFFFFF  }
0xd1: {  	(tm) =	ssettm $0x7FFFFFFF  }
tec
execute0_lowered:
.L_overlay_start_1:
0x0: {  	(tag) =	ssettag $0x1  }
0x1: {  	s11 =	stileid.u32  }
0x2: {  	s0 =	srdreg.scid;
	s4 =	rddreg [dreg:$0x0]  }
0x3: {  	s1 =	rddreg [dreg:$0x1];
	s3 =	smul.u32 $0x13100, s11  }
0x4: {  	s2 =	simm.s32 $0x0;
	s13 =	simm.s32 $0x0;
	s6 =	smul.u32 $0x2620, s11  }
0x5: {  	s5 =	sand.u32 $0x1, s0;
	s0 =	rddreg [dreg:$0x2];
	s26 =	smul.u32 $0xFA00, s11  }
0x6: {  	[smem:$0x7FF] =	sst s2;
	p0 =	sne.s32 s11, $0x0;
	s7 =	smul.u32 $0x1310, s5  }
0x7: {  	p1 =	sgt.u32 s11, $0x9;
	s8 =	smul.u32 $0x9C400, s5;
	_ =	strace $0x80000050  }
0x8: {  	s30 =	ssub.s32 $0x2, s5;
	s5 =	smul.u32 $0x9880, s5;
	s11 =	sshll.u32 @!p1 s11, $0x6  }
0x9: {  	s9 =	sadd.s32 s3, s4;
	s12 =	sshrl.u32 s30, $0x1;
	s3 =	sadd.s32 $0x14D200, s4  }
0xa: {  	s11 =	sor.u32 @!p1 $0x1C01, s11;
	s6 =	sadd.s32 s7, s6;
	s29 =	sadd.s32 s26, s8  }
0xb: {  	s31 =	sadd.s32 s5, s9;
	s9 =	simm.s32 $0x1;
	s28 =	sshrl.u32 s6, $0x3  }
0xc: {  	s8 =	sshrl.u32 s29, $0x3;
	s6 =	ssub.s32 s30, s12;
	s12 =	sadd.s32 s26, s1  }
0xd: {  	s10 =	sadd.s32 s28, s4;
	s4 =	sadd.s32 s8, s4;
	s5 =	smax.u32 s6, $0x1  }
0xe: {  	s6 =	sadd.s32 $0x297000, s31;
	s8 =	sshrl.u32 @!p0 s1, $0x3;
	s12 =	sshrl.u32 @!p1 s12, $0x3  }
0xf: {  	s4 =	sadd.s32 $0x187E00, s4;
	s7 =	sadd.s32 $0x3200, s10;
	s10 =	simm.s32 $0x1E8  }
.LBB2_1:
0x10: {  	s14 =	simm.s32 @!p0 $0x1C01  }
0x11: {  	[spmem:s8], [sflag:s14] =	dma.local @!p0 [hbm:s3], $0x13880  }
0x12: {  	s14 =	simm.s32 @!p0 $0x1  }
0x13: {  	_ =	swait.ge @!p0 [sflag:s14], $0x13880  }
0x14: {  	[sflag:s14] =	ssyncset.done @!p0 $0x0  }
0x15: {  	[sflag:s14] =	ssyncadd.s32 @!p0 $0xFFFEC780  }
0x16: {  	s31 =	sadd.s32 $0x0, s7;
	[bflag:$0x0] =	sbarrier.arrive $0xFFFF  }
0x17: {  	[tilespmem:s2], [sflag:$0x1] =	stream.linear.gather [hbm4b:s31+s2], $0x1E8, $0x38;
	[tilespmem:$0x11828] =	vst v63  }
0x18: {  	_ =	swait.ge [sflag:s9], $0x1E8  }
0x19: {  	[sflag:s9] =	ssyncset.done $0x0  }
0x1a: {  	[sflag:s9] =	ssyncadd.s32 $0xFFFFFE18  }
0x1b: {  	[tilespmem:s10], [sflag:$0x1] =	stream.linear.gather [hbm4b:s6+s2], $0x7A00, $0x38;
	[tilespmem:$0x11828] =	vst v63  }
0x1c: {  	_ =	swait.ge [sflag:s9], $0x7A00  }
0x1d: {  	[sflag:s9] =	ssyncset.done $0x0  }
0x1e: {  	[sflag:s9] =	ssyncadd.s32 $0xFFFF8600  }
0x1f: {  	[spmem:s1] =	stream.indirect.scatter.add.f32 [tilespmem:s10], [sflag:$0x1], $0x40, s2, s10, $0xb8;
	[tilespmem:$0x11828] =	vst v63  }
0x20: {  	s15 =	simm.s32 $0x3D;
	_ =	swait.ge [sflag:s9], $0x7A00  }
0x21: {  	s16 =	simm.s32 $0x7A;
	s14 =	sadd.s32 $0xF40, s6;
	[sflag:s9] =	ssyncset.done $0x0  }
.LBB2_2:
0x22: {  	s17 =	sadd.s32 s15, s7  }
0x23: {  	[sflag:s9] =	ssyncadd.s32 $0xFFFF8600;
	s15 =	smov.u32 s16;
	s18 =	sadd.s32 $0x3D, s16  }
0x24: {  	[tilespmem:s2], [sflag:$0x1] =	stream.linear.gather [hbm4b:s17+s2], $0x1E8, $0x38;
	[tilespmem:$0x11828] =	vst v63  }
0x25: {  	p2 =	sne.s32 s16, $0x225;
	_ =	swait.ge [sflag:s9], $0x1E8  }
0x26: {  	[sflag:s9] =	ssyncset.done $0x0  }
0x27: {  	[sflag:s9] =	ssyncadd.s32 $0xFFFFFE18  }
0x28: {  	[tilespmem:s10], [sflag:$0x1] =	stream.linear.gather [hbm4b:s14+s2], $0x7A00, $0x38;
	[tilespmem:$0x11828] =	vst v63  }
0x29: {  	_ =	swait.ge [sflag:s9], $0x7A00  }
.Ltmp0:
0x2a: {  	[sflag:s9] =	ssyncset.done $0x0;
	(pc) =	sbr.rel @p2 .LBB2_2-.Ltmp0, $4  }
0x2b: {  	[sflag:s9] =	ssyncadd.s32 $0xFFFF8600  }
0x2c: {  	[spmem:s1] =	stream.indirect.scatter.add.f32 [tilespmem:s10], [sflag:$0x1], $0x40, s2, s10, $0xb8;
	[tilespmem:$0x11828] =	vst v63  }
0x2d: {  	_ =	swait.ge [sflag:s9], $0x7A00  }
0x2e: {  	s16 =	smov.u32 s18;
	s14 =	sadd.s32 $0xF40, s14;
	[sflag:s9] =	ssyncset.done $0x0  }
0x2f: {  	s15 =	sadd.s32 s15, s7;
	[sflag:s9] =	ssyncadd.s32 $0xFFFF8600  }
0x30: {  	[tilespmem:s2], [sflag:$0x1] =	stream.linear.gather [hbm4b:s15+s2], $0x1E8, $0x38;
	[tilespmem:$0x11828] =	vst v63  }
0x31: {  	_ =	swait.ge [sflag:s9], $0x1E8  }
0x32: {  	[sflag:s9] =	ssyncset.done $0x0  }
0x33: {  	[sflag:s9] =	ssyncadd.s32 $0xFFFFFE18  }
0x34: {  	[tilespmem:s10], [sflag:$0x1] =	stream.linear.gather [hbm4b:s14+s2], $0x7A00, $0x38;
	[tilespmem:$0x11828] =	vst v63  }
0x35: {  	_ =	swait.ge [sflag:s9], $0x7A00  }
0x36: {  	[sflag:s9] =	ssyncset.done $0x0  }
0x37: {  	[sflag:s9] =	ssyncadd.s32 $0xFFFF8600  }
0x38: {  	[spmem:s1] =	stream.indirect.scatter.add.f32 [tilespmem:s10], [sflag:$0x1], $0x40, s2, s10, $0xb8;
	[tilespmem:$0x11828] =	vst v63  }
0x39: {  	_ =	swait.ge [sflag:s9], $0x7A00  }
0x3a: {  	s13 =	sadd.s32 $0x1, s13;
	[sflag:s9] =	ssyncset.done $0x0  }
0x3b: {  	p2 =	sne.s32 s13, s5;
	[sflag:s9] =	ssyncadd.s32 $0xFFFF8600  }
.Ltmp1:
0x3c: {  	s14 =	simm.s32 @!p1 $0x1;
	[bflag:$0x0] =	sbarrier.arrive $0xFFFF;
	(pc) =	sbr.rel @p2 .LBB2_1-.Ltmp1, $4  }
0x3d: {  	[hbm:s4], [sflag:s11] =	dma.local @!p1 [spmem:s12], $0x1F40  }
0x3e: {  	_ =	swait.ge @!p1 [sflag:s14], $0x1F40  }
0x3f: {  	[sflag:s14] =	ssyncset.done @!p1 $0x0  }
0x40: {  	[sflag:s14] =	ssyncadd.s32 @!p1 $0xFFFFE0C0  }
0x41: {  	_ =	sfence.sel $0x180000  }
0x42: {  	[bflag:$0x0] =	sbarrier.arrive $0xFFFF  }
0x43: {  	_ =	strace $0x90000050  }
0x44: {  	s0 =	sadd.s32 @!p0 $0x100000, s0;
	[bflag:$0x2] =	sbarrier.arrive $0xFFFF  }
0x45: {  	[sflag:s0] =	ssyncadd.tile.s32 @!p0 $0x1;
	_ =	shalt  }
.Lfunc_end2:
_tile_overlayer_lowered:
.L_overlay_start_2:
0x46: {  	(tag) =	ssettag $0x2  }
0x47: {  	s0 =	rddreg [dreg:$0x0];
	s2 =	stileid.u32  }
0x48: {  	s1 =	rddreg [dreg:$0x1];
	p0 =	sne.s32 s2, $0x0  }
0x49: {  	s3 =	rddreg [dreg:$0x2];
	[bflag:$0x3] =	sbarrier.arrive $0xFFFF;
	s2 =	simm.s32 @!p0 $0x1C01  }
0x4a: {  	[timem:s3], [sflag:s2] =	dma.local @!p0 [hbm:s0], s1  }
0x4b: {  	s0 =	simm.s32 @!p0 $0x1  }
0x4c: {  	_ =	swait.ge @!p0 [sflag:s0], s1  }
0x4d: {  	s1 =	ssub.s32 @!p0 $0x0, s1;
	[sflag:s0] =	ssyncset.done @!p0 $0x0  }
0x4e: {  	[sflag:s0] =	ssyncadd.s32 @!p0 s1  }
0x4f: {  	[bflag:$0x3] =	sbarrier.arrive $0xFFFF  }
0x50: {  	_ =	shalt  }

// kernel: kernel.24.cloned.1.call-start
scs
__scs_entry_jumppad:
0x0: {  	(pc) =	sbr.rel $0x88, $3  }
0x1: {  	(tag) =	ssettag $0x0;
	lr =	simm.s32 $0x1  }
0x2: {  	[smem:$0x3F90] =	sst lr;
	_ =	strace $0xD0000000  }
0x3: {  	_ = 	snop  }
0x4: {  	_ = 	snop  }
0x5: {  	_ = 	snop  }
0x6: {  	_ = 	snop  }
0x7: {  	_ = 	snop  }
__scs_overlays_trampoline_lowered:
0x8: {  	[smem:$0x3F9F] =	sst s0  }
0x9: {  	[smem:$0x3FA0] =	sst s1  }
0xa: {  	[smem:$0x3FA1] =	sst s2  }
0xb: {  	[smem:$0x3FA2] =	sst s3  }
0xc: {  	[smem:$0x3FA3] =	sst s4  }
0xd: {  	[smem:$0x3FA4] =	sst s5  }
0xe: {  	[smem:$0x3FA5] =	sst s6  }
0xf: {  	[smem:$0x3FA6] =	sst s7  }
0x10: {  	[smem:$0x3FA7] =	sst s8  }
0x11: {  	[smem:$0x3FA8] =	sst s9;
	s0 =	simm.s32 @!p0 $0x0  }
0x12: {  	s1 =	sld [smem:$0x3F8E];
	s0 =	simm.s32 @p0 $0x1  }
0x13: {  	[smem:$0x3FA9] =	sst s0;
	s0 =	simm.s32 @!p1 $0x0  }
0x14: {  	s2 =	sld [smem:$0x3F8D];
	s0 =	simm.s32 @p1 $0x1  }
0x15: {  	[smem:$0x3FAA] =	sst s0;
	s0 =	simm.s32 @!p2 $0x0  }
0x16: {  	s3 =	sld [smem:$0x3FDB];
	s0 =	simm.s32 @p2 $0x1  }
0x17: {  	s4 =	simm.s32 $0x1BF5;
	[smem:$0x3FAC] =	sst s0  }
0x18: {  	s0 =	sld [smem:$0x3F8F];
	_ =	swait.ge [sflag:s4], $0x0  }
0x19: {  	s7 =	sld [smem:$0x3F90]  }
0x1a: {  	s8 =	sadd.s32 $0xFFFFE003, lr  }
0x1b: {  	s9 =	sadd.s32 $0xFFFFFEF7, lr;
	s5 =	simm.s32 $0xFFFFFFFF;
	p2 =	slt.u32 s8, $0xFFFFF086  }
0x1c: {  	p1 =	slt.u32 s9, $0xF7A;
	s5 =	simm.s32 @!p2 $0x0  }
0x1d: {  	s5 =	simm.s32 @p1 $0x1;
	p0 =	seq.s32 s7, s2  }
0x1e: {  	s7 =	smul.u32 @!p0 $0xF7A, s2;
	p2 =	seq.s32 @!p0 s5, $0x0  }
0x1f: {  	s9 =	smul.u32 $0xF7A, s1;
	s8 =	simm.s32 @!p0 $0x1BF5;
	p2 =	por !p2, p0  }
0x20: {  	[sflag:s8] =	ssyncset.s32 @!p0 $0xFFFFF086;
	s6 =	sadd.s32 @!p0 s3, s7;
	s7 =	simm.s32 @!p0 $0x108  }
0x21: {  	s3 =	sadd.s32 s3, s9;
	s6 =	sadd.s32 @!p0 $0x88, s6;
	s7 =	simm.s32 @p2 $0x1082  }
0x22: {  	[simem:s7], [sflag:s8] =	dma.local @!p0 [hbm:s6], $0xF7A  }
0x23: {  	s9 =	sor.u32 $0xD0000000, s2;
	s6 =	simm.s32 $0x108;
	_ =	swait.ge @!p0 [sflag:s8], $0x0  }
0x24: {  	s3 =	sadd.s32 $0x88, s3;
	s6 =	simm.s32 @!p1 $0x1082;
	[sflag:s4] =	ssyncset.s32 $0xFFFFF086  }
0x25: {  	[simem:s6], [sflag:s4] =	dma.local [hbm:s3], $0xF7A  }
0x26: {  	[smem:$0x3F90] =	sst s1;
	(tag) =	ssettag s2;
	_ =	strace s9  }
0x27: {  	s1 =	sld [smem:$0x3FA0]  }
0x28: {  	s2 =	sld [smem:$0x3FA1]  }
0x29: {  	s4 =	sld [smem:$0x3FA3]  }
0x2a: {  	p0 =	seq.s32 s5, $0x0;
	s5 =	sld [smem:$0x3FA4]  }
0x2b: {  	s6 =	sld [smem:$0x3FA5]  }
0x2c: {  	s7 =	sld [smem:$0x3FA6]  }
0x2d: {  	s3 =	simm.s32 $0x108;
	s8 =	sld [smem:$0x3FA7]  }
0x2e: {  	s3 =	simm.s32 @!p0 $0x1082;
	s9 =	sld [smem:$0x3FA8]  }
0x2f: {  	lr =	sadd.s32 s0, s3;
	s0 =	sld [smem:$0x3F9F]  }
0x30: {  	s3 =	sld [smem:$0x3FA2]  }
0x31: {  	[smem:$0x3FAB] =	sst s10  }
0x32: {  	s10 =	sld [smem:$0x3FA9];
	_ =	sdelay $0x3  }
0x33: {  	p0 =	seq.s32 s10, $0x1;
	s10 =	sld [smem:$0x3FAB];
	_ =	sdelay $0x3  }
0x34: {  	[smem:$0x3FAB] =	sst s10  }
0x35: {  	s10 =	sld [smem:$0x3FAA];
	_ =	sdelay $0x3  }
0x36: {  	p1 =	seq.s32 s10, $0x1;
	s10 =	sld [smem:$0x3FAB];
	_ =	sdelay $0x3  }
0x37: {  	[smem:$0x3FAB] =	sst s10  }
0x38: {  	s10 =	sld [smem:$0x3FAC]  }
0x39: {  	_ = 	snop;
	(pc) =	sbr.ind lr, $3  }
0x3a: {  	_ = 	snop  }
0x3b: {  	_ = 	snop  }
0x3c: {  	p2 =	seq.s32 s10, $0x1;
	s10 =	sld [smem:$0x3FAB]  }
0x3d: {  	_ =	shalt  }
0x3e: {  	_ =	shalt  }
0x3f: {  	_ =	shalt  }
0x40: {  	_ =	shalt  }
0x41: {  	_ =	shalt  }
0x42: {  	_ =	shalt  }
0x43: {  	_ =	shalt  }
0x44: {  	_ =	shalt  }
0x45: {  	_ =	shalt  }
0x46: {  	_ =	shalt  }
0x47: {  	_ =	shalt  }
0x48: {  	_ =	shalt  }
0x49: {  	_ =	shalt  }
0x4a: {  	_ =	shalt  }
0x4b: {  	_ =	shalt  }
0x4c: {  	_ =	shalt  }
0x4d: {  	_ =	shalt  }
0x4e: {  	_ =	shalt  }
0x4f: {  	_ =	shalt  }
0x50: {  	_ =	shalt  }
0x51: {  	_ =	shalt  }
0x52: {  	_ =	shalt  }
0x53: {  	_ =	shalt  }
0x54: {  	_ =	shalt  }
0x55: {  	_ =	shalt  }
0x56: {  	_ =	shalt  }
0x57: {  	_ =	shalt  }
0x58: {  	_ =	shalt  }
0x59: {  	_ =	shalt  }
0x5a: {  	_ =	shalt  }
0x5b: {  	_ =	shalt  }
0x5c: {  	_ =	shalt  }
0x5d: {  	_ =	shalt  }
0x5e: {  	_ =	shalt  }
0x5f: {  	_ =	shalt  }
0x60: {  	_ =	shalt  }
0x61: {  	_ =	shalt  }
0x62: {  	_ =	shalt  }
0x63: {  	_ =	shalt  }
0x64: {  	_ =	shalt  }
0x65: {  	_ =	shalt  }
0x66: {  	_ =	shalt  }
0x67: {  	_ =	shalt  }
0x68: {  	_ =	shalt  }
0x69: {  	_ =	shalt  }
0x6a: {  	_ =	shalt  }
0x6b: {  	_ =	shalt  }
0x6c: {  	_ =	shalt  }
0x6d: {  	_ =	shalt  }
0x6e: {  	_ =	shalt  }
0x6f: {  	_ =	shalt  }
0x70: {  	_ =	shalt  }
0x71: {  	_ =	shalt  }
0x72: {  	_ =	shalt  }
0x73: {  	_ =	shalt  }
0x74: {  	_ =	shalt  }
0x75: {  	_ =	shalt  }
0x76: {  	_ =	shalt  }
0x77: {  	_ =	shalt  }
0x78: {  	_ =	shalt  }
0x79: {  	_ =	shalt  }
0x7a: {  	_ =	shalt  }
0x7b: {  	_ =	shalt  }
0x7c: {  	_ =	shalt  }
0x7d: {  	_ =	shalt  }
0x7e: {  	_ =	shalt  }
0x7f: {  	_ =	shalt  }
0x80: {  	_ =	shalt  }
0x81: {  	_ =	shalt  }
0x82: {  	_ =	shalt  }
0x83: {  	_ =	shalt  }
0x84: {  	_ =	shalt  }
0x85: {  	_ =	shalt  }
0x86: {  	_ =	shalt  }
0x87: {  	_ =	shalt  }
.Lfunc_end0:
.L_simem_size_0:
called_computation.4_lowered:
.L_overlay_start_0:
0x88: {  	s2 =	sld [smem:$0x3FD9]  }
0x89: {  	s3 =	sld [smem:$0x3FFE];
	_ =	sdelay $0x1  }
0x8a: {  	s1 =	srdreg.scid  }
0x8b: {  	s0 =	sand.u32 $0x1, s1  }
0x8c: {  	s14 =	sshll.u32 s0, $0xA;
	s2 =	sadd.s32 s3, s2  }
0x8d: {  	s2 =	sadd.s32 s2, s14  }
0x8e: {  	[smem:$0x3FB7] =	sst s2  }
0x8f: {  	_ = 	snop  }
0x90: {  	s2 =	sld [smem:$0x3FD0];
	_ =	sdelay $0x2  }
0x91: {  	s15 =	simm.s32 $0xB;
	s4 =	simm.s32 $0x10  }
0x92: {  	[smem:s4], [sflag:s15] =	dma.local [hbm:s2], $0x1  }
0x93: {  	_ =	swait.eq [sflag:s15], $0x1  }
0x94: {  	[sflag:s15] =	ssyncset.done $0x0  }
0x95: {  	s16 =	sld [smem:$0x10];
	[sflag:s15] =	ssyncadd.s32 $0xFFFFFFFF  }
0x96: {  	s17 =	sld [smem:$0x11];
	(tm) =	ssettm $0x1  }
0x97: {  	s18 =	sld [smem:$0x3FFB];
	_ =	sdelay $0x3  }
0x98: {  	_ =	strace s18  }
0x99: {  	s4 =	sld [smem:$0x3FFC];
	_ =	sdelay $0x3  }
0x9a: {  	_ =	strace s4  }
0x9b: {  	s4 =	sld [smem:$0x3FFD];
	_ =	sdelay $0x3  }
0x9c: {  	_ =	strace s4  }
0x9d: {  	_ =	strace $0x8FFFFFFF  }
0x9e: {  	s19 =	sld [smem:$0x3FDB];
	_ =	sdelay $0x1  }
0x9f: {  	s5 =	simm.s32 $_scs_section_size  }
0xa0: {  	s6 =	simm.s32 $_size__tile_overlayer_lowered;
	s7 =	simm.s32 $_tile_overlayer_lowered  }
0xa1: {  	s22 =	simm.s32 $0x1BFF;
	s21 =	sshll.u32 s7, $0x1;
	s4 =	sadd.s32 s5, s19  }
0xa2: {  	s8 =	simm.s32 $0x0;
	s20 =	sshll.u32 s6, $0x1;
	s6 =	sadd.s32 s21, s4  }
0xa3: {  	[timem:s8], [sflag:s22] =	dma.local [hbm:s6], s20  }
0xa4: {  	_ =	swait.ge [sflag:s22], s20  }
0xa5: {  	s5 =	ssub.s32 $0x0, s20;
	[sflag:s22] =	ssyncset.done $0x0  }
0xa6: {  	[sflag:s22] =	ssyncadd.s32 s5;
	_ =	sdelay $0x1  }
0xa7: {  	s23 =	simm.s32 $0x1B8B  }
0xa8: {  	_ =	swait.ge [sflag:s23], $0x1  }
0xa9: {  	[sflag:s23] =	ssyncset.done $0x0  }
0xaa: {  	s25 =	simm.s32 $0x1B8E;
	s24 =	sld [smem:$0x3FFE];
	[sflag:s23] =	ssyncadd.s32 $0xFFFFFFFF  }
0xab: {  	s26 =	simm.s32 $execute0_lowered;
	[smem:$0x3FD2] =	sst s25  }
0xac: {  	s6 =	sshll.u32 s26, $0x1;
	_ =	strace $0x80000052;
	[dreg:$0x1] =	wrdreg $0xFFFFFFFF  }
0xad: {  	s28 =	simm.s32 $_size_execute0_lowered;
	s4 =	sadd.s32 s4, s6;
	[dreg:$0x0] =	wrdreg $0x0  }
0xae: {  	s6 =	sshll.u32 s28, $0x1;
	[dreg:$0x2] =	wrdreg s4  }
0xaf: {  	[dreg:$0x3] =	wrdreg s6  }
0xb0: {  	[dreg:$0x4] =	wrdreg $0xC0  }
0xb1: {  	_ =	task [dreg:s8], $0x5FFFF  }
0xb2: {  	[dreg:$0x1] =	wrdreg $0xFFFFFFFF  }
0xb3: {  	[dreg:$0x0] =	wrdreg $0x60  }
0xb4: {  	[dreg:$0x2] =	wrdreg s24  }
0xb5: {  	[dreg:$0x3] =	wrdreg s16  }
0xb6: {  	[dreg:$0x4] =	wrdreg s17  }
0xb7: {  	[dreg:$0x5] =	wrdreg $0x133E00  }
0xb8: {  	[dreg:$0x6] =	wrdreg $0x9  }
0xb9: {  	_ =	task.clear_ibuf [dreg:s8], $0x7FFFF;
	_ =	strace $0x90000052  }
0xba: {  	s29 =	simm.s32 $0x9;
	_ =	strace $0x80000054  }
0xbb: {  	_ =	swait.ge [sflag:s29], $0x1  }
0xbc: {  	[sflag:s29] =	ssyncadd.s32 $0xFFFFFFFF  }
0xbd: {  	_ =	strace $0x90000054  }
0xbe: {  	_ =	sfence  }
0xbf: {  	s30 =	sld [smem:$0x0];
	_ =	sdelay $0x2  }
0xc0: {  	s31 =	sshll.u32 s1, $0xD;
	s1 =	sshrl.u32 s1, $0x2  }
0xc1: {  	s3 =	sand.u32 $0x4000, s31;
	s1 =	sadd.s32 s1, s30  }
0xc2: {  	s0 =	sor.u32 s3, s0;
	s1 =	sshll.u32 s1, $0x11  }
0xc3: {  	s0 =	sor.u32 s1, s0  }
0xc4: {  	s0 =	sadd.s32 $0x8F2B, s0  }
0xc5: {  	[sflag:s0] =	ssyncadd.remote.s32 $0x1  }
0xc6: {  	_ =	sfence.sel $0xFFFF  }
0xc7: {  	[dreg:$0x0] =	wrdreg $0xFFFFFFFF;
	(pc) =	sbr.abs _section_cstart, $3  }
0xc8: {  	[dreg:$0x1] =	wrdreg $0xFFFFFFFF  }
0xc9: {  	_ =	task.clear_ibuf [dreg:s8], $0x2FFFF;
	_ =	strace $0x9FFFFFFF  }
0xca: {  	(tm) =	ssettm $0x7FFFFFFF  }
0xcb: {  	_ =	shalt  }
tec
execute0_lowered:
.L_overlay_start_1:
0x0: {  	(tag) =	ssettag $0x1  }
0x1: {  	s0 =	rddreg [dreg:$0x0]  }
0x2: {  	s2 =	rddreg [dreg:$0x2]  }
0x3: {  	s3 =	rddreg [dreg:$0x3];
	s4 =	simm.s32 $0x0;
	s1 =	srdreg.scid  }
0x4: {  	s7 =	stileid.u32;
	s17 =	simm.s32 $0x2710;
	s18 =	simm.s32 $0x4E20  }
0x5: {  	s19 =	simm.s32 $0x4E30;
	s20 =	simm.s32 $0x4FC0;
	s21 =	simm.s32 $0x190  }
0x6: {  	s22 =	simm.s32 $0x52E0;
	s23 =	simm.s32 $0x1;
	s24 =	simm.s32 $0x5150  }
0x7: {  	s26 =	simm.s32 $0xB6E0;
	[smem:$0x7FF] =	sst s4;
	s5 =	sadd.s32 $0x272800, s0  }
0x8: {  	s28 =	simm.s32 $0x0;
	s6 =	sadd.s32 $0x272E00, s0;
	s8 =	sadd.s32 $0x28D200, s0  }
0x9: {  	s1 =	sand.u32 $0x1, s1;
	s14 =	smul.u32 $0x13880, s7;
	s9 =	sadd.s32 $0x273400, s0  }
0xa: {  	s10 =	sadd.s32 $0x3200, s0;
	s11 =	sadd.s32 $0x4C800, s0;
	s12 =	smul.u32 $0xC3500, s1  }
0xb: {  	s15 =	sshll.u32 s7, $0x1;
	p0 =	sne.s32 s7, $0x0;
	p1 =	sgt.u32 s7, $0x9  }
0xc: {  	_ =	strace $0x80000053;
	s13 =	ssub.s32 $0x2, s1;
	s12 =	sadd.s32 s14, s12  }
0xd: {  	s1 =	sor.u32 s1, s15;
	s16 =	sshrl.u32 s13, $0x1;
	s12 =	sshrl.u32 s12, $0x3  }
0xe: {  	s15 =	sshrl.u32 @!p0 s3, $0x3;
	s31 =	ssub.s32 s13, s16;
	s0 =	sadd.s32 s12, s0  }
0xf: {  	v0 =	vimm.f32 $0.0e+00;
	vm0 =	vcmask $0x300;
	s16 =	simm.s32 $0x2;
	s13 =	sadd.s32 $0x1BA00, s0;
	s0 =	sadd.s32 s14, s3  }
0x10: {  	v0 =	vsel vm0, $0x3F800000, v0;
	s12 =	smul.u32 $0x2710, s1;
	s14 =	smax.u32 s31, $0x1;
	s25 =	sshrl.u32 @!p1 s0, $0x3  }
.LBB2_1:
0x11: {  	s0 =	simm.s32 @!p0 $0x1C02  }
0x12: {  	[spmem:s15], [sflag:s0] =	dma.local @!p0 [hbm:s10], $0x186A0  }
0x13: {  	s0 =	simm.s32 @!p0 $0x2  }
0x14: {  	_ =	swait.ge @!p0 [sflag:s0], $0x186A0  }
0x15: {  	[sflag:s0] =	ssyncset.done @!p0 $0x0  }
0x16: {  	[sflag:s0] =	ssyncadd.s32 @!p0 $0xFFFE7960  }
0x17: {  	[tilespmem:s4], [sflag:$0x2] =	stream.linear.gather [hbm4b:s5+s4], $0x2710, $0x38;
	[tilespmem:$0x1F730] =	vst v63  }
0x18: {  	_ =	swait.ge [sflag:s16], $0x2710  }
0x19: {  	[sflag:s16] =	ssyncset.done $0x0  }
0x1a: {  	[sflag:s16] =	ssyncadd.s32 $0xFFFFD8F0  }
0x1b: {  	[tilespmem:s17], [sflag:$0x2] =	stream.linear.gather [hbm4b:s6+s4], $0x2710, $0x38;
	[tilespmem:$0x1F730] =	vst v63  }
0x1c: {  	_ =	swait.ge [sflag:s16], $0x2710  }
0x1d: {  	[sflag:s16] =	ssyncset.done $0x0  }
0x1e: {  	[sflag:s16] =	ssyncadd.s32 $0xFFFFD8F0  }
0x1f: {  	s31 =	rddreg [dreg:$0x1]  }
0x20: {  	[tilespmem:s18], [sflag:$0x2] =	stream.linear.gather [hbm4b:s31+s4], $0x10, $0x38;
	[tilespmem:$0x1F730] =	vst v63  }
0x21: {  	_ =	swait.ge [sflag:s16], $0x10  }
0x22: {  	[sflag:s16] =	ssyncset.done $0x0  }
0x23: {  	[sflag:s16] =	ssyncadd.s32 $0xFFFFFFF0  }
0x24: {  	s29 =	simm.s32 $0x0;
	[bflag:$0x0] =	sbarrier.arrive $0xFFFF  }
.LBB2_2:
0x25: {  	s0 =	smul.u32 $0x190, s29;
	_ =	sdelay $0x1  }
0x26: {  	s0 =	sadd.s32 s12, s0  }
0x27: {  	s30 =	sshrl.u32 s0, $0x3  }
0x28: {  	s31 =	simm.s32 $0x0;
	s0 =	sadd.s32 s2, s30  }
0x29: {  	[tilespmem:s19], [sflag:$0x2] =	stream.linear.gather [hbm4b:s0+s31], $0x190, $0x38;
	[tilespmem:$0x1F730] =	vst v63  }
0x2a: {  	_ =	swait.ge [sflag:s16], $0x190  }
0x2b: {  	[sflag:s16] =	ssyncset.done $0x0  }
0x2c: {  	s1 =	sadd.s32 s8, s30;
	[sflag:s16] =	ssyncadd.s32 $0xFFFFFE70  }
0x2d: {  	[tilespmem:s20], [sflag:$0x2] =	stream.linear.gather [hbm4b:s1+s31], $0x190, $0x38;
	[tilespmem:$0x1F730] =	vst v63  }
0x2e: {  	_ =	swait.ge [sflag:s16], $0x190  }
0x2f: {  	[sflag:s16] =	ssyncset.done $0x0  }
0x30: {  	[sflag:s16] =	ssyncadd.s32 $0xFFFFFE70  }
0x31: {  	[tilespmem:s22], [sflag:$0x1] =	stream.indirect.gather [hbm4b:s9+s21], $0x40, s20, s21, $0xb8;
	[tilespmem:$0x1F730] =	vst v63  }
0x32: {  	_ =	swait.ge [sflag:s23], $0x6400  }
0x33: {  	[sflag:s23] =	ssyncset.done $0x0  }
0x34: {  	[sflag:s23] =	ssyncadd.s32 $0xFFFF9C00  }
0x35: {  	v1 =	vld [tilespmem:$0x4E30]  }
0x36: {  	v2 =	vld [tilespmem:$0x4FC0];
	_ =	sdelay $0x6  }
0x37: {  	v3 =	vld.idx.msk [tilespmem:v1+s31+$0x0], $0xffff  }
0x38: {  	v2 =	vld.idx.msk [tilespmem:v2+s17+$0x0], $0xffff;
	_ =	sdelay $0x4  }
0x39: {  	v1 =	vld [tilespmem:$0x4E20];
	v2 =	vadd.f32 v2, v3;
	_ =	sdelay $0x1  }
0x3a: {  	v3 =	vmul.f32 $2.000000030e-01, v2  }
0x3b: {  	vm0 =	vlt.f32 v2, $0.0e+00  }
0x3c: {  	v2 =	vsel vm0, v3, v2  }
0x3d: {  	v2 =	vsub.f32 v2, v1;
	_ =	sdelay $0x1  }
0x3e: {  	v2 =	vmul.f32 $1.442695020e+00, v2;
	_ =	sdelay $0x1  }
0x3f: {  	(erf) = vpow2.f32 v2;
	_ =	sdelay $0x2  }
0x40: {  	v2 =	vld [tilespmem:$0x4E40]  }
0x41: {  	v3 =	vld [tilespmem:$0x4FD0];
	_ =	sdelay $0x4  }
0x42: {  	v4 =	vpop (erf)  }
0x43: {  	[tilespmem:$0x5150] =	vst v4  }
0x44: {  	v2 =	vld.idx.msk [tilespmem:v2+s31+$0x0], $0xffff  }
0x45: {  	v3 =	vld.idx.msk [tilespmem:v3+s17+$0x0], $0xffff;
	_ =	sdelay $0x4  }
0x46: {  	v2 =	vadd.f32 v3, v2;
	_ =	sdelay $0x1  }
0x47: {  	v3 =	vmul.f32 $2.000000030e-01, v2  }
0x48: {  	vm4 =	vlt.f32 v2, $0.0e+00  }
0x49: {  	v2 =	vsel vm4, v3, v2  }
0x4a: {  	v2 =	vsub.f32 v2, v1;
	_ =	sdelay $0x1  }
0x4b: {  	v2 =	vmul.f32 $1.442695020e+00, v2;
	_ =	sdelay $0x1  }
0x4c: {  	(erf) = vpow2.f32 v2;
	_ =	sdelay $0x2  }
0x4d: {  	v2 =	vld [tilespmem:$0x4E50]  }
0x4e: {  	v3 =	vld [tilespmem:$0x4FE0];
	_ =	sdelay $0x4  }
0x4f: {  	v4 =	vpop (erf)  }
0x50: {  	[tilespmem:$0x5160] =	vst v4  }
0x51: {  	v2 =	vld.idx.msk [tilespmem:v2+s31+$0x0], $0xffff  }
0x52: {  	v3 =	vld.idx.msk [tilespmem:v3+s17+$0x0], $0xffff;
	_ =	sdelay $0x4  }
0x53: {  	v2 =	vadd.f32 v3, v2;
	_ =	sdelay $0x1  }
0x54: {  	v3 =	vmul.f32 $2.000000030e-01, v2  }
0x55: {  	vm5 =	vlt.f32 v2, $0.0e+00  }
0x56: {  	v2 =	vsel vm5, v3, v2  }
0x57: {  	v2 =	vsub.f32 v2, v1;
	_ =	sdelay $0x1  }
0x58: {  	v2 =	vmul.f32 $1.442695020e+00, v2;
	_ =	sdelay $0x1  }
0x59: {  	(erf) = vpow2.f32 v2;
	_ =	sdelay $0x2  }
0x5a: {  	v2 =	vld [tilespmem:$0x4E60]  }
0x5b: {  	v3 =	vld [tilespmem:$0x4FF0];
	_ =	sdelay $0x4  }
0x5c: {  	v4 =	vpop (erf)  }
0x5d: {  	[tilespmem:$0x5170] =	vst v4  }
0x5e: {  	v2 =	vld.idx.msk [tilespmem:v2+s31+$0x0], $0xffff  }
0x5f: {  	v3 =	vld.idx.msk [tilespmem:v3+s17+$0x0], $0xffff;
	_ =	sdelay $0x4  }
0x60: {  	v2 =	vadd.f32 v3, v2;
	_ =	sdelay $0x1  }
0x61: {  	v3 =	vmul.f32 $2.000000030e-01, v2  }
0x62: {  	vm6 =	vlt.f32 v2, $0.0e+00  }
0x63: {  	v2 =	vsel vm6, v3, v2  }
0x64: {  	v2 =	vsub.f32 v2, v1;
	_ =	sdelay $0x1  }
0x65: {  	v2 =	vmul.f32 $1.442695020e+00, v2;
	_ =	sdelay $0x1  }
0x66: {  	(erf) = vpow2.f32 v2;
	_ =	sdelay $0x2  }
0x67: {  	v2 =	vld [tilespmem:$0x4E70]  }
0x68: {  	v3 =	vld [tilespmem:$0x5000];
	_ =	sdelay $0x4  }
0x69: {  	v4 =	vpop (erf)  }
0x6a: {  	[tilespmem:$0x5180] =	vst v4  }
0x6b: {  	v2 =	vld.idx.msk [tilespmem:v2+s31+$0x0], $0xffff  }
0x6c: {  	v3 =	vld.idx.msk [tilespmem:v3+s17+$0x0], $0xffff;
	_ =	sdelay $0x4  }
0x6d: {  	v2 =	vadd.f32 v3, v2;
	_ =	sdelay $0x1  }
0x6e: {  	v3 =	vmul.f32 $2.000000030e-01, v2  }
0x6f: {  	vm7 =	vlt.f32 v2, $0.0e+00  }
0x70: {  	v2 =	vsel vm7, v3, v2  }
0x71: {  	v2 =	vsub.f32 v2, v1;
	_ =	sdelay $0x1  }
0x72: {  	v2 =	vmul.f32 $1.442695020e+00, v2;
	_ =	sdelay $0x1  }
0x73: {  	(erf) = vpow2.f32 v2;
	_ =	sdelay $0x2  }
0x74: {  	v2 =	vld [tilespmem:$0x4E80]  }
0x75: {  	v3 =	vld [tilespmem:$0x5010];
	_ =	sdelay $0x4  }
0x76: {  	v4 =	vpop (erf)  }
0x77: {  	[tilespmem:$0x5190] =	vst v4  }
0x78: {  	v2 =	vld.idx.msk [tilespmem:v2+s31+$0x0], $0xffff  }
0x79: {  	v3 =	vld.idx.msk [tilespmem:v3+s17+$0x0], $0xffff;
	_ =	sdelay $0x4  }
0x7a: {  	v2 =	vadd.f32 v3, v2;
	_ =	sdelay $0x1  }
0x7b: {  	v3 =	vmul.f32 $2.000000030e-01, v2  }
0x7c: {  	vm8 =	vlt.f32 v2, $0.0e+00  }
0x7d: {  	v2 =	vsel vm8, v3, v2  }
0x7e: {  	v2 =	vsub.f32 v2, v1;
	_ =	sdelay $0x1  }
0x7f: {  	v2 =	vmul.f32 $1.442695020e+00, v2;
	_ =	sdelay $0x1  }
0x80: {  	(erf) = vpow2.f32 v2;
	_ =	sdelay $0x2  }
0x81: {  	v2 =	vld [tilespmem:$0x4E90]  }
0x82: {  	v3 =	vld [tilespmem:$0x5020];
	_ =	sdelay $0x4  }
0x83: {  	v4 =	vpop (erf)  }
0x84: {  	[tilespmem:$0x51A0] =	vst v4  }
0x85: {  	v2 =	vld.idx.msk [tilespmem:v2+s31+$0x0], $0xffff  }
0x86: {  	v3 =	vld.idx.msk [tilespmem:v3+s17+$0x0], $0xffff;
	_ =	sdelay $0x4  }
0x87: {  	v2 =	vadd.f32 v3, v2;
	_ =	sdelay $0x1  }
0x88: {  	v3 =	vmul.f32 $2.000000030e-01, v2  }
0x89: {  	vm9 =	vlt.f32 v2, $0.0e+00  }
0x8a: {  	v2 =	vsel vm9, v3, v2  }
0x8b: {  	v2 =	vsub.f32 v2, v1;
	_ =	sdelay $0x1  }
0x8c: {  	v2 =	vmul.f32 $1.442695020e+00, v2;
	_ =	sdelay $0x1  }
0x8d: {  	(erf) = vpow2.f32 v2;
	_ =	sdelay $0x2  }
0x8e: {  	v2 =	vld [tilespmem:$0x4EA0]  }
0x8f: {  	v3 =	vld [tilespmem:$0x5030];
	_ =	sdelay $0x4  }
0x90: {  	v4 =	vpop (erf)  }
0x91: {  	[tilespmem:$0x51B0] =	vst v4  }
0x92: {  	v2 =	vld.idx.msk [tilespmem:v2+s31+$0x0], $0xffff  }
0x93: {  	v3 =	vld.idx.msk [tilespmem:v3+s17+$0x0], $0xffff;
	_ =	sdelay $0x4  }
0x94: {  	v2 =	vadd.f32 v3, v2;
	_ =	sdelay $0x1  }
0x95: {  	v3 =	vmul.f32 $2.000000030e-01, v2  }
0x96: {  	vm10 =	vlt.f32 v2, $0.0e+00  }
0x97: {  	v2 =	vsel vm10, v3, v2  }
0x98: {  	v2 =	vsub.f32 v2, v1;
	_ =	sdelay $0x1  }
0x99: {  	v2 =	vmul.f32 $1.442695020e+00, v2;
	_ =	sdelay $0x1  }
0x9a: {  	(erf) = vpow2.f32 v2;
	_ =	sdelay $0x2  }
0x9b: {  	v2 =	vld [tilespmem:$0x4EB0]  }
0x9c: {  	v3 =	vld [tilespmem:$0x5040];
	_ =	sdelay $0x4  }
0x9d: {  	v4 =	vpop (erf)  }
0x9e: {  	[tilespmem:$0x51C0] =	vst v4  }
0x9f: {  	v2 =	vld.idx.msk [tilespmem:v2+s31+$0x0], $0xffff  }
0xa0: {  	v3 =	vld.idx.msk [tilespmem:v3+s17+$0x0], $0xffff;
	_ =	sdelay $0x4  }
0xa1: {  	v2 =	vadd.f32 v3, v2;
	_ =	sdelay $0x1  }
0xa2: {  	v3 =	vmul.f32 $2.000000030e-01, v2  }
0xa3: {  	vm11 =	vlt.f32 v2, $0.0e+00  }
0xa4: {  	v2 =	vsel vm11, v3, v2  }
0xa5: {  	v2 =	vsub.f32 v2, v1;
	_ =	sdelay $0x1  }
0xa6: {  	v2 =	vmul.f32 $1.442695020e+00, v2;
	_ =	sdelay $0x1  }
0xa7: {  	(erf) = vpow2.f32 v2;
	_ =	sdelay $0x2  }
0xa8: {  	v2 =	vld [tilespmem:$0x4EC0]  }
0xa9: {  	v3 =	vld [tilespmem:$0x5050];
	_ =	sdelay $0x4  }
0xaa: {  	v4 =	vpop (erf)  }
0xab: {  	[tilespmem:$0x51D0] =	vst v4  }
0xac: {  	v2 =	vld.idx.msk [tilespmem:v2+s31+$0x0], $0xffff  }
0xad: {  	v3 =	vld.idx.msk [tilespmem:v3+s17+$0x0], $0xffff;
	_ =	sdelay $0x4  }
0xae: {  	v2 =	vadd.f32 v3, v2;
	_ =	sdelay $0x1  }
0xaf: {  	v3 =	vmul.f32 $2.000000030e-01, v2  }
0xb0: {  	vm12 =	vlt.f32 v2, $0.0e+00  }
0xb1: {  	v2 =	vsel vm12, v3, v2  }
0xb2: {  	v2 =	vsub.f32 v2, v1;
	_ =	sdelay $0x1  }
0xb3: {  	v2 =	vmul.f32 $1.442695020e+00, v2;
	_ =	sdelay $0x1  }
0xb4: {  	(erf) = vpow2.f32 v2;
	_ =	sdelay $0x2  }
0xb5: {  	v2 =	vld [tilespmem:$0x4ED0]  }
0xb6: {  	v3 =	vld [tilespmem:$0x5060];
	_ =	sdelay $0x4  }
0xb7: {  	v4 =	vpop (erf)  }
0xb8: {  	[tilespmem:$0x51E0] =	vst v4  }
0xb9: {  	v2 =	vld.idx.msk [tilespmem:v2+s31+$0x0], $0xffff  }
0xba: {  	v3 =	vld.idx.msk [tilespmem:v3+s17+$0x0], $0xffff;
	_ =	sdelay $0x4  }
0xbb: {  	v2 =	vadd.f32 v3, v2;
	_ =	sdelay $0x1  }
0xbc: {  	v3 =	vmul.f32 $2.000000030e-01, v2  }
0xbd: {  	vm13 =	vlt.f32 v2, $0.0e+00  }
0xbe: {  	v2 =	vsel vm13, v3, v2  }
0xbf: {  	v2 =	vsub.f32 v2, v1;
	_ =	sdelay $0x1  }
0xc0: {  	v2 =	vmul.f32 $1.442695020e+00, v2;
	_ =	sdelay $0x1  }
0xc1: {  	(erf) = vpow2.f32 v2;
	_ =	sdelay $0x2  }
0xc2: {  	v2 =	vld [tilespmem:$0x4EE0]  }
0xc3: {  	v3 =	vld [tilespmem:$0x5070];
	_ =	sdelay $0x4  }
0xc4: {  	v4 =	vpop (erf)  }
0xc5: {  	[tilespmem:$0x51F0] =	vst v4  }
0xc6: {  	v2 =	vld.idx.msk [tilespmem:v2+s31+$0x0], $0xffff  }
0xc7: {  	v3 =	vld.idx.msk [tilespmem:v3+s17+$0x0], $0xffff;
	_ =	sdelay $0x4  }
0xc8: {  	v2 =	vadd.f32 v3, v2;
	_ =	sdelay $0x1  }
0xc9: {  	v3 =	vmul.f32 $2.000000030e-01, v2  }
0xca: {  	vm14 =	vlt.f32 v2, $0.0e+00  }
0xcb: {  	v2 =	vsel vm14, v3, v2  }
0xcc: {  	v2 =	vsub.f32 v2, v1;
	_ =	sdelay $0x1  }
0xcd: {  	v2 =	vmul.f32 $1.442695020e+00, v2;
	_ =	sdelay $0x1  }
0xce: {  	(erf) = vpow2.f32 v2;
	_ =	sdelay $0x2  }
0xcf: {  	v2 =	vld [tilespmem:$0x4EF0]  }
0xd0: {  	v3 =	vld [tilespmem:$0x5080];
	_ =	sdelay $0x4  }
0xd1: {  	v4 =	vpop (erf)  }
0xd2: {  	[tilespmem:$0x5200] =	vst v4  }
0xd3: {  	v2 =	vld.idx.msk [tilespmem:v2+s31+$0x0], $0xffff  }
0xd4: {  	v3 =	vld.idx.msk [tilespmem:v3+s17+$0x0], $0xffff;
	_ =	sdelay $0x4  }
0xd5: {  	v2 =	vadd.f32 v3, v2;
	_ =	sdelay $0x1  }
0xd6: {  	v3 =	vmul.f32 $2.000000030e-01, v2  }
0xd7: {  	vm15 =	vlt.f32 v2, $0.0e+00  }
0xd8: {  	v2 =	vsel vm15, v3, v2  }
0xd9: {  	v2 =	vsub.f32 v2, v1;
	_ =	sdelay $0x1  }
0xda: {  	v2 =	vmul.f32 $1.442695020e+00, v2;
	_ =	sdelay $0x1  }
0xdb: {  	(erf) = vpow2.f32 v2;
	_ =	sdelay $0x2  }
0xdc: {  	v2 =	vld [tilespmem:$0x4F00]  }
0xdd: {  	v3 =	vld [tilespmem:$0x5090];
	_ =	sdelay $0x4  }
0xde: {  	v4 =	vpop (erf)  }
0xdf: {  	[tilespmem:$0x5210] =	vst v4  }
0xe0: {  	v2 =	vld.idx.msk [tilespmem:v2+s31+$0x0], $0xffff  }
0xe1: {  	v3 =	vld.idx.msk [tilespmem:v3+s17+$0x0], $0xffff;
	_ =	sdelay $0x4  }
0xe2: {  	v2 =	vadd.f32 v3, v2;
	_ =	sdelay $0x1  }
0xe3: {  	v3 =	vmul.f32 $2.000000030e-01, v2  }
0xe4: {  	vm4 =	vlt.f32 v2, $0.0e+00  }
0xe5: {  	v2 =	vsel vm4, v3, v2  }
0xe6: {  	v2 =	vsub.f32 v2, v1;
	_ =	sdelay $0x1  }
0xe7: {  	v2 =	vmul.f32 $1.442695020e+00, v2;
	_ =	sdelay $0x1  }
0xe8: {  	(erf) = vpow2.f32 v2;
	_ =	sdelay $0x2  }
0xe9: {  	v2 =	vld [tilespmem:$0x4F10]  }
0xea: {  	v3 =	vld [tilespmem:$0x50A0];
	_ =	sdelay $0x4  }
0xeb: {  	v4 =	vpop (erf)  }
0xec: {  	[tilespmem:$0x5220] =	vst v4  }
0xed: {  	v2 =	vld.idx.msk [tilespmem:v2+s31+$0x0], $0xffff  }
0xee: {  	v3 =	vld.idx.msk [tilespmem:v3+s17+$0x0], $0xffff;
	_ =	sdelay $0x4  }
0xef: {  	v2 =	vadd.f32 v3, v2;
	_ =	sdelay $0x1  }
0xf0: {  	v3 =	vmul.f32 $2.000000030e-01, v2  }
0xf1: {  	vm5 =	vlt.f32 v2, $0.0e+00  }
0xf2: {  	v2 =	vsel vm5, v3, v2  }
0xf3: {  	v2 =	vsub.f32 v2, v1;
	_ =	sdelay $0x1  }
0xf4: {  	v2 =	vmul.f32 $1.442695020e+00, v2;
	_ =	sdelay $0x1  }
0xf5: {  	(erf) = vpow2.f32 v2;
	_ =	sdelay $0x2  }
0xf6: {  	v2 =	vld [tilespmem:$0x4F20]  }
0xf7: {  	v3 =	vld [tilespmem:$0x50B0];
	_ =	sdelay $0x4  }
0xf8: {  	v4 =	vpop (erf)  }
0xf9: {  	[tilespmem:$0x5230] =	vst v4  }
0xfa: {  	v2 =	vld.idx.msk [tilespmem:v2+s31+$0x0], $0xffff  }
0xfb: {  	v3 =	vld.idx.msk [tilespmem:v3+s17+$0x0], $0xffff;
	_ =	sdelay $0x4  }
0xfc: {  	v2 =	vadd.f32 v3, v2;
	_ =	sdelay $0x1  }
0xfd: {  	v3 =	vmul.f32 $2.000000030e-01, v2  }
0xfe: {  	vm6 =	vlt.f32 v2, $0.0e+00  }
0xff: {  	v2 =	vsel vm6, v3, v2  }
0x100: {  	v2 =	vsub.f32 v2, v1;
	_ =	sdelay $0x1  }
0x101: {  	v2 =	vmul.f32 $1.442695020e+00, v2;
	_ =	sdelay $0x1  }
0x102: {  	(erf) = vpow2.f32 v2;
	_ =	sdelay $0x2  }
0x103: {  	v2 =	vld [tilespmem:$0x4F30]  }
0x104: {  	v3 =	vld [tilespmem:$0x50C0];
	_ =	sdelay $0x4  }
0x105: {  	v4 =	vpop (erf)  }
0x106: {  	[tilespmem:$0x5240] =	vst v4  }
0x107: {  	v2 =	vld.idx.msk [tilespmem:v2+s31+$0x0], $0xffff  }
0x108: {  	v3 =	vld.idx.msk [tilespmem:v3+s17+$0x0], $0xffff;
	_ =	sdelay $0x4  }
0x109: {  	v2 =	vadd.f32 v3, v2;
	_ =	sdelay $0x1  }
0x10a: {  	v3 =	vmul.f32 $2.000000030e-01, v2  }
0x10b: {  	vm7 =	vlt.f32 v2, $0.0e+00  }
0x10c: {  	v2 =	vsel vm7, v3, v2  }
0x10d: {  	v2 =	vsub.f32 v2, v1;
	_ =	sdelay $0x1  }
0x10e: {  	v2 =	vmul.f32 $1.442695020e+00, v2;
	_ =	sdelay $0x1  }
0x10f: {  	(erf) = vpow2.f32 v2;
	_ =	sdelay $0x2  }
0x110: {  	v2 =	vld [tilespmem:$0x4F40]  }
0x111: {  	v3 =	vld [tilespmem:$0x50D0];
	_ =	sdelay $0x4  }
0x112: {  	v4 =	vpop (erf)  }
0x113: {  	[tilespmem:$0x5250] =	vst v4  }
0x114: {  	v2 =	vld.idx.msk [tilespmem:v2+s31+$0x0], $0xffff  }
0x115: {  	v3 =	vld.idx.msk [tilespmem:v3+s17+$0x0], $0xffff;
	_ =	sdelay $0x4  }
0x116: {  	v2 =	vadd.f32 v3, v2;
	_ =	sdelay $0x1  }
0x117: {  	v3 =	vmul.f32 $2.000000030e-01, v2  }
0x118: {  	vm8 =	vlt.f32 v2, $0.0e+00  }
0x119: {  	v2 =	vsel vm8, v3, v2  }
0x11a: {  	v2 =	vsub.f32 v2, v1;
	_ =	sdelay $0x1  }
0x11b: {  	v2 =	vmul.f32 $1.442695020e+00, v2;
	_ =	sdelay $0x1  }
0x11c: {  	(erf) = vpow2.f32 v2;
	_ =	sdelay $0x2  }
0x11d: {  	v2 =	vld [tilespmem:$0x4F50]  }
0x11e: {  	v3 =	vld [tilespmem:$0x50E0];
	_ =	sdelay $0x4  }
0x11f: {  	v4 =	vpop (erf)  }
0x120: {  	[tilespmem:$0x5260] =	vst v4  }
0x121: {  	v2 =	vld.idx.msk [tilespmem:v2+s31+$0x0], $0xffff  }
0x122: {  	v3 =	vld.idx.msk [tilespmem:v3+s17+$0x0], $0xffff;
	_ =	sdelay $0x4  }
0x123: {  	v2 =	vadd.f32 v3, v2;
	_ =	sdelay $0x1  }
0x124: {  	v3 =	vmul.f32 $2.000000030e-01, v2  }
0x125: {  	vm9 =	vlt.f32 v2, $0.0e+00  }
0x126: {  	v2 =	vsel vm9, v3, v2  }
0x127: {  	v2 =	vsub.f32 v2, v1;
	_ =	sdelay $0x1  }
0x128: {  	v2 =	vmul.f32 $1.442695020e+00, v2;
	_ =	sdelay $0x1  }
0x129: {  	(erf) = vpow2.f32 v2;
	_ =	sdelay $0x2  }
0x12a: {  	v2 =	vld [tilespmem:$0x4F60]  }
0x12b: {  	v3 =	vld [tilespmem:$0x50F0];
	_ =	sdelay $0x4  }
0x12c: {  	v4 =	vpop (erf)  }
0x12d: {  	[tilespmem:$0x5270] =	vst v4  }
0x12e: {  	v2 =	vld.idx.msk [tilespmem:v2+s31+$0x0], $0xffff  }
0x12f: {  	v3 =	vld.idx.msk [tilespmem:v3+s17+$0x0], $0xffff;
	_ =	sdelay $0x4  }
0x130: {  	v2 =	vadd.f32 v3, v2;
	_ =	sdelay $0x1  }
0x131: {  	v3 =	vmul.f32 $2.000000030e-01, v2  }
0x132: {  	vm10 =	vlt.f32 v2, $0.0e+00  }
0x133: {  	v2 =	vsel vm10, v3, v2  }
0x134: {  	v2 =	vsub.f32 v2, v1;
	_ =	sdelay $0x1  }
0x135: {  	v2 =	vmul.f32 $1.442695020e+00, v2;
	_ =	sdelay $0x1  }
0x136: {  	(erf) = vpow2.f32 v2;
	_ =	sdelay $0x2  }
0x137: {  	v2 =	vld [tilespmem:$0x4F70]  }
0x138: {  	v3 =	vld [tilespmem:$0x5100];
	_ =	sdelay $0x4  }
0x139: {  	v4 =	vpop (erf)  }
0x13a: {  	[tilespmem:$0x5280] =	vst v4  }
0x13b: {  	v2 =	vld.idx.msk [tilespmem:v2+s31+$0x0], $0xffff  }
0x13c: {  	v3 =	vld.idx.msk [tilespmem:v3+s17+$0x0], $0xffff;
	_ =	sdelay $0x4  }
0x13d: {  	v2 =	vadd.f32 v3, v2;
	_ =	sdelay $0x1  }
0x13e: {  	v3 =	vmul.f32 $2.000000030e-01, v2  }
0x13f: {  	vm11 =	vlt.f32 v2, $0.0e+00  }
0x140: {  	v2 =	vsel vm11, v3, v2  }
0x141: {  	v2 =	vsub.f32 v2, v1;
	_ =	sdelay $0x1  }
0x142: {  	v2 =	vmul.f32 $1.442695020e+00, v2;
	_ =	sdelay $0x1  }
0x143: {  	(erf) = vpow2.f32 v2;
	_ =	sdelay $0x2  }
0x144: {  	v2 =	vld [tilespmem:$0x4F80]  }
0x145: {  	v3 =	vld [tilespmem:$0x5110];
	_ =	sdelay $0x4  }
0x146: {  	v4 =	vpop (erf)  }
0x147: {  	[tilespmem:$0x5290] =	vst v4  }
0x148: {  	v2 =	vld.idx.msk [tilespmem:v2+s31+$0x0], $0xffff  }
0x149: {  	v3 =	vld.idx.msk [tilespmem:v3+s17+$0x0], $0xffff;
	_ =	sdelay $0x4  }
0x14a: {  	v2 =	vadd.f32 v3, v2;
	_ =	sdelay $0x1  }
0x14b: {  	v3 =	vmul.f32 $2.000000030e-01, v2  }
0x14c: {  	vm12 =	vlt.f32 v2, $0.0e+00  }
0x14d: {  	v2 =	vsel vm12, v3, v2  }
0x14e: {  	v2 =	vsub.f32 v2, v1;
	_ =	sdelay $0x1  }
0x14f: {  	v2 =	vmul.f32 $1.442695020e+00, v2;
	_ =	sdelay $0x1  }
0x150: {  	(erf) = vpow2.f32 v2;
	_ =	sdelay $0x2  }
0x151: {  	v2 =	vld [tilespmem:$0x4F90]  }
0x152: {  	v3 =	vld [tilespmem:$0x5120];
	_ =	sdelay $0x4  }
0x153: {  	v4 =	vpop (erf)  }
0x154: {  	[tilespmem:$0x52A0] =	vst v4  }
0x155: {  	v2 =	vld.idx.msk [tilespmem:v2+s31+$0x0], $0xffff  }
0x156: {  	v3 =	vld.idx.msk [tilespmem:v3+s17+$0x0], $0xffff;
	_ =	sdelay $0x4  }
0x157: {  	v2 =	vadd.f32 v3, v2;
	_ =	sdelay $0x1  }
0x158: {  	v3 =	vmul.f32 $2.000000030e-01, v2  }
0x159: {  	vm13 =	vlt.f32 v2, $0.0e+00  }
0x15a: {  	v2 =	vsel vm13, v3, v2  }
0x15b: {  	v2 =	vsub.f32 v2, v1;
	_ =	sdelay $0x1  }
0x15c: {  	v2 =	vmul.f32 $1.442695020e+00, v2;
	_ =	sdelay $0x1  }
0x15d: {  	(erf) = vpow2.f32 v2;
	_ =	sdelay $0x2  }
0x15e: {  	v2 =	vld [tilespmem:$0x4FA0]  }
0x15f: {  	v3 =	vld [tilespmem:$0x5130];
	_ =	sdelay $0x4  }
0x160: {  	v4 =	vpop (erf)  }
0x161: {  	[tilespmem:$0x52B0] =	vst v4  }
0x162: {  	v2 =	vld.idx.msk [tilespmem:v2+s31+$0x0], $0xffff  }
0x163: {  	v3 =	vld.idx.msk [tilespmem:v3+s17+$0x0], $0xffff;
	_ =	sdelay $0x4  }
0x164: {  	v2 =	vadd.f32 v3, v2;
	_ =	sdelay $0x1  }
0x165: {  	v3 =	vmul.f32 $2.000000030e-01, v2  }
0x166: {  	vm14 =	vlt.f32 v2, $0.0e+00  }
0x167: {  	v2 =	vsel vm14, v3, v2  }
0x168: {  	v2 =	vsub.f32 v2, v1;
	_ =	sdelay $0x1  }
0x169: {  	v2 =	vmul.f32 $1.442695020e+00, v2;
	_ =	sdelay $0x1  }
0x16a: {  	(erf) = vpow2.f32 v2;
	_ =	sdelay $0x2  }
0x16b: {  	v2 =	vld [tilespmem:$0x4FB0]  }
0x16c: {  	v3 =	vld [tilespmem:$0x5140];
	_ =	sdelay $0x4  }
0x16d: {  	v4 =	vpop (erf)  }
0x16e: {  	[tilespmem:$0x52C0] =	vst v4  }
0x16f: {  	v2 =	vld.idx.msk [tilespmem:v2+s31+$0x0], $0xffff  }
0x170: {  	v3 =	vld.idx.msk [tilespmem:v3+s17+$0x0], $0xffff;
	_ =	sdelay $0x4  }
0x171: {  	v2 =	vadd.f32 v3, v2;
	_ =	sdelay $0x1  }
0x172: {  	v3 =	vmul.f32 $2.000000030e-01, v2  }
0x173: {  	vm15 =	vlt.f32 v2, $0.0e+00  }
0x174: {  	v2 =	vsel vm15, v3, v2  }
0x175: {  	v1 =	vsub.f32 v2, v1;
	_ =	sdelay $0x1  }
0x176: {  	v1 =	vmul.f32 $1.442695020e+00, v1;
	_ =	sdelay $0x1  }
0x177: {  	(erf) = vpow2.f32 v1;
	_ =	sdelay $0x5  }
0x178: {  	v1 =	vmov s31;
	_ =	sdelay $0x2  }
0x179: {  	v2 =	vpop (erf)  }
0x17a: {  	[tilespmem:$0x52D0] =	vst v2  }
0x17b: {  	s31 =	simm.s32 $0x5300;
	v1 =	vld.idx.msk [tilespmem:v1+s24+$0x0], $0xffff  }
0x17c: {  	v2 =	vld [tilespmem:s31+$0xFFFFFFE0];
	_ =	sdelay $0x4  }
0x17d: {  	v2 =	vmul.f32 v2, v1  }
0x17e: {  	s0 =	simm.s32 $0xB700  }
0x17f: {  	[tilespmem:s0+$0xFFFFFFE0] =	vst v2  }
0x180: {  	v2 =	vld [tilespmem:s31+$0xFFFFFFF0];
	_ =	sdelay $0x4  }
0x181: {  	v2 =	vmul.f32 v2, v1;
	_ =	sdelay $0x1  }
0x182: {  	[tilespmem:s0+$0xFFFFFFF0] =	vst v2  }
0x183: {  	v2 =	vld [tilespmem:s31+$0x0];
	_ =	sdelay $0x4  }
0x184: {  	v2 =	vmul.f32 v2, v1;
	_ =	sdelay $0x1  }
0x185: {  	[tilespmem:s0+$0x0] =	vst v2  }
0x186: {  	v2 =	vld [tilespmem:s31+$0x10]  }
0x187: {  	v3 =	vmul.f32 v0, v1  }
0x188: {  	s1 =	simm.s32 $0x1  }
0x189: {  	[tilespmem:s0+$0x20] =	vst v3;
	v3 =	vmov s1;
	s1 =	simm.s32 $0x2  }
.LBB2_3:
0x18a: {  	p2 =	sne.s32 s1, $0x18F  }
0x18b: {  	v1 =	vmul.f32 v2, v1;
	_ =	sdelay $0x1  }
0x18c: {  	[tilespmem:s0+$0x10] =	vst v1  }
0x18d: {  	s31 =	sadd.s32 $0x40, s31;
	v1 =	vld.idx.msk [tilespmem:v3+s24+$0x0], $0xffff  }
0x18e: {  	v2 =	vld [tilespmem:s31+$0xFFFFFFE0];
	_ =	sdelay $0x4  }
0x18f: {  	v3 =	vmul.f32 v0, v1;
	v2 =	vmul.f32 v2, v1  }
0x190: {  	s0 =	sadd.s32 $0x50, s0  }
0x191: {  	[tilespmem:s0+$0xFFFFFFE0] =	vst v2  }
0x192: {  	v2 =	vld [tilespmem:s31+$0xFFFFFFF0];
	_ =	sdelay $0x4  }
0x193: {  	v2 =	vmul.f32 v2, v1;
	_ =	sdelay $0x1  }
0x194: {  	[tilespmem:s0+$0xFFFFFFF0] =	vst v2  }
0x195: {  	v2 =	vld [tilespmem:s31+$0x0];
	_ =	sdelay $0x4  }
0x196: {  	v2 =	vmul.f32 v2, v1;
	_ =	sdelay $0x1  }
.Ltmp0:
0x197: {  	[tilespmem:s0+$0x0] =	vst v2;
	(pc) =	sbr.rel @p2 .LBB2_3-.Ltmp0, $2  }
0x198: {  	v2 =	vld [tilespmem:s31+$0x10];
	[tilespmem:s0+$0x20] =	vst v3;
	_ =	sdelay $0x2  }
0x199: {  	v3 =	vmov s1;
	s1 =	sadd.s32 $0x1, s1  }
0x19a: {  	_ = 	snop  }
0x19b: {  	v1 =	vmul.f32 v2, v1;
	_ =	sdelay $0x1  }
0x19c: {  	[tilespmem:s0+$0x10] =	vst v1  }
0x19d: {  	s1 =	sadd.s32 $0x40, s31;
	v1 =	vld.idx.msk [tilespmem:v3+s24+$0x0], $0xffff  }
0x19e: {  	v2 =	vld [tilespmem:s1+$0xFFFFFFE0];
	_ =	sdelay $0x4  }
0x19f: {  	v2 =	vmul.f32 v2, v1  }
0x1a0: {  	s31 =	sadd.s32 $0x50, s0  }
0x1a1: {  	[tilespmem:s31+$0xFFFFFFE0] =	vst v2  }
0x1a2: {  	v2 =	vld [tilespmem:s1+$0xFFFFFFF0];
	_ =	sdelay $0x4  }
0x1a3: {  	v2 =	vmul.f32 v2, v1;
	_ =	sdelay $0x1  }
0x1a4: {  	[tilespmem:s31+$0xFFFFFFF0] =	vst v2  }
0x1a5: {  	v2 =	vld [tilespmem:s1+$0x0];
	_ =	sdelay $0x4  }
0x1a6: {  	v2 =	vmul.f32 v2, v1;
	_ =	sdelay $0x1  }
0x1a7: {  	[tilespmem:s31+$0x0] =	vst v2  }
0x1a8: {  	v2 =	vld [tilespmem:s1+$0x10];
	_ =	sdelay $0x3  }
0x1a9: {  	v3 =	vmul.f32 v0, v1  }
0x1aa: {  	v1 =	vmul.f32 v2, v1  }
0x1ab: {  	[tilespmem:s31+$0x20] =	vst v3  }
0x1ac: {  	[tilespmem:s31+$0x10] =	vst v1  }
0x1ad: {  	[spmem:s3] =	stream.indirect.scatter.add.f32 [tilespmem:s26], [sflag:$0x2], $0x50, s19, s21, $0xb8;
	[tilespmem:$0x1F730] =	vst v63  }
0x1ae: {  	s29 =	sadd.s32 $0x1, s29;
	_ =	swait.ge [sflag:s16], $0x7D00  }
0x1af: {  	p2 =	sne.s32 s29, $0x19;
	[sflag:s16] =	ssyncset.done $0x0  }
.Ltmp1:
0x1b0: {  	s31 =	sadd.s32 s11, s30;
	[sflag:s16] =	ssyncadd.s32 $0xFFFF8300;
	(pc) =	sbr.rel @p2 .LBB2_2-.Ltmp1, $4  }
0x1b1: {  	[hbm4b:s31+s4] =	stream.linear.scatter [tilespmem:s24], [sflag:$0x2], $0x190, $0x38;
	[tilespmem:$0x1F730] =	vst v63  }
0x1b2: {  	_ =	swait.ge [sflag:s16], $0x190  }
0x1b3: {  	[sflag:s16] =	ssyncset.done $0x0  }
0x1b4: {  	[sflag:s16] =	ssyncadd.s32 $0xFFFFFE70  }
0x1b5: {  	s0 =	sshll.u32 @!p1 s7, $0x6;
	s28 =	sadd.s32 $0x1, s28  }
0x1b6: {  	[bflag:$0x0] =	sbarrier.arrive $0xFFFF;
	s0 =	sor.u32 @!p1 $0x1C02, s0;
	p2 =	sne.s32 s28, s14  }
0x1b7: {  	[hbm:s13], [sflag:s0] =	dma.local @!p1 [spmem:s25], $0x2710  }
.Ltmp2:
0x1b8: {  	_ = 	snop;
	(pc) =	sbr.rel @p2 .LBB2_1-.Ltmp2, $4  }
0x1b9: {  	s0 =	simm.s32 @!p1 $0x2  }
0x1ba: {  	_ =	swait.ge @!p1 [sflag:s0], $0x2710  }
0x1bb: {  	[sflag:s0] =	ssyncset.done @!p1 $0x0  }
0x1bc: {  	[sflag:s0] =	ssyncadd.s32 @!p1 $0xFFFFD8F0  }
0x1bd: {  	_ =	sfence.sel $0x180000  }
0x1be: {  	[bflag:$0x0] =	sbarrier.arrive $0xFFFF  }
0x1bf: {  	_ =	strace $0x90000053  }
0x1c0: {  	[bflag:$0x2] =	sbarrier.arrive $0xFFFF  }
0x1c1: {  	s0 =	rddreg [dreg:$0x4]  }
0x1c2: {  	s0 =	sadd.s32 @!p0 $0x100000, s0  }
0x1c3: {  	[sflag:s0] =	ssyncadd.tile.s32 @!p0 $0x1;
	_ =	shalt  }
.Lfunc_end2:
_tile_overlayer_lowered:
.L_overlay_start_2:
0x1c4: {  	(tag) =	ssettag $0x2  }
0x1c5: {  	s0 =	rddreg [dreg:$0x0];
	s2 =	stileid.u32  }
0x1c6: {  	s1 =	rddreg [dreg:$0x1];
	p0 =	sne.s32 s2, $0x0  }
0x1c7: {  	s3 =	rddreg [dreg:$0x2];
	[bflag:$0x3] =	sbarrier.arrive $0xFFFF;
	s2 =	simm.s32 @!p0 $0x1C02  }
0x1c8: {  	[timem:s3], [sflag:s2] =	dma.local @!p0 [hbm:s0], s1  }
0x1c9: {  	s0 =	simm.s32 @!p0 $0x2  }
0x1ca: {  	_ =	swait.ge @!p0 [sflag:s0], s1  }
0x1cb: {  	s1 =	ssub.s32 @!p0 $0x0, s1;
	[sflag:s0] =	ssyncset.done @!p0 $0x0  }
0x1cc: {  	[sflag:s0] =	ssyncadd.s32 @!p0 s1  }
0x1cd: {  	[bflag:$0x3] =	sbarrier.arrive $0xFFFF  }
0x1ce: {  	_ =	shalt  }

// kernel: kernel.27.cloned.1.call-start
scs
__scs_entry_jumppad:
0x0: {  	(pc) =	sbr.rel $0x88, $3  }
0x1: {  	(tag) =	ssettag $0x0;
	lr =	simm.s32 $0x1  }
0x2: {  	[smem:$0x3F90] =	sst lr;
	_ =	strace $0xD0000000  }
0x3: {  	_ = 	snop  }
0x4: {  	_ = 	snop  }
0x5: {  	_ = 	snop  }
0x6: {  	_ = 	snop  }
0x7: {  	_ = 	snop  }
__scs_overlays_trampoline_lowered:
0x8: {  	[smem:$0x3F9F] =	sst s0  }
0x9: {  	[smem:$0x3FA0] =	sst s1  }
0xa: {  	[smem:$0x3FA1] =	sst s2  }
0xb: {  	[smem:$0x3FA2] =	sst s3  }
0xc: {  	[smem:$0x3FA3] =	sst s4  }
0xd: {  	[smem:$0x3FA4] =	sst s5  }
0xe: {  	[smem:$0x3FA5] =	sst s6  }
0xf: {  	[smem:$0x3FA6] =	sst s7  }
0x10: {  	[smem:$0x3FA7] =	sst s8  }
0x11: {  	[smem:$0x3FA8] =	sst s9;
	s0 =	simm.s32 @!p0 $0x0  }
0x12: {  	s1 =	sld [smem:$0x3F8E];
	s0 =	simm.s32 @p0 $0x1  }
0x13: {  	[smem:$0x3FA9] =	sst s0;
	s0 =	simm.s32 @!p1 $0x0  }
0x14: {  	s2 =	sld [smem:$0x3F8D];
	s0 =	simm.s32 @p1 $0x1  }
0x15: {  	[smem:$0x3FAA] =	sst s0;
	s0 =	simm.s32 @!p2 $0x0  }
0x16: {  	s3 =	sld [smem:$0x3FDB];
	s0 =	simm.s32 @p2 $0x1  }
0x17: {  	s4 =	simm.s32 $0x1BF5;
	[smem:$0x3FAC] =	sst s0  }
0x18: {  	s0 =	sld [smem:$0x3F8F];
	_ =	swait.ge [sflag:s4], $0x0  }
0x19: {  	s7 =	sld [smem:$0x3F90]  }
0x1a: {  	s8 =	sadd.s32 $0xFFFFE003, lr  }
0x1b: {  	s9 =	sadd.s32 $0xFFFFFEF7, lr;
	s5 =	simm.s32 $0xFFFFFFFF;
	p2 =	slt.u32 s8, $0xFFFFF086  }
0x1c: {  	p1 =	slt.u32 s9, $0xF7A;
	s5 =	simm.s32 @!p2 $0x0  }
0x1d: {  	s5 =	simm.s32 @p1 $0x1;
	p0 =	seq.s32 s7, s2  }
0x1e: {  	s7 =	smul.u32 @!p0 $0xF7A, s2;
	p2 =	seq.s32 @!p0 s5, $0x0  }
0x1f: {  	s9 =	smul.u32 $0xF7A, s1;
	s8 =	simm.s32 @!p0 $0x1BF5;
	p2 =	por !p2, p0  }
0x20: {  	[sflag:s8] =	ssyncset.s32 @!p0 $0xFFFFF086;
	s6 =	sadd.s32 @!p0 s3, s7;
	s7 =	simm.s32 @!p0 $0x108  }
0x21: {  	s3 =	sadd.s32 s3, s9;
	s6 =	sadd.s32 @!p0 $0x88, s6;
	s7 =	simm.s32 @p2 $0x1082  }
0x22: {  	[simem:s7], [sflag:s8] =	dma.local @!p0 [hbm:s6], $0xF7A  }
0x23: {  	s9 =	sor.u32 $0xD0000000, s2;
	s6 =	simm.s32 $0x108;
	_ =	swait.ge @!p0 [sflag:s8], $0x0  }
0x24: {  	s3 =	sadd.s32 $0x88, s3;
	s6 =	simm.s32 @!p1 $0x1082;
	[sflag:s4] =	ssyncset.s32 $0xFFFFF086  }
0x25: {  	[simem:s6], [sflag:s4] =	dma.local [hbm:s3], $0xF7A  }
0x26: {  	[smem:$0x3F90] =	sst s1;
	(tag) =	ssettag s2;
	_ =	strace s9  }
0x27: {  	s1 =	sld [smem:$0x3FA0]  }
0x28: {  	s2 =	sld [smem:$0x3FA1]  }
0x29: {  	s4 =	sld [smem:$0x3FA3]  }
0x2a: {  	p0 =	seq.s32 s5, $0x0;
	s5 =	sld [smem:$0x3FA4]  }
0x2b: {  	s6 =	sld [smem:$0x3FA5]  }
0x2c: {  	s7 =	sld [smem:$0x3FA6]  }
0x2d: {  	s3 =	simm.s32 $0x108;
	s8 =	sld [smem:$0x3FA7]  }
0x2e: {  	s3 =	simm.s32 @!p0 $0x1082;
	s9 =	sld [smem:$0x3FA8]  }
0x2f: {  	lr =	sadd.s32 s0, s3;
	s0 =	sld [smem:$0x3F9F]  }
0x30: {  	s3 =	sld [smem:$0x3FA2]  }
0x31: {  	[smem:$0x3FAB] =	sst s10  }
0x32: {  	s10 =	sld [smem:$0x3FA9];
	_ =	sdelay $0x3  }
0x33: {  	p0 =	seq.s32 s10, $0x1;
	s10 =	sld [smem:$0x3FAB];
	_ =	sdelay $0x3  }
0x34: {  	[smem:$0x3FAB] =	sst s10  }
0x35: {  	s10 =	sld [smem:$0x3FAA];
	_ =	sdelay $0x3  }
0x36: {  	p1 =	seq.s32 s10, $0x1;
	s10 =	sld [smem:$0x3FAB];
	_ =	sdelay $0x3  }
0x37: {  	[smem:$0x3FAB] =	sst s10  }
0x38: {  	s10 =	sld [smem:$0x3FAC]  }
0x39: {  	_ = 	snop;
	(pc) =	sbr.ind lr, $3  }
0x3a: {  	_ = 	snop  }
0x3b: {  	_ = 	snop  }
0x3c: {  	p2 =	seq.s32 s10, $0x1;
	s10 =	sld [smem:$0x3FAB]  }
0x3d: {  	_ =	shalt  }
0x3e: {  	_ =	shalt  }
0x3f: {  	_ =	shalt  }
0x40: {  	_ =	shalt  }
0x41: {  	_ =	shalt  }
0x42: {  	_ =	shalt  }
0x43: {  	_ =	shalt  }
0x44: {  	_ =	shalt  }
0x45: {  	_ =	shalt  }
0x46: {  	_ =	shalt  }
0x47: {  	_ =	shalt  }
0x48: {  	_ =	shalt  }
0x49: {  	_ =	shalt  }
0x4a: {  	_ =	shalt  }
0x4b: {  	_ =	shalt  }
0x4c: {  	_ =	shalt  }
0x4d: {  	_ =	shalt  }
0x4e: {  	_ =	shalt  }
0x4f: {  	_ =	shalt  }
0x50: {  	_ =	shalt  }
0x51: {  	_ =	shalt  }
0x52: {  	_ =	shalt  }
0x53: {  	_ =	shalt  }
0x54: {  	_ =	shalt  }
0x55: {  	_ =	shalt  }
0x56: {  	_ =	shalt  }
0x57: {  	_ =	shalt  }
0x58: {  	_ =	shalt  }
0x59: {  	_ =	shalt  }
0x5a: {  	_ =	shalt  }
0x5b: {  	_ =	shalt  }
0x5c: {  	_ =	shalt  }
0x5d: {  	_ =	shalt  }
0x5e: {  	_ =	shalt  }
0x5f: {  	_ =	shalt  }
0x60: {  	_ =	shalt  }
0x61: {  	_ =	shalt  }
0x62: {  	_ =	shalt  }
0x63: {  	_ =	shalt  }
0x64: {  	_ =	shalt  }
0x65: {  	_ =	shalt  }
0x66: {  	_ =	shalt  }
0x67: {  	_ =	shalt  }
0x68: {  	_ =	shalt  }
0x69: {  	_ =	shalt  }
0x6a: {  	_ =	shalt  }
0x6b: {  	_ =	shalt  }
0x6c: {  	_ =	shalt  }
0x6d: {  	_ =	shalt  }
0x6e: {  	_ =	shalt  }
0x6f: {  	_ =	shalt  }
0x70: {  	_ =	shalt  }
0x71: {  	_ =	shalt  }
0x72: {  	_ =	shalt  }
0x73: {  	_ =	shalt  }
0x74: {  	_ =	shalt  }
0x75: {  	_ =	shalt  }
0x76: {  	_ =	shalt  }
0x77: {  	_ =	shalt  }
0x78: {  	_ =	shalt  }
0x79: {  	_ =	shalt  }
0x7a: {  	_ =	shalt  }
0x7b: {  	_ =	shalt  }
0x7c: {  	_ =	shalt  }
0x7d: {  	_ =	shalt  }
0x7e: {  	_ =	shalt  }
0x7f: {  	_ =	shalt  }
0x80: {  	_ =	shalt  }
0x81: {  	_ =	shalt  }
0x82: {  	_ =	shalt  }
0x83: {  	_ =	shalt  }
0x84: {  	_ =	shalt  }
0x85: {  	_ =	shalt  }
0x86: {  	_ =	shalt  }
0x87: {  	_ =	shalt  }
.Lfunc_end0:
.L_simem_size_0:
called_computation.5_lowered:
.L_overlay_start_0:
0x88: {  	s2 =	sld [smem:$0x3FD9]  }
0x89: {  	s3 =	sld [smem:$0x3FFE];
	_ =	sdelay $0x1  }
0x8a: {  	s1 =	srdreg.scid  }
0x8b: {  	s0 =	sand.u32 $0x1, s1  }
0x8c: {  	s14 =	sshll.u32 s0, $0xA;
	s2 =	sadd.s32 s3, s2  }
0x8d: {  	s2 =	sadd.s32 s2, s14  }
0x8e: {  	[smem:$0x3FB7] =	sst s2  }
0x8f: {  	_ = 	snop  }
0x90: {  	s2 =	sld [smem:$0x3FD0];
	_ =	sdelay $0x2  }
0x91: {  	s15 =	simm.s32 $0xB;
	s4 =	simm.s32 $0x10  }
0x92: {  	[smem:s4], [sflag:s15] =	dma.local [hbm:s2], $0x1  }
0x93: {  	_ =	swait.eq [sflag:s15], $0x1  }
0x94: {  	[sflag:s15] =	ssyncset.done $0x0  }
0x95: {  	[sflag:s15] =	ssyncadd.s32 $0xFFFFFFFF  }
0x96: {  	s16 =	sld [smem:$0x11];
	(tm) =	ssettm $0x1  }
0x97: {  	s17 =	sld [smem:$0x3FFB];
	_ =	sdelay $0x3  }
0x98: {  	_ =	strace s17  }
0x99: {  	s3 =	sld [smem:$0x3FFC];
	_ =	sdelay $0x3  }
0x9a: {  	_ =	strace s3  }
0x9b: {  	s3 =	sld [smem:$0x3FFD];
	_ =	sdelay $0x3  }
0x9c: {  	_ =	strace s3  }
0x9d: {  	_ =	strace $0x8FFFFFFF  }
0x9e: {  	s18 =	sld [smem:$0x3FDB];
	_ =	sdelay $0x1  }
0x9f: {  	s19 =	simm.s32 $_scs_section_size  }
0xa0: {  	s5 =	simm.s32 $_size__tile_overlayer_lowered;
	s6 =	simm.s32 $_tile_overlayer_lowered  }
0xa1: {  	s22 =	simm.s32 $0x1BFF;
	s21 =	sshll.u32 s6, $0x1;
	s3 =	sadd.s32 s19, s18  }
0xa2: {  	s7 =	simm.s32 $0x0;
	s20 =	sshll.u32 s5, $0x1;
	s5 =	sadd.s32 s21, s3  }
0xa3: {  	[timem:s7], [sflag:s22] =	dma.local [hbm:s5], s20  }
0xa4: {  	_ =	swait.ge [sflag:s22], s20  }
0xa5: {  	s4 =	ssub.s32 $0x0, s20;
	[sflag:s22] =	ssyncset.done $0x0  }
0xa6: {  	[sflag:s22] =	ssyncadd.s32 s4;
	_ =	sdelay $0x1  }
0xa7: {  	s23 =	simm.s32 $0x1B8B  }
0xa8: {  	_ =	swait.ge [sflag:s23], $0x1  }
0xa9: {  	[sflag:s23] =	ssyncset.done $0x0  }
0xaa: {  	s25 =	simm.s32 $0x1B8E;
	s24 =	sld [smem:$0x3FFE];
	[sflag:s23] =	ssyncadd.s32 $0xFFFFFFFF  }
0xab: {  	s26 =	simm.s32 $execute0_lowered;
	[smem:$0x3FD2] =	sst s25  }
0xac: {  	s5 =	sshll.u32 s26, $0x1;
	_ =	strace $0x80000055;
	[dreg:$0x1] =	wrdreg $0xFFFFFFFF  }
0xad: {  	s28 =	simm.s32 $_size_execute0_lowered;
	s3 =	sadd.s32 s3, s5;
	[dreg:$0x0] =	wrdreg $0x0  }
0xae: {  	s5 =	sshll.u32 s28, $0x1;
	[dreg:$0x2] =	wrdreg s3  }
0xaf: {  	[dreg:$0x3] =	wrdreg s5  }
0xb0: {  	[dreg:$0x4] =	wrdreg $0xC0  }
0xb1: {  	_ =	task [dreg:s7], $0x5FFFF  }
0xb2: {  	[dreg:$0x1] =	wrdreg $0xFFFFFFFF  }
0xb3: {  	[dreg:$0x0] =	wrdreg $0x60  }
0xb4: {  	[dreg:$0x2] =	wrdreg s24  }
0xb5: {  	[dreg:$0x3] =	wrdreg s16  }
0xb6: {  	[dreg:$0x4] =	wrdreg $0x9  }
0xb7: {  	_ =	task.clear_ibuf [dreg:s7], $0x5FFFF;
	_ =	strace $0x90000055  }
0xb8: {  	s29 =	simm.s32 $0x9;
	_ =	strace $0x80000057  }
0xb9: {  	_ =	swait.ge [sflag:s29], $0x1  }
0xba: {  	[sflag:s29] =	ssyncadd.s32 $0xFFFFFFFF  }
0xbb: {  	_ =	strace $0x90000057  }
0xbc: {  	_ =	sfence  }
0xbd: {  	s30 =	sld [smem:$0x0];
	_ =	sdelay $0x2  }
0xbe: {  	s31 =	sshll.u32 s1, $0xD;
	s1 =	sshrl.u32 s1, $0x2  }
0xbf: {  	s3 =	sand.u32 $0x4000, s31;
	s1 =	sadd.s32 s1, s30  }
0xc0: {  	s0 =	sor.u32 s3, s0;
	s1 =	sshll.u32 s1, $0x11  }
0xc1: {  	s0 =	sor.u32 s1, s0  }
0xc2: {  	s0 =	sadd.s32 $0x8F2B, s0  }
0xc3: {  	[sflag:s0] =	ssyncadd.remote.s32 $0x1  }
0xc4: {  	_ =	sfence.sel $0xFFFF  }
0xc5: {  	[dreg:$0x0] =	wrdreg $0xFFFFFFFF;
	(pc) =	sbr.abs _section_cstart, $3  }
0xc6: {  	[dreg:$0x1] =	wrdreg $0xFFFFFFFF  }
0xc7: {  	_ =	task.clear_ibuf [dreg:s7], $0x2FFFF;
	_ =	strace $0x9FFFFFFF  }
0xc8: {  	(tm) =	ssettm $0x7FFFFFFF  }
0xc9: {  	_ =	shalt  }
tec
execute0_lowered:
.L_overlay_start_1:
0x0: {  	(tag) =	ssettag $0x1  }
0x1: {  	s1 =	srdreg.scid  }
0x2: {  	s0 =	stileid.u32;
	s4 =	rddreg [dreg:$0x0]  }
0x3: {  	s7 =	rddreg [dreg:$0x1];
	s3 =	sand.u32 $0x1, s1;
	s5 =	smul.u32 $0x4E20, s0  }
0x4: {  	s2 =	simm.s32 $0x0;
	s10 =	simm.s32 $0x28A0;
	s6 =	smul.u32 $0x2710, s3  }
0x5: {  	s11 =	simm.s32 $0x2A30;
	s12 =	simm.s32 $0x0;
	s1 =	rddreg [dreg:$0x2]  }
0x6: {  	[smem:$0x7FF] =	sst s2;
	s29 =	ssub.s32 $0x2, s3;
	s5 =	sadd.s32 s6, s5  }
0x7: {  	_ =	strace $0x80000056;
	s30 =	sshrl.u32 s29, $0x1;
	s8 =	sshrl.u32 s5, $0x3  }
0x8: {  	s3 =	sadd.s32 $0x3200, s4;
	s31 =	ssub.s32 s29, s30;
	s9 =	sadd.s32 s8, s4  }
0x9: {  	s4 =	smax.u32 s31, $0x1;
	s7 =	sadd.s32 s8, s7;
	s8 =	simm.s32 $0x1  }
0xa: {  	s5 =	sadd.s32 $0x3800, s9;
	s6 =	sadd.s32 $0x4C800, s9;
	s9 =	simm.s32 $0x2710  }
.LBB2_1:
0xb: {  	[tilespmem:s2], [sflag:$0x1] =	stream.linear.gather [hbm4b:s3+s2], $0x2710, $0x38;
	[tilespmem:$0x2BC0] =	vst v63  }
0xc: {  	_ =	swait.ge [sflag:s8], $0x2710  }
0xd: {  	[sflag:s8] =	ssyncset.done $0x0  }
0xe: {  	s13 =	sadd.s32 $0x0, s7;
	[sflag:s8] =	ssyncadd.s32 $0xFFFFD8F0  }
0xf: {  	[tilespmem:s9], [sflag:$0x1] =	stream.linear.gather [hbm4b:s13+s2], $0x190, $0x38;
	[tilespmem:$0x2BC0] =	vst v63  }
0x10: {  	_ =	swait.ge [sflag:s8], $0x190  }
0x11: {  	[sflag:s8] =	ssyncset.done $0x0  }
0x12: {  	s30 =	sadd.s32 $0x0, s6;
	[sflag:s8] =	ssyncadd.s32 $0xFFFFFE70  }
0x13: {  	[tilespmem:s10], [sflag:$0x1] =	stream.linear.gather [hbm4b:s30+s2], $0x190, $0x38;
	[tilespmem:$0x2BC0] =	vst v63  }
0x14: {  	_ =	swait.ge [sflag:s8], $0x190  }
0x15: {  	[sflag:s8] =	ssyncset.done $0x0  }
0x16: {  	[sflag:s8] =	ssyncadd.s32 $0xFFFFFE70  }
0x17: {  	v0 =	vld [tilespmem:$0x2710];
	_ =	sdelay $0x5  }
0x18: {  	v1 =	vld [tilespmem:$0x2720]  }
0x19: {  	v2 =	vld [tilespmem:$0x28A0]  }
0x1a: {  	v0 =	vld.idx.msk [tilespmem:v0+s2+$0x0], $0xffff;
	_ =	sdelay $0x4  }
0x1b: {  	v0 =	vmul.f32 v0, v2  }
0x1c: {  	v17 =	vld [tilespmem:$0x2730]  }
0x1d: {  	v18 =	vld [tilespmem:$0x28B0];
	[tilespmem:$0x2A30] =	vst v0  }
0x1e: {  	v1 =	vld.idx.msk [tilespmem:v1+s2+$0x0], $0xffff;
	_ =	sdelay $0x4  }
0x1f: {  	v1 =	vmul.f32 v1, v18  }
0x20: {  	v19 =	vld [tilespmem:$0x2740]  }
0x21: {  	v20 =	vld [tilespmem:$0x28C0];
	[tilespmem:$0x2A40] =	vst v1  }
0x22: {  	v0 =	vld.idx.msk [tilespmem:v17+s2+$0x0], $0xffff;
	_ =	sdelay $0x4  }
0x23: {  	v0 =	vmul.f32 v0, v20  }
0x24: {  	v21 =	vld [tilespmem:$0x2750]  }
0x25: {  	v22 =	vld [tilespmem:$0x28D0];
	[tilespmem:$0x2A50] =	vst v0  }
0x26: {  	v1 =	vld.idx.msk [tilespmem:v19+s2+$0x0], $0xffff;
	_ =	sdelay $0x4  }
0x27: {  	v1 =	vmul.f32 v1, v22  }
0x28: {  	v23 =	vld [tilespmem:$0x2760]  }
0x29: {  	v24 =	vld [tilespmem:$0x28E0];
	[tilespmem:$0x2A60] =	vst v1  }
0x2a: {  	v0 =	vld.idx.msk [tilespmem:v21+s2+$0x0], $0xffff;
	_ =	sdelay $0x4  }
0x2b: {  	v0 =	vmul.f32 v0, v24  }
0x2c: {  	v25 =	vld [tilespmem:$0x2770]  }
0x2d: {  	v26 =	vld [tilespmem:$0x28F0];
	[tilespmem:$0x2A70] =	vst v0  }
0x2e: {  	v1 =	vld.idx.msk [tilespmem:v23+s2+$0x0], $0xffff;
	_ =	sdelay $0x4  }
0x2f: {  	v1 =	vmul.f32 v1, v26  }
0x30: {  	v27 =	vld [tilespmem:$0x2780]  }
0x31: {  	v28 =	vld [tilespmem:$0x2900];
	[tilespmem:$0x2A80] =	vst v1  }
0x32: {  	v0 =	vld.idx.msk [tilespmem:v25+s2+$0x0], $0xffff;
	_ =	sdelay $0x4  }
0x33: {  	v0 =	vmul.f32 v0, v28  }
0x34: {  	v29 =	vld [tilespmem:$0x2790]  }
0x35: {  	v30 =	vld [tilespmem:$0x2910];
	[tilespmem:$0x2A90] =	vst v0  }
0x36: {  	v1 =	vld.idx.msk [tilespmem:v27+s2+$0x0], $0xffff;
	_ =	sdelay $0x4  }
0x37: {  	v1 =	vmul.f32 v1, v30  }
0x38: {  	v31 =	vld [tilespmem:$0x27A0]  }
0x39: {  	v32 =	vld [tilespmem:$0x2920];
	[tilespmem:$0x2AA0] =	vst v1  }
0x3a: {  	v0 =	vld.idx.msk [tilespmem:v29+s2+$0x0], $0xffff;
	_ =	sdelay $0x4  }
0x3b: {  	v0 =	vmul.f32 v0, v32  }
0x3c: {  	v33 =	vld [tilespmem:$0x27B0]  }
0x3d: {  	v34 =	vld [tilespmem:$0x2930];
	[tilespmem:$0x2AB0] =	vst v0  }
0x3e: {  	v1 =	vld.idx.msk [tilespmem:v31+s2+$0x0], $0xffff;
	_ =	sdelay $0x4  }
0x3f: {  	v1 =	vmul.f32 v1, v34  }
0x40: {  	v35 =	vld [tilespmem:$0x27C0]  }
0x41: {  	v36 =	vld [tilespmem:$0x2940];
	[tilespmem:$0x2AC0] =	vst v1  }
0x42: {  	v0 =	vld.idx.msk [tilespmem:v33+s2+$0x0], $0xffff;
	_ =	sdelay $0x4  }
0x43: {  	v0 =	vmul.f32 v0, v36  }
0x44: {  	v37 =	vld [tilespmem:$0x27D0]  }
0x45: {  	v38 =	vld [tilespmem:$0x2950];
	[tilespmem:$0x2AD0] =	vst v0  }
0x46: {  	v1 =	vld.idx.msk [tilespmem:v35+s2+$0x0], $0xffff;
	_ =	sdelay $0x4  }
0x47: {  	v1 =	vmul.f32 v1, v38  }
0x48: {  	v39 =	vld [tilespmem:$0x27E0]  }
0x49: {  	v40 =	vld [tilespmem:$0x2960];
	[tilespmem:$0x2AE0] =	vst v1  }
0x4a: {  	v0 =	vld.idx.msk [tilespmem:v37+s2+$0x0], $0xffff;
	_ =	sdelay $0x4  }
0x4b: {  	v0 =	vmul.f32 v0, v40  }
0x4c: {  	v41 =	vld [tilespmem:$0x27F0]  }
0x4d: {  	v42 =	vld [tilespmem:$0x2970];
	[tilespmem:$0x2AF0] =	vst v0  }
0x4e: {  	v1 =	vld.idx.msk [tilespmem:v39+s2+$0x0], $0xffff;
	_ =	sdelay $0x4  }
0x4f: {  	v1 =	vmul.f32 v1, v42  }
0x50: {  	v43 =	vld [tilespmem:$0x2800]  }
0x51: {  	v44 =	vld [tilespmem:$0x2980];
	[tilespmem:$0x2B00] =	vst v1  }
0x52: {  	v0 =	vld.idx.msk [tilespmem:v41+s2+$0x0], $0xffff;
	_ =	sdelay $0x4  }
0x53: {  	v0 =	vmul.f32 v0, v44  }
0x54: {  	v45 =	vld [tilespmem:$0x2810]  }
0x55: {  	v46 =	vld [tilespmem:$0x2990];
	[tilespmem:$0x2B10] =	vst v0  }
0x56: {  	v1 =	vld.idx.msk [tilespmem:v43+s2+$0x0], $0xffff;
	_ =	sdelay $0x4  }
0x57: {  	v1 =	vmul.f32 v1, v46  }
0x58: {  	v47 =	vld [tilespmem:$0x2820]  }
0x59: {  	v48 =	vld [tilespmem:$0x29A0];
	[tilespmem:$0x2B20] =	vst v1  }
0x5a: {  	v0 =	vld.idx.msk [tilespmem:v45+s2+$0x0], $0xffff;
	_ =	sdelay $0x4  }
0x5b: {  	v0 =	vmul.f32 v0, v48  }
0x5c: {  	v49 =	vld [tilespmem:$0x2830]  }
0x5d: {  	v50 =	vld [tilespmem:$0x29B0];
	[tilespmem:$0x2B30] =	vst v0  }
0x5e: {  	v1 =	vld.idx.msk [tilespmem:v47+s2+$0x0], $0xffff;
	_ =	sdelay $0x4  }
0x5f: {  	v1 =	vmul.f32 v1, v50  }
0x60: {  	v51 =	vld [tilespmem:$0x2840]  }
0x61: {  	v52 =	vld [tilespmem:$0x29C0];
	[tilespmem:$0x2B40] =	vst v1  }
0x62: {  	v0 =	vld.idx.msk [tilespmem:v49+s2+$0x0], $0xffff;
	_ =	sdelay $0x4  }
0x63: {  	v0 =	vmul.f32 v0, v52  }
0x64: {  	v53 =	vld [tilespmem:$0x2850]  }
0x65: {  	v54 =	vld [tilespmem:$0x29D0];
	[tilespmem:$0x2B50] =	vst v0  }
0x66: {  	v1 =	vld.idx.msk [tilespmem:v51+s2+$0x0], $0xffff;
	_ =	sdelay $0x4  }
0x67: {  	v1 =	vmul.f32 v1, v54  }
0x68: {  	v55 =	vld [tilespmem:$0x2860]  }
0x69: {  	v56 =	vld [tilespmem:$0x29E0];
	[tilespmem:$0x2B60] =	vst v1  }
0x6a: {  	v0 =	vld.idx.msk [tilespmem:v53+s2+$0x0], $0xffff;
	_ =	sdelay $0x4  }
0x6b: {  	v0 =	vmul.f32 v0, v56  }
0x6c: {  	v57 =	vld [tilespmem:$0x2870]  }
0x6d: {  	v58 =	vld [tilespmem:$0x29F0];
	[tilespmem:$0x2B70] =	vst v0  }
0x6e: {  	v1 =	vld.idx.msk [tilespmem:v55+s2+$0x0], $0xffff;
	_ =	sdelay $0x4  }
0x6f: {  	v1 =	vmul.f32 v1, v58  }
0x70: {  	v59 =	vld [tilespmem:$0x2880]  }
0x71: {  	v60 =	vld [tilespmem:$0x2A00];
	[tilespmem:$0x2B80] =	vst v1  }
0x72: {  	v0 =	vld.idx.msk [tilespmem:v57+s2+$0x0], $0xffff;
	_ =	sdelay $0x4  }
0x73: {  	v0 =	vmul.f32 v0, v60  }
0x74: {  	v61 =	vld [tilespmem:$0x2890]  }
0x75: {  	v62 =	vld [tilespmem:$0x2A10];
	[tilespmem:$0x2B90] =	vst v0  }
0x76: {  	v1 =	vld.idx.msk [tilespmem:v59+s2+$0x0], $0xffff;
	_ =	sdelay $0x4  }
0x77: {  	v1 =	vmul.f32 v1, v62;
	_ =	sdelay $0x1  }
0x78: {  	v63 =	vld [tilespmem:$0x2A20];
	[tilespmem:$0x2BA0] =	vst v1  }
0x79: {  	v0 =	vld.idx.msk [tilespmem:v61+s2+$0x0], $0xffff;
	_ =	sdelay $0x4  }
0x7a: {  	v0 =	vmul.f32 v0, v63;
	_ =	sdelay $0x1  }
0x7b: {  	s31 =	sadd.s32 $0x0, s5;
	[tilespmem:$0x2BB0] =	vst v0  }
0x7c: {  	[hbm4b:s31+s2] =	stream.linear.scatter [tilespmem:s11], [sflag:$0x1], $0x190, $0x38;
	[tilespmem:$0x2BC0] =	vst v63  }
0x7d: {  	_ =	swait.ge [sflag:s8], $0x190  }
0x7e: {  	s16 =	simm.s32 $0x64;
	s13 =	simm.s32 $0x32;
	[sflag:s8] =	ssyncset.done $0x0  }
.LBB2_2:
0x7f: {  	s17 =	sadd.s32 s13, s7  }
0x80: {  	[sflag:s8] =	ssyncadd.s32 $0xFFFFFE70;
	s15 =	smov.u32 s16;
	s14 =	sadd.s32 $0x32, s16  }
0x81: {  	[tilespmem:s9], [sflag:$0x1] =	stream.linear.gather [hbm4b:s17+s2], $0x190, $0x38;
	[tilespmem:$0x2BC0] =	vst v63  }
0x82: {  	p0 =	sne.s32 s16, $0x4B0;
	_ =	swait.ge [sflag:s8], $0x190  }
0x83: {  	[sflag:s8] =	ssyncset.done $0x0  }
0x84: {  	s16 =	sadd.s32 s13, s6;
	[sflag:s8] =	ssyncadd.s32 $0xFFFFFE70  }
0x85: {  	[tilespmem:s10], [sflag:$0x1] =	stream.linear.gather [hbm4b:s16+s2], $0x190, $0x38;
	[tilespmem:$0x2BC0] =	vst v63  }
0x86: {  	_ =	swait.ge [sflag:s8], $0x190  }
0x87: {  	[sflag:s8] =	ssyncset.done $0x0  }
0x88: {  	[sflag:s8] =	ssyncadd.s32 $0xFFFFFE70  }
0x89: {  	v0 =	vld [tilespmem:$0x2710];
	_ =	sdelay $0x6  }
0x8a: {  	v1 =	vld [tilespmem:$0x2720]  }
0x8b: {  	v0 =	vld.idx.msk [tilespmem:v0+s2+$0x0], $0xffff  }
0x8c: {  	v2 =	vld [tilespmem:$0x28A0];
	_ =	sdelay $0x4  }
0x8d: {  	v0 =	vmul.f32 v0, v2;
	_ =	sdelay $0x1  }
0x8e: {  	[tilespmem:$0x2A30] =	vst v0;
	v0 =	vld [tilespmem:$0x2730]  }
0x8f: {  	v1 =	vld.idx.msk [tilespmem:v1+s2+$0x0], $0xffff  }
0x90: {  	v2 =	vld [tilespmem:$0x28B0];
	_ =	sdelay $0x4  }
0x91: {  	v1 =	vmul.f32 v1, v2;
	_ =	sdelay $0x1  }
0x92: {  	[tilespmem:$0x2A40] =	vst v1;
	v1 =	vld [tilespmem:$0x2740]  }
0x93: {  	v0 =	vld.idx.msk [tilespmem:v0+s2+$0x0], $0xffff  }
0x94: {  	v2 =	vld [tilespmem:$0x28C0];
	_ =	sdelay $0x4  }
0x95: {  	v0 =	vmul.f32 v0, v2;
	_ =	sdelay $0x1  }
0x96: {  	[tilespmem:$0x2A50] =	vst v0;
	v0 =	vld [tilespmem:$0x2750]  }
0x97: {  	v1 =	vld.idx.msk [tilespmem:v1+s2+$0x0], $0xffff  }
0x98: {  	v2 =	vld [tilespmem:$0x28D0];
	_ =	sdelay $0x4  }
0x99: {  	v1 =	vmul.f32 v1, v2;
	_ =	sdelay $0x1  }
0x9a: {  	[tilespmem:$0x2A60] =	vst v1;
	v1 =	vld [tilespmem:$0x2760]  }
0x9b: {  	v0 =	vld.idx.msk [tilespmem:v0+s2+$0x0], $0xffff  }
0x9c: {  	v2 =	vld [tilespmem:$0x28E0];
	_ =	sdelay $0x4  }
0x9d: {  	v0 =	vmul.f32 v0, v2;
	_ =	sdelay $0x1  }
0x9e: {  	[tilespmem:$0x2A70] =	vst v0;
	v0 =	vld [tilespmem:$0x2770]  }
0x9f: {  	v1 =	vld.idx.msk [tilespmem:v1+s2+$0x0], $0xffff  }
0xa0: {  	v2 =	vld [tilespmem:$0x28F0];
	_ =	sdelay $0x4  }
0xa1: {  	v1 =	vmul.f32 v1, v2;
	_ =	sdelay $0x1  }
0xa2: {  	[tilespmem:$0x2A80] =	vst v1;
	v1 =	vld [tilespmem:$0x2780]  }
0xa3: {  	v0 =	vld.idx.msk [tilespmem:v0+s2+$0x0], $0xffff  }
0xa4: {  	v2 =	vld [tilespmem:$0x2900];
	_ =	sdelay $0x4  }
0xa5: {  	v0 =	vmul.f32 v0, v2;
	_ =	sdelay $0x1  }
0xa6: {  	[tilespmem:$0x2A90] =	vst v0;
	v0 =	vld [tilespmem:$0x2790]  }
0xa7: {  	v1 =	vld.idx.msk [tilespmem:v1+s2+$0x0], $0xffff  }
0xa8: {  	v2 =	vld [tilespmem:$0x2910];
	_ =	sdelay $0x4  }
0xa9: {  	v1 =	vmul.f32 v1, v2;
	_ =	sdelay $0x1  }
0xaa: {  	[tilespmem:$0x2AA0] =	vst v1;
	v1 =	vld [tilespmem:$0x27A0]  }
0xab: {  	v0 =	vld.idx.msk [tilespmem:v0+s2+$0x0], $0xffff  }
0xac: {  	v2 =	vld [tilespmem:$0x2920];
	_ =	sdelay $0x4  }
0xad: {  	v0 =	vmul.f32 v0, v2;
	_ =	sdelay $0x1  }
0xae: {  	[tilespmem:$0x2AB0] =	vst v0;
	v0 =	vld [tilespmem:$0x27B0]  }
0xaf: {  	v1 =	vld.idx.msk [tilespmem:v1+s2+$0x0], $0xffff  }
0xb0: {  	v2 =	vld [tilespmem:$0x2930];
	_ =	sdelay $0x4  }
0xb1: {  	v1 =	vmul.f32 v1, v2;
	_ =	sdelay $0x1  }
0xb2: {  	[tilespmem:$0x2AC0] =	vst v1;
	v1 =	vld [tilespmem:$0x27C0]  }
0xb3: {  	v0 =	vld.idx.msk [tilespmem:v0+s2+$0x0], $0xffff  }
0xb4: {  	v2 =	vld [tilespmem:$0x2940];
	_ =	sdelay $0x4  }
0xb5: {  	v0 =	vmul.f32 v0, v2;
	_ =	sdelay $0x1  }
0xb6: {  	[tilespmem:$0x2AD0] =	vst v0;
	v0 =	vld [tilespmem:$0x27D0]  }
0xb7: {  	v1 =	vld.idx.msk [tilespmem:v1+s2+$0x0], $0xffff  }
0xb8: {  	v2 =	vld [tilespmem:$0x2950];
	_ =	sdelay $0x4  }
0xb9: {  	v1 =	vmul.f32 v1, v2;
	_ =	sdelay $0x1  }
0xba: {  	[tilespmem:$0x2AE0] =	vst v1;
	v1 =	vld [tilespmem:$0x27E0]  }
0xbb: {  	v0 =	vld.idx.msk [tilespmem:v0+s2+$0x0], $0xffff  }
0xbc: {  	v2 =	vld [tilespmem:$0x2960];
	_ =	sdelay $0x4  }
0xbd: {  	v0 =	vmul.f32 v0, v2;
	_ =	sdelay $0x1  }
0xbe: {  	[tilespmem:$0x2AF0] =	vst v0;
	v0 =	vld [tilespmem:$0x27F0]  }
0xbf: {  	v1 =	vld.idx.msk [tilespmem:v1+s2+$0x0], $0xffff  }
0xc0: {  	v2 =	vld [tilespmem:$0x2970];
	_ =	sdelay $0x4  }
0xc1: {  	v1 =	vmul.f32 v1, v2;
	_ =	sdelay $0x1  }
0xc2: {  	[tilespmem:$0x2B00] =	vst v1;
	v1 =	vld [tilespmem:$0x2800]  }
0xc3: {  	v0 =	vld.idx.msk [tilespmem:v0+s2+$0x0], $0xffff  }
0xc4: {  	v2 =	vld [tilespmem:$0x2980];
	_ =	sdelay $0x4  }
0xc5: {  	v0 =	vmul.f32 v0, v2;
	_ =	sdelay $0x1  }
0xc6: {  	[tilespmem:$0x2B10] =	vst v0;
	v0 =	vld [tilespmem:$0x2810]  }
0xc7: {  	v1 =	vld.idx.msk [tilespmem:v1+s2+$0x0], $0xffff  }
0xc8: {  	v2 =	vld [tilespmem:$0x2990];
	_ =	sdelay $0x4  }
0xc9: {  	v1 =	vmul.f32 v1, v2;
	_ =	sdelay $0x1  }
0xca: {  	[tilespmem:$0x2B20] =	vst v1;
	v1 =	vld [tilespmem:$0x2820]  }
0xcb: {  	v0 =	vld.idx.msk [tilespmem:v0+s2+$0x0], $0xffff  }
0xcc: {  	v2 =	vld [tilespmem:$0x29A0];
	_ =	sdelay $0x4  }
0xcd: {  	v0 =	vmul.f32 v0, v2;
	_ =	sdelay $0x1  }
0xce: {  	[tilespmem:$0x2B30] =	vst v0;
	v0 =	vld [tilespmem:$0x2830]  }
0xcf: {  	v1 =	vld.idx.msk [tilespmem:v1+s2+$0x0], $0xffff  }
0xd0: {  	v2 =	vld [tilespmem:$0x29B0];
	_ =	sdelay $0x4  }
0xd1: {  	v1 =	vmul.f32 v1, v2;
	_ =	sdelay $0x1  }
0xd2: {  	[tilespmem:$0x2B40] =	vst v1;
	v1 =	vld [tilespmem:$0x2840]  }
0xd3: {  	v0 =	vld.idx.msk [tilespmem:v0+s2+$0x0], $0xffff  }
0xd4: {  	v2 =	vld [tilespmem:$0x29C0];
	_ =	sdelay $0x4  }
0xd5: {  	v0 =	vmul.f32 v0, v2;
	_ =	sdelay $0x1  }
0xd6: {  	[tilespmem:$0x2B50] =	vst v0;
	v0 =	vld [tilespmem:$0x2850]  }
0xd7: {  	v1 =	vld.idx.msk [tilespmem:v1+s2+$0x0], $0xffff  }
0xd8: {  	v2 =	vld [tilespmem:$0x29D0];
	_ =	sdelay $0x4  }
0xd9: {  	v1 =	vmul.f32 v1, v2;
	_ =	sdelay $0x1  }
0xda: {  	[tilespmem:$0x2B60] =	vst v1;
	v1 =	vld [tilespmem:$0x2860]  }
0xdb: {  	v0 =	vld.idx.msk [tilespmem:v0+s2+$0x0], $0xffff  }
0xdc: {  	v2 =	vld [tilespmem:$0x29E0];
	_ =	sdelay $0x4  }
0xdd: {  	v0 =	vmul.f32 v0, v2;
	_ =	sdelay $0x1  }
0xde: {  	[tilespmem:$0x2B70] =	vst v0;
	v0 =	vld [tilespmem:$0x2870]  }
0xdf: {  	v1 =	vld.idx.msk [tilespmem:v1+s2+$0x0], $0xffff  }
0xe0: {  	v2 =	vld [tilespmem:$0x29F0];
	_ =	sdelay $0x4  }
0xe1: {  	v1 =	vmul.f32 v1, v2;
	_ =	sdelay $0x1  }
0xe2: {  	[tilespmem:$0x2B80] =	vst v1;
	v1 =	vld [tilespmem:$0x2880]  }
0xe3: {  	v0 =	vld.idx.msk [tilespmem:v0+s2+$0x0], $0xffff  }
0xe4: {  	v2 =	vld [tilespmem:$0x2A00];
	_ =	sdelay $0x4  }
0xe5: {  	v0 =	vmul.f32 v0, v2;
	_ =	sdelay $0x1  }
0xe6: {  	[tilespmem:$0x2B90] =	vst v0;
	v0 =	vld [tilespmem:$0x2890]  }
0xe7: {  	v1 =	vld.idx.msk [tilespmem:v1+s2+$0x0], $0xffff  }
0xe8: {  	v2 =	vld [tilespmem:$0x2A10];
	_ =	sdelay $0x4  }
0xe9: {  	v1 =	vmul.f32 v1, v2;
	_ =	sdelay $0x1  }
0xea: {  	[tilespmem:$0x2BA0] =	vst v1  }
0xeb: {  	v0 =	vld.idx.msk [tilespmem:v0+s2+$0x0], $0xffff  }
0xec: {  	v1 =	vld [tilespmem:$0x2A20];
	_ =	sdelay $0x4  }
0xed: {  	v0 =	vmul.f32 v0, v1  }
.Ltmp0:
0xee: {  	(pc) =	sbr.rel @p0 .LBB2_2-.Ltmp0, $4  }
0xef: {  	s16 =	sadd.s32 s13, s5;
	s13 =	smov.u32 s15;
	[tilespmem:$0x2BB0] =	vst v0  }
0xf0: {  	[hbm4b:s16+s2] =	stream.linear.scatter [tilespmem:s11], [sflag:$0x1], $0x190, $0x38;
	[tilespmem:$0x2BC0] =	vst v63  }
0xf1: {  	_ =	swait.ge [sflag:s8], $0x190  }
0xf2: {  	s16 =	smov.u32 s14;
	[sflag:s8] =	ssyncset.done $0x0  }
0xf3: {  	s14 =	sadd.s32 s13, s7;
	[sflag:s8] =	ssyncadd.s32 $0xFFFFFE70  }
0xf4: {  	[tilespmem:s9], [sflag:$0x1] =	stream.linear.gather [hbm4b:s14+s2], $0x190, $0x38;
	[tilespmem:$0x2BC0] =	vst v63  }
0xf5: {  	_ =	swait.ge [sflag:s8], $0x190  }
0xf6: {  	[sflag:s8] =	ssyncset.done $0x0  }
0xf7: {  	s30 =	sadd.s32 s13, s6;
	[sflag:s8] =	ssyncadd.s32 $0xFFFFFE70  }
0xf8: {  	[tilespmem:s10], [sflag:$0x1] =	stream.linear.gather [hbm4b:s30+s2], $0x190, $0x38;
	[tilespmem:$0x2BC0] =	vst v63  }
0xf9: {  	_ =	swait.ge [sflag:s8], $0x190  }
0xfa: {  	[sflag:s8] =	ssyncset.done $0x0  }
0xfb: {  	[sflag:s8] =	ssyncadd.s32 $0xFFFFFE70  }
0xfc: {  	v0 =	vld [tilespmem:$0x2710];
	_ =	sdelay $0x5  }
0xfd: {  	v1 =	vld [tilespmem:$0x2720]  }
0xfe: {  	v2 =	vld [tilespmem:$0x28A0]  }
0xff: {  	v0 =	vld.idx.msk [tilespmem:v0+s2+$0x0], $0xffff;
	_ =	sdelay $0x4  }
0x100: {  	v0 =	vmul.f32 v0, v2  }
0x101: {  	v17 =	vld [tilespmem:$0x2730]  }
0x102: {  	v18 =	vld [tilespmem:$0x28B0];
	[tilespmem:$0x2A30] =	vst v0  }
0x103: {  	v1 =	vld.idx.msk [tilespmem:v1+s2+$0x0], $0xffff;
	_ =	sdelay $0x4  }
0x104: {  	v1 =	vmul.f32 v1, v18  }
0x105: {  	v19 =	vld [tilespmem:$0x2740]  }
0x106: {  	v20 =	vld [tilespmem:$0x28C0];
	[tilespmem:$0x2A40] =	vst v1  }
0x107: {  	v0 =	vld.idx.msk [tilespmem:v17+s2+$0x0], $0xffff;
	_ =	sdelay $0x4  }
0x108: {  	v0 =	vmul.f32 v0, v20  }
0x109: {  	v21 =	vld [tilespmem:$0x2750]  }
0x10a: {  	v22 =	vld [tilespmem:$0x28D0];
	[tilespmem:$0x2A50] =	vst v0  }
0x10b: {  	v1 =	vld.idx.msk [tilespmem:v19+s2+$0x0], $0xffff;
	_ =	sdelay $0x4  }
0x10c: {  	v1 =	vmul.f32 v1, v22  }
0x10d: {  	v23 =	vld [tilespmem:$0x2760]  }
0x10e: {  	v24 =	vld [tilespmem:$0x28E0];
	[tilespmem:$0x2A60] =	vst v1  }
0x10f: {  	v0 =	vld.idx.msk [tilespmem:v21+s2+$0x0], $0xffff;
	_ =	sdelay $0x4  }
0x110: {  	v0 =	vmul.f32 v0, v24  }
0x111: {  	v25 =	vld [tilespmem:$0x2770]  }
0x112: {  	v26 =	vld [tilespmem:$0x28F0];
	[tilespmem:$0x2A70] =	vst v0  }
0x113: {  	v1 =	vld.idx.msk [tilespmem:v23+s2+$0x0], $0xffff;
	_ =	sdelay $0x4  }
0x114: {  	v1 =	vmul.f32 v1, v26  }
0x115: {  	v27 =	vld [tilespmem:$0x2780]  }
0x116: {  	v28 =	vld [tilespmem:$0x2900];
	[tilespmem:$0x2A80] =	vst v1  }
0x117: {  	v0 =	vld.idx.msk [tilespmem:v25+s2+$0x0], $0xffff;
	_ =	sdelay $0x4  }
0x118: {  	v0 =	vmul.f32 v0, v28  }
0x119: {  	v29 =	vld [tilespmem:$0x2790]  }
0x11a: {  	v30 =	vld [tilespmem:$0x2910];
	[tilespmem:$0x2A90] =	vst v0  }
0x11b: {  	v1 =	vld.idx.msk [tilespmem:v27+s2+$0x0], $0xffff;
	_ =	sdelay $0x4  }
0x11c: {  	v1 =	vmul.f32 v1, v30  }
0x11d: {  	v31 =	vld [tilespmem:$0x27A0]  }
0x11e: {  	v32 =	vld [tilespmem:$0x2920];
	[tilespmem:$0x2AA0] =	vst v1  }
0x11f: {  	v0 =	vld.idx.msk [tilespmem:v29+s2+$0x0], $0xffff;
	_ =	sdelay $0x4  }
0x120: {  	v0 =	vmul.f32 v0, v32  }
0x121: {  	v33 =	vld [tilespmem:$0x27B0]  }
0x122: {  	v34 =	vld [tilespmem:$0x2930];
	[tilespmem:$0x2AB0] =	vst v0  }
0x123: {  	v1 =	vld.idx.msk [tilespmem:v31+s2+$0x0], $0xffff;
	_ =	sdelay $0x4  }
0x124: {  	v1 =	vmul.f32 v1, v34  }
0x125: {  	v35 =	vld [tilespmem:$0x27C0]  }
0x126: {  	v36 =	vld [tilespmem:$0x2940];
	[tilespmem:$0x2AC0] =	vst v1  }
0x127: {  	v0 =	vld.idx.msk [tilespmem:v33+s2+$0x0], $0xffff;
	_ =	sdelay $0x4  }
0x128: {  	v0 =	vmul.f32 v0, v36  }
0x129: {  	v37 =	vld [tilespmem:$0x27D0]  }
0x12a: {  	v38 =	vld [tilespmem:$0x2950];
	[tilespmem:$0x2AD0] =	vst v0  }
0x12b: {  	v1 =	vld.idx.msk [tilespmem:v35+s2+$0x0], $0xffff;
	_ =	sdelay $0x4  }
0x12c: {  	v1 =	vmul.f32 v1, v38  }
0x12d: {  	v39 =	vld [tilespmem:$0x27E0]  }
0x12e: {  	v40 =	vld [tilespmem:$0x2960];
	[tilespmem:$0x2AE0] =	vst v1  }
0x12f: {  	v0 =	vld.idx.msk [tilespmem:v37+s2+$0x0], $0xffff;
	_ =	sdelay $0x4  }
0x130: {  	v0 =	vmul.f32 v0, v40  }
0x131: {  	v41 =	vld [tilespmem:$0x27F0]  }
0x132: {  	v42 =	vld [tilespmem:$0x2970];
	[tilespmem:$0x2AF0] =	vst v0  }
0x133: {  	v1 =	vld.idx.msk [tilespmem:v39+s2+$0x0], $0xffff;
	_ =	sdelay $0x4  }
0x134: {  	v1 =	vmul.f32 v1, v42  }
0x135: {  	v43 =	vld [tilespmem:$0x2800]  }
0x136: {  	v44 =	vld [tilespmem:$0x2980];
	[tilespmem:$0x2B00] =	vst v1  }
0x137: {  	v0 =	vld.idx.msk [tilespmem:v41+s2+$0x0], $0xffff;
	_ =	sdelay $0x4  }
0x138: {  	v0 =	vmul.f32 v0, v44  }
0x139: {  	v45 =	vld [tilespmem:$0x2810]  }
0x13a: {  	v46 =	vld [tilespmem:$0x2990];
	[tilespmem:$0x2B10] =	vst v0  }
0x13b: {  	v1 =	vld.idx.msk [tilespmem:v43+s2+$0x0], $0xffff;
	_ =	sdelay $0x4  }
0x13c: {  	v1 =	vmul.f32 v1, v46  }
0x13d: {  	v47 =	vld [tilespmem:$0x2820]  }
0x13e: {  	v48 =	vld [tilespmem:$0x29A0];
	[tilespmem:$0x2B20] =	vst v1  }
0x13f: {  	v0 =	vld.idx.msk [tilespmem:v45+s2+$0x0], $0xffff;
	_ =	sdelay $0x4  }
0x140: {  	v0 =	vmul.f32 v0, v48  }
0x141: {  	v49 =	vld [tilespmem:$0x2830]  }
0x142: {  	v50 =	vld [tilespmem:$0x29B0];
	[tilespmem:$0x2B30] =	vst v0  }
0x143: {  	v1 =	vld.idx.msk [tilespmem:v47+s2+$0x0], $0xffff;
	_ =	sdelay $0x4  }
0x144: {  	v1 =	vmul.f32 v1, v50  }
0x145: {  	v51 =	vld [tilespmem:$0x2840]  }
0x146: {  	v52 =	vld [tilespmem:$0x29C0];
	[tilespmem:$0x2B40] =	vst v1  }
0x147: {  	v0 =	vld.idx.msk [tilespmem:v49+s2+$0x0], $0xffff;
	_ =	sdelay $0x4  }
0x148: {  	v0 =	vmul.f32 v0, v52  }
0x149: {  	v53 =	vld [tilespmem:$0x2850]  }
0x14a: {  	v54 =	vld [tilespmem:$0x29D0];
	[tilespmem:$0x2B50] =	vst v0  }
0x14b: {  	v1 =	vld.idx.msk [tilespmem:v51+s2+$0x0], $0xffff;
	_ =	sdelay $0x4  }
0x14c: {  	v1 =	vmul.f32 v1, v54  }
0x14d: {  	v55 =	vld [tilespmem:$0x2860]  }
0x14e: {  	v56 =	vld [tilespmem:$0x29E0];
	[tilespmem:$0x2B60] =	vst v1  }
0x14f: {  	v0 =	vld.idx.msk [tilespmem:v53+s2+$0x0], $0xffff;
	_ =	sdelay $0x4  }
0x150: {  	v0 =	vmul.f32 v0, v56  }
0x151: {  	v57 =	vld [tilespmem:$0x2870]  }
0x152: {  	v58 =	vld [tilespmem:$0x29F0];
	[tilespmem:$0x2B70] =	vst v0  }
0x153: {  	v1 =	vld.idx.msk [tilespmem:v55+s2+$0x0], $0xffff;
	_ =	sdelay $0x4  }
0x154: {  	v1 =	vmul.f32 v1, v58  }
0x155: {  	v59 =	vld [tilespmem:$0x2880]  }
0x156: {  	v60 =	vld [tilespmem:$0x2A00];
	[tilespmem:$0x2B80] =	vst v1  }
0x157: {  	v0 =	vld.idx.msk [tilespmem:v57+s2+$0x0], $0xffff;
	_ =	sdelay $0x4  }
0x158: {  	v0 =	vmul.f32 v0, v60  }
0x159: {  	v61 =	vld [tilespmem:$0x2890]  }
0x15a: {  	v62 =	vld [tilespmem:$0x2A10];
	[tilespmem:$0x2B90] =	vst v0  }
0x15b: {  	v1 =	vld.idx.msk [tilespmem:v59+s2+$0x0], $0xffff;
	_ =	sdelay $0x4  }
0x15c: {  	v1 =	vmul.f32 v1, v62;
	_ =	sdelay $0x1  }
0x15d: {  	v63 =	vld [tilespmem:$0x2A20];
	[tilespmem:$0x2BA0] =	vst v1  }
0x15e: {  	v0 =	vld.idx.msk [tilespmem:v61+s2+$0x0], $0xffff;
	_ =	sdelay $0x4  }
0x15f: {  	s12 =	sadd.s32 $0x1, s12;
	v0 =	vmul.f32 v0, v63  }
0x160: {  	p0 =	sne.s32 s12, s4  }
.Ltmp1:
0x161: {  	s31 =	sadd.s32 s13, s5;
	[tilespmem:$0x2BB0] =	vst v0;
	(pc) =	sbr.rel @p0 .LBB2_1-.Ltmp1, $4  }
0x162: {  	[hbm4b:s31+s2] =	stream.linear.scatter [tilespmem:s11], [sflag:$0x1], $0x190, $0x38;
	[tilespmem:$0x2BC0] =	vst v63  }
0x163: {  	_ =	swait.ge [sflag:s8], $0x190  }
0x164: {  	[sflag:s8] =	ssyncset.done $0x0  }
0x165: {  	[sflag:s8] =	ssyncadd.s32 $0xFFFFFE70  }
0x166: {  	_ =	sfence.sel $0x180000  }
0x167: {  	[bflag:$0x0] =	sbarrier.arrive $0xFFFF  }
0x168: {  	p0 =	sne.s32 s0, $0x0;
	_ =	strace $0x90000056  }
0x169: {  	s0 =	sadd.s32 @!p0 $0x100000, s1;
	[bflag:$0x2] =	sbarrier.arrive $0xFFFF  }
0x16a: {  	[sflag:s0] =	ssyncadd.tile.s32 @!p0 $0x1;
	_ =	shalt  }
.Lfunc_end2:
_tile_overlayer_lowered:
.L_overlay_start_2:
0x16b: {  	(tag) =	ssettag $0x2  }
0x16c: {  	s0 =	rddreg [dreg:$0x0];
	s2 =	stileid.u32  }
0x16d: {  	s1 =	rddreg [dreg:$0x1];
	p0 =	sne.s32 s2, $0x0  }
0x16e: {  	s3 =	rddreg [dreg:$0x2];
	[bflag:$0x3] =	sbarrier.arrive $0xFFFF;
	s2 =	simm.s32 @!p0 $0x1C01  }
0x16f: {  	[timem:s3], [sflag:s2] =	dma.local @!p0 [hbm:s0], s1  }
0x170: {  	s0 =	simm.s32 @!p0 $0x1  }
0x171: {  	_ =	swait.ge @!p0 [sflag:s0], s1  }
0x172: {  	s1 =	ssub.s32 @!p0 $0x0, s1;
	[sflag:s0] =	ssyncset.done @!p0 $0x0  }
0x173: {  	[sflag:s0] =	ssyncadd.s32 @!p0 s1  }
0x174: {  	[bflag:$0x3] =	sbarrier.arrive $0xFFFF  }
0x175: {  	_ =	shalt  }

</sc_bundles>
